<compile_context>
chip_gen: v7x
topology: tpu7x:2x2x1
jax: 0.10.2.dev20260603
libtpu: 0.0.44.dev20260713+nightly
codegen_flags: <defaults>
</compile_context>

<pallas_src>
import functools

import jax
import jax.numpy as jnp
from jax import lax
from jax.experimental import pallas as pl
from jax.experimental.pallas import tpu as pltpu
from jax.experimental.pallas import tpu_sc as plsc

NCLASSES = 21
D = NCLASSES + 4 * (NCLASSES - 1) + 1
CONF_T = 0.5
IOU_T = 0.45
TOP_K = 200
BATCH = 4
N_BOXES = 5000
NPAD = 5120
NP = BATCH * (NCLASSES - 1)

KSEL = 512
NCH = NPAD // 16
SUB_STRIDE = 2
SUB_TARGET = 224
NWORK = 32


def _sc_compact(yt):
    mesh = plsc.VectorSubcoreMesh(core_axis_name="c", subcore_axis_name="s")
    info = plsc.get_sparse_core_info()
    nc = info.num_cores

    @functools.partial(
        pl.kernel,
        mesh=mesh,
        out_type=jax.ShapeDtypeStruct((6, NP, KSEL), jnp.float32),
        scratch_types=(
            [pltpu.VMEM((NPAD,), jnp.float32) for _ in range(6)]
            + [pltpu.VMEM((KSEL,), jnp.float32) for _ in range(6)]
        ),
        compiler_params=pltpu.CompilerParams(needs_layout_passes=False),
    )
    def k(f_hbm, out_hbm, *bufs):
        fbuf = bufs[:6]
        obuf = bufs[6:]
        wid = lax.axis_index("s") * nc + lax.axis_index("c")
        for t in range((NP + NWORK - 1) // NWORK):
            p = wid + NWORK * t

            @pl.when(p < NP)
            def _():
                b = p // (NCLASSES - 1)
                c0 = p % (NCLASSES - 1)
                box = NCLASSES + 4 * c0
                cols = (1 + c0, box + 1, box, box + 3, box + 2, D - 1)
                for j in range(6):
                    pltpu.sync_copy(f_hbm.at[cols[j], b], fbuf[j])

                def count_ge(tau):
                    def cb(i, acc):
                        c = fbuf[0][pl.ds(i * (16 * SUB_STRIDE), 16)]
                        return acc + plsc.all_reduce_population_count(c >= tau)

                    acc = lax.fori_loop(0, NCH // SUB_STRIDE, cb,
                                        jnp.zeros((16,), jnp.int32))
                    return jnp.max(acc)

                cnt_all = count_ge(jnp.float32(CONF_T))

                def sb(_, lohi):
                    lo, hi = lohi
                    mid = (lo + hi) * 0.5
                    big = count_ge(mid) > SUB_TARGET
                    return jnp.where(big, mid, lo), jnp.where(big, hi, mid)

                lo, hi = lax.fori_loop(
                    0, 20, sb, (jnp.float32(CONF_T), jnp.float32(1.0)))
                tau = jnp.where(cnt_all > SUB_TARGET, hi, jnp.float32(-1.0))

                zero = jnp.zeros((16,), jnp.float32)

                def zb(i, c):
                    obuf[0][pl.ds(i * 16, 16)] = zero
                    return c

                lax.fori_loop(0, KSEL // 16, zb, 0)

                def comp(i, cnt):
                    c = fbuf[0][pl.ds(i * 16, 16)]
                    m = (c > CONF_T) & (c >= tau)

                    @pl.when(cnt <= KSEL - 16)
                    def _():
                        for j in range(6):
                            v = fbuf[j][pl.ds(i * 16, 16)]
                            plsc.store_compressed(
                                obuf[j].at[pl.ds(cnt, 16)], v, mask=m)

                    return cnt + jnp.max(plsc.all_reduce_population_count(m))

                lax.fori_loop(0, NCH, comp, jnp.int32(0))
                for j in range(6):
                    pltpu.sync_copy(obuf[j], out_hbm.at[j, p])

    return k(yt)


def _nms_body(f_ref, out_ref, rows_ref):
    conf = f_ref[0]
    ymin = f_ref[1]
    xmin = f_ref[2]
    ymax = f_ref[3]
    xmax = f_ref[4]
    extra = f_ref[5]

    score0 = jnp.where(conf > CONF_T, conf, -1.0)
    area = jnp.maximum(ymax - ymin, 0.0) * jnp.maximum(xmax - xmin, 0.0)
    lane = jax.lax.broadcasted_iota(jnp.int32, (NP, KSEL), 1)
    cls = (jax.lax.broadcasted_iota(jnp.int32, (NP, 1), 0) % (NCLASSES - 1) + 1
           ).astype(jnp.float32)
    zero_col = jnp.zeros((NP, 1), jnp.float32)

    def body(t, score):
        m = jnp.max(score, axis=1, keepdims=True)
        eq = score == m
        idx = jnp.min(jnp.where(eq, lane, KSEL), axis=1, keepdims=True)
        sel = lane == idx

        def gat(a):
            return jnp.sum(jnp.where(sel, a, 0.0), axis=1, keepdims=True)

        ymin_i = gat(ymin)
        xmin_i = gat(xmin)
        ymax_i = gat(ymax)
        xmax_i = gat(xmax)
        extra_i = gat(extra)
        area_i = jnp.maximum(ymax_i - ymin_i, 0.0) * jnp.maximum(xmax_i - xmin_i, 0.0)

        iy = jnp.maximum(jnp.minimum(ymax_i, ymax) - jnp.maximum(ymin_i, ymin), 0.0)
        ix = jnp.maximum(jnp.minimum(xmax_i, xmax) - jnp.maximum(xmin_i, xmin), 0.0)
        inter = iy * ix
        union = area_i + area - inter
        iou = jnp.where(union > 0.0, inter / jnp.maximum(union, 1e-12), 0.0)
        supp = iou > IOU_T

        found = m > 0.0
        score = jnp.where(supp | sel, -1.0, score)
        row = jnp.concatenate(
            [cls, m, xmin_i, ymin_i, xmax_i, ymax_i, extra_i, zero_col], axis=1)
        row = jnp.where(found, row, 0.0)
        rows_ref[:, pl.ds(t, 1), :] = row[:, None, :]
        return score

    jax.lax.fori_loop(0, TOP_K, body, score0)
    rows = rows_ref[...]

    nc = NCLASSES - 1
    conf3 = rows[:, :, 1].reshape(BATCH, nc, TOP_K)
    ctb = (jax.lax.broadcasted_iota(jnp.int32, (1, nc, TOP_K), 1) * TOP_K
           + jax.lax.broadcasted_iota(jnp.int32, (1, nc, TOP_K), 2))
    t2_lane3 = jax.lax.broadcasted_iota(jnp.int32, (1, 1, TOP_K), 2)

    def body2(t2, carry):
        cb, fsel = carry
        m = jnp.max(jnp.max(cb, axis=2, keepdims=True), axis=1, keepdims=True)
        eq = cb == m
        idx = jnp.min(jnp.where(eq, ctb, nc * TOP_K), axis=2, keepdims=True)
        idx = jnp.min(idx, axis=1, keepdims=True)
        sel = ctb == idx
        cb = jnp.where(sel, -1.0, cb)
        fsel = jnp.where(t2_lane3 == t2, idx, fsel)
        return cb, fsel

    fsel0 = jnp.zeros((BATCH, 1, TOP_K), jnp.int32)
    _, fsel = jax.lax.fori_loop(0, TOP_K, body2, (conf3, fsel0))

    iota_in = jax.lax.broadcasted_iota(jnp.int32, (TOP_K, TOP_K), 0)
    for b in range(BATCH):
        fb = fsel[b]
        ob = jnp.zeros((8, TOP_K), jnp.float32)
        for c in range(nc):
            oh = (iota_in + c * TOP_K == fb).astype(jnp.float32)
            ob = ob + jax.lax.dot_general(
                rows[b * nc + c], oh, (((0,), (0,)), ((), ())),
                precision=jax.lax.Precision.HIGHEST,
                preferred_element_type=jnp.float32)
        out_ref[b] = ob


@jax.jit
def kernel(y_pred):
    yt = jnp.pad(jnp.transpose(y_pred, (2, 0, 1)),
                 ((0, 0), (0, 0), (0, NPAD - N_BOXES)))
    compact = _sc_compact(yt)
    outT = pl.pallas_call(
        _nms_body,
        out_shape=jax.ShapeDtypeStruct((BATCH, 8, TOP_K), jnp.float32),
        scratch_shapes=[pltpu.VMEM((NP, TOP_K, 8), jnp.float32)],
    )(compact)
    return jnp.transpose(outT, (0, 2, 1))[:, :, :7]

# --- scband reference (transcript-rebuilt; emitter-appended) ---
"""Pipeline reference for scband-suppression-fine-6597069767428 (READ-ONLY COPY).

The authoritative reference and input builder live on the scoring server;
editing this copy changes nothing except your own understanding.
"""

import jax, jax.numpy as jnp
import numpy as np
from functools import partial

NCLASSES = 21
CONF_THRESH = 0.5
IOU_THRESH = 0.45
TOP_K = 200
NMS_MAX = 400
BATCH = 4
N_BOXES = 5000
D = NCLASSES + 4 * (NCLASSES - 1) + 1  # 102


def setup_inputs(seed: int = 0) -> dict:
    key = jax.random.key(seed)
    y_pred = jax.random.uniform(key, (BATCH, N_BOXES, D), dtype=jnp.float32)
    return {"y_pred": y_pred}


def _pairwise_iou(b):
    # b: [N, 4] as (ymin, xmin, ymax, xmax)
    ymin, xmin, ymax, xmax = b[:, 0], b[:, 1], b[:, 2], b[:, 3]
    area = jnp.maximum(ymax - ymin, 0.0) * jnp.maximum(xmax - xmin, 0.0)
    iy = jnp.maximum(jnp.minimum(ymax[:, None], ymax[None, :]) - jnp.maximum(ymin[:, None], ymin[None, :]), 0.0)
    ix = jnp.maximum(jnp.minimum(xmax[:, None], xmax[None, :]) - jnp.maximum(xmin[:, None], xmin[None, :]), 0.0)
    inter = iy * ix
    union = area[:, None] + area[None, :] - inter
    return jnp.where(union > 0.0, inter / jnp.maximum(union, 1e-12), 0.0)


def _greedy_keep(iou, valid_sorted):
    # Greedy NMS over score-sorted boxes: box i is kept if valid and not
    # suppressed (IoU > threshold) by any kept box with higher score.
    n = iou.shape[0]
    idxs = jnp.arange(n)

    def body(keep, i):
        suppressed = jnp.any(keep & (iou[i] > IOU_THRESH) & (idxs < i))
        k = valid_sorted[i] & jnp.logical_not(suppressed)
        return keep.at[i].set(k), 0

    keep, _ = jax.lax.scan(body, jnp.zeros((n,), dtype=bool), idxs)
    return keep


@partial(jax.jit, static_argnums=(1,))
def _filter_single_class(item, c):
    # item: [N, D]; replicates filter_single_class from the TF layer.
    n = item.shape[0]
    conf = item[:, c]
    box = item[:, NCLASSES + (c - 1) * 4: NCLASSES + 4 * c]  # xmin, ymin, xmax, ymax
    extra = item[:, -1]
    class_id = jnp.full((n,), float(c), dtype=item.dtype)
    # columns: [class_id, confidence, xmin, ymin, xmax, ymax, extra]
    single = jnp.stack([class_id, conf, box[:, 0], box[:, 1], box[:, 2], box[:, 3], extra], axis=-1)
    valid = conf > CONF_THRESH
    scores = jnp.where(valid, conf, -jnp.inf)
    order = jnp.argsort(-scores)
    single_s = single[order]
    valid_s = valid[order]
    # tf.image.non_max_suppression uses (ymin, xmin, ymax, xmax)
    nms_boxes = jnp.stack([single_s[:, 3], single_s[:, 2], single_s[:, 5], single_s[:, 4]], axis=-1)
    iou = _pairwise_iou(jax.lax.stop_gradient(nms_boxes))
    keep = _greedy_keep(iou, valid_s)
    rank = jnp.cumsum(keep.astype(jnp.int32)) - 1
    keep = keep & (rank < NMS_MAX)  # max_output_size cap
    dest = jnp.where(keep, rank, NMS_MAX)  # overflow row for dropped boxes
    out = jnp.zeros((NMS_MAX + 1, 7), dtype=item.dtype).at[dest].set(single_s * keep[:, None].astype(item.dtype))
    # padded to NMS_MAX rows with zeros, kept boxes sorted by score (matches tf.pad)
    return out[:NMS_MAX]


def _filter_predictions(item):
    per_class = [_filter_single_class(item, c) for c in range(1, NCLASSES)]
    filtered = jnp.reshape(jnp.stack(per_class, axis=0), (-1, 7))
    _, topi = jax.lax.top_k(filtered[:, 1], TOP_K)
    return filtered[topi]


def reference(y_pred):
    outs = [_filter_predictions(y_pred[b]) for b in range(y_pred.shape[0])]
    return jnp.stack(outs, axis=0)  # [batch, top_k, 7]

if __name__ == "__main__":
    import jax
    _d = setup_inputs()
    print(jax.jit(kernel)(*tuple(_d.values())))

</pallas_src>

<mosaic_0001>
#map = affine_map<(d0, d1) -> (0, 0, 0)>
module attributes {stable_mosaic.version = 14 : i64} {
  func.func @k(%arg0: i32, %arg1: i32, %arg2: memref<102x4x5120xf32, #tpu.memory_space<hbm>>, %arg3: memref<6x80x512xf32, #tpu.memory_space<hbm>>, %arg4: memref<5120xf32, #tpu.memory_space<vmem>>, %arg5: memref<5120xf32, #tpu.memory_space<vmem>>, %arg6: memref<5120xf32, #tpu.memory_space<vmem>>, %arg7: memref<5120xf32, #tpu.memory_space<vmem>>, %arg8: memref<5120xf32, #tpu.memory_space<vmem>>, %arg9: memref<5120xf32, #tpu.memory_space<vmem>>, %arg10: memref<512xf32, #tpu.memory_space<vmem>>, %arg11: memref<512xf32, #tpu.memory_space<vmem>>, %arg12: memref<512xf32, #tpu.memory_space<vmem>>, %arg13: memref<512xf32, #tpu.memory_space<vmem>>, %arg14: memref<512xf32, #tpu.memory_space<vmem>>, %arg15: memref<512xf32, #tpu.memory_space<vmem>>) attributes {dimension_semantics = [#tpu.dimension_semantics<core_parallel>, #tpu.dimension_semantics<subcore_parallel>], iteration_bounds = array<i64: 2, 16>, scalar_prefetch = 0 : i64, scratch_operands = 12 : i64, tpu.core_type = #tpu.core_type<sc_vector_subcore>, window_params = [{transform_indices = #map}, {transform_indices = #map}]} {
    %mul3A = arith.constant 2 : i32
    %mul3A_0 = arith.muli %arg1, %mul3A : i32
    %add3A = arith.addi %mul3A_0, %arg0 : i32
    %add3A_1 = arith.constant 0 : i32
    %add3A_2 = arith.addi %add3A, %add3A_1 : i32
    %lt3A = arith.constant 80 : i32
    %lt3A_3 = arith.cmpi slt, %add3A_2, %lt3A : i32
    %convert_element_type3A = arith.extui %lt3A_3 : i1 to i32
    %cond3A = arith.constant 0 : i32
    %cond3A_4 = arith.cmpi ne, %convert_element_type3A, %cond3A : i32
    scf.if %cond3A_4 {
      %jit3A = arith.constant 20 : i32
      %div3A = arith.divsi %add3A_2, %jit3A : i32
      %sign3A = arith.constant 0 : i32
      %sign3A_19 = arith.cmpi sgt, %add3A_2, %sign3A : i32
      %sign3A_20 = arith.extui %sign3A_19 : i1 to i32
      %sign3A_21 = arith.constant 0 : i32
      %sign3A_22 = arith.cmpi slt, %add3A_2, %sign3A_21 : i32
      %sign3A_23 = arith.extui %sign3A_22 : i1 to i32
      %sign3A_24 = arith.subi %sign3A_20, %sign3A_23 : i32
      %sign3A_25 = arith.constant 0 : i32
      %sign3A_26 = arith.cmpi sgt, %jit3A, %sign3A_25 : i32
      %sign3A_27 = arith.extui %sign3A_26 : i1 to i32
      %sign3A_28 = arith.constant 0 : i32
      %sign3A_29 = arith.cmpi slt, %jit3A, %sign3A_28 : i32
      %sign3A_30 = arith.extui %sign3A_29 : i1 to i32
      %sign3A_31 = arith.subi %sign3A_27, %sign3A_30 : i32
      %ne3A = arith.cmpi ne, %sign3A_24, %sign3A_31 : i32
      %rem3A = arith.remsi %add3A_2, %jit3A : i32
      %ne3A_32 = arith.constant 0 : i32
      %ne3A_33 = arith.cmpi ne, %rem3A, %ne3A_32 : i32
      %and3A = arith.andi %ne3A, %ne3A_33 : i1
      %sub3A = arith.constant 1 : i32
      %sub3A_34 = arith.subi %div3A, %sub3A : i32
      %select_n3A = arith.select %and3A, %sub3A_34, %div3A : i32
      %jit3A_35 = arith.constant 20 : i32
      %eq3A = arith.constant 0 : i32
      %eq3A_36 = arith.cmpi eq, %jit3A_35, %eq3A : i32
      %jit3A_37 = arith.constant 1 : i32
      %select_n3A_38 = arith.select %eq3A_36, %jit3A_37, %jit3A_35 : i32
      %rem3A_39 = arith.remsi %add3A_2, %select_n3A_38 : i32
      %ne3A_40 = arith.constant 0 : i32
      %ne3A_41 = arith.cmpi ne, %rem3A_39, %ne3A_40 : i32
      %lt3A_42 = arith.constant 0 : i32
      %lt3A_43 = arith.cmpi slt, %rem3A_39, %lt3A_42 : i32
      %lt3A_44 = arith.constant 0 : i32
      %lt3A_45 = arith.cmpi slt, %select_n3A_38, %lt3A_44 : i32
      %ne3A_46 = arith.xori %lt3A_43, %lt3A_45 : i1
      %and3A_47 = arith.andi %ne3A_46, %ne3A_41 : i1
      %add3A_48 = arith.addi %rem3A_39, %select_n3A_38 : i32
      %select_n3A_49 = arith.select %and3A_47, %add3A_48, %rem3A_39 : i32
      %mul3A_50 = arith.constant 4 : i32
      %mul3A_51 = arith.muli %mul3A_50, %select_n3A_49 : i32
      %add3A_52 = arith.constant 21 : i32
      %add3A_53 = arith.addi %add3A_52, %mul3A_51 : i32
      %add3A_54 = arith.constant 1 : i32
      %add3A_55 = arith.addi %add3A_54, %select_n3A_49 : i32
      %add3A_56 = arith.constant 1 : i32
      %add3A_57 = arith.addi %add3A_53, %add3A_56 : i32
      %add3A_58 = arith.constant 3 : i32
      %add3A_59 = arith.addi %add3A_53, %add3A_58 : i32
      %add3A_60 = arith.constant 2 : i32
      %add3A_61 = arith.addi %add3A_53, %add3A_60 : i32
      "tpu.region"() ({
        %run_scoped3A_108 = tpu.sem_alloc : memref<!tpu.dma_semaphore, #tpu.memory_space<semaphore_mem>>
        %dma_start3A = arith.constant 0 : i32
        %dma_start3A_109 = tpu.memref_slice %arg2[%add3A_55, %select_n3A, %dma_start3A] : memref<102x4x5120xf32, #tpu.memory_space<hbm>> -> memref<1x1x5120xf32, #tpu.memory_space<hbm>>
        %dma_start3A_110 = tpu.memref_squeeze %dma_start3A_109 : memref<1x1x5120xf32, #tpu.memory_space<hbm>> -> memref<5120xf32, #tpu.memory_space<hbm>>
        %dma_start3A_111 = arith.constant 0 : i32
        %dma_start3A_112 = tpu.memref_slice %arg2[%add3A_55, %select_n3A, %dma_start3A_111] : memref<102x4x5120xf32, #tpu.memory_space<hbm>> -> memref<1x1x5120xf32, #tpu.memory_space<hbm>>
        %dma_start3A_113 = tpu.memref_squeeze %dma_start3A_112 : memref<1x1x5120xf32, #tpu.memory_space<hbm>> -> memref<5120xf32, #tpu.memory_space<hbm>>
        tpu.enqueue_dma source(%dma_start3A_113 : memref<5120xf32, #tpu.memory_space<hbm>>) target(%arg4 : memref<5120xf32, #tpu.memory_space<vmem>>) target_semaphore(%run_scoped3A_108 : memref<!tpu.dma_semaphore, #tpu.memory_space<semaphore_mem>>)
        %dma_wait3A = arith.constant 0 : i32
        %dma_wait3A_114 = tpu.memref_slice %arg2[%add3A_55, %select_n3A, %dma_wait3A] : memref<102x4x5120xf32, #tpu.memory_space<hbm>> -> memref<1x1x5120xf32, #tpu.memory_space<hbm>>
        %dma_wait3A_115 = tpu.memref_squeeze %dma_wait3A_114 : memref<1x1x5120xf32, #tpu.memory_space<hbm>> -> memref<5120xf32, #tpu.memory_space<hbm>>
        %dma_wait3A_116 = arith.constant 0 : i32
        %dma_wait3A_117 = tpu.memref_slice %arg2[%add3A_55, %select_n3A, %dma_wait3A_116] : memref<102x4x5120xf32, #tpu.memory_space<hbm>> -> memref<1x1x5120xf32, #tpu.memory_space<hbm>>
        %dma_wait3A_118 = tpu.memref_squeeze %dma_wait3A_117 : memref<1x1x5120xf32, #tpu.memory_space<hbm>> -> memref<5120xf32, #tpu.memory_space<hbm>>
        tpu.wait_dma2 semaphore(%run_scoped3A_108 : memref<!tpu.dma_semaphore, #tpu.memory_space<semaphore_mem>>) src(%dma_wait3A_118 : memref<5120xf32, #tpu.memory_space<hbm>>) dst(%arg4 : memref<5120xf32, #tpu.memory_space<vmem>>)
        tpu.yield
      }) : () -> ()
      "tpu.region"() ({
        %run_scoped3A_108 = tpu.sem_alloc : memref<!tpu.dma_semaphore, #tpu.memory_space<semaphore_mem>>
        %dma_start3A = arith.constant 0 : i32
        %dma_start3A_109 = tpu.memref_slice %arg2[%add3A_57, %select_n3A, %dma_start3A] : memref<102x4x5120xf32, #tpu.memory_space<hbm>> -> memref<1x1x5120xf32, #tpu.memory_space<hbm>>
        %dma_start3A_110 = tpu.memref_squeeze %dma_start3A_109 : memref<1x1x5120xf32, #tpu.memory_space<hbm>> -> memref<5120xf32, #tpu.memory_space<hbm>>
        %dma_start3A_111 = arith.constant 0 : i32
        %dma_start3A_112 = tpu.memref_slice %arg2[%add3A_57, %select_n3A, %dma_start3A_111] : memref<102x4x5120xf32, #tpu.memory_space<hbm>> -> memref<1x1x5120xf32, #tpu.memory_space<hbm>>
        %dma_start3A_113 = tpu.memref_squeeze %dma_start3A_112 : memref<1x1x5120xf32, #tpu.memory_space<hbm>> -> memref<5120xf32, #tpu.memory_space<hbm>>
        tpu.enqueue_dma source(%dma_start3A_113 : memref<5120xf32, #tpu.memory_space<hbm>>) target(%arg5 : memref<5120xf32, #tpu.memory_space<vmem>>) target_semaphore(%run_scoped3A_108 : memref<!tpu.dma_semaphore, #tpu.memory_space<semaphore_mem>>)
        %dma_wait3A = arith.constant 0 : i32
        %dma_wait3A_114 = tpu.memref_slice %arg2[%add3A_57, %select_n3A, %dma_wait3A] : memref<102x4x5120xf32, #tpu.memory_space<hbm>> -> memref<1x1x5120xf32, #tpu.memory_space<hbm>>
        %dma_wait3A_115 = tpu.memref_squeeze %dma_wait3A_114 : memref<1x1x5120xf32, #tpu.memory_space<hbm>> -> memref<5120xf32, #tpu.memory_space<hbm>>
        %dma_wait3A_116 = arith.constant 0 : i32
        %dma_wait3A_117 = tpu.memref_slice %arg2[%add3A_57, %select_n3A, %dma_wait3A_116] : memref<102x4x5120xf32, #tpu.memory_space<hbm>> -> memref<1x1x5120xf32, #tpu.memory_space<hbm>>
        %dma_wait3A_118 = tpu.memref_squeeze %dma_wait3A_117 : memref<1x1x5120xf32, #tpu.memory_space<hbm>> -> memref<5120xf32, #tpu.memory_space<hbm>>
        tpu.wait_dma2 semaphore(%run_scoped3A_108 : memref<!tpu.dma_semaphore, #tpu.memory_space<semaphore_mem>>) src(%dma_wait3A_118 : memref<5120xf32, #tpu.memory_space<hbm>>) dst(%arg5 : memref<5120xf32, #tpu.memory_space<vmem>>)
        tpu.yield
      }) : () -> ()
      "tpu.region"() ({
        %run_scoped3A_108 = tpu.sem_alloc : memref<!tpu.dma_semaphore, #tpu.memory_space<semaphore_mem>>
        %dma_start3A = arith.constant 0 : i32
        %dma_start3A_109 = tpu.memref_slice %arg2[%add3A_53, %select_n3A, %dma_start3A] : memref<102x4x5120xf32, #tpu.memory_space<hbm>> -> memref<1x1x5120xf32, #tpu.memory_space<hbm>>
        %dma_start3A_110 = tpu.memref_squeeze %dma_start3A_109 : memref<1x1x5120xf32, #tpu.memory_space<hbm>> -> memref<5120xf32, #tpu.memory_space<hbm>>
        %dma_start3A_111 = arith.constant 0 : i32
        %dma_start3A_112 = tpu.memref_slice %arg2[%add3A_53, %select_n3A, %dma_start3A_111] : memref<102x4x5120xf32, #tpu.memory_space<hbm>> -> memref<1x1x5120xf32, #tpu.memory_space<hbm>>
        %dma_start3A_113 = tpu.memref_squeeze %dma_start3A_112 : memref<1x1x5120xf32, #tpu.memory_space<hbm>> -> memref<5120xf32, #tpu.memory_space<hbm>>
        tpu.enqueue_dma source(%dma_start3A_113 : memref<5120xf32, #tpu.memory_space<hbm>>) target(%arg6 : memref<5120xf32, #tpu.memory_space<vmem>>) target_semaphore(%run_scoped3A_108 : memref<!tpu.dma_semaphore, #tpu.memory_space<semaphore_mem>>)
        %dma_wait3A = arith.constant 0 : i32
        %dma_wait3A_114 = tpu.memref_slice %arg2[%add3A_53, %select_n3A, %dma_wait3A] : memref<102x4x5120xf32, #tpu.memory_space<hbm>> -> memref<1x1x5120xf32, #tpu.memory_space<hbm>>
        %dma_wait3A_115 = tpu.memref_squeeze %dma_wait3A_114 : memref<1x1x5120xf32, #tpu.memory_space<hbm>> -> memref<5120xf32, #tpu.memory_space<hbm>>
        %dma_wait3A_116 = arith.constant 0 : i32
        %dma_wait3A_117 = tpu.memref_slice %arg2[%add3A_53, %select_n3A, %dma_wait3A_116] : memref<102x4x5120xf32, #tpu.memory_space<hbm>> -> memref<1x1x5120xf32, #tpu.memory_space<hbm>>
        %dma_wait3A_118 = tpu.memref_squeeze %dma_wait3A_117 : memref<1x1x5120xf32, #tpu.memory_space<hbm>> -> memref<5120xf32, #tpu.memory_space<hbm>>
        tpu.wait_dma2 semaphore(%run_scoped3A_108 : memref<!tpu.dma_semaphore, #tpu.memory_space<semaphore_mem>>) src(%dma_wait3A_118 : memref<5120xf32, #tpu.memory_space<hbm>>) dst(%arg6 : memref<5120xf32, #tpu.memory_space<vmem>>)
        tpu.yield
      }) : () -> ()
      "tpu.region"() ({
        %run_scoped3A_108 = tpu.sem_alloc : memref<!tpu.dma_semaphore, #tpu.memory_space<semaphore_mem>>
        %dma_start3A = arith.constant 0 : i32
        %dma_start3A_109 = tpu.memref_slice %arg2[%add3A_59, %select_n3A, %dma_start3A] : memref<102x4x5120xf32, #tpu.memory_space<hbm>> -> memref<1x1x5120xf32, #tpu.memory_space<hbm>>
        %dma_start3A_110 = tpu.memref_squeeze %dma_start3A_109 : memref<1x1x5120xf32, #tpu.memory_space<hbm>> -> memref<5120xf32, #tpu.memory_space<hbm>>
        %dma_start3A_111 = arith.constant 0 : i32
        %dma_start3A_112 = tpu.memref_slice %arg2[%add3A_59, %select_n3A, %dma_start3A_111] : memref<102x4x5120xf32, #tpu.memory_space<hbm>> -> memref<1x1x5120xf32, #tpu.memory_space<hbm>>
        %dma_start3A_113 = tpu.memref_squeeze %dma_start3A_112 : memref<1x1x5120xf32, #tpu.memory_space<hbm>> -> memref<5120xf32, #tpu.memory_space<hbm>>
        tpu.enqueue_dma source(%dma_start3A_113 : memref<5120xf32, #tpu.memory_space<hbm>>) target(%arg7 : memref<5120xf32, #tpu.memory_space<vmem>>) target_semaphore(%run_scoped3A_108 : memref<!tpu.dma_semaphore, #tpu.memory_space<semaphore_mem>>)
        %dma_wait3A = arith.constant 0 : i32
        %dma_wait3A_114 = tpu.memref_slice %arg2[%add3A_59, %select_n3A, %dma_wait3A] : memref<102x4x5120xf32, #tpu.memory_space<hbm>> -> memref<1x1x5120xf32, #tpu.memory_space<hbm>>
        %dma_wait3A_115 = tpu.memref_squeeze %dma_wait3A_114 : memref<1x1x5120xf32, #tpu.memory_space<hbm>> -> memref<5120xf32, #tpu.memory_space<hbm>>
        %dma_wait3A_116 = arith.constant 0 : i32
        %dma_wait3A_117 = tpu.memref_slice %arg2[%add3A_59, %select_n3A, %dma_wait3A_116] : memref<102x4x5120xf32, #tpu.memory_space<hbm>> -> memref<1x1x5120xf32, #tpu.memory_space<hbm>>
        %dma_wait3A_118 = tpu.memref_squeeze %dma_wait3A_117 : memref<1x1x5120xf32, #tpu.memory_space<hbm>> -> memref<5120xf32, #tpu.memory_space<hbm>>
        tpu.wait_dma2 semaphore(%run_scoped3A_108 : memref<!tpu.dma_semaphore, #tpu.memory_space<semaphore_mem>>) src(%dma_wait3A_118 : memref<5120xf32, #tpu.memory_space<hbm>>) dst(%arg7 : memref<5120xf32, #tpu.memory_space<vmem>>)
        tpu.yield
      }) : () -> ()
      "tpu.region"() ({
        %run_scoped3A_108 = tpu.sem_alloc : memref<!tpu.dma_semaphore, #tpu.memory_space<semaphore_mem>>
        %dma_start3A = arith.constant 0 : i32
        %dma_start3A_109 = tpu.memref_slice %arg2[%add3A_61, %select_n3A, %dma_start3A] : memref<102x4x5120xf32, #tpu.memory_space<hbm>> -> memref<1x1x5120xf32, #tpu.memory_space<hbm>>
        %dma_start3A_110 = tpu.memref_squeeze %dma_start3A_109 : memref<1x1x5120xf32, #tpu.memory_space<hbm>> -> memref<5120xf32, #tpu.memory_space<hbm>>
        %dma_start3A_111 = arith.constant 0 : i32
        %dma_start3A_112 = tpu.memref_slice %arg2[%add3A_61, %select_n3A, %dma_start3A_111] : memref<102x4x5120xf32, #tpu.memory_space<hbm>> -> memref<1x1x5120xf32, #tpu.memory_space<hbm>>
        %dma_start3A_113 = tpu.memref_squeeze %dma_start3A_112 : memref<1x1x5120xf32, #tpu.memory_space<hbm>> -> memref<5120xf32, #tpu.memory_space<hbm>>
        tpu.enqueue_dma source(%dma_start3A_113 : memref<5120xf32, #tpu.memory_space<hbm>>) target(%arg8 : memref<5120xf32, #tpu.memory_space<vmem>>) target_semaphore(%run_scoped3A_108 : memref<!tpu.dma_semaphore, #tpu.memory_space<semaphore_mem>>)
        %dma_wait3A = arith.constant 0 : i32
        %dma_wait3A_114 = tpu.memref_slice %arg2[%add3A_61, %select_n3A, %dma_wait3A] : memref<102x4x5120xf32, #tpu.memory_space<hbm>> -> memref<1x1x5120xf32, #tpu.memory_space<hbm>>
        %dma_wait3A_115 = tpu.memref_squeeze %dma_wait3A_114 : memref<1x1x5120xf32, #tpu.memory_space<hbm>> -> memref<5120xf32, #tpu.memory_space<hbm>>
        %dma_wait3A_116 = arith.constant 0 : i32
        %dma_wait3A_117 = tpu.memref_slice %arg2[%add3A_61, %select_n3A, %dma_wait3A_116] : memref<102x4x5120xf32, #tpu.memory_space<hbm>> -> memref<1x1x5120xf32, #tpu.memory_space<hbm>>
        %dma_wait3A_118 = tpu.memref_squeeze %dma_wait3A_117 : memref<1x1x5120xf32, #tpu.memory_space<hbm>> -> memref<5120xf32, #tpu.memory_space<hbm>>
        tpu.wait_dma2 semaphore(%run_scoped3A_108 : memref<!tpu.dma_semaphore, #tpu.memory_space<semaphore_mem>>) src(%dma_wait3A_118 : memref<5120xf32, #tpu.memory_space<hbm>>) dst(%arg8 : memref<5120xf32, #tpu.memory_space<vmem>>)
        tpu.yield
      }) : () -> ()
      %run_scoped3A = arith.constant 101 : i32
      "tpu.region"() ({
        %run_scoped3A_108 = tpu.sem_alloc : memref<!tpu.dma_semaphore, #tpu.memory_space<semaphore_mem>>
        %dma_start3A = arith.constant 0 : i32
        %dma_start3A_109 = tpu.memref_slice %arg2[%run_scoped3A, %select_n3A, %dma_start3A] : memref<102x4x5120xf32, #tpu.memory_space<hbm>> -> memref<1x1x5120xf32, #tpu.memory_space<hbm>>
        %dma_start3A_110 = tpu.memref_squeeze %dma_start3A_109 : memref<1x1x5120xf32, #tpu.memory_space<hbm>> -> memref<5120xf32, #tpu.memory_space<hbm>>
        %dma_start3A_111 = arith.constant 0 : i32
        %dma_start3A_112 = tpu.memref_slice %arg2[%run_scoped3A, %select_n3A, %dma_start3A_111] : memref<102x4x5120xf32, #tpu.memory_space<hbm>> -> memref<1x1x5120xf32, #tpu.memory_space<hbm>>
        %dma_start3A_113 = tpu.memref_squeeze %dma_start3A_112 : memref<1x1x5120xf32, #tpu.memory_space<hbm>> -> memref<5120xf32, #tpu.memory_space<hbm>>
        tpu.enqueue_dma source(%dma_start3A_113 : memref<5120xf32, #tpu.memory_space<hbm>>) target(%arg9 : memref<5120xf32, #tpu.memory_space<vmem>>) target_semaphore(%run_scoped3A_108 : memref<!tpu.dma_semaphore, #tpu.memory_space<semaphore_mem>>)
        %dma_wait3A = arith.constant 0 : i32
        %dma_wait3A_114 = tpu.memref_slice %arg2[%run_scoped3A, %select_n3A, %dma_wait3A] : memref<102x4x5120xf32, #tpu.memory_space<hbm>> -> memref<1x1x5120xf32, #tpu.memory_space<hbm>>
        %dma_wait3A_115 = tpu.memref_squeeze %dma_wait3A_114 : memref<1x1x5120xf32, #tpu.memory_space<hbm>> -> memref<5120xf32, #tpu.memory_space<hbm>>
        %dma_wait3A_116 = arith.constant 0 : i32
        %dma_wait3A_117 = tpu.memref_slice %arg2[%run_scoped3A, %select_n3A, %dma_wait3A_116] : memref<102x4x5120xf32, #tpu.memory_space<hbm>> -> memref<1x1x5120xf32, #tpu.memory_space<hbm>>
        %dma_wait3A_118 = tpu.memref_squeeze %dma_wait3A_117 : memref<1x1x5120xf32, #tpu.memory_space<hbm>> -> memref<5120xf32, #tpu.memory_space<hbm>>
        tpu.wait_dma2 semaphore(%run_scoped3A_108 : memref<!tpu.dma_semaphore, #tpu.memory_space<semaphore_mem>>) src(%dma_wait3A_118 : memref<5120xf32, #tpu.memory_space<hbm>>) dst(%arg9 : memref<5120xf32, #tpu.memory_space<vmem>>)
        tpu.yield
      }) : () -> ()
      %broadcast_in_dim3A = arith.constant 0 : i32
      %broadcast_in_dim3A_62 = vector.broadcast %broadcast_in_dim3A : i32 to vector<16xi32>
      %scan3A = arith.constant 5.000000e-01 : f32
      %scan3A_63 = arith.constant 0 : i32
      %scan3A_64 = arith.constant 160 : i32
      %scan3A_65 = arith.addi %scan3A_63, %scan3A_64 : i32
      %scan3A_66 = arith.constant 1 : i32
      %scan3A_67 = scf.for %scan3A_108 = %scan3A_63 to %scan3A_65 step %scan3A_66 iter_args(%scan3A_109 = %broadcast_in_dim3A_62) -> (vector<16xi32>)  : i32 {
        %mul3A_110 = arith.constant 32 : i32
        %mul3A_111 = arith.muli %scan3A_108, %mul3A_110 : i32
        %get3A = arith.index_cast %mul3A_111 : i32 to index
        %get3A_112 = tpu.vector_load %arg4[%get3A] {strides = array<i32>} : memref<5120xf32, #tpu.memory_space<vmem>>, vector<16xf32>,
        %ge3A = vector.broadcast %scan3A : f32 to vector<16xf32>
        %ge3A_113 = arith.cmpf oge, %get3A_112, %ge3A : vector<16xf32>
        %all_reduce_population_count3A = tpu.all_reduce %ge3A_113 {dim = 0 : i64, kind = #tpu.reduction_kind<sum>} : vector<16xi1> -> vector<16xi32>
        %add3A_114 = arith.addi %scan3A_109, %all_reduce_population_count3A : vector<16xi32>
        scf.yield %add3A_114 : vector<16xi32>
      }
      %scan3A_68 = arith.constant 160 : i32
      %reduce_max3A = arith.constant true
      %reduce_max3A_69 = vector.broadcast %reduce_max3A : i1 to vector<16xi1>
      %reduce_max3A_70 = arith.constant -2147483648 : i32
      %reduce_max3A_71 = vector.broadcast %reduce_max3A_70 : i32 to vector<16xi32>
      %reduce_max3A_72 = arith.xori %scan3A_67, %reduce_max3A_71 : vector<16xi32>
      %reduce_max3A_73 = tpu.scan <max>, %reduce_max3A_72 masked %reduce_max3A_69 : vector<16xi32>, vector<16xi1> -> vector<16xi32>
      %reduce_max3A_74 = arith.xori %reduce_max3A_73, %reduce_max3A_71 : vector<16xi32>
      %reduce_max3A_75 = vector.extract %reduce_max3A_74[15] : i32 from vector<16xi32>
      %scan3A_76 = arith.constant 5.000000e-01 : f32
      %scan3A_77 = arith.constant 1.000000e+00 : f32
      %scan3A_78 = arith.constant 0 : i32
      %scan3A_79 = arith.constant 20 : i32
      %scan3A_80 = arith.addi %scan3A_78, %scan3A_79 : i32
      %scan3A_81 = arith.constant 1 : i32
      %scan3A_82:2 = scf.for %scan3A_108 = %scan3A_78 to %scan3A_80 step %scan3A_81 iter_args(%scan3A_109 = %scan3A_76, %scan3A_110 = %scan3A_77) -> (f32, f32)  : i32 {
        %add3A_111 = arith.addf %scan3A_109, %scan3A_110 : f32
        %mul3A_112 = arith.constant 5.000000e-01 : f32
        %mul3A_113 = arith.mulf %add3A_111, %mul3A_112 : f32
        %broadcast_in_dim3A_114 = arith.constant 0 : i32
        %broadcast_in_dim3A_115 = vector.broadcast %broadcast_in_dim3A_114 : i32 to vector<16xi32>
        %scan3A_116 = arith.constant 0 : i32
        %scan3A_117 = arith.constant 160 : i32
        %scan3A_118 = arith.addi %scan3A_116, %scan3A_117 : i32
        %scan3A_119 = arith.constant 1 : i32
        %scan3A_120 = scf.for %scan3A_134 = %scan3A_116 to %scan3A_118 step %scan3A_119 iter_args(%scan3A_135 = %broadcast_in_dim3A_115) -> (vector<16xi32>)  : i32 {
          %mul3A_136 = arith.constant 32 : i32
          %mul3A_137 = arith.muli %scan3A_134, %mul3A_136 : i32
          %get3A = arith.index_cast %mul3A_137 : i32 to index
          %get3A_138 = tpu.vector_load %arg4[%get3A] {strides = array<i32>} : memref<5120xf32, #tpu.memory_space<vmem>>, vector<16xf32>,
          %ge3A = vector.broadcast %mul3A_113 : f32 to vector<16xf32>
          %ge3A_139 = arith.cmpf oge, %get3A_138, %ge3A : vector<16xf32>
          %all_reduce_population_count3A = tpu.all_reduce %ge3A_139 {dim = 0 : i64, kind = #tpu.reduction_kind<sum>} : vector<16xi1> -> vector<16xi32>
          %add3A_140 = arith.addi %scan3A_135, %all_reduce_population_count3A : vector<16xi32>
          scf.yield %add3A_140 : vector<16xi32>
        }
        %scan3A_121 = arith.constant 160 : i32
        %reduce_max3A_122 = arith.constant true
        %reduce_max3A_123 = vector.broadcast %reduce_max3A_122 : i1 to vector<16xi1>
        %reduce_max3A_124 = arith.constant -2147483648 : i32
        %reduce_max3A_125 = vector.broadcast %reduce_max3A_124 : i32 to vector<16xi32>
        %reduce_max3A_126 = arith.xori %scan3A_120, %reduce_max3A_125 : vector<16xi32>
        %reduce_max3A_127 = tpu.scan <max>, %reduce_max3A_126 masked %reduce_max3A_123 : vector<16xi32>, vector<16xi1> -> vector<16xi32>
        %reduce_max3A_128 = arith.xori %reduce_max3A_127, %reduce_max3A_125 : vector<16xi32>
        %reduce_max3A_129 = vector.extract %reduce_max3A_128[15] : i32 from vector<16xi32>
        %gt3A_130 = arith.constant 224 : i32
        %gt3A_131 = arith.cmpi sgt, %reduce_max3A_129, %gt3A_130 : i32
        %select_n3A_132 = arith.select %gt3A_131, %mul3A_113, %scan3A_109 : f32
        %select_n3A_133 = arith.select %gt3A_131, %scan3A_110, %mul3A_113 : f32
        scf.yield %select_n3A_132, %select_n3A_133 : f32, f32
      }
      %scan3A_83 = arith.constant 20 : i32
      %gt3A = arith.constant 224 : i32
      %gt3A_84 = arith.cmpi sgt, %reduce_max3A_75, %gt3A : i32
      %jit3A_85 = arith.constant -1.000000e+00 : f32
      %select_n3A_86 = arith.select %gt3A_84, %scan3A_82#1, %jit3A_85 : f32
      %broadcast_in_dim3A_87 = arith.constant 0.000000e+00 : f32
      %broadcast_in_dim3A_88 = vector.broadcast %broadcast_in_dim3A_87 : f32 to vector<16xf32>
      %scan3A_89 = arith.constant 0 : i32
      %scan3A_90 = arith.constant 0 : i32
      %scan3A_91 = arith.constant 32 : i32
      %scan3A_92 = arith.addi %scan3A_90, %scan3A_91 : i32
      %scan3A_93 = arith.constant 1 : i32
      scf.for %scan3A_108 = %scan3A_90 to %scan3A_92 step %scan3A_93  : i32 {
        %mul3A_109 = arith.constant 16 : i32
        %mul3A_110 = arith.muli %scan3A_108, %mul3A_109 : i32
        %swap3A = arith.index_cast %mul3A_110 : i32 to index
        %swap3A_111 = tpu.vector_load %arg10[%swap3A] {strides = array<i32>} : memref<512xf32, #tpu.memory_space<vmem>>, vector<16xf32>,
        tpu.vector_store %arg10[%swap3A], %broadcast_in_dim3A_88 {strides = array<i32>} : memref<512xf32, #tpu.memory_space<vmem>>, vector<16xf32>,
      }
      %scan3A_94 = arith.constant 32 : i32
      %scan3A_95 = arith.constant 0 : i32
      %scan3A_96 = arith.constant 0 : i32
      %scan3A_97 = arith.constant 320 : i32
      %scan3A_98 = arith.addi %scan3A_96, %scan3A_97 : i32
      %scan3A_99 = arith.constant 1 : i32
      %scan3A_100 = scf.for %scan3A_108 = %scan3A_96 to %scan3A_98 step %scan3A_99 iter_args(%scan3A_109 = %scan3A_95) -> (i32)  : i32 {
        %mul3A_110 = arith.constant 16 : i32
        %mul3A_111 = arith.muli %scan3A_108, %mul3A_110 : i32
        %get3A = arith.index_cast %mul3A_111 : i32 to index
        %get3A_112 = tpu.vector_load %arg4[%get3A] {strides = array<i32>} : memref<5120xf32, #tpu.memory_space<vmem>>, vector<16xf32>,
        %gt3A_113 = arith.constant 5.000000e-01 : f32
        %gt3A_114 = vector.broadcast %gt3A_113 : f32 to vector<16xf32>
        %gt3A_115 = arith.cmpf ogt, %get3A_112, %gt3A_114 : vector<16xf32>
        %ge3A = vector.broadcast %select_n3A_86 : f32 to vector<16xf32>
        %ge3A_116 = arith.cmpf oge, %get3A_112, %ge3A : vector<16xf32>
        %and3A_117 = arith.andi %gt3A_115, %ge3A_116 : vector<16xi1>
        %le3A = arith.constant 496 : i32
        %le3A_118 = arith.cmpi sle, %scan3A_109, %le3A : i32
        %convert_element_type3A_119 = arith.extui %le3A_118 : i1 to i32
        %cond3A_120 = arith.constant 0 : i32
        %cond3A_121 = arith.cmpi ne, %convert_element_type3A_119, %cond3A_120 : i32
        scf.if %cond3A_121 {
          %mul3A_131 = arith.constant 16 : i32
          %mul3A_132 = arith.muli %scan3A_108, %mul3A_131 : i32
          %get3A_133 = arith.index_cast %mul3A_132 : i32 to index
          %get3A_134 = tpu.vector_load %arg4[%get3A_133] {strides = array<i32>} : memref<5120xf32, #tpu.memory_space<vmem>>, vector<16xf32>,
          %swap3A = arith.index_cast %scan3A_109 : i32 to index
          %swap3A_135 = tpu.vector_load %arg10[%swap3A] masked %and3A_117 {strides = array<i32>} : memref<512xf32, #tpu.memory_space<vmem>>, vector<16xf32>, vector<16xi1>
          tpu.vector_store %arg10[%swap3A], %get3A_134 masked %and3A_117 {strides = array<i32>} : memref<512xf32, #tpu.memory_space<vmem>>, vector<16xf32>, vector<16xi1>
          %mul3A_136 = arith.constant 16 : i32
          %mul3A_137 = arith.muli %scan3A_108, %mul3A_136 : i32
          %get3A_138 = arith.index_cast %mul3A_137 : i32 to index
          %get3A_139 = tpu.vector_load %arg5[%get3A_138] {strides = array<i32>} : memref<5120xf32, #tpu.memory_space<vmem>>, vector<16xf32>,
          %swap3A_140 = arith.index_cast %scan3A_109 : i32 to index
          %swap3A_141 = tpu.vector_load %arg11[%swap3A_140] masked %and3A_117 {strides = array<i32>} : memref<512xf32, #tpu.memory_space<vmem>>, vector<16xf32>, vector<16xi1>
          tpu.vector_store %arg11[%swap3A_140], %get3A_139 masked %and3A_117 {strides = array<i32>} : memref<512xf32, #tpu.memory_space<vmem>>, vector<16xf32>, vector<16xi1>
          %mul3A_142 = arith.constant 16 : i32
          %mul3A_143 = arith.muli %scan3A_108, %mul3A_142 : i32
          %get3A_144 = arith.index_cast %mul3A_143 : i32 to index
          %get3A_145 = tpu.vector_load %arg6[%get3A_144] {strides = array<i32>} : memref<5120xf32, #tpu.memory_space<vmem>>, vector<16xf32>,
          %swap3A_146 = arith.index_cast %scan3A_109 : i32 to index
          %swap3A_147 = tpu.vector_load %arg12[%swap3A_146] masked %and3A_117 {strides = array<i32>} : memref<512xf32, #tpu.memory_space<vmem>>, vector<16xf32>, vector<16xi1>
          tpu.vector_store %arg12[%swap3A_146], %get3A_145 masked %and3A_117 {strides = array<i32>} : memref<512xf32, #tpu.memory_space<vmem>>, vector<16xf32>, vector<16xi1>
          %mul3A_148 = arith.constant 16 : i32
          %mul3A_149 = arith.muli %scan3A_108, %mul3A_148 : i32
          %get3A_150 = arith.index_cast %mul3A_149 : i32 to index
          %get3A_151 = tpu.vector_load %arg7[%get3A_150] {strides = array<i32>} : memref<5120xf32, #tpu.memory_space<vmem>>, vector<16xf32>,
          %swap3A_152 = arith.index_cast %scan3A_109 : i32 to index
          %swap3A_153 = tpu.vector_load %arg13[%swap3A_152] masked %and3A_117 {strides = array<i32>} : memref<512xf32, #tpu.memory_space<vmem>>, vector<16xf32>, vector<16xi1>
          tpu.vector_store %arg13[%swap3A_152], %get3A_151 masked %and3A_117 {strides = array<i32>} : memref<512xf32, #tpu.memory_space<vmem>>, vector<16xf32>, vector<16xi1>
          %mul3A_154 = arith.constant 16 : i32
          %mul3A_155 = arith.muli %scan3A_108, %mul3A_154 : i32
          %get3A_156 = arith.index_cast %mul3A_155 : i32 to index
          %get3A_157 = tpu.vector_load %arg8[%get3A_156] {strides = array<i32>} : memref<5120xf32, #tpu.memory_space<vmem>>, vector<16xf32>,
          %swap3A_158 = arith.index_cast %scan3A_109 : i32 to index
          %swap3A_159 = tpu.vector_load %arg14[%swap3A_158] masked %and3A_117 {strides = array<i32>} : memref<512xf32, #tpu.memory_space<vmem>>, vector<16xf32>, vector<16xi1>
          tpu.vector_store %arg14[%swap3A_158], %get3A_157 masked %and3A_117 {strides = array<i32>} : memref<512xf32, #tpu.memory_space<vmem>>, vector<16xf32>, vector<16xi1>
          %mul3A_160 = arith.constant 16 : i32
          %mul3A_161 = arith.muli %scan3A_108, %mul3A_160 : i32
          %get3A_162 = arith.index_cast %mul3A_161 : i32 to index
          %get3A_163 = tpu.vector_load %arg9[%get3A_162] {strides = array<i32>} : memref<5120xf32, #tpu.memory_space<vmem>>, vector<16xf32>,
          %swap3A_164 = arith.index_cast %scan3A_109 : i32 to index
          %swap3A_165 = tpu.vector_load %arg15[%swap3A_164] masked %and3A_117 {strides = array<i32>} : memref<512xf32, #tpu.memory_space<vmem>>, vector<16xf32>, vector<16xi1>
          tpu.vector_store %arg15[%swap3A_164], %get3A_163 masked %and3A_117 {strides = array<i32>} : memref<512xf32, #tpu.memory_space<vmem>>, vector<16xf32>, vector<16xi1>
        } else {
        }
        %all_reduce_population_count3A = tpu.all_reduce %and3A_117 {dim = 0 : i64, kind = #tpu.reduction_kind<sum>} : vector<16xi1> -> vector<16xi32>
        %reduce_max3A_122 = arith.constant true
        %reduce_max3A_123 = vector.broadcast %reduce_max3A_122 : i1 to vector<16xi1>
        %reduce_max3A_124 = arith.constant -2147483648 : i32
        %reduce_max3A_125 = vector.broadcast %reduce_max3A_124 : i32 to vector<16xi32>
        %reduce_max3A_126 = arith.xori %all_reduce_population_count3A, %reduce_max3A_125 : vector<16xi32>
        %reduce_max3A_127 = tpu.scan <max>, %reduce_max3A_126 masked %reduce_max3A_123 : vector<16xi32>, vector<16xi1> -> vector<16xi32>
        %reduce_max3A_128 = arith.xori %reduce_max3A_127, %reduce_max3A_125 : vector<16xi32>
        %reduce_max3A_129 = vector.extract %reduce_max3A_128[15] : i32 from vector<16xi32>
        %add3A_130 = arith.addi %scan3A_109, %reduce_max3A_129 : i32
        scf.yield %add3A_130 : i32
      }
      %scan3A_101 = arith.constant 320 : i32
      %run_scoped3A_102 = arith.constant 0 : i32
      "tpu.region"() ({
        %run_scoped3A_108 = tpu.sem_alloc : memref<!tpu.dma_semaphore, #tpu.memory_space<semaphore_mem>>
        %dma_start3A = arith.constant 0 : i32
        %dma_start3A_109 = tpu.memref_slice %arg3[%run_scoped3A_102, %add3A_2, %dma_start3A] : memref<6x80x512xf32, #tpu.memory_space<hbm>> -> memref<1x1x512xf32, #tpu.memory_space<hbm>>
        %dma_start3A_110 = tpu.memref_squeeze %dma_start3A_109 : memref<1x1x512xf32, #tpu.memory_space<hbm>> -> memref<512xf32, #tpu.memory_space<hbm>>
        %dma_start3A_111 = arith.constant 0 : i32
        %dma_start3A_112 = tpu.memref_slice %arg3[%run_scoped3A_102, %add3A_2, %dma_start3A_111] : memref<6x80x512xf32, #tpu.memory_space<hbm>> -> memref<1x1x512xf32, #tpu.memory_space<hbm>>
        %dma_start3A_113 = tpu.memref_squeeze %dma_start3A_112 : memref<1x1x512xf32, #tpu.memory_space<hbm>> -> memref<512xf32, #tpu.memory_space<hbm>>
        tpu.enqueue_dma source(%arg10 : memref<512xf32, #tpu.memory_space<vmem>>) target(%dma_start3A_113 : memref<512xf32, #tpu.memory_space<hbm>>) target_semaphore(%run_scoped3A_108 : memref<!tpu.dma_semaphore, #tpu.memory_space<semaphore_mem>>)
        %dma_wait3A = arith.constant 0 : i32
        %dma_wait3A_114 = tpu.memref_slice %arg3[%run_scoped3A_102, %add3A_2, %dma_wait3A] : memref<6x80x512xf32, #tpu.memory_space<hbm>> -> memref<1x1x512xf32, #tpu.memory_space<hbm>>
        %dma_wait3A_115 = tpu.memref_squeeze %dma_wait3A_114 : memref<1x1x512xf32, #tpu.memory_space<hbm>> -> memref<512xf32, #tpu.memory_space<hbm>>
        %dma_wait3A_116 = arith.constant 0 : i32
        %dma_wait3A_117 = tpu.memref_slice %arg3[%run_scoped3A_102, %add3A_2, %dma_wait3A_116] : memref<6x80x512xf32, #tpu.memory_space<hbm>> -> memref<1x1x512xf32, #tpu.memory_space<hbm>>
        %dma_wait3A_118 = tpu.memref_squeeze %dma_wait3A_117 : memref<1x1x512xf32, #tpu.memory_space<hbm>> -> memref<512xf32, #tpu.memory_space<hbm>>
        tpu.wait_dma2 semaphore(%run_scoped3A_108 : memref<!tpu.dma_semaphore, #tpu.memory_space<semaphore_mem>>) src(%arg10 : memref<512xf32, #tpu.memory_space<vmem>>) dst(%dma_wait3A_118 : memref<512xf32, #tpu.memory_space<hbm>>)
        tpu.yield
      }) : () -> ()
      %run_scoped3A_103 = arith.constant 1 : i32
      "tpu.region"() ({
        %run_scoped3A_108 = tpu.sem_alloc : memref<!tpu.dma_semaphore, #tpu.memory_space<semaphore_mem>>
        %dma_start3A = arith.constant 0 : i32
        %dma_start3A_109 = tpu.memref_slice %arg3[%run_scoped3A_103, %add3A_2, %dma_start3A] : memref<6x80x512xf32, #tpu.memory_space<hbm>> -> memref<1x1x512xf32, #tpu.memory_space<hbm>>
        %dma_start3A_110 = tpu.memref_squeeze %dma_start3A_109 : memref<1x1x512xf32, #tpu.memory_space<hbm>> -> memref<512xf32, #tpu.memory_space<hbm>>
        %dma_start3A_111 = arith.constant 0 : i32
        %dma_start3A_112 = tpu.memref_slice %arg3[%run_scoped3A_103, %add3A_2, %dma_start3A_111] : memref<6x80x512xf32, #tpu.memory_space<hbm>> -> memref<1x1x512xf32, #tpu.memory_space<hbm>>
        %dma_start3A_113 = tpu.memref_squeeze %dma_start3A_112 : memref<1x1x512xf32, #tpu.memory_space<hbm>> -> memref<512xf32, #tpu.memory_space<hbm>>
        tpu.enqueue_dma source(%arg11 : memref<512xf32, #tpu.memory_space<vmem>>) target(%dma_start3A_113 : memref<512xf32, #tpu.memory_space<hbm>>) target_semaphore(%run_scoped3A_108 : memref<!tpu.dma_semaphore, #tpu.memory_space<semaphore_mem>>)
        %dma_wait3A = arith.constant 0 : i32
        %dma_wait3A_114 = tpu.memref_slice %arg3[%run_scoped3A_103, %add3A_2, %dma_wait3A] : memref<6x80x512xf32, #tpu.memory_space<hbm>> -> memref<1x1x512xf32, #tpu.memory_space<hbm>>
        %dma_wait3A_115 = tpu.memref_squeeze %dma_wait3A_114 : memref<1x1x512xf32, #tpu.memory_space<hbm>> -> memref<512xf32, #tpu.memory_space<hbm>>
        %dma_wait3A_116 = arith.constant 0 : i32
        %dma_wait3A_117 = tpu.memref_slice %arg3[%run_scoped3A_103, %add3A_2, %dma_wait3A_116] : memref<6x80x512xf32, #tpu.memory_space<hbm>> -> memref<1x1x512xf32, #tpu.memory_space<hbm>>
        %dma_wait3A_118 = tpu.memref_squeeze %dma_wait3A_117 : memref<1x1x512xf32, #tpu.memory_space<hbm>> -> memref<512xf32, #tpu.memory_space<hbm>>
        tpu.wait_dma2 semaphore(%run_scoped3A_108 : memref<!tpu.dma_semaphore, #tpu.memory_space<semaphore_mem>>) src(%arg11 : memref<512xf32, #tpu.memory_space<vmem>>) dst(%dma_wait3A_118 : memref<512xf32, #tpu.memory_space<hbm>>)
        tpu.yield
      }) : () -> ()
      %run_scoped3A_104 = arith.constant 2 : i32
      "tpu.region"() ({
        %run_scoped3A_108 = tpu.sem_alloc : memref<!tpu.dma_semaphore, #tpu.memory_space<semaphore_mem>>
        %dma_start3A = arith.constant 0 : i32
        %dma_start3A_109 = tpu.memref_slice %arg3[%run_scoped3A_104, %add3A_2, %dma_start3A] : memref<6x80x512xf32, #tpu.memory_space<hbm>> -> memref<1x1x512xf32, #tpu.memory_space<hbm>>
        %dma_start3A_110 = tpu.memref_squeeze %dma_start3A_109 : memref<1x1x512xf32, #tpu.memory_space<hbm>> -> memref<512xf32, #tpu.memory_space<hbm>>
        %dma_start3A_111 = arith.constant 0 : i32
        %dma_start3A_112 = tpu.memref_slice %arg3[%run_scoped3A_104, %add3A_2, %dma_start3A_111] : memref<6x80x512xf32, #tpu.memory_space<hbm>> -> memref<1x1x512xf32, #tpu.memory_space<hbm>>
        %dma_start3A_113 = tpu.memref_squeeze %dma_start3A_112 : memref<1x1x512xf32, #tpu.memory_space<hbm>> -> memref<512xf32, #tpu.memory_space<hbm>>
        tpu.enqueue_dma source(%arg12 : memref<512xf32, #tpu.memory_space<vmem>>) target(%dma_start3A_113 : memref<512xf32, #tpu.memory_space<hbm>>) target_semaphore(%run_scoped3A_108 : memref<!tpu.dma_semaphore, #tpu.memory_space<semaphore_mem>>)
        %dma_wait3A = arith.constant 0 : i32
        %dma_wait3A_114 = tpu.memref_slice %arg3[%run_scoped3A_104, %add3A_2, %dma_wait3A] : memref<6x80x512xf32, #tpu.memory_space<hbm>> -> memref<1x1x512xf32, #tpu.memory_space<hbm>>
        %dma_wait3A_115 = tpu.memref_squeeze %dma_wait3A_114 : memref<1x1x512xf32, #tpu.memory_space<hbm>> -> memref<512xf32, #tpu.memory_space<hbm>>
        %dma_wait3A_116 = arith.constant 0 : i32
        %dma_wait3A_117 = tpu.memref_slice %arg3[%run_scoped3A_104, %add3A_2, %dma_wait3A_116] : memref<6x80x512xf32, #tpu.memory_space<hbm>> -> memref<1x1x512xf32, #tpu.memory_space<hbm>>
        %dma_wait3A_118 = tpu.memref_squeeze %dma_wait3A_117 : memref<1x1x512xf32, #tpu.memory_space<hbm>> -> memref<512xf32, #tpu.memory_space<hbm>>
        tpu.wait_dma2 semaphore(%run_scoped3A_108 : memref<!tpu.dma_semaphore, #tpu.memory_space<semaphore_mem>>) src(%arg12 : memref<512xf32, #tpu.memory_space<vmem>>) dst(%dma_wait3A_118 : memref<512xf32, #tpu.memory_space<hbm>>)
        tpu.yield
      }) : () -> ()
      %run_scoped3A_105 = arith.constant 3 : i32
      "tpu.region"() ({
        %run_scoped3A_108 = tpu.sem_alloc : memref<!tpu.dma_semaphore, #tpu.memory_space<semaphore_mem>>
        %dma_start3A = arith.constant 0 : i32
        %dma_start3A_109 = tpu.memref_slice %arg3[%run_scoped3A_105, %add3A_2, %dma_start3A] : memref<6x80x512xf32, #tpu.memory_space<hbm>> -> memref<1x1x512xf32, #tpu.memory_space<hbm>>
        %dma_start3A_110 = tpu.memref_squeeze %dma_start3A_109 : memref<1x1x512xf32, #tpu.memory_space<hbm>> -> memref<512xf32, #tpu.memory_space<hbm>>
        %dma_start3A_111 = arith.constant 0 : i32
        %dma_start3A_112 = tpu.memref_slice %arg3[%run_scoped3A_105, %add3A_2, %dma_start3A_111] : memref<6x80x512xf32, #tpu.memory_space<hbm>> -> memref<1x1x512xf32, #tpu.memory_space<hbm>>
        %dma_start3A_113 = tpu.memref_squeeze %dma_start3A_112 : memref<1x1x512xf32, #tpu.memory_space<hbm>> -> memref<512xf32, #tpu.memory_space<hbm>>
        tpu.enqueue_dma source(%arg13 : memref<512xf32, #tpu.memory_space<vmem>>) target(%dma_start3A_113 : memref<512xf32, #tpu.memory_space<hbm>>) target_semaphore(%run_scoped3A_108 : memref<!tpu.dma_semaphore, #tpu.memory_space<semaphore_mem>>)
        %dma_wait3A = arith.constant 0 : i32
        %dma_wait3A_114 = tpu.memref_slice %arg3[%run_scoped3A_105, %add3A_2, %dma_wait3A] : memref<6x80x512xf32, #tpu.memory_space<hbm>> -> memref<1x1x512xf32, #tpu.memory_space<hbm>>
        %dma_wait3A_115 = tpu.memref_squeeze %dma_wait3A_114 : memref<1x1x512xf32, #tpu.memory_space<hbm>> -> memref<512xf32, #tpu.memory_space<hbm>>
        %dma_wait3A_116 = arith.constant 0 : i32
        %dma_wait3A_117 = tpu.memref_slice %arg3[%run_scoped3A_105, %add3A_2, %dma_wait3A_116] : memref<6x80x512xf32, #tpu.memory_space<hbm>> -> memref<1x1x512xf32, #tpu.memory_space<hbm>>
        %dma_wait3A_118 = tpu.memref_squeeze %dma_wait3A_117 : memref<1x1x512xf32, #tpu.memory_space<hbm>> -> memref<512xf32, #tpu.memory_space<hbm>>
        tpu.wait_dma2 semaphore(%run_scoped3A_108 : memref<!tpu.dma_semaphore, #tpu.memory_space<semaphore_mem>>) src(%arg13 : memref<512xf32, #tpu.memory_space<vmem>>) dst(%dma_wait3A_118 : memref<512xf32, #tpu.memory_space<hbm>>)
        tpu.yield
      }) : () -> ()
      %run_scoped3A_106 = arith.constant 4 : i32
      "tpu.region"() ({
        %run_scoped3A_108 = tpu.sem_alloc : memref<!tpu.dma_semaphore, #tpu.memory_space<semaphore_mem>>
        %dma_start3A = arith.constant 0 : i32
        %dma_start3A_109 = tpu.memref_slice %arg3[%run_scoped3A_106, %add3A_2, %dma_start3A] : memref<6x80x512xf32, #tpu.memory_space<hbm>> -> memref<1x1x512xf32, #tpu.memory_space<hbm>>
        %dma_start3A_110 = tpu.memref_squeeze %dma_start3A_109 : memref<1x1x512xf32, #tpu.memory_space<hbm>> -> memref<512xf32, #tpu.memory_space<hbm>>
        %dma_start3A_111 = arith.constant 0 : i32
        %dma_start3A_112 = tpu.memref_slice %arg3[%run_scoped3A_106, %add3A_2, %dma_start3A_111] : memref<6x80x512xf32, #tpu.memory_space<hbm>> -> memref<1x1x512xf32, #tpu.memory_space<hbm>>
        %dma_start3A_113 = tpu.memref_squeeze %dma_start3A_112 : memref<1x1x512xf32, #tpu.memory_space<hbm>> -> memref<512xf32, #tpu.memory_space<hbm>>
        tpu.enqueue_dma source(%arg14 : memref<512xf32, #tpu.memory_space<vmem>>) target(%dma_start3A_113 : memref<512xf32, #tpu.memory_space<hbm>>) target_semaphore(%run_scoped3A_108 : memref<!tpu.dma_semaphore, #tpu.memory_space<semaphore_mem>>)
        %dma_wait3A = arith.constant 0 : i32
        %dma_wait3A_114 = tpu.memref_slice %arg3[%run_scoped3A_106, %add3A_2, %dma_wait3A] : memref<6x80x512xf32, #tpu.memory_space<hbm>> -> memref<1x1x512xf32, #tpu.memory_space<hbm>>
        %dma_wait3A_115 = tpu.memref_squeeze %dma_wait3A_114 : memref<1x1x512xf32, #tpu.memory_space<hbm>> -> memref<512xf32, #tpu.memory_space<hbm>>
        %dma_wait3A_116 = arith.constant 0 : i32
        %dma_wait3A_117 = tpu.memref_slice %arg3[%run_scoped3A_106, %add3A_2, %dma_wait3A_116] : memref<6x80x512xf32, #tpu.memory_space<hbm>> -> memref<1x1x512xf32, #tpu.memory_space<hbm>>
        %dma_wait3A_118 = tpu.memref_squeeze %dma_wait3A_117 : memref<1x1x512xf32, #tpu.memory_space<hbm>> -> memref<512xf32, #tpu.memory_space<hbm>>
        tpu.wait_dma2 semaphore(%run_scoped3A_108 : memref<!tpu.dma_semaphore, #tpu.memory_space<semaphore_mem>>) src(%arg14 : memref<512xf32, #tpu.memory_space<vmem>>) dst(%dma_wait3A_118 : memref<512xf32, #tpu.memory_space<hbm>>)
        tpu.yield
      }) : () -> ()
      %run_scoped3A_107 = arith.constant 5 : i32
      "tpu.region"() ({
        %run_scoped3A_108 = tpu.sem_alloc : memref<!tpu.dma_semaphore, #tpu.memory_space<semaphore_mem>>
        %dma_start3A = arith.constant 0 : i32
        %dma_start3A_109 = tpu.memref_slice %arg3[%run_scoped3A_107, %add3A_2, %dma_start3A] : memref<6x80x512xf32, #tpu.memory_space<hbm>> -> memref<1x1x512xf32, #tpu.memory_space<hbm>>
        %dma_start3A_110 = tpu.memref_squeeze %dma_start3A_109 : memref<1x1x512xf32, #tpu.memory_space<hbm>> -> memref<512xf32, #tpu.memory_space<hbm>>
        %dma_start3A_111 = arith.constant 0 : i32
        %dma_start3A_112 = tpu.memref_slice %arg3[%run_scoped3A_107, %add3A_2, %dma_start3A_111] : memref<6x80x512xf32, #tpu.memory_space<hbm>> -> memref<1x1x512xf32, #tpu.memory_space<hbm>>
        %dma_start3A_113 = tpu.memref_squeeze %dma_start3A_112 : memref<1x1x512xf32, #tpu.memory_space<hbm>> -> memref<512xf32, #tpu.memory_space<hbm>>
        tpu.enqueue_dma source(%arg15 : memref<512xf32, #tpu.memory_space<vmem>>) target(%dma_start3A_113 : memref<512xf32, #tpu.memory_space<hbm>>) target_semaphore(%run_scoped3A_108 : memref<!tpu.dma_semaphore, #tpu.memory_space<semaphore_mem>>)
        %dma_wait3A = arith.constant 0 : i32
        %dma_wait3A_114 = tpu.memref_slice %arg3[%run_scoped3A_107, %add3A_2, %dma_wait3A] : memref<6x80x512xf32, #tpu.memory_space<hbm>> -> memref<1x1x512xf32, #tpu.memory_space<hbm>>
        %dma_wait3A_115 = tpu.memref_squeeze %dma_wait3A_114 : memref<1x1x512xf32, #tpu.memory_space<hbm>> -> memref<512xf32, #tpu.memory_space<hbm>>
        %dma_wait3A_116 = arith.constant 0 : i32
        %dma_wait3A_117 = tpu.memref_slice %arg3[%run_scoped3A_107, %add3A_2, %dma_wait3A_116] : memref<6x80x512xf32, #tpu.memory_space<hbm>> -> memref<1x1x512xf32, #tpu.memory_space<hbm>>
        %dma_wait3A_118 = tpu.memref_squeeze %dma_wait3A_117 : memref<1x1x512xf32, #tpu.memory_space<hbm>> -> memref<512xf32, #tpu.memory_space<hbm>>
        tpu.wait_dma2 semaphore(%run_scoped3A_108 : memref<!tpu.dma_semaphore, #tpu.memory_space<semaphore_mem>>) src(%arg15 : memref<512xf32, #tpu.memory_space<vmem>>) dst(%dma_wait3A_118 : memref<512xf32, #tpu.memory_space<hbm>>)
        tpu.yield
      }) : () -> ()
    } else {
    }
    %add3A_5 = arith.constant 32 : i32
    %add3A_6 = arith.addi %add3A, %add3A_5 : i32
    %lt3A_7 = arith.constant 80 : i32
    %lt3A_8 = arith.cmpi slt, %add3A_6, %lt3A_7 : i32
    %convert_element_type3A_9 = arith.extui %lt3A_8 : i1 to i32
    %cond3A_10 = arith.constant 0 : i32
    %cond3A_11 = arith.cmpi ne, %convert_element_type3A_9, %cond3A_10 : i32
    scf.if %cond3A_11 {
      %jit3A = arith.constant 20 : i32
      %div3A = arith.divsi %add3A_6, %jit3A : i32
      %sign3A = arith.constant 0 : i32
      %sign3A_19 = arith.cmpi sgt, %add3A_6, %sign3A : i32
      %sign3A_20 = arith.extui %sign3A_19 : i1 to i32
      %sign3A_21 = arith.constant 0 : i32
      %sign3A_22 = arith.cmpi slt, %add3A_6, %sign3A_21 : i32
      %sign3A_23 = arith.extui %sign3A_22 : i1 to i32
      %sign3A_24 = arith.subi %sign3A_20, %sign3A_23 : i32
      %sign3A_25 = arith.constant 0 : i32
      %sign3A_26 = arith.cmpi sgt, %jit3A, %sign3A_25 : i32
      %sign3A_27 = arith.extui %sign3A_26 : i1 to i32
      %sign3A_28 = arith.constant 0 : i32
      %sign3A_29 = arith.cmpi slt, %jit3A, %sign3A_28 : i32
      %sign3A_30 = arith.extui %sign3A_29 : i1 to i32
      %sign3A_31 = arith.subi %sign3A_27, %sign3A_30 : i32
      %ne3A = arith.cmpi ne, %sign3A_24, %sign3A_31 : i32
      %rem3A = arith.remsi %add3A_6, %jit3A : i32
      %ne3A_32 = arith.constant 0 : i32
      %ne3A_33 = arith.cmpi ne, %rem3A, %ne3A_32 : i32
      %and3A = arith.andi %ne3A, %ne3A_33 : i1
      %sub3A = arith.constant 1 : i32
      %sub3A_34 = arith.subi %div3A, %sub3A : i32
      %select_n3A = arith.select %and3A, %sub3A_34, %div3A : i32
      %jit3A_35 = arith.constant 20 : i32
      %eq3A = arith.constant 0 : i32
      %eq3A_36 = arith.cmpi eq, %jit3A_35, %eq3A : i32
      %jit3A_37 = arith.constant 1 : i32
      %select_n3A_38 = arith.select %eq3A_36, %jit3A_37, %jit3A_35 : i32
      %rem3A_39 = arith.remsi %add3A_6, %select_n3A_38 : i32
      %ne3A_40 = arith.constant 0 : i32
      %ne3A_41 = arith.cmpi ne, %rem3A_39, %ne3A_40 : i32
      %lt3A_42 = arith.constant 0 : i32
      %lt3A_43 = arith.cmpi slt, %rem3A_39, %lt3A_42 : i32
      %lt3A_44 = arith.constant 0 : i32
      %lt3A_45 = arith.cmpi slt, %select_n3A_38, %lt3A_44 : i32
      %ne3A_46 = arith.xori %lt3A_43, %lt3A_45 : i1
      %and3A_47 = arith.andi %ne3A_46, %ne3A_41 : i1
      %add3A_48 = arith.addi %rem3A_39, %select_n3A_38 : i32
      %select_n3A_49 = arith.select %and3A_47, %add3A_48, %rem3A_39 : i32
      %mul3A_50 = arith.constant 4 : i32
      %mul3A_51 = arith.muli %mul3A_50, %select_n3A_49 : i32
      %add3A_52 = arith.constant 21 : i32
      %add3A_53 = arith.addi %add3A_52, %mul3A_51 : i32
      %add3A_54 = arith.constant 1 : i32
      %add3A_55 = arith.addi %add3A_54, %select_n3A_49 : i32
      %add3A_56 = arith.constant 1 : i32
      %add3A_57 = arith.addi %add3A_53, %add3A_56 : i32
      %add3A_58 = arith.constant 3 : i32
      %add3A_59 = arith.addi %add3A_53, %add3A_58 : i32
      %add3A_60 = arith.constant 2 : i32
      %add3A_61 = arith.addi %add3A_53, %add3A_60 : i32
      "tpu.region"() ({
        %run_scoped3A_108 = tpu.sem_alloc : memref<!tpu.dma_semaphore, #tpu.memory_space<semaphore_mem>>
        %dma_start3A = arith.constant 0 : i32
        %dma_start3A_109 = tpu.memref_slice %arg2[%add3A_55, %select_n3A, %dma_start3A] : memref<102x4x5120xf32, #tpu.memory_space<hbm>> -> memref<1x1x5120xf32, #tpu.memory_space<hbm>>
        %dma_start3A_110 = tpu.memref_squeeze %dma_start3A_109 : memref<1x1x5120xf32, #tpu.memory_space<hbm>> -> memref<5120xf32, #tpu.memory_space<hbm>>
        %dma_start3A_111 = arith.constant 0 : i32
        %dma_start3A_112 = tpu.memref_slice %arg2[%add3A_55, %select_n3A, %dma_start3A_111] : memref<102x4x5120xf32, #tpu.memory_space<hbm>> -> memref<1x1x5120xf32, #tpu.memory_space<hbm>>
        %dma_start3A_113 = tpu.memref_squeeze %dma_start3A_112 : memref<1x1x5120xf32, #tpu.memory_space<hbm>> -> memref<5120xf32, #tpu.memory_space<hbm>>
        tpu.enqueue_dma source(%dma_start3A_113 : memref<5120xf32, #tpu.memory_space<hbm>>) target(%arg4 : memref<5120xf32, #tpu.memory_space<vmem>>) target_semaphore(%run_scoped3A_108 : memref<!tpu.dma_semaphore, #tpu.memory_space<semaphore_mem>>)
        %dma_wait3A = arith.constant 0 : i32
        %dma_wait3A_114 = tpu.memref_slice %arg2[%add3A_55, %select_n3A, %dma_wait3A] : memref<102x4x5120xf32, #tpu.memory_space<hbm>> -> memref<1x1x5120xf32, #tpu.memory_space<hbm>>
        %dma_wait3A_115 = tpu.memref_squeeze %dma_wait3A_114 : memref<1x1x5120xf32, #tpu.memory_space<hbm>> -> memref<5120xf32, #tpu.memory_space<hbm>>
        %dma_wait3A_116 = arith.constant 0 : i32
        %dma_wait3A_117 = tpu.memref_slice %arg2[%add3A_55, %select_n3A, %dma_wait3A_116] : memref<102x4x5120xf32, #tpu.memory_space<hbm>> -> memref<1x1x5120xf32, #tpu.memory_space<hbm>>
        %dma_wait3A_118 = tpu.memref_squeeze %dma_wait3A_117 : memref<1x1x5120xf32, #tpu.memory_space<hbm>> -> memref<5120xf32, #tpu.memory_space<hbm>>
        tpu.wait_dma2 semaphore(%run_scoped3A_108 : memref<!tpu.dma_semaphore, #tpu.memory_space<semaphore_mem>>) src(%dma_wait3A_118 : memref<5120xf32, #tpu.memory_space<hbm>>) dst(%arg4 : memref<5120xf32, #tpu.memory_space<vmem>>)
        tpu.yield
      }) : () -> ()
      "tpu.region"() ({
        %run_scoped3A_108 = tpu.sem_alloc : memref<!tpu.dma_semaphore, #tpu.memory_space<semaphore_mem>>
        %dma_start3A = arith.constant 0 : i32
        %dma_start3A_109 = tpu.memref_slice %arg2[%add3A_57, %select_n3A, %dma_start3A] : memref<102x4x5120xf32, #tpu.memory_space<hbm>> -> memref<1x1x5120xf32, #tpu.memory_space<hbm>>
        %dma_start3A_110 = tpu.memref_squeeze %dma_start3A_109 : memref<1x1x5120xf32, #tpu.memory_space<hbm>> -> memref<5120xf32, #tpu.memory_space<hbm>>
        %dma_start3A_111 = arith.constant 0 : i32
        %dma_start3A_112 = tpu.memref_slice %arg2[%add3A_57, %select_n3A, %dma_start3A_111] : memref<102x4x5120xf32, #tpu.memory_space<hbm>> -> memref<1x1x5120xf32, #tpu.memory_space<hbm>>
        %dma_start3A_113 = tpu.memref_squeeze %dma_start3A_112 : memref<1x1x5120xf32, #tpu.memory_space<hbm>> -> memref<5120xf32, #tpu.memory_space<hbm>>
        tpu.enqueue_dma source(%dma_start3A_113 : memref<5120xf32, #tpu.memory_space<hbm>>) target(%arg5 : memref<5120xf32, #tpu.memory_space<vmem>>) target_semaphore(%run_scoped3A_108 : memref<!tpu.dma_semaphore, #tpu.memory_space<semaphore_mem>>)
        %dma_wait3A = arith.constant 0 : i32
        %dma_wait3A_114 = tpu.memref_slice %arg2[%add3A_57, %select_n3A, %dma_wait3A] : memref<102x4x5120xf32, #tpu.memory_space<hbm>> -> memref<1x1x5120xf32, #tpu.memory_space<hbm>>
        %dma_wait3A_115 = tpu.memref_squeeze %dma_wait3A_114 : memref<1x1x5120xf32, #tpu.memory_space<hbm>> -> memref<5120xf32, #tpu.memory_space<hbm>>
        %dma_wait3A_116 = arith.constant 0 : i32
        %dma_wait3A_117 = tpu.memref_slice %arg2[%add3A_57, %select_n3A, %dma_wait3A_116] : memref<102x4x5120xf32, #tpu.memory_space<hbm>> -> memref<1x1x5120xf32, #tpu.memory_space<hbm>>
        %dma_wait3A_118 = tpu.memref_squeeze %dma_wait3A_117 : memref<1x1x5120xf32, #tpu.memory_space<hbm>> -> memref<5120xf32, #tpu.memory_space<hbm>>
        tpu.wait_dma2 semaphore(%run_scoped3A_108 : memref<!tpu.dma_semaphore, #tpu.memory_space<semaphore_mem>>) src(%dma_wait3A_118 : memref<5120xf32, #tpu.memory_space<hbm>>) dst(%arg5 : memref<5120xf32, #tpu.memory_space<vmem>>)
        tpu.yield
      }) : () -> ()
      "tpu.region"() ({
        %run_scoped3A_108 = tpu.sem_alloc : memref<!tpu.dma_semaphore, #tpu.memory_space<semaphore_mem>>
        %dma_start3A = arith.constant 0 : i32
        %dma_start3A_109 = tpu.memref_slice %arg2[%add3A_53, %select_n3A, %dma_start3A] : memref<102x4x5120xf32, #tpu.memory_space<hbm>> -> memref<1x1x5120xf32, #tpu.memory_space<hbm>>
        %dma_start3A_110 = tpu.memref_squeeze %dma_start3A_109 : memref<1x1x5120xf32, #tpu.memory_space<hbm>> -> memref<5120xf32, #tpu.memory_space<hbm>>
        %dma_start3A_111 = arith.constant 0 : i32
        %dma_start3A_112 = tpu.memref_slice %arg2[%add3A_53, %select_n3A, %dma_start3A_111] : memref<102x4x5120xf32, #tpu.memory_space<hbm>> -> memref<1x1x5120xf32, #tpu.memory_space<hbm>>
        %dma_start3A_113 = tpu.memref_squeeze %dma_start3A_112 : memref<1x1x5120xf32, #tpu.memory_space<hbm>> -> memref<5120xf32, #tpu.memory_space<hbm>>
        tpu.enqueue_dma source(%dma_start3A_113 : memref<5120xf32, #tpu.memory_space<hbm>>) target(%arg6 : memref<5120xf32, #tpu.memory_space<vmem>>) target_semaphore(%run_scoped3A_108 : memref<!tpu.dma_semaphore, #tpu.memory_space<semaphore_mem>>)
        %dma_wait3A = arith.constant 0 : i32
        %dma_wait3A_114 = tpu.memref_slice %arg2[%add3A_53, %select_n3A, %dma_wait3A] : memref<102x4x5120xf32, #tpu.memory_space<hbm>> -> memref<1x1x5120xf32, #tpu.memory_space<hbm>>
        %dma_wait3A_115 = tpu.memref_squeeze %dma_wait3A_114 : memref<1x1x5120xf32, #tpu.memory_space<hbm>> -> memref<5120xf32, #tpu.memory_space<hbm>>
        %dma_wait3A_116 = arith.constant 0 : i32
        %dma_wait3A_117 = tpu.memref_slice %arg2[%add3A_53, %select_n3A, %dma_wait3A_116] : memref<102x4x5120xf32, #tpu.memory_space<hbm>> -> memref<1x1x5120xf32, #tpu.memory_space<hbm>>
        %dma_wait3A_118 = tpu.memref_squeeze %dma_wait3A_117 : memref<1x1x5120xf32, #tpu.memory_space<hbm>> -> memref<5120xf32, #tpu.memory_space<hbm>>
        tpu.wait_dma2 semaphore(%run_scoped3A_108 : memref<!tpu.dma_semaphore, #tpu.memory_space<semaphore_mem>>) src(%dma_wait3A_118 : memref<5120xf32, #tpu.memory_space<hbm>>) dst(%arg6 : memref<5120xf32, #tpu.memory_space<vmem>>)
        tpu.yield
      }) : () -> ()
      "tpu.region"() ({
        %run_scoped3A_108 = tpu.sem_alloc : memref<!tpu.dma_semaphore, #tpu.memory_space<semaphore_mem>>
        %dma_start3A = arith.constant 0 : i32
        %dma_start3A_109 = tpu.memref_slice %arg2[%add3A_59, %select_n3A, %dma_start3A] : memref<102x4x5120xf32, #tpu.memory_space<hbm>> -> memref<1x1x5120xf32, #tpu.memory_space<hbm>>
        %dma_start3A_110 = tpu.memref_squeeze %dma_start3A_109 : memref<1x1x5120xf32, #tpu.memory_space<hbm>> -> memref<5120xf32, #tpu.memory_space<hbm>>
        %dma_start3A_111 = arith.constant 0 : i32
        %dma_start3A_112 = tpu.memref_slice %arg2[%add3A_59, %select_n3A, %dma_start3A_111] : memref<102x4x5120xf32, #tpu.memory_space<hbm>> -> memref<1x1x5120xf32, #tpu.memory_space<hbm>>
        %dma_start3A_113 = tpu.memref_squeeze %dma_start3A_112 : memref<1x1x5120xf32, #tpu.memory_space<hbm>> -> memref<5120xf32, #tpu.memory_space<hbm>>
        tpu.enqueue_dma source(%dma_start3A_113 : memref<5120xf32, #tpu.memory_space<hbm>>) target(%arg7 : memref<5120xf32, #tpu.memory_space<vmem>>) target_semaphore(%run_scoped3A_108 : memref<!tpu.dma_semaphore, #tpu.memory_space<semaphore_mem>>)
        %dma_wait3A = arith.constant 0 : i32
        %dma_wait3A_114 = tpu.memref_slice %arg2[%add3A_59, %select_n3A, %dma_wait3A] : memref<102x4x5120xf32, #tpu.memory_space<hbm>> -> memref<1x1x5120xf32, #tpu.memory_space<hbm>>
        %dma_wait3A_115 = tpu.memref_squeeze %dma_wait3A_114 : memref<1x1x5120xf32, #tpu.memory_space<hbm>> -> memref<5120xf32, #tpu.memory_space<hbm>>
        %dma_wait3A_116 = arith.constant 0 : i32
        %dma_wait3A_117 = tpu.memref_slice %arg2[%add3A_59, %select_n3A, %dma_wait3A_116] : memref<102x4x5120xf32, #tpu.memory_space<hbm>> -> memref<1x1x5120xf32, #tpu.memory_space<hbm>>
        %dma_wait3A_118 = tpu.memref_squeeze %dma_wait3A_117 : memref<1x1x5120xf32, #tpu.memory_space<hbm>> -> memref<5120xf32, #tpu.memory_space<hbm>>
        tpu.wait_dma2 semaphore(%run_scoped3A_108 : memref<!tpu.dma_semaphore, #tpu.memory_space<semaphore_mem>>) src(%dma_wait3A_118 : memref<5120xf32, #tpu.memory_space<hbm>>) dst(%arg7 : memref<5120xf32, #tpu.memory_space<vmem>>)
        tpu.yield
      }) : () -> ()
      "tpu.region"() ({
        %run_scoped3A_108 = tpu.sem_alloc : memref<!tpu.dma_semaphore, #tpu.memory_space<semaphore_mem>>
        %dma_start3A = arith.constant 0 : i32
        %dma_start3A_109 = tpu.memref_slice %arg2[%add3A_61, %select_n3A, %dma_start3A] : memref<102x4x5120xf32, #tpu.memory_space<hbm>> -> memref<1x1x5120xf32, #tpu.memory_space<hbm>>
        %dma_start3A_110 = tpu.memref_squeeze %dma_start3A_109 : memref<1x1x5120xf32, #tpu.memory_space<hbm>> -> memref<5120xf32, #tpu.memory_space<hbm>>
        %dma_start3A_111 = arith.constant 0 : i32
        %dma_start3A_112 = tpu.memref_slice %arg2[%add3A_61, %select_n3A, %dma_start3A_111] : memref<102x4x5120xf32, #tpu.memory_space<hbm>> -> memref<1x1x5120xf32, #tpu.memory_space<hbm>>
        %dma_start3A_113 = tpu.memref_squeeze %dma_start3A_112 : memref<1x1x5120xf32, #tpu.memory_space<hbm>> -> memref<5120xf32, #tpu.memory_space<hbm>>
        tpu.enqueue_dma source(%dma_start3A_113 : memref<5120xf32, #tpu.memory_space<hbm>>) target(%arg8 : memref<5120xf32, #tpu.memory_space<vmem>>) target_semaphore(%run_scoped3A_108 : memref<!tpu.dma_semaphore, #tpu.memory_space<semaphore_mem>>)
        %dma_wait3A = arith.constant 0 : i32
        %dma_wait3A_114 = tpu.memref_slice %arg2[%add3A_61, %select_n3A, %dma_wait3A] : memref<102x4x5120xf32, #tpu.memory_space<hbm>> -> memref<1x1x5120xf32, #tpu.memory_space<hbm>>
        %dma_wait3A_115 = tpu.memref_squeeze %dma_wait3A_114 : memref<1x1x5120xf32, #tpu.memory_space<hbm>> -> memref<5120xf32, #tpu.memory_space<hbm>>
        %dma_wait3A_116 = arith.constant 0 : i32
        %dma_wait3A_117 = tpu.memref_slice %arg2[%add3A_61, %select_n3A, %dma_wait3A_116] : memref<102x4x5120xf32, #tpu.memory_space<hbm>> -> memref<1x1x5120xf32, #tpu.memory_space<hbm>>
        %dma_wait3A_118 = tpu.memref_squeeze %dma_wait3A_117 : memref<1x1x5120xf32, #tpu.memory_space<hbm>> -> memref<5120xf32, #tpu.memory_space<hbm>>
        tpu.wait_dma2 semaphore(%run_scoped3A_108 : memref<!tpu.dma_semaphore, #tpu.memory_space<semaphore_mem>>) src(%dma_wait3A_118 : memref<5120xf32, #tpu.memory_space<hbm>>) dst(%arg8 : memref<5120xf32, #tpu.memory_space<vmem>>)
        tpu.yield
      }) : () -> ()
      %run_scoped3A = arith.constant 101 : i32
      "tpu.region"() ({
        %run_scoped3A_108 = tpu.sem_alloc : memref<!tpu.dma_semaphore, #tpu.memory_space<semaphore_mem>>
        %dma_start3A = arith.constant 0 : i32
        %dma_start3A_109 = tpu.memref_slice %arg2[%run_scoped3A, %select_n3A, %dma_start3A] : memref<102x4x5120xf32, #tpu.memory_space<hbm>> -> memref<1x1x5120xf32, #tpu.memory_space<hbm>>
        %dma_start3A_110 = tpu.memref_squeeze %dma_start3A_109 : memref<1x1x5120xf32, #tpu.memory_space<hbm>> -> memref<5120xf32, #tpu.memory_space<hbm>>
        %dma_start3A_111 = arith.constant 0 : i32
        %dma_start3A_112 = tpu.memref_slice %arg2[%run_scoped3A, %select_n3A, %dma_start3A_111] : memref<102x4x5120xf32, #tpu.memory_space<hbm>> -> memref<1x1x5120xf32, #tpu.memory_space<hbm>>
        %dma_start3A_113 = tpu.memref_squeeze %dma_start3A_112 : memref<1x1x5120xf32, #tpu.memory_space<hbm>> -> memref<5120xf32, #tpu.memory_space<hbm>>
        tpu.enqueue_dma source(%dma_start3A_113 : memref<5120xf32, #tpu.memory_space<hbm>>) target(%arg9 : memref<5120xf32, #tpu.memory_space<vmem>>) target_semaphore(%run_scoped3A_108 : memref<!tpu.dma_semaphore, #tpu.memory_space<semaphore_mem>>)
        %dma_wait3A = arith.constant 0 : i32
        %dma_wait3A_114 = tpu.memref_slice %arg2[%run_scoped3A, %select_n3A, %dma_wait3A] : memref<102x4x5120xf32, #tpu.memory_space<hbm>> -> memref<1x1x5120xf32, #tpu.memory_space<hbm>>
        %dma_wait3A_115 = tpu.memref_squeeze %dma_wait3A_114 : memref<1x1x5120xf32, #tpu.memory_space<hbm>> -> memref<5120xf32, #tpu.memory_space<hbm>>
        %dma_wait3A_116 = arith.constant 0 : i32
        %dma_wait3A_117 = tpu.memref_slice %arg2[%run_scoped3A, %select_n3A, %dma_wait3A_116] : memref<102x4x5120xf32, #tpu.memory_space<hbm>> -> memref<1x1x5120xf32, #tpu.memory_space<hbm>>
        %dma_wait3A_118 = tpu.memref_squeeze %dma_wait3A_117 : memref<1x1x5120xf32, #tpu.memory_space<hbm>> -> memref<5120xf32, #tpu.memory_space<hbm>>
        tpu.wait_dma2 semaphore(%run_scoped3A_108 : memref<!tpu.dma_semaphore, #tpu.memory_space<semaphore_mem>>) src(%dma_wait3A_118 : memref<5120xf32, #tpu.memory_space<hbm>>) dst(%arg9 : memref<5120xf32, #tpu.memory_space<vmem>>)
        tpu.yield
      }) : () -> ()
      %broadcast_in_dim3A = arith.constant 0 : i32
      %broadcast_in_dim3A_62 = vector.broadcast %broadcast_in_dim3A : i32 to vector<16xi32>
      %scan3A = arith.constant 5.000000e-01 : f32
      %scan3A_63 = arith.constant 0 : i32
      %scan3A_64 = arith.constant 160 : i32
      %scan3A_65 = arith.addi %scan3A_63, %scan3A_64 : i32
      %scan3A_66 = arith.constant 1 : i32
      %scan3A_67 = scf.for %scan3A_108 = %scan3A_63 to %scan3A_65 step %scan3A_66 iter_args(%scan3A_109 = %broadcast_in_dim3A_62) -> (vector<16xi32>)  : i32 {
        %mul3A_110 = arith.constant 32 : i32
        %mul3A_111 = arith.muli %scan3A_108, %mul3A_110 : i32
        %get3A = arith.index_cast %mul3A_111 : i32 to index
        %get3A_112 = tpu.vector_load %arg4[%get3A] {strides = array<i32>} : memref<5120xf32, #tpu.memory_space<vmem>>, vector<16xf32>,
        %ge3A = vector.broadcast %scan3A : f32 to vector<16xf32>
        %ge3A_113 = arith.cmpf oge, %get3A_112, %ge3A : vector<16xf32>
        %all_reduce_population_count3A = tpu.all_reduce %ge3A_113 {dim = 0 : i64, kind = #tpu.reduction_kind<sum>} : vector<16xi1> -> vector<16xi32>
        %add3A_114 = arith.addi %scan3A_109, %all_reduce_population_count3A : vector<16xi32>
        scf.yield %add3A_114 : vector<16xi32>
      }
      %scan3A_68 = arith.constant 160 : i32
      %reduce_max3A = arith.constant true
      %reduce_max3A_69 = vector.broadcast %reduce_max3A : i1 to vector<16xi1>
      %reduce_max3A_70 = arith.constant -2147483648 : i32
      %reduce_max3A_71 = vector.broadcast %reduce_max3A_70 : i32 to vector<16xi32>
      %reduce_max3A_72 = arith.xori %scan3A_67, %reduce_max3A_71 : vector<16xi32>
      %reduce_max3A_73 = tpu.scan <max>, %reduce_max3A_72 masked %reduce_max3A_69 : vector<16xi32>, vector<16xi1> -> vector<16xi32>
      %reduce_max3A_74 = arith.xori %reduce_max3A_73, %reduce_max3A_71 : vector<16xi32>
      %reduce_max3A_75 = vector.extract %reduce_max3A_74[15] : i32 from vector<16xi32>
      %scan3A_76 = arith.constant 5.000000e-01 : f32
      %scan3A_77 = arith.constant 1.000000e+00 : f32
      %scan3A_78 = arith.constant 0 : i32
      %scan3A_79 = arith.constant 20 : i32
      %scan3A_80 = arith.addi %scan3A_78, %scan3A_79 : i32
      %scan3A_81 = arith.constant 1 : i32
      %scan3A_82:2 = scf.for %scan3A_108 = %scan3A_78 to %scan3A_80 step %scan3A_81 iter_args(%scan3A_109 = %scan3A_76, %scan3A_110 = %scan3A_77) -> (f32, f32)  : i32 {
        %add3A_111 = arith.addf %scan3A_109, %scan3A_110 : f32
        %mul3A_112 = arith.constant 5.000000e-01 : f32
        %mul3A_113 = arith.mulf %add3A_111, %mul3A_112 : f32
        %broadcast_in_dim3A_114 = arith.constant 0 : i32
        %broadcast_in_dim3A_115 = vector.broadcast %broadcast_in_dim3A_114 : i32 to vector<16xi32>
        %scan3A_116 = arith.constant 0 : i32
        %scan3A_117 = arith.constant 160 : i32
        %scan3A_118 = arith.addi %scan3A_116, %scan3A_117 : i32
        %scan3A_119 = arith.constant 1 : i32
        %scan3A_120 = scf.for %scan3A_134 = %scan3A_116 to %scan3A_118 step %scan3A_119 iter_args(%scan3A_135 = %broadcast_in_dim3A_115) -> (vector<16xi32>)  : i32 {
          %mul3A_136 = arith.constant 32 : i32
          %mul3A_137 = arith.muli %scan3A_134, %mul3A_136 : i32
          %get3A = arith.index_cast %mul3A_137 : i32 to index
          %get3A_138 = tpu.vector_load %arg4[%get3A] {strides = array<i32>} : memref<5120xf32, #tpu.memory_space<vmem>>, vector<16xf32>,
          %ge3A = vector.broadcast %mul3A_113 : f32 to vector<16xf32>
          %ge3A_139 = arith.cmpf oge, %get3A_138, %ge3A : vector<16xf32>
          %all_reduce_population_count3A = tpu.all_reduce %ge3A_139 {dim = 0 : i64, kind = #tpu.reduction_kind<sum>} : vector<16xi1> -> vector<16xi32>
          %add3A_140 = arith.addi %scan3A_135, %all_reduce_population_count3A : vector<16xi32>
          scf.yield %add3A_140 : vector<16xi32>
        }
        %scan3A_121 = arith.constant 160 : i32
        %reduce_max3A_122 = arith.constant true
        %reduce_max3A_123 = vector.broadcast %reduce_max3A_122 : i1 to vector<16xi1>
        %reduce_max3A_124 = arith.constant -2147483648 : i32
        %reduce_max3A_125 = vector.broadcast %reduce_max3A_124 : i32 to vector<16xi32>
        %reduce_max3A_126 = arith.xori %scan3A_120, %reduce_max3A_125 : vector<16xi32>
        %reduce_max3A_127 = tpu.scan <max>, %reduce_max3A_126 masked %reduce_max3A_123 : vector<16xi32>, vector<16xi1> -> vector<16xi32>
        %reduce_max3A_128 = arith.xori %reduce_max3A_127, %reduce_max3A_125 : vector<16xi32>
        %reduce_max3A_129 = vector.extract %reduce_max3A_128[15] : i32 from vector<16xi32>
        %gt3A_130 = arith.constant 224 : i32
        %gt3A_131 = arith.cmpi sgt, %reduce_max3A_129, %gt3A_130 : i32
        %select_n3A_132 = arith.select %gt3A_131, %mul3A_113, %scan3A_109 : f32
        %select_n3A_133 = arith.select %gt3A_131, %scan3A_110, %mul3A_113 : f32
        scf.yield %select_n3A_132, %select_n3A_133 : f32, f32
      }
      %scan3A_83 = arith.constant 20 : i32
      %gt3A = arith.constant 224 : i32
      %gt3A_84 = arith.cmpi sgt, %reduce_max3A_75, %gt3A : i32
      %jit3A_85 = arith.constant -1.000000e+00 : f32
      %select_n3A_86 = arith.select %gt3A_84, %scan3A_82#1, %jit3A_85 : f32
      %broadcast_in_dim3A_87 = arith.constant 0.000000e+00 : f32
      %broadcast_in_dim3A_88 = vector.broadcast %broadcast_in_dim3A_87 : f32 to vector<16xf32>
      %scan3A_89 = arith.constant 0 : i32
      %scan3A_90 = arith.constant 0 : i32
      %scan3A_91 = arith.constant 32 : i32
      %scan3A_92 = arith.addi %scan3A_90, %scan3A_91 : i32
      %scan3A_93 = arith.constant 1 : i32
      scf.for %scan3A_108 = %scan3A_90 to %scan3A_92 step %scan3A_93  : i32 {
        %mul3A_109 = arith.constant 16 : i32
        %mul3A_110 = arith.muli %scan3A_108, %mul3A_109 : i32
        %swap3A = arith.index_cast %mul3A_110 : i32 to index
        %swap3A_111 = tpu.vector_load %arg10[%swap3A] {strides = array<i32>} : memref<512xf32, #tpu.memory_space<vmem>>, vector<16xf32>,
        tpu.vector_store %arg10[%swap3A], %broadcast_in_dim3A_88 {strides = array<i32>} : memref<512xf32, #tpu.memory_space<vmem>>, vector<16xf32>,
      }
      %scan3A_94 = arith.constant 32 : i32
      %scan3A_95 = arith.constant 0 : i32
      %scan3A_96 = arith.constant 0 : i32
      %scan3A_97 = arith.constant 320 : i32
      %scan3A_98 = arith.addi %scan3A_96, %scan3A_97 : i32
      %scan3A_99 = arith.constant 1 : i32
      %scan3A_100 = scf.for %scan3A_108 = %scan3A_96 to %scan3A_98 step %scan3A_99 iter_args(%scan3A_109 = %scan3A_95) -> (i32)  : i32 {
        %mul3A_110 = arith.constant 16 : i32
        %mul3A_111 = arith.muli %scan3A_108, %mul3A_110 : i32
        %get3A = arith.index_cast %mul3A_111 : i32 to index
        %get3A_112 = tpu.vector_load %arg4[%get3A] {strides = array<i32>} : memref<5120xf32, #tpu.memory_space<vmem>>, vector<16xf32>,
        %gt3A_113 = arith.constant 5.000000e-01 : f32
        %gt3A_114 = vector.broadcast %gt3A_113 : f32 to vector<16xf32>
        %gt3A_115 = arith.cmpf ogt, %get3A_112, %gt3A_114 : vector<16xf32>
        %ge3A = vector.broadcast %select_n3A_86 : f32 to vector<16xf32>
        %ge3A_116 = arith.cmpf oge, %get3A_112, %ge3A : vector<16xf32>
        %and3A_117 = arith.andi %gt3A_115, %ge3A_116 : vector<16xi1>
        %le3A = arith.constant 496 : i32
        %le3A_118 = arith.cmpi sle, %scan3A_109, %le3A : i32
        %convert_element_type3A_119 = arith.extui %le3A_118 : i1 to i32
        %cond3A_120 = arith.constant 0 : i32
        %cond3A_121 = arith.cmpi ne, %convert_element_type3A_119, %cond3A_120 : i32
        scf.if %cond3A_121 {
          %mul3A_131 = arith.constant 16 : i32
          %mul3A_132 = arith.muli %scan3A_108, %mul3A_131 : i32
          %get3A_133 = arith.index_cast %mul3A_132 : i32 to index
          %get3A_134 = tpu.vector_load %arg4[%get3A_133] {strides = array<i32>} : memref<5120xf32, #tpu.memory_space<vmem>>, vector<16xf32>,
          %swap3A = arith.index_cast %scan3A_109 : i32 to index
          %swap3A_135 = tpu.vector_load %arg10[%swap3A] masked %and3A_117 {strides = array<i32>} : memref<512xf32, #tpu.memory_space<vmem>>, vector<16xf32>, vector<16xi1>
          tpu.vector_store %arg10[%swap3A], %get3A_134 masked %and3A_117 {strides = array<i32>} : memref<512xf32, #tpu.memory_space<vmem>>, vector<16xf32>, vector<16xi1>
          %mul3A_136 = arith.constant 16 : i32
          %mul3A_137 = arith.muli %scan3A_108, %mul3A_136 : i32
          %get3A_138 = arith.index_cast %mul3A_137 : i32 to index
          %get3A_139 = tpu.vector_load %arg5[%get3A_138] {strides = array<i32>} : memref<5120xf32, #tpu.memory_space<vmem>>, vector<16xf32>,
          %swap3A_140 = arith.index_cast %scan3A_109 : i32 to index
          %swap3A_141 = tpu.vector_load %arg11[%swap3A_140] masked %and3A_117 {strides = array<i32>} : memref<512xf32, #tpu.memory_space<vmem>>, vector<16xf32>, vector<16xi1>
          tpu.vector_store %arg11[%swap3A_140], %get3A_139 masked %and3A_117 {strides = array<i32>} : memref<512xf32, #tpu.memory_space<vmem>>, vector<16xf32>, vector<16xi1>
          %mul3A_142 = arith.constant 16 : i32
          %mul3A_143 = arith.muli %scan3A_108, %mul3A_142 : i32
          %get3A_144 = arith.index_cast %mul3A_143 : i32 to index
          %get3A_145 = tpu.vector_load %arg6[%get3A_144] {strides = array<i32>} : memref<5120xf32, #tpu.memory_space<vmem>>, vector<16xf32>,
          %swap3A_146 = arith.index_cast %scan3A_109 : i32 to index
          %swap3A_147 = tpu.vector_load %arg12[%swap3A_146] masked %and3A_117 {strides = array<i32>} : memref<512xf32, #tpu.memory_space<vmem>>, vector<16xf32>, vector<16xi1>
          tpu.vector_store %arg12[%swap3A_146], %get3A_145 masked %and3A_117 {strides = array<i32>} : memref<512xf32, #tpu.memory_space<vmem>>, vector<16xf32>, vector<16xi1>
          %mul3A_148 = arith.constant 16 : i32
          %mul3A_149 = arith.muli %scan3A_108, %mul3A_148 : i32
          %get3A_150 = arith.index_cast %mul3A_149 : i32 to index
          %get3A_151 = tpu.vector_load %arg7[%get3A_150] {strides = array<i32>} : memref<5120xf32, #tpu.memory_space<vmem>>, vector<16xf32>,
          %swap3A_152 = arith.index_cast %scan3A_109 : i32 to index
          %swap3A_153 = tpu.vector_load %arg13[%swap3A_152] masked %and3A_117 {strides = array<i32>} : memref<512xf32, #tpu.memory_space<vmem>>, vector<16xf32>, vector<16xi1>
          tpu.vector_store %arg13[%swap3A_152], %get3A_151 masked %and3A_117 {strides = array<i32>} : memref<512xf32, #tpu.memory_space<vmem>>, vector<16xf32>, vector<16xi1>
          %mul3A_154 = arith.constant 16 : i32
          %mul3A_155 = arith.muli %scan3A_108, %mul3A_154 : i32
          %get3A_156 = arith.index_cast %mul3A_155 : i32 to index
          %get3A_157 = tpu.vector_load %arg8[%get3A_156] {strides = array<i32>} : memref<5120xf32, #tpu.memory_space<vmem>>, vector<16xf32>,
          %swap3A_158 = arith.index_cast %scan3A_109 : i32 to index
          %swap3A_159 = tpu.vector_load %arg14[%swap3A_158] masked %and3A_117 {strides = array<i32>} : memref<512xf32, #tpu.memory_space<vmem>>, vector<16xf32>, vector<16xi1>
          tpu.vector_store %arg14[%swap3A_158], %get3A_157 masked %and3A_117 {strides = array<i32>} : memref<512xf32, #tpu.memory_space<vmem>>, vector<16xf32>, vector<16xi1>
          %mul3A_160 = arith.constant 16 : i32
          %mul3A_161 = arith.muli %scan3A_108, %mul3A_160 : i32
          %get3A_162 = arith.index_cast %mul3A_161 : i32 to index
          %get3A_163 = tpu.vector_load %arg9[%get3A_162] {strides = array<i32>} : memref<5120xf32, #tpu.memory_space<vmem>>, vector<16xf32>,
          %swap3A_164 = arith.index_cast %scan3A_109 : i32 to index
          %swap3A_165 = tpu.vector_load %arg15[%swap3A_164] masked %and3A_117 {strides = array<i32>} : memref<512xf32, #tpu.memory_space<vmem>>, vector<16xf32>, vector<16xi1>
          tpu.vector_store %arg15[%swap3A_164], %get3A_163 masked %and3A_117 {strides = array<i32>} : memref<512xf32, #tpu.memory_space<vmem>>, vector<16xf32>, vector<16xi1>
        } else {
        }
        %all_reduce_population_count3A = tpu.all_reduce %and3A_117 {dim = 0 : i64, kind = #tpu.reduction_kind<sum>} : vector<16xi1> -> vector<16xi32>
        %reduce_max3A_122 = arith.constant true
        %reduce_max3A_123 = vector.broadcast %reduce_max3A_122 : i1 to vector<16xi1>
        %reduce_max3A_124 = arith.constant -2147483648 : i32
        %reduce_max3A_125 = vector.broadcast %reduce_max3A_124 : i32 to vector<16xi32>
        %reduce_max3A_126 = arith.xori %all_reduce_population_count3A, %reduce_max3A_125 : vector<16xi32>
        %reduce_max3A_127 = tpu.scan <max>, %reduce_max3A_126 masked %reduce_max3A_123 : vector<16xi32>, vector<16xi1> -> vector<16xi32>
        %reduce_max3A_128 = arith.xori %reduce_max3A_127, %reduce_max3A_125 : vector<16xi32>
        %reduce_max3A_129 = vector.extract %reduce_max3A_128[15] : i32 from vector<16xi32>
        %add3A_130 = arith.addi %scan3A_109, %reduce_max3A_129 : i32
        scf.yield %add3A_130 : i32
      }
      %scan3A_101 = arith.constant 320 : i32
      %run_scoped3A_102 = arith.constant 0 : i32
      "tpu.region"() ({
        %run_scoped3A_108 = tpu.sem_alloc : memref<!tpu.dma_semaphore, #tpu.memory_space<semaphore_mem>>
        %dma_start3A = arith.constant 0 : i32
        %dma_start3A_109 = tpu.memref_slice %arg3[%run_scoped3A_102, %add3A_6, %dma_start3A] : memref<6x80x512xf32, #tpu.memory_space<hbm>> -> memref<1x1x512xf32, #tpu.memory_space<hbm>>
        %dma_start3A_110 = tpu.memref_squeeze %dma_start3A_109 : memref<1x1x512xf32, #tpu.memory_space<hbm>> -> memref<512xf32, #tpu.memory_space<hbm>>
        %dma_start3A_111 = arith.constant 0 : i32
        %dma_start3A_112 = tpu.memref_slice %arg3[%run_scoped3A_102, %add3A_6, %dma_start3A_111] : memref<6x80x512xf32, #tpu.memory_space<hbm>> -> memref<1x1x512xf32, #tpu.memory_space<hbm>>
        %dma_start3A_113 = tpu.memref_squeeze %dma_start3A_112 : memref<1x1x512xf32, #tpu.memory_space<hbm>> -> memref<512xf32, #tpu.memory_space<hbm>>
        tpu.enqueue_dma source(%arg10 : memref<512xf32, #tpu.memory_space<vmem>>) target(%dma_start3A_113 : memref<512xf32, #tpu.memory_space<hbm>>) target_semaphore(%run_scoped3A_108 : memref<!tpu.dma_semaphore, #tpu.memory_space<semaphore_mem>>)
        %dma_wait3A = arith.constant 0 : i32
        %dma_wait3A_114 = tpu.memref_slice %arg3[%run_scoped3A_102, %add3A_6, %dma_wait3A] : memref<6x80x512xf32, #tpu.memory_space<hbm>> -> memref<1x1x512xf32, #tpu.memory_space<hbm>>
        %dma_wait3A_115 = tpu.memref_squeeze %dma_wait3A_114 : memref<1x1x512xf32, #tpu.memory_space<hbm>> -> memref<512xf32, #tpu.memory_space<hbm>>
        %dma_wait3A_116 = arith.constant 0 : i32
        %dma_wait3A_117 = tpu.memref_slice %arg3[%run_scoped3A_102, %add3A_6, %dma_wait3A_116] : memref<6x80x512xf32, #tpu.memory_space<hbm>> -> memref<1x1x512xf32, #tpu.memory_space<hbm>>
        %dma_wait3A_118 = tpu.memref_squeeze %dma_wait3A_117 : memref<1x1x512xf32, #tpu.memory_space<hbm>> -> memref<512xf32, #tpu.memory_space<hbm>>
        tpu.wait_dma2 semaphore(%run_scoped3A_108 : memref<!tpu.dma_semaphore, #tpu.memory_space<semaphore_mem>>) src(%arg10 : memref<512xf32, #tpu.memory_space<vmem>>) dst(%dma_wait3A_118 : memref<512xf32, #tpu.memory_space<hbm>>)
        tpu.yield
      }) : () -> ()
      %run_scoped3A_103 = arith.constant 1 : i32
      "tpu.region"() ({
        %run_scoped3A_108 = tpu.sem_alloc : memref<!tpu.dma_semaphore, #tpu.memory_space<semaphore_mem>>
        %dma_start3A = arith.constant 0 : i32
        %dma_start3A_109 = tpu.memref_slice %arg3[%run_scoped3A_103, %add3A_6, %dma_start3A] : memref<6x80x512xf32, #tpu.memory_space<hbm>> -> memref<1x1x512xf32, #tpu.memory_space<hbm>>
        %dma_start3A_110 = tpu.memref_squeeze %dma_start3A_109 : memref<1x1x512xf32, #tpu.memory_space<hbm>> -> memref<512xf32, #tpu.memory_space<hbm>>
        %dma_start3A_111 = arith.constant 0 : i32
        %dma_start3A_112 = tpu.memref_slice %arg3[%run_scoped3A_103, %add3A_6, %dma_start3A_111] : memref<6x80x512xf32, #tpu.memory_space<hbm>> -> memref<1x1x512xf32, #tpu.memory_space<hbm>>
        %dma_start3A_113 = tpu.memref_squeeze %dma_start3A_112 : memref<1x1x512xf32, #tpu.memory_space<hbm>> -> memref<512xf32, #tpu.memory_space<hbm>>
        tpu.enqueue_dma source(%arg11 : memref<512xf32, #tpu.memory_space<vmem>>) target(%dma_start3A_113 : memref<512xf32, #tpu.memory_space<hbm>>) target_semaphore(%run_scoped3A_108 : memref<!tpu.dma_semaphore, #tpu.memory_space<semaphore_mem>>)
        %dma_wait3A = arith.constant 0 : i32
        %dma_wait3A_114 = tpu.memref_slice %arg3[%run_scoped3A_103, %add3A_6, %dma_wait3A] : memref<6x80x512xf32, #tpu.memory_space<hbm>> -> memref<1x1x512xf32, #tpu.memory_space<hbm>>
        %dma_wait3A_115 = tpu.memref_squeeze %dma_wait3A_114 : memref<1x1x512xf32, #tpu.memory_space<hbm>> -> memref<512xf32, #tpu.memory_space<hbm>>
        %dma_wait3A_116 = arith.constant 0 : i32
        %dma_wait3A_117 = tpu.memref_slice %arg3[%run_scoped3A_103, %add3A_6, %dma_wait3A_116] : memref<6x80x512xf32, #tpu.memory_space<hbm>> -> memref<1x1x512xf32, #tpu.memory_space<hbm>>
        %dma_wait3A_118 = tpu.memref_squeeze %dma_wait3A_117 : memref<1x1x512xf32, #tpu.memory_space<hbm>> -> memref<512xf32, #tpu.memory_space<hbm>>
        tpu.wait_dma2 semaphore(%run_scoped3A_108 : memref<!tpu.dma_semaphore, #tpu.memory_space<semaphore_mem>>) src(%arg11 : memref<512xf32, #tpu.memory_space<vmem>>) dst(%dma_wait3A_118 : memref<512xf32, #tpu.memory_space<hbm>>)
        tpu.yield
      }) : () -> ()
      %run_scoped3A_104 = arith.constant 2 : i32
      "tpu.region"() ({
        %run_scoped3A_108 = tpu.sem_alloc : memref<!tpu.dma_semaphore, #tpu.memory_space<semaphore_mem>>
        %dma_start3A = arith.constant 0 : i32
        %dma_start3A_109 = tpu.memref_slice %arg3[%run_scoped3A_104, %add3A_6, %dma_start3A] : memref<6x80x512xf32, #tpu.memory_space<hbm>> -> memref<1x1x512xf32, #tpu.memory_space<hbm>>
        %dma_start3A_110 = tpu.memref_squeeze %dma_start3A_109 : memref<1x1x512xf32, #tpu.memory_space<hbm>> -> memref<512xf32, #tpu.memory_space<hbm>>
        %dma_start3A_111 = arith.constant 0 : i32
        %dma_start3A_112 = tpu.memref_slice %arg3[%run_scoped3A_104, %add3A_6, %dma_start3A_111] : memref<6x80x512xf32, #tpu.memory_space<hbm>> -> memref<1x1x512xf32, #tpu.memory_space<hbm>>
        %dma_start3A_113 = tpu.memref_squeeze %dma_start3A_112 : memref<1x1x512xf32, #tpu.memory_space<hbm>> -> memref<512xf32, #tpu.memory_space<hbm>>
        tpu.enqueue_dma source(%arg12 : memref<512xf32, #tpu.memory_space<vmem>>) target(%dma_start3A_113 : memref<512xf32, #tpu.memory_space<hbm>>) target_semaphore(%run_scoped3A_108 : memref<!tpu.dma_semaphore, #tpu.memory_space<semaphore_mem>>)
        %dma_wait3A = arith.constant 0 : i32
        %dma_wait3A_114 = tpu.memref_slice %arg3[%run_scoped3A_104, %add3A_6, %dma_wait3A] : memref<6x80x512xf32, #tpu.memory_space<hbm>> -> memref<1x1x512xf32, #tpu.memory_space<hbm>>
        %dma_wait3A_115 = tpu.memref_squeeze %dma_wait3A_114 : memref<1x1x512xf32, #tpu.memory_space<hbm>> -> memref<512xf32, #tpu.memory_space<hbm>>
        %dma_wait3A_116 = arith.constant 0 : i32
        %dma_wait3A_117 = tpu.memref_slice %arg3[%run_scoped3A_104, %add3A_6, %dma_wait3A_116] : memref<6x80x512xf32, #tpu.memory_space<hbm>> -> memref<1x1x512xf32, #tpu.memory_space<hbm>>
        %dma_wait3A_118 = tpu.memref_squeeze %dma_wait3A_117 : memref<1x1x512xf32, #tpu.memory_space<hbm>> -> memref<512xf32, #tpu.memory_space<hbm>>
        tpu.wait_dma2 semaphore(%run_scoped3A_108 : memref<!tpu.dma_semaphore, #tpu.memory_space<semaphore_mem>>) src(%arg12 : memref<512xf32, #tpu.memory_space<vmem>>) dst(%dma_wait3A_118 : memref<512xf32, #tpu.memory_space<hbm>>)
        tpu.yield
      }) : () -> ()
      %run_scoped3A_105 = arith.constant 3 : i32
      "tpu.region"() ({
        %run_scoped3A_108 = tpu.sem_alloc : memref<!tpu.dma_semaphore, #tpu.memory_space<semaphore_mem>>
        %dma_start3A = arith.constant 0 : i32
        %dma_start3A_109 = tpu.memref_slice %arg3[%run_scoped3A_105, %add3A_6, %dma_start3A] : memref<6x80x512xf32, #tpu.memory_space<hbm>> -> memref<1x1x512xf32, #tpu.memory_space<hbm>>
        %dma_start3A_110 = tpu.memref_squeeze %dma_start3A_109 : memref<1x1x512xf32, #tpu.memory_space<hbm>> -> memref<512xf32, #tpu.memory_space<hbm>>
        %dma_start3A_111 = arith.constant 0 : i32
        %dma_start3A_112 = tpu.memref_slice %arg3[%run_scoped3A_105, %add3A_6, %dma_start3A_111] : memref<6x80x512xf32, #tpu.memory_space<hbm>> -> memref<1x1x512xf32, #tpu.memory_space<hbm>>
        %dma_start3A_113 = tpu.memref_squeeze %dma_start3A_112 : memref<1x1x512xf32, #tpu.memory_space<hbm>> -> memref<512xf32, #tpu.memory_space<hbm>>
        tpu.enqueue_dma source(%arg13 : memref<512xf32, #tpu.memory_space<vmem>>) target(%dma_start3A_113 : memref<512xf32, #tpu.memory_space<hbm>>) target_semaphore(%run_scoped3A_108 : memref<!tpu.dma_semaphore, #tpu.memory_space<semaphore_mem>>)
        %dma_wait3A = arith.constant 0 : i32
        %dma_wait3A_114 = tpu.memref_slice %arg3[%run_scoped3A_105, %add3A_6, %dma_wait3A] : memref<6x80x512xf32, #tpu.memory_space<hbm>> -> memref<1x1x512xf32, #tpu.memory_space<hbm>>
        %dma_wait3A_115 = tpu.memref_squeeze %dma_wait3A_114 : memref<1x1x512xf32, #tpu.memory_space<hbm>> -> memref<512xf32, #tpu.memory_space<hbm>>
        %dma_wait3A_116 = arith.constant 0 : i32
        %dma_wait3A_117 = tpu.memref_slice %arg3[%run_scoped3A_105, %add3A_6, %dma_wait3A_116] : memref<6x80x512xf32, #tpu.memory_space<hbm>> -> memref<1x1x512xf32, #tpu.memory_space<hbm>>
        %dma_wait3A_118 = tpu.memref_squeeze %dma_wait3A_117 : memref<1x1x512xf32, #tpu.memory_space<hbm>> -> memref<512xf32, #tpu.memory_space<hbm>>
        tpu.wait_dma2 semaphore(%run_scoped3A_108 : memref<!tpu.dma_semaphore, #tpu.memory_space<semaphore_mem>>) src(%arg13 : memref<512xf32, #tpu.memory_space<vmem>>) dst(%dma_wait3A_118 : memref<512xf32, #tpu.memory_space<hbm>>)
        tpu.yield
      }) : () -> ()
      %run_scoped3A_106 = arith.constant 4 : i32
      "tpu.region"() ({
        %run_scoped3A_108 = tpu.sem_alloc : memref<!tpu.dma_semaphore, #tpu.memory_space<semaphore_mem>>
        %dma_start3A = arith.constant 0 : i32
        %dma_start3A_109 = tpu.memref_slice %arg3[%run_scoped3A_106, %add3A_6, %dma_start3A] : memref<6x80x512xf32, #tpu.memory_space<hbm>> -> memref<1x1x512xf32, #tpu.memory_space<hbm>>
        %dma_start3A_110 = tpu.memref_squeeze %dma_start3A_109 : memref<1x1x512xf32, #tpu.memory_space<hbm>> -> memref<512xf32, #tpu.memory_space<hbm>>
        %dma_start3A_111 = arith.constant 0 : i32
        %dma_start3A_112 = tpu.memref_slice %arg3[%run_scoped3A_106, %add3A_6, %dma_start3A_111] : memref<6x80x512xf32, #tpu.memory_space<hbm>> -> memref<1x1x512xf32, #tpu.memory_space<hbm>>
        %dma_start3A_113 = tpu.memref_squeeze %dma_start3A_112 : memref<1x1x512xf32, #tpu.memory_space<hbm>> -> memref<512xf32, #tpu.memory_space<hbm>>
        tpu.enqueue_dma source(%arg14 : memref<512xf32, #tpu.memory_space<vmem>>) target(%dma_start3A_113 : memref<512xf32, #tpu.memory_space<hbm>>) target_semaphore(%run_scoped3A_108 : memref<!tpu.dma_semaphore, #tpu.memory_space<semaphore_mem>>)
        %dma_wait3A = arith.constant 0 : i32
        %dma_wait3A_114 = tpu.memref_slice %arg3[%run_scoped3A_106, %add3A_6, %dma_wait3A] : memref<6x80x512xf32, #tpu.memory_space<hbm>> -> memref<1x1x512xf32, #tpu.memory_space<hbm>>
        %dma_wait3A_115 = tpu.memref_squeeze %dma_wait3A_114 : memref<1x1x512xf32, #tpu.memory_space<hbm>> -> memref<512xf32, #tpu.memory_space<hbm>>
        %dma_wait3A_116 = arith.constant 0 : i32
        %dma_wait3A_117 = tpu.memref_slice %arg3[%run_scoped3A_106, %add3A_6, %dma_wait3A_116] : memref<6x80x512xf32, #tpu.memory_space<hbm>> -> memref<1x1x512xf32, #tpu.memory_space<hbm>>
        %dma_wait3A_118 = tpu.memref_squeeze %dma_wait3A_117 : memref<1x1x512xf32, #tpu.memory_space<hbm>> -> memref<512xf32, #tpu.memory_space<hbm>>
        tpu.wait_dma2 semaphore(%run_scoped3A_108 : memref<!tpu.dma_semaphore, #tpu.memory_space<semaphore_mem>>) src(%arg14 : memref<512xf32, #tpu.memory_space<vmem>>) dst(%dma_wait3A_118 : memref<512xf32, #tpu.memory_space<hbm>>)
        tpu.yield
      }) : () -> ()
      %run_scoped3A_107 = arith.constant 5 : i32
      "tpu.region"() ({
        %run_scoped3A_108 = tpu.sem_alloc : memref<!tpu.dma_semaphore, #tpu.memory_space<semaphore_mem>>
        %dma_start3A = arith.constant 0 : i32
        %dma_start3A_109 = tpu.memref_slice %arg3[%run_scoped3A_107, %add3A_6, %dma_start3A] : memref<6x80x512xf32, #tpu.memory_space<hbm>> -> memref<1x1x512xf32, #tpu.memory_space<hbm>>
        %dma_start3A_110 = tpu.memref_squeeze %dma_start3A_109 : memref<1x1x512xf32, #tpu.memory_space<hbm>> -> memref<512xf32, #tpu.memory_space<hbm>>
        %dma_start3A_111 = arith.constant 0 : i32
        %dma_start3A_112 = tpu.memref_slice %arg3[%run_scoped3A_107, %add3A_6, %dma_start3A_111] : memref<6x80x512xf32, #tpu.memory_space<hbm>> -> memref<1x1x512xf32, #tpu.memory_space<hbm>>
        %dma_start3A_113 = tpu.memref_squeeze %dma_start3A_112 : memref<1x1x512xf32, #tpu.memory_space<hbm>> -> memref<512xf32, #tpu.memory_space<hbm>>
        tpu.enqueue_dma source(%arg15 : memref<512xf32, #tpu.memory_space<vmem>>) target(%dma_start3A_113 : memref<512xf32, #tpu.memory_space<hbm>>) target_semaphore(%run_scoped3A_108 : memref<!tpu.dma_semaphore, #tpu.memory_space<semaphore_mem>>)
        %dma_wait3A = arith.constant 0 : i32
        %dma_wait3A_114 = tpu.memref_slice %arg3[%run_scoped3A_107, %add3A_6, %dma_wait3A] : memref<6x80x512xf32, #tpu.memory_space<hbm>> -> memref<1x1x512xf32, #tpu.memory_space<hbm>>
        %dma_wait3A_115 = tpu.memref_squeeze %dma_wait3A_114 : memref<1x1x512xf32, #tpu.memory_space<hbm>> -> memref<512xf32, #tpu.memory_space<hbm>>
        %dma_wait3A_116 = arith.constant 0 : i32
        %dma_wait3A_117 = tpu.memref_slice %arg3[%run_scoped3A_107, %add3A_6, %dma_wait3A_116] : memref<6x80x512xf32, #tpu.memory_space<hbm>> -> memref<1x1x512xf32, #tpu.memory_space<hbm>>
        %dma_wait3A_118 = tpu.memref_squeeze %dma_wait3A_117 : memref<1x1x512xf32, #tpu.memory_space<hbm>> -> memref<512xf32, #tpu.memory_space<hbm>>
        tpu.wait_dma2 semaphore(%run_scoped3A_108 : memref<!tpu.dma_semaphore, #tpu.memory_space<semaphore_mem>>) src(%arg15 : memref<512xf32, #tpu.memory_space<vmem>>) dst(%dma_wait3A_118 : memref<512xf32, #tpu.memory_space<hbm>>)
        tpu.yield
      }) : () -> ()
    } else {
    }
    %add3A_12 = arith.constant 64 : i32
    %add3A_13 = arith.addi %add3A, %add3A_12 : i32
    %lt3A_14 = arith.constant 80 : i32
    %lt3A_15 = arith.cmpi slt, %add3A_13, %lt3A_14 : i32
    %convert_element_type3A_16 = arith.extui %lt3A_15 : i1 to i32
    %cond3A_17 = arith.constant 0 : i32
    %cond3A_18 = arith.cmpi ne, %convert_element_type3A_16, %cond3A_17 : i32
    scf.if %cond3A_18 {
      %jit3A = arith.constant 20 : i32
      %div3A = arith.divsi %add3A_13, %jit3A : i32
      %sign3A = arith.constant 0 : i32
      %sign3A_19 = arith.cmpi sgt, %add3A_13, %sign3A : i32
      %sign3A_20 = arith.extui %sign3A_19 : i1 to i32
      %sign3A_21 = arith.constant 0 : i32
      %sign3A_22 = arith.cmpi slt, %add3A_13, %sign3A_21 : i32
      %sign3A_23 = arith.extui %sign3A_22 : i1 to i32
      %sign3A_24 = arith.subi %sign3A_20, %sign3A_23 : i32
      %sign3A_25 = arith.constant 0 : i32
      %sign3A_26 = arith.cmpi sgt, %jit3A, %sign3A_25 : i32
      %sign3A_27 = arith.extui %sign3A_26 : i1 to i32
      %sign3A_28 = arith.constant 0 : i32
      %sign3A_29 = arith.cmpi slt, %jit3A, %sign3A_28 : i32
      %sign3A_30 = arith.extui %sign3A_29 : i1 to i32
      %sign3A_31 = arith.subi %sign3A_27, %sign3A_30 : i32
      %ne3A = arith.cmpi ne, %sign3A_24, %sign3A_31 : i32
      %rem3A = arith.remsi %add3A_13, %jit3A : i32
      %ne3A_32 = arith.constant 0 : i32
      %ne3A_33 = arith.cmpi ne, %rem3A, %ne3A_32 : i32
      %and3A = arith.andi %ne3A, %ne3A_33 : i1
      %sub3A = arith.constant 1 : i32
      %sub3A_34 = arith.subi %div3A, %sub3A : i32
      %select_n3A = arith.select %and3A, %sub3A_34, %div3A : i32
      %jit3A_35 = arith.constant 20 : i32
      %eq3A = arith.constant 0 : i32
      %eq3A_36 = arith.cmpi eq, %jit3A_35, %eq3A : i32
      %jit3A_37 = arith.constant 1 : i32
      %select_n3A_38 = arith.select %eq3A_36, %jit3A_37, %jit3A_35 : i32
      %rem3A_39 = arith.remsi %add3A_13, %select_n3A_38 : i32
      %ne3A_40 = arith.constant 0 : i32
      %ne3A_41 = arith.cmpi ne, %rem3A_39, %ne3A_40 : i32
      %lt3A_42 = arith.constant 0 : i32
      %lt3A_43 = arith.cmpi slt, %rem3A_39, %lt3A_42 : i32
      %lt3A_44 = arith.constant 0 : i32
      %lt3A_45 = arith.cmpi slt, %select_n3A_38, %lt3A_44 : i32
      %ne3A_46 = arith.xori %lt3A_43, %lt3A_45 : i1
      %and3A_47 = arith.andi %ne3A_46, %ne3A_41 : i1
      %add3A_48 = arith.addi %rem3A_39, %select_n3A_38 : i32
      %select_n3A_49 = arith.select %and3A_47, %add3A_48, %rem3A_39 : i32
      %mul3A_50 = arith.constant 4 : i32
      %mul3A_51 = arith.muli %mul3A_50, %select_n3A_49 : i32
      %add3A_52 = arith.constant 21 : i32
      %add3A_53 = arith.addi %add3A_52, %mul3A_51 : i32
      %add3A_54 = arith.constant 1 : i32
      %add3A_55 = arith.addi %add3A_54, %select_n3A_49 : i32
      %add3A_56 = arith.constant 1 : i32
      %add3A_57 = arith.addi %add3A_53, %add3A_56 : i32
      %add3A_58 = arith.constant 3 : i32
      %add3A_59 = arith.addi %add3A_53, %add3A_58 : i32
      %add3A_60 = arith.constant 2 : i32
      %add3A_61 = arith.addi %add3A_53, %add3A_60 : i32
      "tpu.region"() ({
        %run_scoped3A_108 = tpu.sem_alloc : memref<!tpu.dma_semaphore, #tpu.memory_space<semaphore_mem>>
        %dma_start3A = arith.constant 0 : i32
        %dma_start3A_109 = tpu.memref_slice %arg2[%add3A_55, %select_n3A, %dma_start3A] : memref<102x4x5120xf32, #tpu.memory_space<hbm>> -> memref<1x1x5120xf32, #tpu.memory_space<hbm>>
        %dma_start3A_110 = tpu.memref_squeeze %dma_start3A_109 : memref<1x1x5120xf32, #tpu.memory_space<hbm>> -> memref<5120xf32, #tpu.memory_space<hbm>>
        %dma_start3A_111 = arith.constant 0 : i32
        %dma_start3A_112 = tpu.memref_slice %arg2[%add3A_55, %select_n3A, %dma_start3A_111] : memref<102x4x5120xf32, #tpu.memory_space<hbm>> -> memref<1x1x5120xf32, #tpu.memory_space<hbm>>
        %dma_start3A_113 = tpu.memref_squeeze %dma_start3A_112 : memref<1x1x5120xf32, #tpu.memory_space<hbm>> -> memref<5120xf32, #tpu.memory_space<hbm>>
        tpu.enqueue_dma source(%dma_start3A_113 : memref<5120xf32, #tpu.memory_space<hbm>>) target(%arg4 : memref<5120xf32, #tpu.memory_space<vmem>>) target_semaphore(%run_scoped3A_108 : memref<!tpu.dma_semaphore, #tpu.memory_space<semaphore_mem>>)
        %dma_wait3A = arith.constant 0 : i32
        %dma_wait3A_114 = tpu.memref_slice %arg2[%add3A_55, %select_n3A, %dma_wait3A] : memref<102x4x5120xf32, #tpu.memory_space<hbm>> -> memref<1x1x5120xf32, #tpu.memory_space<hbm>>
        %dma_wait3A_115 = tpu.memref_squeeze %dma_wait3A_114 : memref<1x1x5120xf32, #tpu.memory_space<hbm>> -> memref<5120xf32, #tpu.memory_space<hbm>>
        %dma_wait3A_116 = arith.constant 0 : i32
        %dma_wait3A_117 = tpu.memref_slice %arg2[%add3A_55, %select_n3A, %dma_wait3A_116] : memref<102x4x5120xf32, #tpu.memory_space<hbm>> -> memref<1x1x5120xf32, #tpu.memory_space<hbm>>
        %dma_wait3A_118 = tpu.memref_squeeze %dma_wait3A_117 : memref<1x1x5120xf32, #tpu.memory_space<hbm>> -> memref<5120xf32, #tpu.memory_space<hbm>>
        tpu.wait_dma2 semaphore(%run_scoped3A_108 : memref<!tpu.dma_semaphore, #tpu.memory_space<semaphore_mem>>) src(%dma_wait3A_118 : memref<5120xf32, #tpu.memory_space<hbm>>) dst(%arg4 : memref<5120xf32, #tpu.memory_space<vmem>>)
        tpu.yield
      }) : () -> ()
      "tpu.region"() ({
        %run_scoped3A_108 = tpu.sem_alloc : memref<!tpu.dma_semaphore, #tpu.memory_space<semaphore_mem>>
        %dma_start3A = arith.constant 0 : i32
        %dma_start3A_109 = tpu.memref_slice %arg2[%add3A_57, %select_n3A, %dma_start3A] : memref<102x4x5120xf32, #tpu.memory_space<hbm>> -> memref<1x1x5120xf32, #tpu.memory_space<hbm>>
        %dma_start3A_110 = tpu.memref_squeeze %dma_start3A_109 : memref<1x1x5120xf32, #tpu.memory_space<hbm>> -> memref<5120xf32, #tpu.memory_space<hbm>>
        %dma_start3A_111 = arith.constant 0 : i32
        %dma_start3A_112 = tpu.memref_slice %arg2[%add3A_57, %select_n3A, %dma_start3A_111] : memref<102x4x5120xf32, #tpu.memory_space<hbm>> -> memref<1x1x5120xf32, #tpu.memory_space<hbm>>
        %dma_start3A_113 = tpu.memref_squeeze %dma_start3A_112 : memref<1x1x5120xf32, #tpu.memory_space<hbm>> -> memref<5120xf32, #tpu.memory_space<hbm>>
        tpu.enqueue_dma source(%dma_start3A_113 : memref<5120xf32, #tpu.memory_space<hbm>>) target(%arg5 : memref<5120xf32, #tpu.memory_space<vmem>>) target_semaphore(%run_scoped3A_108 : memref<!tpu.dma_semaphore, #tpu.memory_space<semaphore_mem>>)
        %dma_wait3A = arith.constant 0 : i32
        %dma_wait3A_114 = tpu.memref_slice %arg2[%add3A_57, %select_n3A, %dma_wait3A] : memref<102x4x5120xf32, #tpu.memory_space<hbm>> -> memref<1x1x5120xf32, #tpu.memory_space<hbm>>
        %dma_wait3A_115 = tpu.memref_squeeze %dma_wait3A_114 : memref<1x1x5120xf32, #tpu.memory_space<hbm>> -> memref<5120xf32, #tpu.memory_space<hbm>>
        %dma_wait3A_116 = arith.constant 0 : i32
        %dma_wait3A_117 = tpu.memref_slice %arg2[%add3A_57, %select_n3A, %dma_wait3A_116] : memref<102x4x5120xf32, #tpu.memory_space<hbm>> -> memref<1x1x5120xf32, #tpu.memory_space<hbm>>
        %dma_wait3A_118 = tpu.memref_squeeze %dma_wait3A_117 : memref<1x1x5120xf32, #tpu.memory_space<hbm>> -> memref<5120xf32, #tpu.memory_space<hbm>>
        tpu.wait_dma2 semaphore(%run_scoped3A_108 : memref<!tpu.dma_semaphore, #tpu.memory_space<semaphore_mem>>) src(%dma_wait3A_118 : memref<5120xf32, #tpu.memory_space<hbm>>) dst(%arg5 : memref<5120xf32, #tpu.memory_space<vmem>>)
        tpu.yield
      }) : () -> ()
      "tpu.region"() ({
        %run_scoped3A_108 = tpu.sem_alloc : memref<!tpu.dma_semaphore, #tpu.memory_space<semaphore_mem>>
        %dma_start3A = arith.constant 0 : i32
        %dma_start3A_109 = tpu.memref_slice %arg2[%add3A_53, %select_n3A, %dma_start3A] : memref<102x4x5120xf32, #tpu.memory_space<hbm>> -> memref<1x1x5120xf32, #tpu.memory_space<hbm>>
        %dma_start3A_110 = tpu.memref_squeeze %dma_start3A_109 : memref<1x1x5120xf32, #tpu.memory_space<hbm>> -> memref<5120xf32, #tpu.memory_space<hbm>>
        %dma_start3A_111 = arith.constant 0 : i32
        %dma_start3A_112 = tpu.memref_slice %arg2[%add3A_53, %select_n3A, %dma_start3A_111] : memref<102x4x5120xf32, #tpu.memory_space<hbm>> -> memref<1x1x5120xf32, #tpu.memory_space<hbm>>
        %dma_start3A_113 = tpu.memref_squeeze %dma_start3A_112 : memref<1x1x5120xf32, #tpu.memory_space<hbm>> -> memref<5120xf32, #tpu.memory_space<hbm>>
        tpu.enqueue_dma source(%dma_start3A_113 : memref<5120xf32, #tpu.memory_space<hbm>>) target(%arg6 : memref<5120xf32, #tpu.memory_space<vmem>>) target_semaphore(%run_scoped3A_108 : memref<!tpu.dma_semaphore, #tpu.memory_space<semaphore_mem>>)
        %dma_wait3A = arith.constant 0 : i32
        %dma_wait3A_114 = tpu.memref_slice %arg2[%add3A_53, %select_n3A, %dma_wait3A] : memref<102x4x5120xf32, #tpu.memory_space<hbm>> -> memref<1x1x5120xf32, #tpu.memory_space<hbm>>
        %dma_wait3A_115 = tpu.memref_squeeze %dma_wait3A_114 : memref<1x1x5120xf32, #tpu.memory_space<hbm>> -> memref<5120xf32, #tpu.memory_space<hbm>>
        %dma_wait3A_116 = arith.constant 0 : i32
        %dma_wait3A_117 = tpu.memref_slice %arg2[%add3A_53, %select_n3A, %dma_wait3A_116] : memref<102x4x5120xf32, #tpu.memory_space<hbm>> -> memref<1x1x5120xf32, #tpu.memory_space<hbm>>
        %dma_wait3A_118 = tpu.memref_squeeze %dma_wait3A_117 : memref<1x1x5120xf32, #tpu.memory_space<hbm>> -> memref<5120xf32, #tpu.memory_space<hbm>>
        tpu.wait_dma2 semaphore(%run_scoped3A_108 : memref<!tpu.dma_semaphore, #tpu.memory_space<semaphore_mem>>) src(%dma_wait3A_118 : memref<5120xf32, #tpu.memory_space<hbm>>) dst(%arg6 : memref<5120xf32, #tpu.memory_space<vmem>>)
        tpu.yield
      }) : () -> ()
      "tpu.region"() ({
        %run_scoped3A_108 = tpu.sem_alloc : memref<!tpu.dma_semaphore, #tpu.memory_space<semaphore_mem>>
        %dma_start3A = arith.constant 0 : i32
        %dma_start3A_109 = tpu.memref_slice %arg2[%add3A_59, %select_n3A, %dma_start3A] : memref<102x4x5120xf32, #tpu.memory_space<hbm>> -> memref<1x1x5120xf32, #tpu.memory_space<hbm>>
        %dma_start3A_110 = tpu.memref_squeeze %dma_start3A_109 : memref<1x1x5120xf32, #tpu.memory_space<hbm>> -> memref<5120xf32, #tpu.memory_space<hbm>>
        %dma_start3A_111 = arith.constant 0 : i32
        %dma_start3A_112 = tpu.memref_slice %arg2[%add3A_59, %select_n3A, %dma_start3A_111] : memref<102x4x5120xf32, #tpu.memory_space<hbm>> -> memref<1x1x5120xf32, #tpu.memory_space<hbm>>
        %dma_start3A_113 = tpu.memref_squeeze %dma_start3A_112 : memref<1x1x5120xf32, #tpu.memory_space<hbm>> -> memref<5120xf32, #tpu.memory_space<hbm>>
        tpu.enqueue_dma source(%dma_start3A_113 : memref<5120xf32, #tpu.memory_space<hbm>>) target(%arg7 : memref<5120xf32, #tpu.memory_space<vmem>>) target_semaphore(%run_scoped3A_108 : memref<!tpu.dma_semaphore, #tpu.memory_space<semaphore_mem>>)
        %dma_wait3A = arith.constant 0 : i32
        %dma_wait3A_114 = tpu.memref_slice %arg2[%add3A_59, %select_n3A, %dma_wait3A] : memref<102x4x5120xf32, #tpu.memory_space<hbm>> -> memref<1x1x5120xf32, #tpu.memory_space<hbm>>
        %dma_wait3A_115 = tpu.memref_squeeze %dma_wait3A_114 : memref<1x1x5120xf32, #tpu.memory_space<hbm>> -> memref<5120xf32, #tpu.memory_space<hbm>>
        %dma_wait3A_116 = arith.constant 0 : i32
        %dma_wait3A_117 = tpu.memref_slice %arg2[%add3A_59, %select_n3A, %dma_wait3A_116] : memref<102x4x5120xf32, #tpu.memory_space<hbm>> -> memref<1x1x5120xf32, #tpu.memory_space<hbm>>
        %dma_wait3A_118 = tpu.memref_squeeze %dma_wait3A_117 : memref<1x1x5120xf32, #tpu.memory_space<hbm>> -> memref<5120xf32, #tpu.memory_space<hbm>>
        tpu.wait_dma2 semaphore(%run_scoped3A_108 : memref<!tpu.dma_semaphore, #tpu.memory_space<semaphore_mem>>) src(%dma_wait3A_118 : memref<5120xf32, #tpu.memory_space<hbm>>) dst(%arg7 : memref<5120xf32, #tpu.memory_space<vmem>>)
        tpu.yield
      }) : () -> ()
      "tpu.region"() ({
        %run_scoped3A_108 = tpu.sem_alloc : memref<!tpu.dma_semaphore, #tpu.memory_space<semaphore_mem>>
        %dma_start3A = arith.constant 0 : i32
        %dma_start3A_109 = tpu.memref_slice %arg2[%add3A_61, %select_n3A, %dma_start3A] : memref<102x4x5120xf32, #tpu.memory_space<hbm>> -> memref<1x1x5120xf32, #tpu.memory_space<hbm>>
        %dma_start3A_110 = tpu.memref_squeeze %dma_start3A_109 : memref<1x1x5120xf32, #tpu.memory_space<hbm>> -> memref<5120xf32, #tpu.memory_space<hbm>>
        %dma_start3A_111 = arith.constant 0 : i32
        %dma_start3A_112 = tpu.memref_slice %arg2[%add3A_61, %select_n3A, %dma_start3A_111] : memref<102x4x5120xf32, #tpu.memory_space<hbm>> -> memref<1x1x5120xf32, #tpu.memory_space<hbm>>
        %dma_start3A_113 = tpu.memref_squeeze %dma_start3A_112 : memref<1x1x5120xf32, #tpu.memory_space<hbm>> -> memref<5120xf32, #tpu.memory_space<hbm>>
        tpu.enqueue_dma source(%dma_start3A_113 : memref<5120xf32, #tpu.memory_space<hbm>>) target(%arg8 : memref<5120xf32, #tpu.memory_space<vmem>>) target_semaphore(%run_scoped3A_108 : memref<!tpu.dma_semaphore, #tpu.memory_space<semaphore_mem>>)
        %dma_wait3A = arith.constant 0 : i32
        %dma_wait3A_114 = tpu.memref_slice %arg2[%add3A_61, %select_n3A, %dma_wait3A] : memref<102x4x5120xf32, #tpu.memory_space<hbm>> -> memref<1x1x5120xf32, #tpu.memory_space<hbm>>
        %dma_wait3A_115 = tpu.memref_squeeze %dma_wait3A_114 : memref<1x1x5120xf32, #tpu.memory_space<hbm>> -> memref<5120xf32, #tpu.memory_space<hbm>>
        %dma_wait3A_116 = arith.constant 0 : i32
        %dma_wait3A_117 = tpu.memref_slice %arg2[%add3A_61, %select_n3A, %dma_wait3A_116] : memref<102x4x5120xf32, #tpu.memory_space<hbm>> -> memref<1x1x5120xf32, #tpu.memory_space<hbm>>
        %dma_wait3A_118 = tpu.memref_squeeze %dma_wait3A_117 : memref<1x1x5120xf32, #tpu.memory_space<hbm>> -> memref<5120xf32, #tpu.memory_space<hbm>>
        tpu.wait_dma2 semaphore(%run_scoped3A_108 : memref<!tpu.dma_semaphore, #tpu.memory_space<semaphore_mem>>) src(%dma_wait3A_118 : memref<5120xf32, #tpu.memory_space<hbm>>) dst(%arg8 : memref<5120xf32, #tpu.memory_space<vmem>>)
        tpu.yield
      }) : () -> ()
      %run_scoped3A = arith.constant 101 : i32
      "tpu.region"() ({
        %run_scoped3A_108 = tpu.sem_alloc : memref<!tpu.dma_semaphore, #tpu.memory_space<semaphore_mem>>
        %dma_start3A = arith.constant 0 : i32
        %dma_start3A_109 = tpu.memref_slice %arg2[%run_scoped3A, %select_n3A, %dma_start3A] : memref<102x4x5120xf32, #tpu.memory_space<hbm>> -> memref<1x1x5120xf32, #tpu.memory_space<hbm>>
        %dma_start3A_110 = tpu.memref_squeeze %dma_start3A_109 : memref<1x1x5120xf32, #tpu.memory_space<hbm>> -> memref<5120xf32, #tpu.memory_space<hbm>>
        %dma_start3A_111 = arith.constant 0 : i32
        %dma_start3A_112 = tpu.memref_slice %arg2[%run_scoped3A, %select_n3A, %dma_start3A_111] : memref<102x4x5120xf32, #tpu.memory_space<hbm>> -> memref<1x1x5120xf32, #tpu.memory_space<hbm>>
        %dma_start3A_113 = tpu.memref_squeeze %dma_start3A_112 : memref<1x1x5120xf32, #tpu.memory_space<hbm>> -> memref<5120xf32, #tpu.memory_space<hbm>>
        tpu.enqueue_dma source(%dma_start3A_113 : memref<5120xf32, #tpu.memory_space<hbm>>) target(%arg9 : memref<5120xf32, #tpu.memory_space<vmem>>) target_semaphore(%run_scoped3A_108 : memref<!tpu.dma_semaphore, #tpu.memory_space<semaphore_mem>>)
        %dma_wait3A = arith.constant 0 : i32
        %dma_wait3A_114 = tpu.memref_slice %arg2[%run_scoped3A, %select_n3A, %dma_wait3A] : memref<102x4x5120xf32, #tpu.memory_space<hbm>> -> memref<1x1x5120xf32, #tpu.memory_space<hbm>>
        %dma_wait3A_115 = tpu.memref_squeeze %dma_wait3A_114 : memref<1x1x5120xf32, #tpu.memory_space<hbm>> -> memref<5120xf32, #tpu.memory_space<hbm>>
        %dma_wait3A_116 = arith.constant 0 : i32
        %dma_wait3A_117 = tpu.memref_slice %arg2[%run_scoped3A, %select_n3A, %dma_wait3A_116] : memref<102x4x5120xf32, #tpu.memory_space<hbm>> -> memref<1x1x5120xf32, #tpu.memory_space<hbm>>
        %dma_wait3A_118 = tpu.memref_squeeze %dma_wait3A_117 : memref<1x1x5120xf32, #tpu.memory_space<hbm>> -> memref<5120xf32, #tpu.memory_space<hbm>>
        tpu.wait_dma2 semaphore(%run_scoped3A_108 : memref<!tpu.dma_semaphore, #tpu.memory_space<semaphore_mem>>) src(%dma_wait3A_118 : memref<5120xf32, #tpu.memory_space<hbm>>) dst(%arg9 : memref<5120xf32, #tpu.memory_space<vmem>>)
        tpu.yield
      }) : () -> ()
      %broadcast_in_dim3A = arith.constant 0 : i32
      %broadcast_in_dim3A_62 = vector.broadcast %broadcast_in_dim3A : i32 to vector<16xi32>
      %scan3A = arith.constant 5.000000e-01 : f32
      %scan3A_63 = arith.constant 0 : i32
      %scan3A_64 = arith.constant 160 : i32
      %scan3A_65 = arith.addi %scan3A_63, %scan3A_64 : i32
      %scan3A_66 = arith.constant 1 : i32
      %scan3A_67 = scf.for %scan3A_108 = %scan3A_63 to %scan3A_65 step %scan3A_66 iter_args(%scan3A_109 = %broadcast_in_dim3A_62) -> (vector<16xi32>)  : i32 {
        %mul3A_110 = arith.constant 32 : i32
        %mul3A_111 = arith.muli %scan3A_108, %mul3A_110 : i32
        %get3A = arith.index_cast %mul3A_111 : i32 to index
        %get3A_112 = tpu.vector_load %arg4[%get3A] {strides = array<i32>} : memref<5120xf32, #tpu.memory_space<vmem>>, vector<16xf32>,
        %ge3A = vector.broadcast %scan3A : f32 to vector<16xf32>
        %ge3A_113 = arith.cmpf oge, %get3A_112, %ge3A : vector<16xf32>
        %all_reduce_population_count3A = tpu.all_reduce %ge3A_113 {dim = 0 : i64, kind = #tpu.reduction_kind<sum>} : vector<16xi1> -> vector<16xi32>
        %add3A_114 = arith.addi %scan3A_109, %all_reduce_population_count3A : vector<16xi32>
        scf.yield %add3A_114 : vector<16xi32>
      }
      %scan3A_68 = arith.constant 160 : i32
      %reduce_max3A = arith.constant true
      %reduce_max3A_69 = vector.broadcast %reduce_max3A : i1 to vector<16xi1>
      %reduce_max3A_70 = arith.constant -2147483648 : i32
      %reduce_max3A_71 = vector.broadcast %reduce_max3A_70 : i32 to vector<16xi32>
      %reduce_max3A_72 = arith.xori %scan3A_67, %reduce_max3A_71 : vector<16xi32>
      %reduce_max3A_73 = tpu.scan <max>, %reduce_max3A_72 masked %reduce_max3A_69 : vector<16xi32>, vector<16xi1> -> vector<16xi32>
      %reduce_max3A_74 = arith.xori %reduce_max3A_73, %reduce_max3A_71 : vector<16xi32>
      %reduce_max3A_75 = vector.extract %reduce_max3A_74[15] : i32 from vector<16xi32>
      %scan3A_76 = arith.constant 5.000000e-01 : f32
      %scan3A_77 = arith.constant 1.000000e+00 : f32
      %scan3A_78 = arith.constant 0 : i32
      %scan3A_79 = arith.constant 20 : i32
      %scan3A_80 = arith.addi %scan3A_78, %scan3A_79 : i32
      %scan3A_81 = arith.constant 1 : i32
      %scan3A_82:2 = scf.for %scan3A_108 = %scan3A_78 to %scan3A_80 step %scan3A_81 iter_args(%scan3A_109 = %scan3A_76, %scan3A_110 = %scan3A_77) -> (f32, f32)  : i32 {
        %add3A_111 = arith.addf %scan3A_109, %scan3A_110 : f32
        %mul3A_112 = arith.constant 5.000000e-01 : f32
        %mul3A_113 = arith.mulf %add3A_111, %mul3A_112 : f32
        %broadcast_in_dim3A_114 = arith.constant 0 : i32
        %broadcast_in_dim3A_115 = vector.broadcast %broadcast_in_dim3A_114 : i32 to vector<16xi32>
        %scan3A_116 = arith.constant 0 : i32
        %scan3A_117 = arith.constant 160 : i32
        %scan3A_118 = arith.addi %scan3A_116, %scan3A_117 : i32
        %scan3A_119 = arith.constant 1 : i32
        %scan3A_120 = scf.for %scan3A_134 = %scan3A_116 to %scan3A_118 step %scan3A_119 iter_args(%scan3A_135 = %broadcast_in_dim3A_115) -> (vector<16xi32>)  : i32 {
          %mul3A_136 = arith.constant 32 : i32
          %mul3A_137 = arith.muli %scan3A_134, %mul3A_136 : i32
          %get3A = arith.index_cast %mul3A_137 : i32 to index
          %get3A_138 = tpu.vector_load %arg4[%get3A] {strides = array<i32>} : memref<5120xf32, #tpu.memory_space<vmem>>, vector<16xf32>,
          %ge3A = vector.broadcast %mul3A_113 : f32 to vector<16xf32>
          %ge3A_139 = arith.cmpf oge, %get3A_138, %ge3A : vector<16xf32>
          %all_reduce_population_count3A = tpu.all_reduce %ge3A_139 {dim = 0 : i64, kind = #tpu.reduction_kind<sum>} : vector<16xi1> -> vector<16xi32>
          %add3A_140 = arith.addi %scan3A_135, %all_reduce_population_count3A : vector<16xi32>
          scf.yield %add3A_140 : vector<16xi32>
        }
        %scan3A_121 = arith.constant 160 : i32
        %reduce_max3A_122 = arith.constant true
        %reduce_max3A_123 = vector.broadcast %reduce_max3A_122 : i1 to vector<16xi1>
        %reduce_max3A_124 = arith.constant -2147483648 : i32
        %reduce_max3A_125 = vector.broadcast %reduce_max3A_124 : i32 to vector<16xi32>
        %reduce_max3A_126 = arith.xori %scan3A_120, %reduce_max3A_125 : vector<16xi32>
        %reduce_max3A_127 = tpu.scan <max>, %reduce_max3A_126 masked %reduce_max3A_123 : vector<16xi32>, vector<16xi1> -> vector<16xi32>
        %reduce_max3A_128 = arith.xori %reduce_max3A_127, %reduce_max3A_125 : vector<16xi32>
        %reduce_max3A_129 = vector.extract %reduce_max3A_128[15] : i32 from vector<16xi32>
        %gt3A_130 = arith.constant 224 : i32
        %gt3A_131 = arith.cmpi sgt, %reduce_max3A_129, %gt3A_130 : i32
        %select_n3A_132 = arith.select %gt3A_131, %mul3A_113, %scan3A_109 : f32
        %select_n3A_133 = arith.select %gt3A_131, %scan3A_110, %mul3A_113 : f32
        scf.yield %select_n3A_132, %select_n3A_133 : f32, f32
      }
      %scan3A_83 = arith.constant 20 : i32
      %gt3A = arith.constant 224 : i32
      %gt3A_84 = arith.cmpi sgt, %reduce_max3A_75, %gt3A : i32
      %jit3A_85 = arith.constant -1.000000e+00 : f32
      %select_n3A_86 = arith.select %gt3A_84, %scan3A_82#1, %jit3A_85 : f32
      %broadcast_in_dim3A_87 = arith.constant 0.000000e+00 : f32
      %broadcast_in_dim3A_88 = vector.broadcast %broadcast_in_dim3A_87 : f32 to vector<16xf32>
      %scan3A_89 = arith.constant 0 : i32
      %scan3A_90 = arith.constant 0 : i32
      %scan3A_91 = arith.constant 32 : i32
      %scan3A_92 = arith.addi %scan3A_90, %scan3A_91 : i32
      %scan3A_93 = arith.constant 1 : i32
      scf.for %scan3A_108 = %scan3A_90 to %scan3A_92 step %scan3A_93  : i32 {
        %mul3A_109 = arith.constant 16 : i32
        %mul3A_110 = arith.muli %scan3A_108, %mul3A_109 : i32
        %swap3A = arith.index_cast %mul3A_110 : i32 to index
        %swap3A_111 = tpu.vector_load %arg10[%swap3A] {strides = array<i32>} : memref<512xf32, #tpu.memory_space<vmem>>, vector<16xf32>,
        tpu.vector_store %arg10[%swap3A], %broadcast_in_dim3A_88 {strides = array<i32>} : memref<512xf32, #tpu.memory_space<vmem>>, vector<16xf32>,
      }
      %scan3A_94 = arith.constant 32 : i32
      %scan3A_95 = arith.constant 0 : i32
      %scan3A_96 = arith.constant 0 : i32
      %scan3A_97 = arith.constant 320 : i32
      %scan3A_98 = arith.addi %scan3A_96, %scan3A_97 : i32
      %scan3A_99 = arith.constant 1 : i32
      %scan3A_100 = scf.for %scan3A_108 = %scan3A_96 to %scan3A_98 step %scan3A_99 iter_args(%scan3A_109 = %scan3A_95) -> (i32)  : i32 {
        %mul3A_110 = arith.constant 16 : i32
        %mul3A_111 = arith.muli %scan3A_108, %mul3A_110 : i32
        %get3A = arith.index_cast %mul3A_111 : i32 to index
        %get3A_112 = tpu.vector_load %arg4[%get3A] {strides = array<i32>} : memref<5120xf32, #tpu.memory_space<vmem>>, vector<16xf32>,
        %gt3A_113 = arith.constant 5.000000e-01 : f32
        %gt3A_114 = vector.broadcast %gt3A_113 : f32 to vector<16xf32>
        %gt3A_115 = arith.cmpf ogt, %get3A_112, %gt3A_114 : vector<16xf32>
        %ge3A = vector.broadcast %select_n3A_86 : f32 to vector<16xf32>
        %ge3A_116 = arith.cmpf oge, %get3A_112, %ge3A : vector<16xf32>
        %and3A_117 = arith.andi %gt3A_115, %ge3A_116 : vector<16xi1>
        %le3A = arith.constant 496 : i32
        %le3A_118 = arith.cmpi sle, %scan3A_109, %le3A : i32
        %convert_element_type3A_119 = arith.extui %le3A_118 : i1 to i32
        %cond3A_120 = arith.constant 0 : i32
        %cond3A_121 = arith.cmpi ne, %convert_element_type3A_119, %cond3A_120 : i32
        scf.if %cond3A_121 {
          %mul3A_131 = arith.constant 16 : i32
          %mul3A_132 = arith.muli %scan3A_108, %mul3A_131 : i32
          %get3A_133 = arith.index_cast %mul3A_132 : i32 to index
          %get3A_134 = tpu.vector_load %arg4[%get3A_133] {strides = array<i32>} : memref<5120xf32, #tpu.memory_space<vmem>>, vector<16xf32>,
          %swap3A = arith.index_cast %scan3A_109 : i32 to index
          %swap3A_135 = tpu.vector_load %arg10[%swap3A] masked %and3A_117 {strides = array<i32>} : memref<512xf32, #tpu.memory_space<vmem>>, vector<16xf32>, vector<16xi1>
          tpu.vector_store %arg10[%swap3A], %get3A_134 masked %and3A_117 {strides = array<i32>} : memref<512xf32, #tpu.memory_space<vmem>>, vector<16xf32>, vector<16xi1>
          %mul3A_136 = arith.constant 16 : i32
          %mul3A_137 = arith.muli %scan3A_108, %mul3A_136 : i32
          %get3A_138 = arith.index_cast %mul3A_137 : i32 to index
          %get3A_139 = tpu.vector_load %arg5[%get3A_138] {strides = array<i32>} : memref<5120xf32, #tpu.memory_space<vmem>>, vector<16xf32>,
          %swap3A_140 = arith.index_cast %scan3A_109 : i32 to index
          %swap3A_141 = tpu.vector_load %arg11[%swap3A_140] masked %and3A_117 {strides = array<i32>} : memref<512xf32, #tpu.memory_space<vmem>>, vector<16xf32>, vector<16xi1>
          tpu.vector_store %arg11[%swap3A_140], %get3A_139 masked %and3A_117 {strides = array<i32>} : memref<512xf32, #tpu.memory_space<vmem>>, vector<16xf32>, vector<16xi1>
          %mul3A_142 = arith.constant 16 : i32
          %mul3A_143 = arith.muli %scan3A_108, %mul3A_142 : i32
          %get3A_144 = arith.index_cast %mul3A_143 : i32 to index
          %get3A_145 = tpu.vector_load %arg6[%get3A_144] {strides = array<i32>} : memref<5120xf32, #tpu.memory_space<vmem>>, vector<16xf32>,
          %swap3A_146 = arith.index_cast %scan3A_109 : i32 to index
          %swap3A_147 = tpu.vector_load %arg12[%swap3A_146] masked %and3A_117 {strides = array<i32>} : memref<512xf32, #tpu.memory_space<vmem>>, vector<16xf32>, vector<16xi1>
          tpu.vector_store %arg12[%swap3A_146], %get3A_145 masked %and3A_117 {strides = array<i32>} : memref<512xf32, #tpu.memory_space<vmem>>, vector<16xf32>, vector<16xi1>
          %mul3A_148 = arith.constant 16 : i32
          %mul3A_149 = arith.muli %scan3A_108, %mul3A_148 : i32
          %get3A_150 = arith.index_cast %mul3A_149 : i32 to index
          %get3A_151 = tpu.vector_load %arg7[%get3A_150] {strides = array<i32>} : memref<5120xf32, #tpu.memory_space<vmem>>, vector<16xf32>,
          %swap3A_152 = arith.index_cast %scan3A_109 : i32 to index
          %swap3A_153 = tpu.vector_load %arg13[%swap3A_152] masked %and3A_117 {strides = array<i32>} : memref<512xf32, #tpu.memory_space<vmem>>, vector<16xf32>, vector<16xi1>
          tpu.vector_store %arg13[%swap3A_152], %get3A_151 masked %and3A_117 {strides = array<i32>} : memref<512xf32, #tpu.memory_space<vmem>>, vector<16xf32>, vector<16xi1>
          %mul3A_154 = arith.constant 16 : i32
          %mul3A_155 = arith.muli %scan3A_108, %mul3A_154 : i32
          %get3A_156 = arith.index_cast %mul3A_155 : i32 to index
          %get3A_157 = tpu.vector_load %arg8[%get3A_156] {strides = array<i32>} : memref<5120xf32, #tpu.memory_space<vmem>>, vector<16xf32>,
          %swap3A_158 = arith.index_cast %scan3A_109 : i32 to index
          %swap3A_159 = tpu.vector_load %arg14[%swap3A_158] masked %and3A_117 {strides = array<i32>} : memref<512xf32, #tpu.memory_space<vmem>>, vector<16xf32>, vector<16xi1>
          tpu.vector_store %arg14[%swap3A_158], %get3A_157 masked %and3A_117 {strides = array<i32>} : memref<512xf32, #tpu.memory_space<vmem>>, vector<16xf32>, vector<16xi1>
          %mul3A_160 = arith.constant 16 : i32
          %mul3A_161 = arith.muli %scan3A_108, %mul3A_160 : i32
          %get3A_162 = arith.index_cast %mul3A_161 : i32 to index
          %get3A_163 = tpu.vector_load %arg9[%get3A_162] {strides = array<i32>} : memref<5120xf32, #tpu.memory_space<vmem>>, vector<16xf32>,
          %swap3A_164 = arith.index_cast %scan3A_109 : i32 to index
          %swap3A_165 = tpu.vector_load %arg15[%swap3A_164] masked %and3A_117 {strides = array<i32>} : memref<512xf32, #tpu.memory_space<vmem>>, vector<16xf32>, vector<16xi1>
          tpu.vector_store %arg15[%swap3A_164], %get3A_163 masked %and3A_117 {strides = array<i32>} : memref<512xf32, #tpu.memory_space<vmem>>, vector<16xf32>, vector<16xi1>
        } else {
        }
        %all_reduce_population_count3A = tpu.all_reduce %and3A_117 {dim = 0 : i64, kind = #tpu.reduction_kind<sum>} : vector<16xi1> -> vector<16xi32>
        %reduce_max3A_122 = arith.constant true
        %reduce_max3A_123 = vector.broadcast %reduce_max3A_122 : i1 to vector<16xi1>
        %reduce_max3A_124 = arith.constant -2147483648 : i32
        %reduce_max3A_125 = vector.broadcast %reduce_max3A_124 : i32 to vector<16xi32>
        %reduce_max3A_126 = arith.xori %all_reduce_population_count3A, %reduce_max3A_125 : vector<16xi32>
        %reduce_max3A_127 = tpu.scan <max>, %reduce_max3A_126 masked %reduce_max3A_123 : vector<16xi32>, vector<16xi1> -> vector<16xi32>
        %reduce_max3A_128 = arith.xori %reduce_max3A_127, %reduce_max3A_125 : vector<16xi32>
        %reduce_max3A_129 = vector.extract %reduce_max3A_128[15] : i32 from vector<16xi32>
        %add3A_130 = arith.addi %scan3A_109, %reduce_max3A_129 : i32
        scf.yield %add3A_130 : i32
      }
      %scan3A_101 = arith.constant 320 : i32
      %run_scoped3A_102 = arith.constant 0 : i32
      "tpu.region"() ({
        %run_scoped3A_108 = tpu.sem_alloc : memref<!tpu.dma_semaphore, #tpu.memory_space<semaphore_mem>>
        %dma_start3A = arith.constant 0 : i32
        %dma_start3A_109 = tpu.memref_slice %arg3[%run_scoped3A_102, %add3A_13, %dma_start3A] : memref<6x80x512xf32, #tpu.memory_space<hbm>> -> memref<1x1x512xf32, #tpu.memory_space<hbm>>
        %dma_start3A_110 = tpu.memref_squeeze %dma_start3A_109 : memref<1x1x512xf32, #tpu.memory_space<hbm>> -> memref<512xf32, #tpu.memory_space<hbm>>
        %dma_start3A_111 = arith.constant 0 : i32
        %dma_start3A_112 = tpu.memref_slice %arg3[%run_scoped3A_102, %add3A_13, %dma_start3A_111] : memref<6x80x512xf32, #tpu.memory_space<hbm>> -> memref<1x1x512xf32, #tpu.memory_space<hbm>>
        %dma_start3A_113 = tpu.memref_squeeze %dma_start3A_112 : memref<1x1x512xf32, #tpu.memory_space<hbm>> -> memref<512xf32, #tpu.memory_space<hbm>>
        tpu.enqueue_dma source(%arg10 : memref<512xf32, #tpu.memory_space<vmem>>) target(%dma_start3A_113 : memref<512xf32, #tpu.memory_space<hbm>>) target_semaphore(%run_scoped3A_108 : memref<!tpu.dma_semaphore, #tpu.memory_space<semaphore_mem>>)
        %dma_wait3A = arith.constant 0 : i32
        %dma_wait3A_114 = tpu.memref_slice %arg3[%run_scoped3A_102, %add3A_13, %dma_wait3A] : memref<6x80x512xf32, #tpu.memory_space<hbm>> -> memref<1x1x512xf32, #tpu.memory_space<hbm>>
        %dma_wait3A_115 = tpu.memref_squeeze %dma_wait3A_114 : memref<1x1x512xf32, #tpu.memory_space<hbm>> -> memref<512xf32, #tpu.memory_space<hbm>>
        %dma_wait3A_116 = arith.constant 0 : i32
        %dma_wait3A_117 = tpu.memref_slice %arg3[%run_scoped3A_102, %add3A_13, %dma_wait3A_116] : memref<6x80x512xf32, #tpu.memory_space<hbm>> -> memref<1x1x512xf32, #tpu.memory_space<hbm>>
        %dma_wait3A_118 = tpu.memref_squeeze %dma_wait3A_117 : memref<1x1x512xf32, #tpu.memory_space<hbm>> -> memref<512xf32, #tpu.memory_space<hbm>>
        tpu.wait_dma2 semaphore(%run_scoped3A_108 : memref<!tpu.dma_semaphore, #tpu.memory_space<semaphore_mem>>) src(%arg10 : memref<512xf32, #tpu.memory_space<vmem>>) dst(%dma_wait3A_118 : memref<512xf32, #tpu.memory_space<hbm>>)
        tpu.yield
      }) : () -> ()
      %run_scoped3A_103 = arith.constant 1 : i32
      "tpu.region"() ({
        %run_scoped3A_108 = tpu.sem_alloc : memref<!tpu.dma_semaphore, #tpu.memory_space<semaphore_mem>>
        %dma_start3A = arith.constant 0 : i32
        %dma_start3A_109 = tpu.memref_slice %arg3[%run_scoped3A_103, %add3A_13, %dma_start3A] : memref<6x80x512xf32, #tpu.memory_space<hbm>> -> memref<1x1x512xf32, #tpu.memory_space<hbm>>
        %dma_start3A_110 = tpu.memref_squeeze %dma_start3A_109 : memref<1x1x512xf32, #tpu.memory_space<hbm>> -> memref<512xf32, #tpu.memory_space<hbm>>
        %dma_start3A_111 = arith.constant 0 : i32
        %dma_start3A_112 = tpu.memref_slice %arg3[%run_scoped3A_103, %add3A_13, %dma_start3A_111] : memref<6x80x512xf32, #tpu.memory_space<hbm>> -> memref<1x1x512xf32, #tpu.memory_space<hbm>>
        %dma_start3A_113 = tpu.memref_squeeze %dma_start3A_112 : memref<1x1x512xf32, #tpu.memory_space<hbm>> -> memref<512xf32, #tpu.memory_space<hbm>>
        tpu.enqueue_dma source(%arg11 : memref<512xf32, #tpu.memory_space<vmem>>) target(%dma_start3A_113 : memref<512xf32, #tpu.memory_space<hbm>>) target_semaphore(%run_scoped3A_108 : memref<!tpu.dma_semaphore, #tpu.memory_space<semaphore_mem>>)
        %dma_wait3A = arith.constant 0 : i32
        %dma_wait3A_114 = tpu.memref_slice %arg3[%run_scoped3A_103, %add3A_13, %dma_wait3A] : memref<6x80x512xf32, #tpu.memory_space<hbm>> -> memref<1x1x512xf32, #tpu.memory_space<hbm>>
        %dma_wait3A_115 = tpu.memref_squeeze %dma_wait3A_114 : memref<1x1x512xf32, #tpu.memory_space<hbm>> -> memref<512xf32, #tpu.memory_space<hbm>>
        %dma_wait3A_116 = arith.constant 0 : i32
        %dma_wait3A_117 = tpu.memref_slice %arg3[%run_scoped3A_103, %add3A_13, %dma_wait3A_116] : memref<6x80x512xf32, #tpu.memory_space<hbm>> -> memref<1x1x512xf32, #tpu.memory_space<hbm>>
        %dma_wait3A_118 = tpu.memref_squeeze %dma_wait3A_117 : memref<1x1x512xf32, #tpu.memory_space<hbm>> -> memref<512xf32, #tpu.memory_space<hbm>>
        tpu.wait_dma2 semaphore(%run_scoped3A_108 : memref<!tpu.dma_semaphore, #tpu.memory_space<semaphore_mem>>) src(%arg11 : memref<512xf32, #tpu.memory_space<vmem>>) dst(%dma_wait3A_118 : memref<512xf32, #tpu.memory_space<hbm>>)
        tpu.yield
      }) : () -> ()
      %run_scoped3A_104 = arith.constant 2 : i32
      "tpu.region"() ({
        %run_scoped3A_108 = tpu.sem_alloc : memref<!tpu.dma_semaphore, #tpu.memory_space<semaphore_mem>>
        %dma_start3A = arith.constant 0 : i32
        %dma_start3A_109 = tpu.memref_slice %arg3[%run_scoped3A_104, %add3A_13, %dma_start3A] : memref<6x80x512xf32, #tpu.memory_space<hbm>> -> memref<1x1x512xf32, #tpu.memory_space<hbm>>
        %dma_start3A_110 = tpu.memref_squeeze %dma_start3A_109 : memref<1x1x512xf32, #tpu.memory_space<hbm>> -> memref<512xf32, #tpu.memory_space<hbm>>
        %dma_start3A_111 = arith.constant 0 : i32
        %dma_start3A_112 = tpu.memref_slice %arg3[%run_scoped3A_104, %add3A_13, %dma_start3A_111] : memref<6x80x512xf32, #tpu.memory_space<hbm>> -> memref<1x1x512xf32, #tpu.memory_space<hbm>>
        %dma_start3A_113 = tpu.memref_squeeze %dma_start3A_112 : memref<1x1x512xf32, #tpu.memory_space<hbm>> -> memref<512xf32, #tpu.memory_space<hbm>>
        tpu.enqueue_dma source(%arg12 : memref<512xf32, #tpu.memory_space<vmem>>) target(%dma_start3A_113 : memref<512xf32, #tpu.memory_space<hbm>>) target_semaphore(%run_scoped3A_108 : memref<!tpu.dma_semaphore, #tpu.memory_space<semaphore_mem>>)
        %dma_wait3A = arith.constant 0 : i32
        %dma_wait3A_114 = tpu.memref_slice %arg3[%run_scoped3A_104, %add3A_13, %dma_wait3A] : memref<6x80x512xf32, #tpu.memory_space<hbm>> -> memref<1x1x512xf32, #tpu.memory_space<hbm>>
        %dma_wait3A_115 = tpu.memref_squeeze %dma_wait3A_114 : memref<1x1x512xf32, #tpu.memory_space<hbm>> -> memref<512xf32, #tpu.memory_space<hbm>>
        %dma_wait3A_116 = arith.constant 0 : i32
        %dma_wait3A_117 = tpu.memref_slice %arg3[%run_scoped3A_104, %add3A_13, %dma_wait3A_116] : memref<6x80x512xf32, #tpu.memory_space<hbm>> -> memref<1x1x512xf32, #tpu.memory_space<hbm>>
        %dma_wait3A_118 = tpu.memref_squeeze %dma_wait3A_117 : memref<1x1x512xf32, #tpu.memory_space<hbm>> -> memref<512xf32, #tpu.memory_space<hbm>>
        tpu.wait_dma2 semaphore(%run_scoped3A_108 : memref<!tpu.dma_semaphore, #tpu.memory_space<semaphore_mem>>) src(%arg12 : memref<512xf32, #tpu.memory_space<vmem>>) dst(%dma_wait3A_118 : memref<512xf32, #tpu.memory_space<hbm>>)
        tpu.yield
      }) : () -> ()
      %run_scoped3A_105 = arith.constant 3 : i32
      "tpu.region"() ({
        %run_scoped3A_108 = tpu.sem_alloc : memref<!tpu.dma_semaphore, #tpu.memory_space<semaphore_mem>>
        %dma_start3A = arith.constant 0 : i32
        %dma_start3A_109 = tpu.memref_slice %arg3[%run_scoped3A_105, %add3A_13, %dma_start3A] : memref<6x80x512xf32, #tpu.memory_space<hbm>> -> memref<1x1x512xf32, #tpu.memory_space<hbm>>
        %dma_start3A_110 = tpu.memref_squeeze %dma_start3A_109 : memref<1x1x512xf32, #tpu.memory_space<hbm>> -> memref<512xf32, #tpu.memory_space<hbm>>
        %dma_start3A_111 = arith.constant 0 : i32
        %dma_start3A_112 = tpu.memref_slice %arg3[%run_scoped3A_105, %add3A_13, %dma_start3A_111] : memref<6x80x512xf32, #tpu.memory_space<hbm>> -> memref<1x1x512xf32, #tpu.memory_space<hbm>>
        %dma_start3A_113 = tpu.memref_squeeze %dma_start3A_112 : memref<1x1x512xf32, #tpu.memory_space<hbm>> -> memref<512xf32, #tpu.memory_space<hbm>>
        tpu.enqueue_dma source(%arg13 : memref<512xf32, #tpu.memory_space<vmem>>) target(%dma_start3A_113 : memref<512xf32, #tpu.memory_space<hbm>>) target_semaphore(%run_scoped3A_108 : memref<!tpu.dma_semaphore, #tpu.memory_space<semaphore_mem>>)
        %dma_wait3A = arith.constant 0 : i32
        %dma_wait3A_114 = tpu.memref_slice %arg3[%run_scoped3A_105, %add3A_13, %dma_wait3A] : memref<6x80x512xf32, #tpu.memory_space<hbm>> -> memref<1x1x512xf32, #tpu.memory_space<hbm>>
        %dma_wait3A_115 = tpu.memref_squeeze %dma_wait3A_114 : memref<1x1x512xf32, #tpu.memory_space<hbm>> -> memref<512xf32, #tpu.memory_space<hbm>>
        %dma_wait3A_116 = arith.constant 0 : i32
        %dma_wait3A_117 = tpu.memref_slice %arg3[%run_scoped3A_105, %add3A_13, %dma_wait3A_116] : memref<6x80x512xf32, #tpu.memory_space<hbm>> -> memref<1x1x512xf32, #tpu.memory_space<hbm>>
        %dma_wait3A_118 = tpu.memref_squeeze %dma_wait3A_117 : memref<1x1x512xf32, #tpu.memory_space<hbm>> -> memref<512xf32, #tpu.memory_space<hbm>>
        tpu.wait_dma2 semaphore(%run_scoped3A_108 : memref<!tpu.dma_semaphore, #tpu.memory_space<semaphore_mem>>) src(%arg13 : memref<512xf32, #tpu.memory_space<vmem>>) dst(%dma_wait3A_118 : memref<512xf32, #tpu.memory_space<hbm>>)
        tpu.yield
      }) : () -> ()
      %run_scoped3A_106 = arith.constant 4 : i32
      "tpu.region"() ({
        %run_scoped3A_108 = tpu.sem_alloc : memref<!tpu.dma_semaphore, #tpu.memory_space<semaphore_mem>>
        %dma_start3A = arith.constant 0 : i32
        %dma_start3A_109 = tpu.memref_slice %arg3[%run_scoped3A_106, %add3A_13, %dma_start3A] : memref<6x80x512xf32, #tpu.memory_space<hbm>> -> memref<1x1x512xf32, #tpu.memory_space<hbm>>
        %dma_start3A_110 = tpu.memref_squeeze %dma_start3A_109 : memref<1x1x512xf32, #tpu.memory_space<hbm>> -> memref<512xf32, #tpu.memory_space<hbm>>
        %dma_start3A_111 = arith.constant 0 : i32
        %dma_start3A_112 = tpu.memref_slice %arg3[%run_scoped3A_106, %add3A_13, %dma_start3A_111] : memref<6x80x512xf32, #tpu.memory_space<hbm>> -> memref<1x1x512xf32, #tpu.memory_space<hbm>>
        %dma_start3A_113 = tpu.memref_squeeze %dma_start3A_112 : memref<1x1x512xf32, #tpu.memory_space<hbm>> -> memref<512xf32, #tpu.memory_space<hbm>>
        tpu.enqueue_dma source(%arg14 : memref<512xf32, #tpu.memory_space<vmem>>) target(%dma_start3A_113 : memref<512xf32, #tpu.memory_space<hbm>>) target_semaphore(%run_scoped3A_108 : memref<!tpu.dma_semaphore, #tpu.memory_space<semaphore_mem>>)
        %dma_wait3A = arith.constant 0 : i32
        %dma_wait3A_114 = tpu.memref_slice %arg3[%run_scoped3A_106, %add3A_13, %dma_wait3A] : memref<6x80x512xf32, #tpu.memory_space<hbm>> -> memref<1x1x512xf32, #tpu.memory_space<hbm>>
        %dma_wait3A_115 = tpu.memref_squeeze %dma_wait3A_114 : memref<1x1x512xf32, #tpu.memory_space<hbm>> -> memref<512xf32, #tpu.memory_space<hbm>>
        %dma_wait3A_116 = arith.constant 0 : i32
        %dma_wait3A_117 = tpu.memref_slice %arg3[%run_scoped3A_106, %add3A_13, %dma_wait3A_116] : memref<6x80x512xf32, #tpu.memory_space<hbm>> -> memref<1x1x512xf32, #tpu.memory_space<hbm>>
        %dma_wait3A_118 = tpu.memref_squeeze %dma_wait3A_117 : memref<1x1x512xf32, #tpu.memory_space<hbm>> -> memref<512xf32, #tpu.memory_space<hbm>>
        tpu.wait_dma2 semaphore(%run_scoped3A_108 : memref<!tpu.dma_semaphore, #tpu.memory_space<semaphore_mem>>) src(%arg14 : memref<512xf32, #tpu.memory_space<vmem>>) dst(%dma_wait3A_118 : memref<512xf32, #tpu.memory_space<hbm>>)
        tpu.yield
      }) : () -> ()
      %run_scoped3A_107 = arith.constant 5 : i32
      "tpu.region"() ({
        %run_scoped3A_108 = tpu.sem_alloc : memref<!tpu.dma_semaphore, #tpu.memory_space<semaphore_mem>>
        %dma_start3A = arith.constant 0 : i32
        %dma_start3A_109 = tpu.memref_slice %arg3[%run_scoped3A_107, %add3A_13, %dma_start3A] : memref<6x80x512xf32, #tpu.memory_space<hbm>> -> memref<1x1x512xf32, #tpu.memory_space<hbm>>
        %dma_start3A_110 = tpu.memref_squeeze %dma_start3A_109 : memref<1x1x512xf32, #tpu.memory_space<hbm>> -> memref<512xf32, #tpu.memory_space<hbm>>
        %dma_start3A_111 = arith.constant 0 : i32
        %dma_start3A_112 = tpu.memref_slice %arg3[%run_scoped3A_107, %add3A_13, %dma_start3A_111] : memref<6x80x512xf32, #tpu.memory_space<hbm>> -> memref<1x1x512xf32, #tpu.memory_space<hbm>>
        %dma_start3A_113 = tpu.memref_squeeze %dma_start3A_112 : memref<1x1x512xf32, #tpu.memory_space<hbm>> -> memref<512xf32, #tpu.memory_space<hbm>>
        tpu.enqueue_dma source(%arg15 : memref<512xf32, #tpu.memory_space<vmem>>) target(%dma_start3A_113 : memref<512xf32, #tpu.memory_space<hbm>>) target_semaphore(%run_scoped3A_108 : memref<!tpu.dma_semaphore, #tpu.memory_space<semaphore_mem>>)
        %dma_wait3A = arith.constant 0 : i32
        %dma_wait3A_114 = tpu.memref_slice %arg3[%run_scoped3A_107, %add3A_13, %dma_wait3A] : memref<6x80x512xf32, #tpu.memory_space<hbm>> -> memref<1x1x512xf32, #tpu.memory_space<hbm>>
        %dma_wait3A_115 = tpu.memref_squeeze %dma_wait3A_114 : memref<1x1x512xf32, #tpu.memory_space<hbm>> -> memref<512xf32, #tpu.memory_space<hbm>>
        %dma_wait3A_116 = arith.constant 0 : i32
        %dma_wait3A_117 = tpu.memref_slice %arg3[%run_scoped3A_107, %add3A_13, %dma_wait3A_116] : memref<6x80x512xf32, #tpu.memory_space<hbm>> -> memref<1x1x512xf32, #tpu.memory_space<hbm>>
        %dma_wait3A_118 = tpu.memref_squeeze %dma_wait3A_117 : memref<1x1x512xf32, #tpu.memory_space<hbm>> -> memref<512xf32, #tpu.memory_space<hbm>>
        tpu.wait_dma2 semaphore(%run_scoped3A_108 : memref<!tpu.dma_semaphore, #tpu.memory_space<semaphore_mem>>) src(%arg15 : memref<512xf32, #tpu.memory_space<vmem>>) dst(%dma_wait3A_118 : memref<512xf32, #tpu.memory_space<hbm>>)
        tpu.yield
      }) : () -> ()
    } else {
    }
    return
  }
}

module attributes {stable_mosaic.version = 14 : i64} {
  func.func @_nms_body(%arg0: memref<6x80x512xf32, #tpu.memory_space<vmem>>, %arg1: memref<4x8x200xf32, #tpu.memory_space<vmem>>, %arg2: memref<80x200x8xf32, #tpu.memory_space<vmem>>) attributes {dimension_semantics = [], scalar_prefetch = 0 : i64, scratch_operands = 1 : i64, tpu.core_type = #tpu.core_type<tc>} {
    %get3A = arith.constant 0 : index
    %get3A_0 = arith.constant 0 : index
    %get3A_1 = arith.constant 0 : index
    %get3A_2 = vector.load %arg0[%get3A, %get3A_0, %get3A_1] : memref<6x80x512xf32, #tpu.memory_space<vmem>>, vector<1x80x512xf32>
    %get3A_3 = vector.shape_cast %get3A_2 : vector<1x80x512xf32> to vector<80x512xf32>
    %get3A_4 = arith.constant 1 : index
    %get3A_5 = arith.constant 0 : index
    %get3A_6 = arith.constant 0 : index
    %get3A_7 = vector.load %arg0[%get3A_4, %get3A_5, %get3A_6] : memref<6x80x512xf32, #tpu.memory_space<vmem>>, vector<1x80x512xf32>
    %get3A_8 = vector.shape_cast %get3A_7 : vector<1x80x512xf32> to vector<80x512xf32>
    %get3A_9 = arith.constant 2 : index
    %get3A_10 = arith.constant 0 : index
    %get3A_11 = arith.constant 0 : index
    %get3A_12 = vector.load %arg0[%get3A_9, %get3A_10, %get3A_11] : memref<6x80x512xf32, #tpu.memory_space<vmem>>, vector<1x80x512xf32>
    %get3A_13 = vector.shape_cast %get3A_12 : vector<1x80x512xf32> to vector<80x512xf32>
    %get3A_14 = arith.constant 3 : index
    %get3A_15 = arith.constant 0 : index
    %get3A_16 = arith.constant 0 : index
    %get3A_17 = vector.load %arg0[%get3A_14, %get3A_15, %get3A_16] : memref<6x80x512xf32, #tpu.memory_space<vmem>>, vector<1x80x512xf32>
    %get3A_18 = vector.shape_cast %get3A_17 : vector<1x80x512xf32> to vector<80x512xf32>
    %get3A_19 = arith.constant 4 : index
    %get3A_20 = arith.constant 0 : index
    %get3A_21 = arith.constant 0 : index
    %get3A_22 = vector.load %arg0[%get3A_19, %get3A_20, %get3A_21] : memref<6x80x512xf32, #tpu.memory_space<vmem>>, vector<1x80x512xf32>
    %get3A_23 = vector.shape_cast %get3A_22 : vector<1x80x512xf32> to vector<80x512xf32>
    %get3A_24 = arith.constant 5 : index
    %get3A_25 = arith.constant 0 : index
    %get3A_26 = arith.constant 0 : index
    %get3A_27 = vector.load %arg0[%get3A_24, %get3A_25, %get3A_26] : memref<6x80x512xf32, #tpu.memory_space<vmem>>, vector<1x80x512xf32>
    %get3A_28 = vector.shape_cast %get3A_27 : vector<1x80x512xf32> to vector<80x512xf32>
    %gt3A = arith.constant 5.000000e-01 : f32
    %gt3A_29 = vector.broadcast %gt3A : f32 to vector<80x512xf32>
    %gt3A_30 = arith.cmpf ogt, %get3A_3, %gt3A_29 : vector<80x512xf32>
    %jit3A = arith.constant -1.000000e+00 : f32
    %broadcast_in_dim3A = vector.broadcast %jit3A : f32 to vector<80x512xf32>
    %select_n3A = arith.select %gt3A_30, %get3A_3, %broadcast_in_dim3A : vector<80x512xi1>, vector<80x512xf32>
    %sub3A = arith.subf %get3A_18, %get3A_8 : vector<80x512xf32>
    %max3A = arith.constant 0.000000e+00 : f32
    %max3A_31 = vector.broadcast %max3A : f32 to vector<80x512xf32>
    %max3A_32 = arith.maximumf %sub3A, %max3A_31 : vector<80x512xf32>
    %sub3A_33 = arith.subf %get3A_23, %get3A_13 : vector<80x512xf32>
    %max3A_34 = arith.constant 0.000000e+00 : f32
    %max3A_35 = vector.broadcast %max3A_34 : f32 to vector<80x512xf32>
    %max3A_36 = arith.maximumf %sub3A_33, %max3A_35 : vector<80x512xf32>
    %mul3A = arith.mulf %max3A_32, %max3A_36 : vector<80x512xf32>
    %iota3A = tpu.iota {dimensions = array<i32: 1>} : vector<80x512xi32>
    %iota3A_37 = tpu.iota {dimensions = array<i32: 0>} : vector<80x1xi32>
    %jit3A_38 = arith.constant 20 : i32
    %eq3A = arith.constant 0 : i32
    %eq3A_39 = arith.cmpi eq, %jit3A_38, %eq3A : i32
    %jit3A_40 = arith.constant 1 : i32
    %select_n3A_41 = arith.select %eq3A_39, %jit3A_40, %jit3A_38 : i32
    %rem3A = vector.broadcast %select_n3A_41 : i32 to vector<80x1xi32>
    %rem3A_42 = arith.remsi %iota3A_37, %rem3A : vector<80x1xi32>
    %ne3A = arith.constant 0 : i32
    %ne3A_43 = vector.broadcast %ne3A : i32 to vector<80x1xi32>
    %ne3A_44 = arith.cmpi ne, %rem3A_42, %ne3A_43 : vector<80x1xi32>
    %lt3A = arith.constant 0 : i32
    %lt3A_45 = vector.broadcast %lt3A : i32 to vector<80x1xi32>
    %lt3A_46 = arith.cmpi slt, %rem3A_42, %lt3A_45 : vector<80x1xi32>
    %lt3A_47 = arith.constant 0 : i32
    %lt3A_48 = arith.cmpi slt, %select_n3A_41, %lt3A_47 : i32
    %ne3A_49 = vector.broadcast %lt3A_48 : i1 to vector<80x1xi1>
    %ne3A_50 = vector.broadcast %ne3A_49 : vector<80x1xi1> to vector<80x1xi1>
    %ne3A_51 = arith.xori %lt3A_46, %ne3A_50 : vector<80x1xi1>
    %and3A = arith.andi %ne3A_51, %ne3A_44 : vector<80x1xi1>
    %add3A = vector.broadcast %select_n3A_41 : i32 to vector<80x1xi32>
    %add3A_52 = arith.addi %rem3A_42, %add3A : vector<80x1xi32>
    %select_n3A_53 = arith.select %and3A, %add3A_52, %rem3A_42 : vector<80x1xi1>, vector<80x1xi32>
    %add3A_54 = arith.constant 1 : i32
    %add3A_55 = vector.broadcast %add3A_54 : i32 to vector<80x1xi32>
    %add3A_56 = arith.addi %select_n3A_53, %add3A_55 : vector<80x1xi32>
    %convert_element_type3A = arith.sitofp %add3A_56 : vector<80x1xi32> to vector<80x1xf32>
    %broadcast_in_dim3A_57 = arith.constant 0.000000e+00 : f32
    %broadcast_in_dim3A_58 = vector.broadcast %broadcast_in_dim3A_57 : f32 to vector<80x1xf32>
    %scan3A = arith.constant 0 : i32
    %scan3A_59 = arith.constant 200 : i32
    %scan3A_60 = arith.addi %scan3A, %scan3A_59 : i32
    %scan3A_61 = arith.constant 1 : i32
    %scan3A_62 = scf.for %scan3A_1082 = %scan3A to %scan3A_60 step %scan3A_61 iter_args(%scan3A_1083 = %select_n3A) -> (vector<80x512xf32>)  : i32 {
      %reduce_max3A = arith.constant dense<0xFF800000> : vector<80xf32>
      %reduce_max3A_1084 = vector.multi_reduction <maximumf>, %scan3A_1083, %reduce_max3A [1] : vector<80x512xf32> to vector<80xf32>
      %broadcast_in_dim3A_1085 = vector.shape_cast %reduce_max3A_1084 : vector<80xf32> to vector<80x1xf32>
      %eq3A_1086 = vector.broadcast %broadcast_in_dim3A_1085 : vector<80x1xf32> to vector<80x512xf32>
      %eq3A_1087 = arith.cmpf oeq, %scan3A_1083, %eq3A_1086 : vector<80x512xf32>
      %jit3A_1088 = arith.constant 512 : i32
      %broadcast_in_dim3A_1089 = vector.broadcast %jit3A_1088 : i32 to vector<80x512xi32>
      %select_n3A_1090 = arith.select %eq3A_1087, %iota3A, %broadcast_in_dim3A_1089 : vector<80x512xi1>, vector<80x512xi32>
      %reduce_min3A = arith.constant dense<2147483647> : vector<80xi32>
      %reduce_min3A_1091 = vector.multi_reduction <minsi>, %select_n3A_1090, %reduce_min3A [1] : vector<80x512xi32> to vector<80xi32>
      %broadcast_in_dim3A_1092 = vector.shape_cast %reduce_min3A_1091 : vector<80xi32> to vector<80x1xi32>
      %eq3A_1093 = vector.broadcast %broadcast_in_dim3A_1092 : vector<80x1xi32> to vector<80x512xi32>
      %eq3A_1094 = arith.cmpi eq, %iota3A, %eq3A_1093 : vector<80x512xi32>
      %jit3A_1095 = arith.constant 0.000000e+00 : f32
      %broadcast_in_dim3A_1096 = vector.broadcast %jit3A_1095 : f32 to vector<80x512xf32>
      %select_n3A_1097 = arith.select %eq3A_1094, %get3A_8, %broadcast_in_dim3A_1096 : vector<80x512xi1>, vector<80x512xf32>
      %reduce_sum3A = arith.constant dense<0.000000e+00> : vector<80xf32>
      %reduce_sum3A_1098 = vector.multi_reduction <add>, %select_n3A_1097, %reduce_sum3A [1] : vector<80x512xf32> to vector<80xf32>
      %broadcast_in_dim3A_1099 = vector.shape_cast %reduce_sum3A_1098 : vector<80xf32> to vector<80x1xf32>
      %jit3A_1100 = arith.constant 0.000000e+00 : f32
      %broadcast_in_dim3A_1101 = vector.broadcast %jit3A_1100 : f32 to vector<80x512xf32>
      %select_n3A_1102 = arith.select %eq3A_1094, %get3A_13, %broadcast_in_dim3A_1101 : vector<80x512xi1>, vector<80x512xf32>
      %reduce_sum3A_1103 = arith.constant dense<0.000000e+00> : vector<80xf32>
      %reduce_sum3A_1104 = vector.multi_reduction <add>, %select_n3A_1102, %reduce_sum3A_1103 [1] : vector<80x512xf32> to vector<80xf32>
      %broadcast_in_dim3A_1105 = vector.shape_cast %reduce_sum3A_1104 : vector<80xf32> to vector<80x1xf32>
      %jit3A_1106 = arith.constant 0.000000e+00 : f32
      %broadcast_in_dim3A_1107 = vector.broadcast %jit3A_1106 : f32 to vector<80x512xf32>
      %select_n3A_1108 = arith.select %eq3A_1094, %get3A_18, %broadcast_in_dim3A_1107 : vector<80x512xi1>, vector<80x512xf32>
      %reduce_sum3A_1109 = arith.constant dense<0.000000e+00> : vector<80xf32>
      %reduce_sum3A_1110 = vector.multi_reduction <add>, %select_n3A_1108, %reduce_sum3A_1109 [1] : vector<80x512xf32> to vector<80xf32>
      %broadcast_in_dim3A_1111 = vector.shape_cast %reduce_sum3A_1110 : vector<80xf32> to vector<80x1xf32>
      %jit3A_1112 = arith.constant 0.000000e+00 : f32
      %broadcast_in_dim3A_1113 = vector.broadcast %jit3A_1112 : f32 to vector<80x512xf32>
      %select_n3A_1114 = arith.select %eq3A_1094, %get3A_23, %broadcast_in_dim3A_1113 : vector<80x512xi1>, vector<80x512xf32>
      %reduce_sum3A_1115 = arith.constant dense<0.000000e+00> : vector<80xf32>
      %reduce_sum3A_1116 = vector.multi_reduction <add>, %select_n3A_1114, %reduce_sum3A_1115 [1] : vector<80x512xf32> to vector<80xf32>
      %broadcast_in_dim3A_1117 = vector.shape_cast %reduce_sum3A_1116 : vector<80xf32> to vector<80x1xf32>
      %jit3A_1118 = arith.constant 0.000000e+00 : f32
      %broadcast_in_dim3A_1119 = vector.broadcast %jit3A_1118 : f32 to vector<80x512xf32>
      %select_n3A_1120 = arith.select %eq3A_1094, %get3A_28, %broadcast_in_dim3A_1119 : vector<80x512xi1>, vector<80x512xf32>
      %reduce_sum3A_1121 = arith.constant dense<0.000000e+00> : vector<80xf32>
      %reduce_sum3A_1122 = vector.multi_reduction <add>, %select_n3A_1120, %reduce_sum3A_1121 [1] : vector<80x512xf32> to vector<80xf32>
      %broadcast_in_dim3A_1123 = vector.shape_cast %reduce_sum3A_1122 : vector<80xf32> to vector<80x1xf32>
      %sub3A_1124 = arith.subf %broadcast_in_dim3A_1111, %broadcast_in_dim3A_1099 : vector<80x1xf32>
      %max3A_1125 = arith.constant 0.000000e+00 : f32
      %max3A_1126 = vector.broadcast %max3A_1125 : f32 to vector<80x1xf32>
      %max3A_1127 = arith.maximumf %sub3A_1124, %max3A_1126 : vector<80x1xf32>
      %sub3A_1128 = arith.subf %broadcast_in_dim3A_1117, %broadcast_in_dim3A_1105 : vector<80x1xf32>
      %max3A_1129 = arith.constant 0.000000e+00 : f32
      %max3A_1130 = vector.broadcast %max3A_1129 : f32 to vector<80x1xf32>
      %max3A_1131 = arith.maximumf %sub3A_1128, %max3A_1130 : vector<80x1xf32>
      %mul3A_1132 = arith.mulf %max3A_1127, %max3A_1131 : vector<80x1xf32>
      %min3A = vector.broadcast %broadcast_in_dim3A_1111 : vector<80x1xf32> to vector<80x512xf32>
      %min3A_1133 = arith.minimumf %min3A, %get3A_18 : vector<80x512xf32>
      %max3A_1134 = vector.broadcast %broadcast_in_dim3A_1099 : vector<80x1xf32> to vector<80x512xf32>
      %max3A_1135 = arith.maximumf %max3A_1134, %get3A_8 : vector<80x512xf32>
      %sub3A_1136 = arith.subf %min3A_1133, %max3A_1135 : vector<80x512xf32>
      %max3A_1137 = arith.constant 0.000000e+00 : f32
      %max3A_1138 = vector.broadcast %max3A_1137 : f32 to vector<80x512xf32>
      %max3A_1139 = arith.maximumf %sub3A_1136, %max3A_1138 : vector<80x512xf32>
      %min3A_1140 = vector.broadcast %broadcast_in_dim3A_1117 : vector<80x1xf32> to vector<80x512xf32>
      %min3A_1141 = arith.minimumf %min3A_1140, %get3A_23 : vector<80x512xf32>
      %max3A_1142 = vector.broadcast %broadcast_in_dim3A_1105 : vector<80x1xf32> to vector<80x512xf32>
      %max3A_1143 = arith.maximumf %max3A_1142, %get3A_13 : vector<80x512xf32>
      %sub3A_1144 = arith.subf %min3A_1141, %max3A_1143 : vector<80x512xf32>
      %max3A_1145 = arith.constant 0.000000e+00 : f32
      %max3A_1146 = vector.broadcast %max3A_1145 : f32 to vector<80x512xf32>
      %max3A_1147 = arith.maximumf %sub3A_1144, %max3A_1146 : vector<80x512xf32>
      %mul3A_1148 = arith.mulf %max3A_1139, %max3A_1147 : vector<80x512xf32>
      %add3A_1149 = vector.broadcast %mul3A_1132 : vector<80x1xf32> to vector<80x512xf32>
      %add3A_1150 = arith.addf %add3A_1149, %mul3A : vector<80x512xf32>
      %sub3A_1151 = arith.subf %add3A_1150, %mul3A_1148 : vector<80x512xf32>
      %gt3A_1152 = arith.constant 0.000000e+00 : f32
      %gt3A_1153 = vector.broadcast %gt3A_1152 : f32 to vector<80x512xf32>
      %gt3A_1154 = arith.cmpf ogt, %sub3A_1151, %gt3A_1153 : vector<80x512xf32>
      %max3A_1155 = arith.constant 9.99999996E-13 : f32
      %max3A_1156 = vector.broadcast %max3A_1155 : f32 to vector<80x512xf32>
      %max3A_1157 = arith.maximumf %sub3A_1151, %max3A_1156 : vector<80x512xf32>
      %div3A = arith.divf %mul3A_1148, %max3A_1157 : vector<80x512xf32>
      %jit3A_1158 = arith.constant 0.000000e+00 : f32
      %broadcast_in_dim3A_1159 = vector.broadcast %jit3A_1158 : f32 to vector<80x512xf32>
      %select_n3A_1160 = arith.select %gt3A_1154, %div3A, %broadcast_in_dim3A_1159 : vector<80x512xi1>, vector<80x512xf32>
      %gt3A_1161 = arith.constant 4.500000e-01 : f32
      %gt3A_1162 = vector.broadcast %gt3A_1161 : f32 to vector<80x512xf32>
      %gt3A_1163 = arith.cmpf ogt, %select_n3A_1160, %gt3A_1162 : vector<80x512xf32>
      %gt3A_1164 = arith.constant 0.000000e+00 : f32
      %gt3A_1165 = vector.broadcast %gt3A_1164 : f32 to vector<80x1xf32>
      %gt3A_1166 = arith.cmpf ogt, %broadcast_in_dim3A_1085, %gt3A_1165 : vector<80x1xf32>
      %or3A = arith.ori %gt3A_1163, %eq3A_1094 : vector<80x512xi1>
      %jit3A_1167 = arith.constant -1.000000e+00 : f32
      %broadcast_in_dim3A_1168 = vector.broadcast %jit3A_1167 : f32 to vector<80x512xf32>
      %select_n3A_1169 = arith.select %or3A, %broadcast_in_dim3A_1168, %scan3A_1083 : vector<80x512xi1>, vector<80x512xf32>
      %concatenate3A = tpu.concatenate %convert_element_type3A, %broadcast_in_dim3A_1085, %broadcast_in_dim3A_1105, %broadcast_in_dim3A_1099, %broadcast_in_dim3A_1117, %broadcast_in_dim3A_1111, %broadcast_in_dim3A_1123, %broadcast_in_dim3A_58 in 1 : vector<80x1xf32>, vector<80x1xf32>, vector<80x1xf32>, vector<80x1xf32>, vector<80x1xf32>, vector<80x1xf32>, vector<80x1xf32>, vector<80x1xf32> -> vector<80x8xf32>
      %jit3A_1170 = arith.constant 0.000000e+00 : f32
      %broadcast_in_dim3A_1171 = vector.shape_cast %gt3A_1166 : vector<80x1xi1> to vector<80x1xi1>
      %broadcast_in_dim3A_1172 = vector.broadcast %broadcast_in_dim3A_1171 : vector<80x1xi1> to vector<80x8xi1>
      %broadcast_in_dim3A_1173 = vector.broadcast %jit3A_1170 : f32 to vector<80x8xf32>
      %select_n3A_1174 = arith.select %broadcast_in_dim3A_1172, %concatenate3A, %broadcast_in_dim3A_1173 : vector<80x8xi1>, vector<80x8xf32>
      %broadcast_in_dim3A_1175 = vector.shape_cast %select_n3A_1174 : vector<80x8xf32> to vector<80x1x8xf32>
      %swap3A_1176 = arith.constant 0 : index
      %swap3A_1177 = arith.index_cast %scan3A_1082 : i32 to index
      %swap3A_1178 = arith.constant 0 : index
      %swap3A_1179 = vector.load %arg2[%swap3A_1176, %swap3A_1177, %swap3A_1178] : memref<80x200x8xf32, #tpu.memory_space<vmem>>, vector<80x1x8xf32>
      tpu.vector_store %arg2[%swap3A_1176, %swap3A_1177, %swap3A_1178], %broadcast_in_dim3A_1175 {strides = array<i32>} : memref<80x200x8xf32, #tpu.memory_space<vmem>>, vector<80x1x8xf32>,
      scf.yield %select_n3A_1169 : vector<80x512xf32>
    }
    %scan3A_63 = arith.constant 200 : i32
    %get3A_64 = arith.constant 0 : index
    %get3A_65 = arith.constant 0 : index
    %get3A_66 = arith.constant 0 : index
    %get3A_67 = vector.load %arg2[%get3A_64, %get3A_65, %get3A_66] : memref<80x200x8xf32, #tpu.memory_space<vmem>>, vector<80x200x8xf32>
    %slice3A = vector.extract_strided_slice %get3A_67 {offsets = [0, 0, 1], sizes = [80, 200, 1], strides = [1, 1, 1]} : vector<80x200x8xf32> to vector<80x200x1xf32>
    %squeeze3A = vector.shape_cast %slice3A : vector<80x200x1xf32> to vector<80x200xf32>
    %reshape3A = vector.shape_cast %squeeze3A : vector<80x200xf32> to vector<4x20x200xf32>
    %iota3A_68 = tpu.iota {dimensions = array<i32: 1>} : vector<1x20x200xi32>
    %mul3A_69 = arith.constant 200 : i32
    %mul3A_70 = vector.broadcast %mul3A_69 : i32 to vector<1x20x200xi32>
    %mul3A_71 = arith.muli %iota3A_68, %mul3A_70 : vector<1x20x200xi32>
    %iota3A_72 = tpu.iota {dimensions = array<i32: 2>} : vector<1x20x200xi32>
    %add3A_73 = arith.addi %mul3A_71, %iota3A_72 : vector<1x20x200xi32>
    %iota3A_74 = tpu.iota {dimensions = array<i32: 2>} : vector<1x1x200xi32>
    %broadcast_in_dim3A_75 = arith.constant 0 : i32
    %broadcast_in_dim3A_76 = vector.broadcast %broadcast_in_dim3A_75 : i32 to vector<4x1x200xi32>
    %scan3A_77 = arith.constant 0 : i32
    %scan3A_78 = arith.constant 200 : i32
    %scan3A_79 = arith.addi %scan3A_77, %scan3A_78 : i32
    %scan3A_80 = arith.constant 1 : i32
    %scan3A_81:2 = scf.for %scan3A_1082 = %scan3A_77 to %scan3A_79 step %scan3A_80 iter_args(%scan3A_1083 = %reshape3A, %scan3A_1084 = %broadcast_in_dim3A_76) -> (vector<4x20x200xf32>, vector<4x1x200xi32>)  : i32 {
      %reduce_max3A = arith.constant dense<0xFF800000> : vector<4x20xf32>
      %reduce_max3A_1085 = vector.multi_reduction <maximumf>, %scan3A_1083, %reduce_max3A [2] : vector<4x20x200xf32> to vector<4x20xf32>
      %broadcast_in_dim3A_1086 = vector.shape_cast %reduce_max3A_1085 : vector<4x20xf32> to vector<4x20x1xf32>
      %reduce_max3A_1087 = arith.constant dense<0xFF800000> : vector<4x1xf32>
      %reduce_max3A_1088 = vector.multi_reduction <maximumf>, %broadcast_in_dim3A_1086, %reduce_max3A_1087 [1] : vector<4x20x1xf32> to vector<4x1xf32>
      %broadcast_in_dim3A_1089 = vector.shape_cast %reduce_max3A_1088 : vector<4x1xf32> to vector<4x1x1xf32>
      %eq3A_1090 = vector.broadcast %broadcast_in_dim3A_1089 : vector<4x1x1xf32> to vector<4x20x200xf32>
      %eq3A_1091 = arith.cmpf oeq, %scan3A_1083, %eq3A_1090 : vector<4x20x200xf32>
      %jit3A_1092 = arith.constant 4000 : i32
      %broadcast_in_dim3A_1093 = vector.shape_cast %add3A_73 : vector<1x20x200xi32> to vector<1x20x200xi32>
      %broadcast_in_dim3A_1094 = vector.broadcast %broadcast_in_dim3A_1093 : vector<1x20x200xi32> to vector<4x20x200xi32>
      %broadcast_in_dim3A_1095 = vector.broadcast %jit3A_1092 : i32 to vector<4x20x200xi32>
      %select_n3A_1096 = arith.select %eq3A_1091, %broadcast_in_dim3A_1094, %broadcast_in_dim3A_1095 : vector<4x20x200xi1>, vector<4x20x200xi32>
      %reduce_min3A = arith.constant dense<2147483647> : vector<4x20xi32>
      %reduce_min3A_1097 = vector.multi_reduction <minsi>, %select_n3A_1096, %reduce_min3A [2] : vector<4x20x200xi32> to vector<4x20xi32>
      %broadcast_in_dim3A_1098 = vector.shape_cast %reduce_min3A_1097 : vector<4x20xi32> to vector<4x20x1xi32>
      %reduce_min3A_1099 = arith.constant dense<2147483647> : vector<4x1xi32>
      %reduce_min3A_1100 = vector.multi_reduction <minsi>, %broadcast_in_dim3A_1098, %reduce_min3A_1099 [1] : vector<4x20x1xi32> to vector<4x1xi32>
      %broadcast_in_dim3A_1101 = vector.shape_cast %reduce_min3A_1100 : vector<4x1xi32> to vector<4x1x1xi32>
      %eq3A_1102 = vector.broadcast %add3A_73 : vector<1x20x200xi32> to vector<4x20x200xi32>
      %eq3A_1103 = vector.broadcast %broadcast_in_dim3A_1101 : vector<4x1x1xi32> to vector<4x20x200xi32>
      %eq3A_1104 = arith.cmpi eq, %eq3A_1102, %eq3A_1103 : vector<4x20x200xi32>
      %jit3A_1105 = arith.constant -1.000000e+00 : f32
      %broadcast_in_dim3A_1106 = vector.broadcast %jit3A_1105 : f32 to vector<4x20x200xf32>
      %select_n3A_1107 = arith.select %eq3A_1104, %broadcast_in_dim3A_1106, %scan3A_1083 : vector<4x20x200xi1>, vector<4x20x200xf32>
      %eq3A_1108 = vector.broadcast %scan3A_1082 : i32 to vector<1x1x200xi32>
      %eq3A_1109 = arith.cmpi eq, %iota3A_74, %eq3A_1108 : vector<1x1x200xi32>
      %broadcast_in_dim3A_1110 = vector.shape_cast %eq3A_1109 : vector<1x1x200xi1> to vector<1x1x200xi1>
      %broadcast_in_dim3A_1111 = vector.broadcast %broadcast_in_dim3A_1110 : vector<1x1x200xi1> to vector<4x1x200xi1>
      %broadcast_in_dim3A_1112 = vector.shape_cast %broadcast_in_dim3A_1101 : vector<4x1x1xi32> to vector<4x1x1xi32>
      %broadcast_in_dim3A_1113 = vector.broadcast %broadcast_in_dim3A_1112 : vector<4x1x1xi32> to vector<4x1x200xi32>
      %select_n3A_1114 = arith.select %broadcast_in_dim3A_1111, %broadcast_in_dim3A_1113, %scan3A_1084 : vector<4x1x200xi1>, vector<4x1x200xi32>
      scf.yield %select_n3A_1107, %select_n3A_1114 : vector<4x20x200xf32>, vector<4x1x200xi32>
    }
    %scan3A_82 = arith.constant 200 : i32
    %iota3A_83 = tpu.iota {dimensions = array<i32: 0>} : vector<200x200xi32>
    %slice3A_84 = vector.extract_strided_slice %scan3A_81#1 {offsets = [0, 0, 0], sizes = [1, 1, 200], strides = [1, 1, 1]} : vector<4x1x200xi32> to vector<1x1x200xi32>
    %squeeze3A_85 = vector.shape_cast %slice3A_84 : vector<1x1x200xi32> to vector<1x200xi32>
    %broadcast_in_dim3A_86 = arith.constant 0.000000e+00 : f32
    %broadcast_in_dim3A_87 = vector.broadcast %broadcast_in_dim3A_86 : f32 to vector<8x200xf32>
    %add3A_88 = arith.constant 0 : i32
    %add3A_89 = vector.broadcast %add3A_88 : i32 to vector<200x200xi32>
    %add3A_90 = arith.addi %iota3A_83, %add3A_89 : vector<200x200xi32>
    %eq3A_91 = vector.broadcast %squeeze3A_85 : vector<1x200xi32> to vector<200x200xi32>
    %eq3A_92 = arith.cmpi eq, %add3A_90, %eq3A_91 : vector<200x200xi32>
    %convert_element_type3A_93 = arith.extui %eq3A_92 : vector<200x200xi1> to vector<200x200xi32>
    %convert_element_type3A_94 = arith.sitofp %convert_element_type3A_93 : vector<200x200xi32> to vector<200x200xf32>
    %slice3A_95 = vector.extract_strided_slice %get3A_67 {offsets = [0, 0, 0], sizes = [1, 200, 8], strides = [1, 1, 1]} : vector<80x200x8xf32> to vector<1x200x8xf32>
    %squeeze3A_96 = vector.shape_cast %slice3A_95 : vector<1x200x8xf32> to vector<200x8xf32>
    %dot_general3A = arith.constant dense<0.000000e+00> : vector<8x200xf32>
    %dot_general3A_97 = tpu.matmul %squeeze3A_96, %convert_element_type3A_94, %dot_general3A {dimension_numbers = #tpu.dot_dimension_numbers<[0], [0], [1], [1], [0, 1, 1, 1], [], []>, precision = #tpu.contract_precision<fp32>, transpose_lhs_hint = false} : vector<200x8xf32>, vector<200x200xf32>, vector<8x200xf32> -> vector<8x200xf32>
    %add3A_98 = arith.addf %broadcast_in_dim3A_87, %dot_general3A_97 : vector<8x200xf32>
    %add3A_99 = arith.constant 200 : i32
    %add3A_100 = vector.broadcast %add3A_99 : i32 to vector<200x200xi32>
    %add3A_101 = arith.addi %iota3A_83, %add3A_100 : vector<200x200xi32>
    %eq3A_102 = vector.broadcast %squeeze3A_85 : vector<1x200xi32> to vector<200x200xi32>
    %eq3A_103 = arith.cmpi eq, %add3A_101, %eq3A_102 : vector<200x200xi32>
    %convert_element_type3A_104 = arith.extui %eq3A_103 : vector<200x200xi1> to vector<200x200xi32>
    %convert_element_type3A_105 = arith.sitofp %convert_element_type3A_104 : vector<200x200xi32> to vector<200x200xf32>
    %slice3A_106 = vector.extract_strided_slice %get3A_67 {offsets = [1, 0, 0], sizes = [1, 200, 8], strides = [1, 1, 1]} : vector<80x200x8xf32> to vector<1x200x8xf32>
    %squeeze3A_107 = vector.shape_cast %slice3A_106 : vector<1x200x8xf32> to vector<200x8xf32>
    %dot_general3A_108 = arith.constant dense<0.000000e+00> : vector<8x200xf32>
    %dot_general3A_109 = tpu.matmul %squeeze3A_107, %convert_element_type3A_105, %dot_general3A_108 {dimension_numbers = #tpu.dot_dimension_numbers<[0], [0], [1], [1], [0, 1, 1, 1], [], []>, precision = #tpu.contract_precision<fp32>, transpose_lhs_hint = false} : vector<200x8xf32>, vector<200x200xf32>, vector<8x200xf32> -> vector<8x200xf32>
    %add3A_110 = arith.addf %add3A_98, %dot_general3A_109 : vector<8x200xf32>
    %add3A_111 = arith.constant 400 : i32
    %add3A_112 = vector.broadcast %add3A_111 : i32 to vector<200x200xi32>
    %add3A_113 = arith.addi %iota3A_83, %add3A_112 : vector<200x200xi32>
    %eq3A_114 = vector.broadcast %squeeze3A_85 : vector<1x200xi32> to vector<200x200xi32>
    %eq3A_115 = arith.cmpi eq, %add3A_113, %eq3A_114 : vector<200x200xi32>
    %convert_element_type3A_116 = arith.extui %eq3A_115 : vector<200x200xi1> to vector<200x200xi32>
    %convert_element_type3A_117 = arith.sitofp %convert_element_type3A_116 : vector<200x200xi32> to vector<200x200xf32>
    %slice3A_118 = vector.extract_strided_slice %get3A_67 {offsets = [2, 0, 0], sizes = [1, 200, 8], strides = [1, 1, 1]} : vector<80x200x8xf32> to vector<1x200x8xf32>
    %squeeze3A_119 = vector.shape_cast %slice3A_118 : vector<1x200x8xf32> to vector<200x8xf32>
    %dot_general3A_120 = arith.constant dense<0.000000e+00> : vector<8x200xf32>
    %dot_general3A_121 = tpu.matmul %squeeze3A_119, %convert_element_type3A_117, %dot_general3A_120 {dimension_numbers = #tpu.dot_dimension_numbers<[0], [0], [1], [1], [0, 1, 1, 1], [], []>, precision = #tpu.contract_precision<fp32>, transpose_lhs_hint = false} : vector<200x8xf32>, vector<200x200xf32>, vector<8x200xf32> -> vector<8x200xf32>
    %add3A_122 = arith.addf %add3A_110, %dot_general3A_121 : vector<8x200xf32>
    %add3A_123 = arith.constant 600 : i32
    %add3A_124 = vector.broadcast %add3A_123 : i32 to vector<200x200xi32>
    %add3A_125 = arith.addi %iota3A_83, %add3A_124 : vector<200x200xi32>
    %eq3A_126 = vector.broadcast %squeeze3A_85 : vector<1x200xi32> to vector<200x200xi32>
    %eq3A_127 = arith.cmpi eq, %add3A_125, %eq3A_126 : vector<200x200xi32>
    %convert_element_type3A_128 = arith.extui %eq3A_127 : vector<200x200xi1> to vector<200x200xi32>
    %convert_element_type3A_129 = arith.sitofp %convert_element_type3A_128 : vector<200x200xi32> to vector<200x200xf32>
    %slice3A_130 = vector.extract_strided_slice %get3A_67 {offsets = [3, 0, 0], sizes = [1, 200, 8], strides = [1, 1, 1]} : vector<80x200x8xf32> to vector<1x200x8xf32>
    %squeeze3A_131 = vector.shape_cast %slice3A_130 : vector<1x200x8xf32> to vector<200x8xf32>
    %dot_general3A_132 = arith.constant dense<0.000000e+00> : vector<8x200xf32>
    %dot_general3A_133 = tpu.matmul %squeeze3A_131, %convert_element_type3A_129, %dot_general3A_132 {dimension_numbers = #tpu.dot_dimension_numbers<[0], [0], [1], [1], [0, 1, 1, 1], [], []>, precision = #tpu.contract_precision<fp32>, transpose_lhs_hint = false} : vector<200x8xf32>, vector<200x200xf32>, vector<8x200xf32> -> vector<8x200xf32>
    %add3A_134 = arith.addf %add3A_122, %dot_general3A_133 : vector<8x200xf32>
    %add3A_135 = arith.constant 800 : i32
    %add3A_136 = vector.broadcast %add3A_135 : i32 to vector<200x200xi32>
    %add3A_137 = arith.addi %iota3A_83, %add3A_136 : vector<200x200xi32>
    %eq3A_138 = vector.broadcast %squeeze3A_85 : vector<1x200xi32> to vector<200x200xi32>
    %eq3A_139 = arith.cmpi eq, %add3A_137, %eq3A_138 : vector<200x200xi32>
    %convert_element_type3A_140 = arith.extui %eq3A_139 : vector<200x200xi1> to vector<200x200xi32>
    %convert_element_type3A_141 = arith.sitofp %convert_element_type3A_140 : vector<200x200xi32> to vector<200x200xf32>
    %slice3A_142 = vector.extract_strided_slice %get3A_67 {offsets = [4, 0, 0], sizes = [1, 200, 8], strides = [1, 1, 1]} : vector<80x200x8xf32> to vector<1x200x8xf32>
    %squeeze3A_143 = vector.shape_cast %slice3A_142 : vector<1x200x8xf32> to vector<200x8xf32>
    %dot_general3A_144 = arith.constant dense<0.000000e+00> : vector<8x200xf32>
    %dot_general3A_145 = tpu.matmul %squeeze3A_143, %convert_element_type3A_141, %dot_general3A_144 {dimension_numbers = #tpu.dot_dimension_numbers<[0], [0], [1], [1], [0, 1, 1, 1], [], []>, precision = #tpu.contract_precision<fp32>, transpose_lhs_hint = false} : vector<200x8xf32>, vector<200x200xf32>, vector<8x200xf32> -> vector<8x200xf32>
    %add3A_146 = arith.addf %add3A_134, %dot_general3A_145 : vector<8x200xf32>
    %add3A_147 = arith.constant 1000 : i32
    %add3A_148 = vector.broadcast %add3A_147 : i32 to vector<200x200xi32>
    %add3A_149 = arith.addi %iota3A_83, %add3A_148 : vector<200x200xi32>
    %eq3A_150 = vector.broadcast %squeeze3A_85 : vector<1x200xi32> to vector<200x200xi32>
    %eq3A_151 = arith.cmpi eq, %add3A_149, %eq3A_150 : vector<200x200xi32>
    %convert_element_type3A_152 = arith.extui %eq3A_151 : vector<200x200xi1> to vector<200x200xi32>
    %convert_element_type3A_153 = arith.sitofp %convert_element_type3A_152 : vector<200x200xi32> to vector<200x200xf32>
    %slice3A_154 = vector.extract_strided_slice %get3A_67 {offsets = [5, 0, 0], sizes = [1, 200, 8], strides = [1, 1, 1]} : vector<80x200x8xf32> to vector<1x200x8xf32>
    %squeeze3A_155 = vector.shape_cast %slice3A_154 : vector<1x200x8xf32> to vector<200x8xf32>
    %dot_general3A_156 = arith.constant dense<0.000000e+00> : vector<8x200xf32>
    %dot_general3A_157 = tpu.matmul %squeeze3A_155, %convert_element_type3A_153, %dot_general3A_156 {dimension_numbers = #tpu.dot_dimension_numbers<[0], [0], [1], [1], [0, 1, 1, 1], [], []>, precision = #tpu.contract_precision<fp32>, transpose_lhs_hint = false} : vector<200x8xf32>, vector<200x200xf32>, vector<8x200xf32> -> vector<8x200xf32>
    %add3A_158 = arith.addf %add3A_146, %dot_general3A_157 : vector<8x200xf32>
    %add3A_159 = arith.constant 1200 : i32
    %add3A_160 = vector.broadcast %add3A_159 : i32 to vector<200x200xi32>
    %add3A_161 = arith.addi %iota3A_83, %add3A_160 : vector<200x200xi32>
    %eq3A_162 = vector.broadcast %squeeze3A_85 : vector<1x200xi32> to vector<200x200xi32>
    %eq3A_163 = arith.cmpi eq, %add3A_161, %eq3A_162 : vector<200x200xi32>
    %convert_element_type3A_164 = arith.extui %eq3A_163 : vector<200x200xi1> to vector<200x200xi32>
    %convert_element_type3A_165 = arith.sitofp %convert_element_type3A_164 : vector<200x200xi32> to vector<200x200xf32>
    %slice3A_166 = vector.extract_strided_slice %get3A_67 {offsets = [6, 0, 0], sizes = [1, 200, 8], strides = [1, 1, 1]} : vector<80x200x8xf32> to vector<1x200x8xf32>
    %squeeze3A_167 = vector.shape_cast %slice3A_166 : vector<1x200x8xf32> to vector<200x8xf32>
    %dot_general3A_168 = arith.constant dense<0.000000e+00> : vector<8x200xf32>
    %dot_general3A_169 = tpu.matmul %squeeze3A_167, %convert_element_type3A_165, %dot_general3A_168 {dimension_numbers = #tpu.dot_dimension_numbers<[0], [0], [1], [1], [0, 1, 1, 1], [], []>, precision = #tpu.contract_precision<fp32>, transpose_lhs_hint = false} : vector<200x8xf32>, vector<200x200xf32>, vector<8x200xf32> -> vector<8x200xf32>
    %add3A_170 = arith.addf %add3A_158, %dot_general3A_169 : vector<8x200xf32>
    %add3A_171 = arith.constant 1400 : i32
    %add3A_172 = vector.broadcast %add3A_171 : i32 to vector<200x200xi32>
    %add3A_173 = arith.addi %iota3A_83, %add3A_172 : vector<200x200xi32>
    %eq3A_174 = vector.broadcast %squeeze3A_85 : vector<1x200xi32> to vector<200x200xi32>
    %eq3A_175 = arith.cmpi eq, %add3A_173, %eq3A_174 : vector<200x200xi32>
    %convert_element_type3A_176 = arith.extui %eq3A_175 : vector<200x200xi1> to vector<200x200xi32>
    %convert_element_type3A_177 = arith.sitofp %convert_element_type3A_176 : vector<200x200xi32> to vector<200x200xf32>
    %slice3A_178 = vector.extract_strided_slice %get3A_67 {offsets = [7, 0, 0], sizes = [1, 200, 8], strides = [1, 1, 1]} : vector<80x200x8xf32> to vector<1x200x8xf32>
    %squeeze3A_179 = vector.shape_cast %slice3A_178 : vector<1x200x8xf32> to vector<200x8xf32>
    %dot_general3A_180 = arith.constant dense<0.000000e+00> : vector<8x200xf32>
    %dot_general3A_181 = tpu.matmul %squeeze3A_179, %convert_element_type3A_177, %dot_general3A_180 {dimension_numbers = #tpu.dot_dimension_numbers<[0], [0], [1], [1], [0, 1, 1, 1], [], []>, precision = #tpu.contract_precision<fp32>, transpose_lhs_hint = false} : vector<200x8xf32>, vector<200x200xf32>, vector<8x200xf32> -> vector<8x200xf32>
    %add3A_182 = arith.addf %add3A_170, %dot_general3A_181 : vector<8x200xf32>
    %add3A_183 = arith.constant 1600 : i32
    %add3A_184 = vector.broadcast %add3A_183 : i32 to vector<200x200xi32>
    %add3A_185 = arith.addi %iota3A_83, %add3A_184 : vector<200x200xi32>
    %eq3A_186 = vector.broadcast %squeeze3A_85 : vector<1x200xi32> to vector<200x200xi32>
    %eq3A_187 = arith.cmpi eq, %add3A_185, %eq3A_186 : vector<200x200xi32>
    %convert_element_type3A_188 = arith.extui %eq3A_187 : vector<200x200xi1> to vector<200x200xi32>
    %convert_element_type3A_189 = arith.sitofp %convert_element_type3A_188 : vector<200x200xi32> to vector<200x200xf32>
    %slice3A_190 = vector.extract_strided_slice %get3A_67 {offsets = [8, 0, 0], sizes = [1, 200, 8], strides = [1, 1, 1]} : vector<80x200x8xf32> to vector<1x200x8xf32>
    %squeeze3A_191 = vector.shape_cast %slice3A_190 : vector<1x200x8xf32> to vector<200x8xf32>
    %dot_general3A_192 = arith.constant dense<0.000000e+00> : vector<8x200xf32>
    %dot_general3A_193 = tpu.matmul %squeeze3A_191, %convert_element_type3A_189, %dot_general3A_192 {dimension_numbers = #tpu.dot_dimension_numbers<[0], [0], [1], [1], [0, 1, 1, 1], [], []>, precision = #tpu.contract_precision<fp32>, transpose_lhs_hint = false} : vector<200x8xf32>, vector<200x200xf32>, vector<8x200xf32> -> vector<8x200xf32>
    %add3A_194 = arith.addf %add3A_182, %dot_general3A_193 : vector<8x200xf32>
    %add3A_195 = arith.constant 1800 : i32
    %add3A_196 = vector.broadcast %add3A_195 : i32 to vector<200x200xi32>
    %add3A_197 = arith.addi %iota3A_83, %add3A_196 : vector<200x200xi32>
    %eq3A_198 = vector.broadcast %squeeze3A_85 : vector<1x200xi32> to vector<200x200xi32>
    %eq3A_199 = arith.cmpi eq, %add3A_197, %eq3A_198 : vector<200x200xi32>
    %convert_element_type3A_200 = arith.extui %eq3A_199 : vector<200x200xi1> to vector<200x200xi32>
    %convert_element_type3A_201 = arith.sitofp %convert_element_type3A_200 : vector<200x200xi32> to vector<200x200xf32>
    %slice3A_202 = vector.extract_strided_slice %get3A_67 {offsets = [9, 0, 0], sizes = [1, 200, 8], strides = [1, 1, 1]} : vector<80x200x8xf32> to vector<1x200x8xf32>
    %squeeze3A_203 = vector.shape_cast %slice3A_202 : vector<1x200x8xf32> to vector<200x8xf32>
    %dot_general3A_204 = arith.constant dense<0.000000e+00> : vector<8x200xf32>
    %dot_general3A_205 = tpu.matmul %squeeze3A_203, %convert_element_type3A_201, %dot_general3A_204 {dimension_numbers = #tpu.dot_dimension_numbers<[0], [0], [1], [1], [0, 1, 1, 1], [], []>, precision = #tpu.contract_precision<fp32>, transpose_lhs_hint = false} : vector<200x8xf32>, vector<200x200xf32>, vector<8x200xf32> -> vector<8x200xf32>
    %add3A_206 = arith.addf %add3A_194, %dot_general3A_205 : vector<8x200xf32>
    %add3A_207 = arith.constant 2000 : i32
    %add3A_208 = vector.broadcast %add3A_207 : i32 to vector<200x200xi32>
    %add3A_209 = arith.addi %iota3A_83, %add3A_208 : vector<200x200xi32>
    %eq3A_210 = vector.broadcast %squeeze3A_85 : vector<1x200xi32> to vector<200x200xi32>
    %eq3A_211 = arith.cmpi eq, %add3A_209, %eq3A_210 : vector<200x200xi32>
    %convert_element_type3A_212 = arith.extui %eq3A_211 : vector<200x200xi1> to vector<200x200xi32>
    %convert_element_type3A_213 = arith.sitofp %convert_element_type3A_212 : vector<200x200xi32> to vector<200x200xf32>
    %slice3A_214 = vector.extract_strided_slice %get3A_67 {offsets = [10, 0, 0], sizes = [1, 200, 8], strides = [1, 1, 1]} : vector<80x200x8xf32> to vector<1x200x8xf32>
    %squeeze3A_215 = vector.shape_cast %slice3A_214 : vector<1x200x8xf32> to vector<200x8xf32>
    %dot_general3A_216 = arith.constant dense<0.000000e+00> : vector<8x200xf32>
    %dot_general3A_217 = tpu.matmul %squeeze3A_215, %convert_element_type3A_213, %dot_general3A_216 {dimension_numbers = #tpu.dot_dimension_numbers<[0], [0], [1], [1], [0, 1, 1, 1], [], []>, precision = #tpu.contract_precision<fp32>, transpose_lhs_hint = false} : vector<200x8xf32>, vector<200x200xf32>, vector<8x200xf32> -> vector<8x200xf32>
    %add3A_218 = arith.addf %add3A_206, %dot_general3A_217 : vector<8x200xf32>
    %add3A_219 = arith.constant 2200 : i32
    %add3A_220 = vector.broadcast %add3A_219 : i32 to vector<200x200xi32>
    %add3A_221 = arith.addi %iota3A_83, %add3A_220 : vector<200x200xi32>
    %eq3A_222 = vector.broadcast %squeeze3A_85 : vector<1x200xi32> to vector<200x200xi32>
    %eq3A_223 = arith.cmpi eq, %add3A_221, %eq3A_222 : vector<200x200xi32>
    %convert_element_type3A_224 = arith.extui %eq3A_223 : vector<200x200xi1> to vector<200x200xi32>
    %convert_element_type3A_225 = arith.sitofp %convert_element_type3A_224 : vector<200x200xi32> to vector<200x200xf32>
    %slice3A_226 = vector.extract_strided_slice %get3A_67 {offsets = [11, 0, 0], sizes = [1, 200, 8], strides = [1, 1, 1]} : vector<80x200x8xf32> to vector<1x200x8xf32>
    %squeeze3A_227 = vector.shape_cast %slice3A_226 : vector<1x200x8xf32> to vector<200x8xf32>
    %dot_general3A_228 = arith.constant dense<0.000000e+00> : vector<8x200xf32>
    %dot_general3A_229 = tpu.matmul %squeeze3A_227, %convert_element_type3A_225, %dot_general3A_228 {dimension_numbers = #tpu.dot_dimension_numbers<[0], [0], [1], [1], [0, 1, 1, 1], [], []>, precision = #tpu.contract_precision<fp32>, transpose_lhs_hint = false} : vector<200x8xf32>, vector<200x200xf32>, vector<8x200xf32> -> vector<8x200xf32>
    %add3A_230 = arith.addf %add3A_218, %dot_general3A_229 : vector<8x200xf32>
    %add3A_231 = arith.constant 2400 : i32
    %add3A_232 = vector.broadcast %add3A_231 : i32 to vector<200x200xi32>
    %add3A_233 = arith.addi %iota3A_83, %add3A_232 : vector<200x200xi32>
    %eq3A_234 = vector.broadcast %squeeze3A_85 : vector<1x200xi32> to vector<200x200xi32>
    %eq3A_235 = arith.cmpi eq, %add3A_233, %eq3A_234 : vector<200x200xi32>
    %convert_element_type3A_236 = arith.extui %eq3A_235 : vector<200x200xi1> to vector<200x200xi32>
    %convert_element_type3A_237 = arith.sitofp %convert_element_type3A_236 : vector<200x200xi32> to vector<200x200xf32>
    %slice3A_238 = vector.extract_strided_slice %get3A_67 {offsets = [12, 0, 0], sizes = [1, 200, 8], strides = [1, 1, 1]} : vector<80x200x8xf32> to vector<1x200x8xf32>
    %squeeze3A_239 = vector.shape_cast %slice3A_238 : vector<1x200x8xf32> to vector<200x8xf32>
    %dot_general3A_240 = arith.constant dense<0.000000e+00> : vector<8x200xf32>
    %dot_general3A_241 = tpu.matmul %squeeze3A_239, %convert_element_type3A_237, %dot_general3A_240 {dimension_numbers = #tpu.dot_dimension_numbers<[0], [0], [1], [1], [0, 1, 1, 1], [], []>, precision = #tpu.contract_precision<fp32>, transpose_lhs_hint = false} : vector<200x8xf32>, vector<200x200xf32>, vector<8x200xf32> -> vector<8x200xf32>
    %add3A_242 = arith.addf %add3A_230, %dot_general3A_241 : vector<8x200xf32>
    %add3A_243 = arith.constant 2600 : i32
    %add3A_244 = vector.broadcast %add3A_243 : i32 to vector<200x200xi32>
    %add3A_245 = arith.addi %iota3A_83, %add3A_244 : vector<200x200xi32>
    %eq3A_246 = vector.broadcast %squeeze3A_85 : vector<1x200xi32> to vector<200x200xi32>
    %eq3A_247 = arith.cmpi eq, %add3A_245, %eq3A_246 : vector<200x200xi32>
    %convert_element_type3A_248 = arith.extui %eq3A_247 : vector<200x200xi1> to vector<200x200xi32>
    %convert_element_type3A_249 = arith.sitofp %convert_element_type3A_248 : vector<200x200xi32> to vector<200x200xf32>
    %slice3A_250 = vector.extract_strided_slice %get3A_67 {offsets = [13, 0, 0], sizes = [1, 200, 8], strides = [1, 1, 1]} : vector<80x200x8xf32> to vector<1x200x8xf32>
    %squeeze3A_251 = vector.shape_cast %slice3A_250 : vector<1x200x8xf32> to vector<200x8xf32>
    %dot_general3A_252 = arith.constant dense<0.000000e+00> : vector<8x200xf32>
    %dot_general3A_253 = tpu.matmul %squeeze3A_251, %convert_element_type3A_249, %dot_general3A_252 {dimension_numbers = #tpu.dot_dimension_numbers<[0], [0], [1], [1], [0, 1, 1, 1], [], []>, precision = #tpu.contract_precision<fp32>, transpose_lhs_hint = false} : vector<200x8xf32>, vector<200x200xf32>, vector<8x200xf32> -> vector<8x200xf32>
    %add3A_254 = arith.addf %add3A_242, %dot_general3A_253 : vector<8x200xf32>
    %add3A_255 = arith.constant 2800 : i32
    %add3A_256 = vector.broadcast %add3A_255 : i32 to vector<200x200xi32>
    %add3A_257 = arith.addi %iota3A_83, %add3A_256 : vector<200x200xi32>
    %eq3A_258 = vector.broadcast %squeeze3A_85 : vector<1x200xi32> to vector<200x200xi32>
    %eq3A_259 = arith.cmpi eq, %add3A_257, %eq3A_258 : vector<200x200xi32>
    %convert_element_type3A_260 = arith.extui %eq3A_259 : vector<200x200xi1> to vector<200x200xi32>
    %convert_element_type3A_261 = arith.sitofp %convert_element_type3A_260 : vector<200x200xi32> to vector<200x200xf32>
    %slice3A_262 = vector.extract_strided_slice %get3A_67 {offsets = [14, 0, 0], sizes = [1, 200, 8], strides = [1, 1, 1]} : vector<80x200x8xf32> to vector<1x200x8xf32>
    %squeeze3A_263 = vector.shape_cast %slice3A_262 : vector<1x200x8xf32> to vector<200x8xf32>
    %dot_general3A_264 = arith.constant dense<0.000000e+00> : vector<8x200xf32>
    %dot_general3A_265 = tpu.matmul %squeeze3A_263, %convert_element_type3A_261, %dot_general3A_264 {dimension_numbers = #tpu.dot_dimension_numbers<[0], [0], [1], [1], [0, 1, 1, 1], [], []>, precision = #tpu.contract_precision<fp32>, transpose_lhs_hint = false} : vector<200x8xf32>, vector<200x200xf32>, vector<8x200xf32> -> vector<8x200xf32>
    %add3A_266 = arith.addf %add3A_254, %dot_general3A_265 : vector<8x200xf32>
    %add3A_267 = arith.constant 3000 : i32
    %add3A_268 = vector.broadcast %add3A_267 : i32 to vector<200x200xi32>
    %add3A_269 = arith.addi %iota3A_83, %add3A_268 : vector<200x200xi32>
    %eq3A_270 = vector.broadcast %squeeze3A_85 : vector<1x200xi32> to vector<200x200xi32>
    %eq3A_271 = arith.cmpi eq, %add3A_269, %eq3A_270 : vector<200x200xi32>
    %convert_element_type3A_272 = arith.extui %eq3A_271 : vector<200x200xi1> to vector<200x200xi32>
    %convert_element_type3A_273 = arith.sitofp %convert_element_type3A_272 : vector<200x200xi32> to vector<200x200xf32>
    %slice3A_274 = vector.extract_strided_slice %get3A_67 {offsets = [15, 0, 0], sizes = [1, 200, 8], strides = [1, 1, 1]} : vector<80x200x8xf32> to vector<1x200x8xf32>
    %squeeze3A_275 = vector.shape_cast %slice3A_274 : vector<1x200x8xf32> to vector<200x8xf32>
    %dot_general3A_276 = arith.constant dense<0.000000e+00> : vector<8x200xf32>
    %dot_general3A_277 = tpu.matmul %squeeze3A_275, %convert_element_type3A_273, %dot_general3A_276 {dimension_numbers = #tpu.dot_dimension_numbers<[0], [0], [1], [1], [0, 1, 1, 1], [], []>, precision = #tpu.contract_precision<fp32>, transpose_lhs_hint = false} : vector<200x8xf32>, vector<200x200xf32>, vector<8x200xf32> -> vector<8x200xf32>
    %add3A_278 = arith.addf %add3A_266, %dot_general3A_277 : vector<8x200xf32>
    %add3A_279 = arith.constant 3200 : i32
    %add3A_280 = vector.broadcast %add3A_279 : i32 to vector<200x200xi32>
    %add3A_281 = arith.addi %iota3A_83, %add3A_280 : vector<200x200xi32>
    %eq3A_282 = vector.broadcast %squeeze3A_85 : vector<1x200xi32> to vector<200x200xi32>
    %eq3A_283 = arith.cmpi eq, %add3A_281, %eq3A_282 : vector<200x200xi32>
    %convert_element_type3A_284 = arith.extui %eq3A_283 : vector<200x200xi1> to vector<200x200xi32>
    %convert_element_type3A_285 = arith.sitofp %convert_element_type3A_284 : vector<200x200xi32> to vector<200x200xf32>
    %slice3A_286 = vector.extract_strided_slice %get3A_67 {offsets = [16, 0, 0], sizes = [1, 200, 8], strides = [1, 1, 1]} : vector<80x200x8xf32> to vector<1x200x8xf32>
    %squeeze3A_287 = vector.shape_cast %slice3A_286 : vector<1x200x8xf32> to vector<200x8xf32>
    %dot_general3A_288 = arith.constant dense<0.000000e+00> : vector<8x200xf32>
    %dot_general3A_289 = tpu.matmul %squeeze3A_287, %convert_element_type3A_285, %dot_general3A_288 {dimension_numbers = #tpu.dot_dimension_numbers<[0], [0], [1], [1], [0, 1, 1, 1], [], []>, precision = #tpu.contract_precision<fp32>, transpose_lhs_hint = false} : vector<200x8xf32>, vector<200x200xf32>, vector<8x200xf32> -> vector<8x200xf32>
    %add3A_290 = arith.addf %add3A_278, %dot_general3A_289 : vector<8x200xf32>
    %add3A_291 = arith.constant 3400 : i32
    %add3A_292 = vector.broadcast %add3A_291 : i32 to vector<200x200xi32>
    %add3A_293 = arith.addi %iota3A_83, %add3A_292 : vector<200x200xi32>
    %eq3A_294 = vector.broadcast %squeeze3A_85 : vector<1x200xi32> to vector<200x200xi32>
    %eq3A_295 = arith.cmpi eq, %add3A_293, %eq3A_294 : vector<200x200xi32>
    %convert_element_type3A_296 = arith.extui %eq3A_295 : vector<200x200xi1> to vector<200x200xi32>
    %convert_element_type3A_297 = arith.sitofp %convert_element_type3A_296 : vector<200x200xi32> to vector<200x200xf32>
    %slice3A_298 = vector.extract_strided_slice %get3A_67 {offsets = [17, 0, 0], sizes = [1, 200, 8], strides = [1, 1, 1]} : vector<80x200x8xf32> to vector<1x200x8xf32>
    %squeeze3A_299 = vector.shape_cast %slice3A_298 : vector<1x200x8xf32> to vector<200x8xf32>
    %dot_general3A_300 = arith.constant dense<0.000000e+00> : vector<8x200xf32>
    %dot_general3A_301 = tpu.matmul %squeeze3A_299, %convert_element_type3A_297, %dot_general3A_300 {dimension_numbers = #tpu.dot_dimension_numbers<[0], [0], [1], [1], [0, 1, 1, 1], [], []>, precision = #tpu.contract_precision<fp32>, transpose_lhs_hint = false} : vector<200x8xf32>, vector<200x200xf32>, vector<8x200xf32> -> vector<8x200xf32>
    %add3A_302 = arith.addf %add3A_290, %dot_general3A_301 : vector<8x200xf32>
    %add3A_303 = arith.constant 3600 : i32
    %add3A_304 = vector.broadcast %add3A_303 : i32 to vector<200x200xi32>
    %add3A_305 = arith.addi %iota3A_83, %add3A_304 : vector<200x200xi32>
    %eq3A_306 = vector.broadcast %squeeze3A_85 : vector<1x200xi32> to vector<200x200xi32>
    %eq3A_307 = arith.cmpi eq, %add3A_305, %eq3A_306 : vector<200x200xi32>
    %convert_element_type3A_308 = arith.extui %eq3A_307 : vector<200x200xi1> to vector<200x200xi32>
    %convert_element_type3A_309 = arith.sitofp %convert_element_type3A_308 : vector<200x200xi32> to vector<200x200xf32>
    %slice3A_310 = vector.extract_strided_slice %get3A_67 {offsets = [18, 0, 0], sizes = [1, 200, 8], strides = [1, 1, 1]} : vector<80x200x8xf32> to vector<1x200x8xf32>
    %squeeze3A_311 = vector.shape_cast %slice3A_310 : vector<1x200x8xf32> to vector<200x8xf32>
    %dot_general3A_312 = arith.constant dense<0.000000e+00> : vector<8x200xf32>
    %dot_general3A_313 = tpu.matmul %squeeze3A_311, %convert_element_type3A_309, %dot_general3A_312 {dimension_numbers = #tpu.dot_dimension_numbers<[0], [0], [1], [1], [0, 1, 1, 1], [], []>, precision = #tpu.contract_precision<fp32>, transpose_lhs_hint = false} : vector<200x8xf32>, vector<200x200xf32>, vector<8x200xf32> -> vector<8x200xf32>
    %add3A_314 = arith.addf %add3A_302, %dot_general3A_313 : vector<8x200xf32>
    %add3A_315 = arith.constant 3800 : i32
    %add3A_316 = vector.broadcast %add3A_315 : i32 to vector<200x200xi32>
    %add3A_317 = arith.addi %iota3A_83, %add3A_316 : vector<200x200xi32>
    %eq3A_318 = vector.broadcast %squeeze3A_85 : vector<1x200xi32> to vector<200x200xi32>
    %eq3A_319 = arith.cmpi eq, %add3A_317, %eq3A_318 : vector<200x200xi32>
    %convert_element_type3A_320 = arith.extui %eq3A_319 : vector<200x200xi1> to vector<200x200xi32>
    %convert_element_type3A_321 = arith.sitofp %convert_element_type3A_320 : vector<200x200xi32> to vector<200x200xf32>
    %slice3A_322 = vector.extract_strided_slice %get3A_67 {offsets = [19, 0, 0], sizes = [1, 200, 8], strides = [1, 1, 1]} : vector<80x200x8xf32> to vector<1x200x8xf32>
    %squeeze3A_323 = vector.shape_cast %slice3A_322 : vector<1x200x8xf32> to vector<200x8xf32>
    %dot_general3A_324 = arith.constant dense<0.000000e+00> : vector<8x200xf32>
    %dot_general3A_325 = tpu.matmul %squeeze3A_323, %convert_element_type3A_321, %dot_general3A_324 {dimension_numbers = #tpu.dot_dimension_numbers<[0], [0], [1], [1], [0, 1, 1, 1], [], []>, precision = #tpu.contract_precision<fp32>, transpose_lhs_hint = false} : vector<200x8xf32>, vector<200x200xf32>, vector<8x200xf32> -> vector<8x200xf32>
    %add3A_326 = arith.addf %add3A_314, %dot_general3A_325 : vector<8x200xf32>
    %swap3A = arith.constant 0 : index
    %swap3A_327 = arith.constant 0 : index
    %swap3A_328 = arith.constant 0 : index
    %swap3A_329 = vector.load %arg1[%swap3A, %swap3A_327, %swap3A_328] : memref<4x8x200xf32, #tpu.memory_space<vmem>>, vector<1x8x200xf32>
    %swap3A_330 = vector.shape_cast %swap3A_329 : vector<1x8x200xf32> to vector<8x200xf32>
    %swap3A_331 = vector.shape_cast %add3A_326 : vector<8x200xf32> to vector<1x8x200xf32>
    tpu.vector_store %arg1[%swap3A, %swap3A_327, %swap3A_328], %swap3A_331 {strides = array<i32>} : memref<4x8x200xf32, #tpu.memory_space<vmem>>, vector<1x8x200xf32>,
    %slice3A_332 = vector.extract_strided_slice %scan3A_81#1 {offsets = [1, 0, 0], sizes = [1, 1, 200], strides = [1, 1, 1]} : vector<4x1x200xi32> to vector<1x1x200xi32>
    %squeeze3A_333 = vector.shape_cast %slice3A_332 : vector<1x1x200xi32> to vector<1x200xi32>
    %broadcast_in_dim3A_334 = arith.constant 0.000000e+00 : f32
    %broadcast_in_dim3A_335 = vector.broadcast %broadcast_in_dim3A_334 : f32 to vector<8x200xf32>
    %add3A_336 = arith.constant 0 : i32
    %add3A_337 = vector.broadcast %add3A_336 : i32 to vector<200x200xi32>
    %add3A_338 = arith.addi %iota3A_83, %add3A_337 : vector<200x200xi32>
    %eq3A_339 = vector.broadcast %squeeze3A_333 : vector<1x200xi32> to vector<200x200xi32>
    %eq3A_340 = arith.cmpi eq, %add3A_338, %eq3A_339 : vector<200x200xi32>
    %convert_element_type3A_341 = arith.extui %eq3A_340 : vector<200x200xi1> to vector<200x200xi32>
    %convert_element_type3A_342 = arith.sitofp %convert_element_type3A_341 : vector<200x200xi32> to vector<200x200xf32>
    %slice3A_343 = vector.extract_strided_slice %get3A_67 {offsets = [20, 0, 0], sizes = [1, 200, 8], strides = [1, 1, 1]} : vector<80x200x8xf32> to vector<1x200x8xf32>
    %squeeze3A_344 = vector.shape_cast %slice3A_343 : vector<1x200x8xf32> to vector<200x8xf32>
    %dot_general3A_345 = arith.constant dense<0.000000e+00> : vector<8x200xf32>
    %dot_general3A_346 = tpu.matmul %squeeze3A_344, %convert_element_type3A_342, %dot_general3A_345 {dimension_numbers = #tpu.dot_dimension_numbers<[0], [0], [1], [1], [0, 1, 1, 1], [], []>, precision = #tpu.contract_precision<fp32>, transpose_lhs_hint = false} : vector<200x8xf32>, vector<200x200xf32>, vector<8x200xf32> -> vector<8x200xf32>
    %add3A_347 = arith.addf %broadcast_in_dim3A_335, %dot_general3A_346 : vector<8x200xf32>
    %add3A_348 = arith.constant 200 : i32
    %add3A_349 = vector.broadcast %add3A_348 : i32 to vector<200x200xi32>
    %add3A_350 = arith.addi %iota3A_83, %add3A_349 : vector<200x200xi32>
    %eq3A_351 = vector.broadcast %squeeze3A_333 : vector<1x200xi32> to vector<200x200xi32>
    %eq3A_352 = arith.cmpi eq, %add3A_350, %eq3A_351 : vector<200x200xi32>
    %convert_element_type3A_353 = arith.extui %eq3A_352 : vector<200x200xi1> to vector<200x200xi32>
    %convert_element_type3A_354 = arith.sitofp %convert_element_type3A_353 : vector<200x200xi32> to vector<200x200xf32>
    %slice3A_355 = vector.extract_strided_slice %get3A_67 {offsets = [21, 0, 0], sizes = [1, 200, 8], strides = [1, 1, 1]} : vector<80x200x8xf32> to vector<1x200x8xf32>
    %squeeze3A_356 = vector.shape_cast %slice3A_355 : vector<1x200x8xf32> to vector<200x8xf32>
    %dot_general3A_357 = arith.constant dense<0.000000e+00> : vector<8x200xf32>
    %dot_general3A_358 = tpu.matmul %squeeze3A_356, %convert_element_type3A_354, %dot_general3A_357 {dimension_numbers = #tpu.dot_dimension_numbers<[0], [0], [1], [1], [0, 1, 1, 1], [], []>, precision = #tpu.contract_precision<fp32>, transpose_lhs_hint = false} : vector<200x8xf32>, vector<200x200xf32>, vector<8x200xf32> -> vector<8x200xf32>
    %add3A_359 = arith.addf %add3A_347, %dot_general3A_358 : vector<8x200xf32>
    %add3A_360 = arith.constant 400 : i32
    %add3A_361 = vector.broadcast %add3A_360 : i32 to vector<200x200xi32>
    %add3A_362 = arith.addi %iota3A_83, %add3A_361 : vector<200x200xi32>
    %eq3A_363 = vector.broadcast %squeeze3A_333 : vector<1x200xi32> to vector<200x200xi32>
    %eq3A_364 = arith.cmpi eq, %add3A_362, %eq3A_363 : vector<200x200xi32>
    %convert_element_type3A_365 = arith.extui %eq3A_364 : vector<200x200xi1> to vector<200x200xi32>
    %convert_element_type3A_366 = arith.sitofp %convert_element_type3A_365 : vector<200x200xi32> to vector<200x200xf32>
    %slice3A_367 = vector.extract_strided_slice %get3A_67 {offsets = [22, 0, 0], sizes = [1, 200, 8], strides = [1, 1, 1]} : vector<80x200x8xf32> to vector<1x200x8xf32>
    %squeeze3A_368 = vector.shape_cast %slice3A_367 : vector<1x200x8xf32> to vector<200x8xf32>
    %dot_general3A_369 = arith.constant dense<0.000000e+00> : vector<8x200xf32>
    %dot_general3A_370 = tpu.matmul %squeeze3A_368, %convert_element_type3A_366, %dot_general3A_369 {dimension_numbers = #tpu.dot_dimension_numbers<[0], [0], [1], [1], [0, 1, 1, 1], [], []>, precision = #tpu.contract_precision<fp32>, transpose_lhs_hint = false} : vector<200x8xf32>, vector<200x200xf32>, vector<8x200xf32> -> vector<8x200xf32>
    %add3A_371 = arith.addf %add3A_359, %dot_general3A_370 : vector<8x200xf32>
    %add3A_372 = arith.constant 600 : i32
    %add3A_373 = vector.broadcast %add3A_372 : i32 to vector<200x200xi32>
    %add3A_374 = arith.addi %iota3A_83, %add3A_373 : vector<200x200xi32>
    %eq3A_375 = vector.broadcast %squeeze3A_333 : vector<1x200xi32> to vector<200x200xi32>
    %eq3A_376 = arith.cmpi eq, %add3A_374, %eq3A_375 : vector<200x200xi32>
    %convert_element_type3A_377 = arith.extui %eq3A_376 : vector<200x200xi1> to vector<200x200xi32>
    %convert_element_type3A_378 = arith.sitofp %convert_element_type3A_377 : vector<200x200xi32> to vector<200x200xf32>
    %slice3A_379 = vector.extract_strided_slice %get3A_67 {offsets = [23, 0, 0], sizes = [1, 200, 8], strides = [1, 1, 1]} : vector<80x200x8xf32> to vector<1x200x8xf32>
    %squeeze3A_380 = vector.shape_cast %slice3A_379 : vector<1x200x8xf32> to vector<200x8xf32>
    %dot_general3A_381 = arith.constant dense<0.000000e+00> : vector<8x200xf32>
    %dot_general3A_382 = tpu.matmul %squeeze3A_380, %convert_element_type3A_378, %dot_general3A_381 {dimension_numbers = #tpu.dot_dimension_numbers<[0], [0], [1], [1], [0, 1, 1, 1], [], []>, precision = #tpu.contract_precision<fp32>, transpose_lhs_hint = false} : vector<200x8xf32>, vector<200x200xf32>, vector<8x200xf32> -> vector<8x200xf32>
    %add3A_383 = arith.addf %add3A_371, %dot_general3A_382 : vector<8x200xf32>
    %add3A_384 = arith.constant 800 : i32
    %add3A_385 = vector.broadcast %add3A_384 : i32 to vector<200x200xi32>
    %add3A_386 = arith.addi %iota3A_83, %add3A_385 : vector<200x200xi32>
    %eq3A_387 = vector.broadcast %squeeze3A_333 : vector<1x200xi32> to vector<200x200xi32>
    %eq3A_388 = arith.cmpi eq, %add3A_386, %eq3A_387 : vector<200x200xi32>
    %convert_element_type3A_389 = arith.extui %eq3A_388 : vector<200x200xi1> to vector<200x200xi32>
    %convert_element_type3A_390 = arith.sitofp %convert_element_type3A_389 : vector<200x200xi32> to vector<200x200xf32>
    %slice3A_391 = vector.extract_strided_slice %get3A_67 {offsets = [24, 0, 0], sizes = [1, 200, 8], strides = [1, 1, 1]} : vector<80x200x8xf32> to vector<1x200x8xf32>
    %squeeze3A_392 = vector.shape_cast %slice3A_391 : vector<1x200x8xf32> to vector<200x8xf32>
    %dot_general3A_393 = arith.constant dense<0.000000e+00> : vector<8x200xf32>
    %dot_general3A_394 = tpu.matmul %squeeze3A_392, %convert_element_type3A_390, %dot_general3A_393 {dimension_numbers = #tpu.dot_dimension_numbers<[0], [0], [1], [1], [0, 1, 1, 1], [], []>, precision = #tpu.contract_precision<fp32>, transpose_lhs_hint = false} : vector<200x8xf32>, vector<200x200xf32>, vector<8x200xf32> -> vector<8x200xf32>
    %add3A_395 = arith.addf %add3A_383, %dot_general3A_394 : vector<8x200xf32>
    %add3A_396 = arith.constant 1000 : i32
    %add3A_397 = vector.broadcast %add3A_396 : i32 to vector<200x200xi32>
    %add3A_398 = arith.addi %iota3A_83, %add3A_397 : vector<200x200xi32>
    %eq3A_399 = vector.broadcast %squeeze3A_333 : vector<1x200xi32> to vector<200x200xi32>
    %eq3A_400 = arith.cmpi eq, %add3A_398, %eq3A_399 : vector<200x200xi32>
    %convert_element_type3A_401 = arith.extui %eq3A_400 : vector<200x200xi1> to vector<200x200xi32>
    %convert_element_type3A_402 = arith.sitofp %convert_element_type3A_401 : vector<200x200xi32> to vector<200x200xf32>
    %slice3A_403 = vector.extract_strided_slice %get3A_67 {offsets = [25, 0, 0], sizes = [1, 200, 8], strides = [1, 1, 1]} : vector<80x200x8xf32> to vector<1x200x8xf32>
    %squeeze3A_404 = vector.shape_cast %slice3A_403 : vector<1x200x8xf32> to vector<200x8xf32>
    %dot_general3A_405 = arith.constant dense<0.000000e+00> : vector<8x200xf32>
    %dot_general3A_406 = tpu.matmul %squeeze3A_404, %convert_element_type3A_402, %dot_general3A_405 {dimension_numbers = #tpu.dot_dimension_numbers<[0], [0], [1], [1], [0, 1, 1, 1], [], []>, precision = #tpu.contract_precision<fp32>, transpose_lhs_hint = false} : vector<200x8xf32>, vector<200x200xf32>, vector<8x200xf32> -> vector<8x200xf32>
    %add3A_407 = arith.addf %add3A_395, %dot_general3A_406 : vector<8x200xf32>
    %add3A_408 = arith.constant 1200 : i32
    %add3A_409 = vector.broadcast %add3A_408 : i32 to vector<200x200xi32>
    %add3A_410 = arith.addi %iota3A_83, %add3A_409 : vector<200x200xi32>
    %eq3A_411 = vector.broadcast %squeeze3A_333 : vector<1x200xi32> to vector<200x200xi32>
    %eq3A_412 = arith.cmpi eq, %add3A_410, %eq3A_411 : vector<200x200xi32>
    %convert_element_type3A_413 = arith.extui %eq3A_412 : vector<200x200xi1> to vector<200x200xi32>
    %convert_element_type3A_414 = arith.sitofp %convert_element_type3A_413 : vector<200x200xi32> to vector<200x200xf32>
    %slice3A_415 = vector.extract_strided_slice %get3A_67 {offsets = [26, 0, 0], sizes = [1, 200, 8], strides = [1, 1, 1]} : vector<80x200x8xf32> to vector<1x200x8xf32>
    %squeeze3A_416 = vector.shape_cast %slice3A_415 : vector<1x200x8xf32> to vector<200x8xf32>
    %dot_general3A_417 = arith.constant dense<0.000000e+00> : vector<8x200xf32>
    %dot_general3A_418 = tpu.matmul %squeeze3A_416, %convert_element_type3A_414, %dot_general3A_417 {dimension_numbers = #tpu.dot_dimension_numbers<[0], [0], [1], [1], [0, 1, 1, 1], [], []>, precision = #tpu.contract_precision<fp32>, transpose_lhs_hint = false} : vector<200x8xf32>, vector<200x200xf32>, vector<8x200xf32> -> vector<8x200xf32>
    %add3A_419 = arith.addf %add3A_407, %dot_general3A_418 : vector<8x200xf32>
    %add3A_420 = arith.constant 1400 : i32
    %add3A_421 = vector.broadcast %add3A_420 : i32 to vector<200x200xi32>
    %add3A_422 = arith.addi %iota3A_83, %add3A_421 : vector<200x200xi32>
    %eq3A_423 = vector.broadcast %squeeze3A_333 : vector<1x200xi32> to vector<200x200xi32>
    %eq3A_424 = arith.cmpi eq, %add3A_422, %eq3A_423 : vector<200x200xi32>
    %convert_element_type3A_425 = arith.extui %eq3A_424 : vector<200x200xi1> to vector<200x200xi32>
    %convert_element_type3A_426 = arith.sitofp %convert_element_type3A_425 : vector<200x200xi32> to vector<200x200xf32>
    %slice3A_427 = vector.extract_strided_slice %get3A_67 {offsets = [27, 0, 0], sizes = [1, 200, 8], strides = [1, 1, 1]} : vector<80x200x8xf32> to vector<1x200x8xf32>
    %squeeze3A_428 = vector.shape_cast %slice3A_427 : vector<1x200x8xf32> to vector<200x8xf32>
    %dot_general3A_429 = arith.constant dense<0.000000e+00> : vector<8x200xf32>
    %dot_general3A_430 = tpu.matmul %squeeze3A_428, %convert_element_type3A_426, %dot_general3A_429 {dimension_numbers = #tpu.dot_dimension_numbers<[0], [0], [1], [1], [0, 1, 1, 1], [], []>, precision = #tpu.contract_precision<fp32>, transpose_lhs_hint = false} : vector<200x8xf32>, vector<200x200xf32>, vector<8x200xf32> -> vector<8x200xf32>
    %add3A_431 = arith.addf %add3A_419, %dot_general3A_430 : vector<8x200xf32>
    %add3A_432 = arith.constant 1600 : i32
    %add3A_433 = vector.broadcast %add3A_432 : i32 to vector<200x200xi32>
    %add3A_434 = arith.addi %iota3A_83, %add3A_433 : vector<200x200xi32>
    %eq3A_435 = vector.broadcast %squeeze3A_333 : vector<1x200xi32> to vector<200x200xi32>
    %eq3A_436 = arith.cmpi eq, %add3A_434, %eq3A_435 : vector<200x200xi32>
    %convert_element_type3A_437 = arith.extui %eq3A_436 : vector<200x200xi1> to vector<200x200xi32>
    %convert_element_type3A_438 = arith.sitofp %convert_element_type3A_437 : vector<200x200xi32> to vector<200x200xf32>
    %slice3A_439 = vector.extract_strided_slice %get3A_67 {offsets = [28, 0, 0], sizes = [1, 200, 8], strides = [1, 1, 1]} : vector<80x200x8xf32> to vector<1x200x8xf32>
    %squeeze3A_440 = vector.shape_cast %slice3A_439 : vector<1x200x8xf32> to vector<200x8xf32>
    %dot_general3A_441 = arith.constant dense<0.000000e+00> : vector<8x200xf32>
    %dot_general3A_442 = tpu.matmul %squeeze3A_440, %convert_element_type3A_438, %dot_general3A_441 {dimension_numbers = #tpu.dot_dimension_numbers<[0], [0], [1], [1], [0, 1, 1, 1], [], []>, precision = #tpu.contract_precision<fp32>, transpose_lhs_hint = false} : vector<200x8xf32>, vector<200x200xf32>, vector<8x200xf32> -> vector<8x200xf32>
    %add3A_443 = arith.addf %add3A_431, %dot_general3A_442 : vector<8x200xf32>
    %add3A_444 = arith.constant 1800 : i32
    %add3A_445 = vector.broadcast %add3A_444 : i32 to vector<200x200xi32>
    %add3A_446 = arith.addi %iota3A_83, %add3A_445 : vector<200x200xi32>
    %eq3A_447 = vector.broadcast %squeeze3A_333 : vector<1x200xi32> to vector<200x200xi32>
    %eq3A_448 = arith.cmpi eq, %add3A_446, %eq3A_447 : vector<200x200xi32>
    %convert_element_type3A_449 = arith.extui %eq3A_448 : vector<200x200xi1> to vector<200x200xi32>
    %convert_element_type3A_450 = arith.sitofp %convert_element_type3A_449 : vector<200x200xi32> to vector<200x200xf32>
    %slice3A_451 = vector.extract_strided_slice %get3A_67 {offsets = [29, 0, 0], sizes = [1, 200, 8], strides = [1, 1, 1]} : vector<80x200x8xf32> to vector<1x200x8xf32>
    %squeeze3A_452 = vector.shape_cast %slice3A_451 : vector<1x200x8xf32> to vector<200x8xf32>
    %dot_general3A_453 = arith.constant dense<0.000000e+00> : vector<8x200xf32>
    %dot_general3A_454 = tpu.matmul %squeeze3A_452, %convert_element_type3A_450, %dot_general3A_453 {dimension_numbers = #tpu.dot_dimension_numbers<[0], [0], [1], [1], [0, 1, 1, 1], [], []>, precision = #tpu.contract_precision<fp32>, transpose_lhs_hint = false} : vector<200x8xf32>, vector<200x200xf32>, vector<8x200xf32> -> vector<8x200xf32>
    %add3A_455 = arith.addf %add3A_443, %dot_general3A_454 : vector<8x200xf32>
    %add3A_456 = arith.constant 2000 : i32
    %add3A_457 = vector.broadcast %add3A_456 : i32 to vector<200x200xi32>
    %add3A_458 = arith.addi %iota3A_83, %add3A_457 : vector<200x200xi32>
    %eq3A_459 = vector.broadcast %squeeze3A_333 : vector<1x200xi32> to vector<200x200xi32>
    %eq3A_460 = arith.cmpi eq, %add3A_458, %eq3A_459 : vector<200x200xi32>
    %convert_element_type3A_461 = arith.extui %eq3A_460 : vector<200x200xi1> to vector<200x200xi32>
    %convert_element_type3A_462 = arith.sitofp %convert_element_type3A_461 : vector<200x200xi32> to vector<200x200xf32>
    %slice3A_463 = vector.extract_strided_slice %get3A_67 {offsets = [30, 0, 0], sizes = [1, 200, 8], strides = [1, 1, 1]} : vector<80x200x8xf32> to vector<1x200x8xf32>
    %squeeze3A_464 = vector.shape_cast %slice3A_463 : vector<1x200x8xf32> to vector<200x8xf32>
    %dot_general3A_465 = arith.constant dense<0.000000e+00> : vector<8x200xf32>
    %dot_general3A_466 = tpu.matmul %squeeze3A_464, %convert_element_type3A_462, %dot_general3A_465 {dimension_numbers = #tpu.dot_dimension_numbers<[0], [0], [1], [1], [0, 1, 1, 1], [], []>, precision = #tpu.contract_precision<fp32>, transpose_lhs_hint = false} : vector<200x8xf32>, vector<200x200xf32>, vector<8x200xf32> -> vector<8x200xf32>
    %add3A_467 = arith.addf %add3A_455, %dot_general3A_466 : vector<8x200xf32>
    %add3A_468 = arith.constant 2200 : i32
    %add3A_469 = vector.broadcast %add3A_468 : i32 to vector<200x200xi32>
    %add3A_470 = arith.addi %iota3A_83, %add3A_469 : vector<200x200xi32>
    %eq3A_471 = vector.broadcast %squeeze3A_333 : vector<1x200xi32> to vector<200x200xi32>
    %eq3A_472 = arith.cmpi eq, %add3A_470, %eq3A_471 : vector<200x200xi32>
    %convert_element_type3A_473 = arith.extui %eq3A_472 : vector<200x200xi1> to vector<200x200xi32>
    %convert_element_type3A_474 = arith.sitofp %convert_element_type3A_473 : vector<200x200xi32> to vector<200x200xf32>
    %slice3A_475 = vector.extract_strided_slice %get3A_67 {offsets = [31, 0, 0], sizes = [1, 200, 8], strides = [1, 1, 1]} : vector<80x200x8xf32> to vector<1x200x8xf32>
    %squeeze3A_476 = vector.shape_cast %slice3A_475 : vector<1x200x8xf32> to vector<200x8xf32>
    %dot_general3A_477 = arith.constant dense<0.000000e+00> : vector<8x200xf32>
    %dot_general3A_478 = tpu.matmul %squeeze3A_476, %convert_element_type3A_474, %dot_general3A_477 {dimension_numbers = #tpu.dot_dimension_numbers<[0], [0], [1], [1], [0, 1, 1, 1], [], []>, precision = #tpu.contract_precision<fp32>, transpose_lhs_hint = false} : vector<200x8xf32>, vector<200x200xf32>, vector<8x200xf32> -> vector<8x200xf32>
    %add3A_479 = arith.addf %add3A_467, %dot_general3A_478 : vector<8x200xf32>
    %add3A_480 = arith.constant 2400 : i32
    %add3A_481 = vector.broadcast %add3A_480 : i32 to vector<200x200xi32>
    %add3A_482 = arith.addi %iota3A_83, %add3A_481 : vector<200x200xi32>
    %eq3A_483 = vector.broadcast %squeeze3A_333 : vector<1x200xi32> to vector<200x200xi32>
    %eq3A_484 = arith.cmpi eq, %add3A_482, %eq3A_483 : vector<200x200xi32>
    %convert_element_type3A_485 = arith.extui %eq3A_484 : vector<200x200xi1> to vector<200x200xi32>
    %convert_element_type3A_486 = arith.sitofp %convert_element_type3A_485 : vector<200x200xi32> to vector<200x200xf32>
    %slice3A_487 = vector.extract_strided_slice %get3A_67 {offsets = [32, 0, 0], sizes = [1, 200, 8], strides = [1, 1, 1]} : vector<80x200x8xf32> to vector<1x200x8xf32>
    %squeeze3A_488 = vector.shape_cast %slice3A_487 : vector<1x200x8xf32> to vector<200x8xf32>
    %dot_general3A_489 = arith.constant dense<0.000000e+00> : vector<8x200xf32>
    %dot_general3A_490 = tpu.matmul %squeeze3A_488, %convert_element_type3A_486, %dot_general3A_489 {dimension_numbers = #tpu.dot_dimension_numbers<[0], [0], [1], [1], [0, 1, 1, 1], [], []>, precision = #tpu.contract_precision<fp32>, transpose_lhs_hint = false} : vector<200x8xf32>, vector<200x200xf32>, vector<8x200xf32> -> vector<8x200xf32>
    %add3A_491 = arith.addf %add3A_479, %dot_general3A_490 : vector<8x200xf32>
    %add3A_492 = arith.constant 2600 : i32
    %add3A_493 = vector.broadcast %add3A_492 : i32 to vector<200x200xi32>
    %add3A_494 = arith.addi %iota3A_83, %add3A_493 : vector<200x200xi32>
    %eq3A_495 = vector.broadcast %squeeze3A_333 : vector<1x200xi32> to vector<200x200xi32>
    %eq3A_496 = arith.cmpi eq, %add3A_494, %eq3A_495 : vector<200x200xi32>
    %convert_element_type3A_497 = arith.extui %eq3A_496 : vector<200x200xi1> to vector<200x200xi32>
    %convert_element_type3A_498 = arith.sitofp %convert_element_type3A_497 : vector<200x200xi32> to vector<200x200xf32>
    %slice3A_499 = vector.extract_strided_slice %get3A_67 {offsets = [33, 0, 0], sizes = [1, 200, 8], strides = [1, 1, 1]} : vector<80x200x8xf32> to vector<1x200x8xf32>
    %squeeze3A_500 = vector.shape_cast %slice3A_499 : vector<1x200x8xf32> to vector<200x8xf32>
    %dot_general3A_501 = arith.constant dense<0.000000e+00> : vector<8x200xf32>
    %dot_general3A_502 = tpu.matmul %squeeze3A_500, %convert_element_type3A_498, %dot_general3A_501 {dimension_numbers = #tpu.dot_dimension_numbers<[0], [0], [1], [1], [0, 1, 1, 1], [], []>, precision = #tpu.contract_precision<fp32>, transpose_lhs_hint = false} : vector<200x8xf32>, vector<200x200xf32>, vector<8x200xf32> -> vector<8x200xf32>
    %add3A_503 = arith.addf %add3A_491, %dot_general3A_502 : vector<8x200xf32>
    %add3A_504 = arith.constant 2800 : i32
    %add3A_505 = vector.broadcast %add3A_504 : i32 to vector<200x200xi32>
    %add3A_506 = arith.addi %iota3A_83, %add3A_505 : vector<200x200xi32>
    %eq3A_507 = vector.broadcast %squeeze3A_333 : vector<1x200xi32> to vector<200x200xi32>
    %eq3A_508 = arith.cmpi eq, %add3A_506, %eq3A_507 : vector<200x200xi32>
    %convert_element_type3A_509 = arith.extui %eq3A_508 : vector<200x200xi1> to vector<200x200xi32>
    %convert_element_type3A_510 = arith.sitofp %convert_element_type3A_509 : vector<200x200xi32> to vector<200x200xf32>
    %slice3A_511 = vector.extract_strided_slice %get3A_67 {offsets = [34, 0, 0], sizes = [1, 200, 8], strides = [1, 1, 1]} : vector<80x200x8xf32> to vector<1x200x8xf32>
    %squeeze3A_512 = vector.shape_cast %slice3A_511 : vector<1x200x8xf32> to vector<200x8xf32>
    %dot_general3A_513 = arith.constant dense<0.000000e+00> : vector<8x200xf32>
    %dot_general3A_514 = tpu.matmul %squeeze3A_512, %convert_element_type3A_510, %dot_general3A_513 {dimension_numbers = #tpu.dot_dimension_numbers<[0], [0], [1], [1], [0, 1, 1, 1], [], []>, precision = #tpu.contract_precision<fp32>, transpose_lhs_hint = false} : vector<200x8xf32>, vector<200x200xf32>, vector<8x200xf32> -> vector<8x200xf32>
    %add3A_515 = arith.addf %add3A_503, %dot_general3A_514 : vector<8x200xf32>
    %add3A_516 = arith.constant 3000 : i32
    %add3A_517 = vector.broadcast %add3A_516 : i32 to vector<200x200xi32>
    %add3A_518 = arith.addi %iota3A_83, %add3A_517 : vector<200x200xi32>
    %eq3A_519 = vector.broadcast %squeeze3A_333 : vector<1x200xi32> to vector<200x200xi32>
    %eq3A_520 = arith.cmpi eq, %add3A_518, %eq3A_519 : vector<200x200xi32>
    %convert_element_type3A_521 = arith.extui %eq3A_520 : vector<200x200xi1> to vector<200x200xi32>
    %convert_element_type3A_522 = arith.sitofp %convert_element_type3A_521 : vector<200x200xi32> to vector<200x200xf32>
    %slice3A_523 = vector.extract_strided_slice %get3A_67 {offsets = [35, 0, 0], sizes = [1, 200, 8], strides = [1, 1, 1]} : vector<80x200x8xf32> to vector<1x200x8xf32>
    %squeeze3A_524 = vector.shape_cast %slice3A_523 : vector<1x200x8xf32> to vector<200x8xf32>
    %dot_general3A_525 = arith.constant dense<0.000000e+00> : vector<8x200xf32>
    %dot_general3A_526 = tpu.matmul %squeeze3A_524, %convert_element_type3A_522, %dot_general3A_525 {dimension_numbers = #tpu.dot_dimension_numbers<[0], [0], [1], [1], [0, 1, 1, 1], [], []>, precision = #tpu.contract_precision<fp32>, transpose_lhs_hint = false} : vector<200x8xf32>, vector<200x200xf32>, vector<8x200xf32> -> vector<8x200xf32>
    %add3A_527 = arith.addf %add3A_515, %dot_general3A_526 : vector<8x200xf32>
    %add3A_528 = arith.constant 3200 : i32
    %add3A_529 = vector.broadcast %add3A_528 : i32 to vector<200x200xi32>
    %add3A_530 = arith.addi %iota3A_83, %add3A_529 : vector<200x200xi32>
    %eq3A_531 = vector.broadcast %squeeze3A_333 : vector<1x200xi32> to vector<200x200xi32>
    %eq3A_532 = arith.cmpi eq, %add3A_530, %eq3A_531 : vector<200x200xi32>
    %convert_element_type3A_533 = arith.extui %eq3A_532 : vector<200x200xi1> to vector<200x200xi32>
    %convert_element_type3A_534 = arith.sitofp %convert_element_type3A_533 : vector<200x200xi32> to vector<200x200xf32>
    %slice3A_535 = vector.extract_strided_slice %get3A_67 {offsets = [36, 0, 0], sizes = [1, 200, 8], strides = [1, 1, 1]} : vector<80x200x8xf32> to vector<1x200x8xf32>
    %squeeze3A_536 = vector.shape_cast %slice3A_535 : vector<1x200x8xf32> to vector<200x8xf32>
    %dot_general3A_537 = arith.constant dense<0.000000e+00> : vector<8x200xf32>
    %dot_general3A_538 = tpu.matmul %squeeze3A_536, %convert_element_type3A_534, %dot_general3A_537 {dimension_numbers = #tpu.dot_dimension_numbers<[0], [0], [1], [1], [0, 1, 1, 1], [], []>, precision = #tpu.contract_precision<fp32>, transpose_lhs_hint = false} : vector<200x8xf32>, vector<200x200xf32>, vector<8x200xf32> -> vector<8x200xf32>
    %add3A_539 = arith.addf %add3A_527, %dot_general3A_538 : vector<8x200xf32>
    %add3A_540 = arith.constant 3400 : i32
    %add3A_541 = vector.broadcast %add3A_540 : i32 to vector<200x200xi32>
    %add3A_542 = arith.addi %iota3A_83, %add3A_541 : vector<200x200xi32>
    %eq3A_543 = vector.broadcast %squeeze3A_333 : vector<1x200xi32> to vector<200x200xi32>
    %eq3A_544 = arith.cmpi eq, %add3A_542, %eq3A_543 : vector<200x200xi32>
    %convert_element_type3A_545 = arith.extui %eq3A_544 : vector<200x200xi1> to vector<200x200xi32>
    %convert_element_type3A_546 = arith.sitofp %convert_element_type3A_545 : vector<200x200xi32> to vector<200x200xf32>
    %slice3A_547 = vector.extract_strided_slice %get3A_67 {offsets = [37, 0, 0], sizes = [1, 200, 8], strides = [1, 1, 1]} : vector<80x200x8xf32> to vector<1x200x8xf32>
    %squeeze3A_548 = vector.shape_cast %slice3A_547 : vector<1x200x8xf32> to vector<200x8xf32>
    %dot_general3A_549 = arith.constant dense<0.000000e+00> : vector<8x200xf32>
    %dot_general3A_550 = tpu.matmul %squeeze3A_548, %convert_element_type3A_546, %dot_general3A_549 {dimension_numbers = #tpu.dot_dimension_numbers<[0], [0], [1], [1], [0, 1, 1, 1], [], []>, precision = #tpu.contract_precision<fp32>, transpose_lhs_hint = false} : vector<200x8xf32>, vector<200x200xf32>, vector<8x200xf32> -> vector<8x200xf32>
    %add3A_551 = arith.addf %add3A_539, %dot_general3A_550 : vector<8x200xf32>
    %add3A_552 = arith.constant 3600 : i32
    %add3A_553 = vector.broadcast %add3A_552 : i32 to vector<200x200xi32>
    %add3A_554 = arith.addi %iota3A_83, %add3A_553 : vector<200x200xi32>
    %eq3A_555 = vector.broadcast %squeeze3A_333 : vector<1x200xi32> to vector<200x200xi32>
    %eq3A_556 = arith.cmpi eq, %add3A_554, %eq3A_555 : vector<200x200xi32>
    %convert_element_type3A_557 = arith.extui %eq3A_556 : vector<200x200xi1> to vector<200x200xi32>
    %convert_element_type3A_558 = arith.sitofp %convert_element_type3A_557 : vector<200x200xi32> to vector<200x200xf32>
    %slice3A_559 = vector.extract_strided_slice %get3A_67 {offsets = [38, 0, 0], sizes = [1, 200, 8], strides = [1, 1, 1]} : vector<80x200x8xf32> to vector<1x200x8xf32>
    %squeeze3A_560 = vector.shape_cast %slice3A_559 : vector<1x200x8xf32> to vector<200x8xf32>
    %dot_general3A_561 = arith.constant dense<0.000000e+00> : vector<8x200xf32>
    %dot_general3A_562 = tpu.matmul %squeeze3A_560, %convert_element_type3A_558, %dot_general3A_561 {dimension_numbers = #tpu.dot_dimension_numbers<[0], [0], [1], [1], [0, 1, 1, 1], [], []>, precision = #tpu.contract_precision<fp32>, transpose_lhs_hint = false} : vector<200x8xf32>, vector<200x200xf32>, vector<8x200xf32> -> vector<8x200xf32>
    %add3A_563 = arith.addf %add3A_551, %dot_general3A_562 : vector<8x200xf32>
    %add3A_564 = arith.constant 3800 : i32
    %add3A_565 = vector.broadcast %add3A_564 : i32 to vector<200x200xi32>
    %add3A_566 = arith.addi %iota3A_83, %add3A_565 : vector<200x200xi32>
    %eq3A_567 = vector.broadcast %squeeze3A_333 : vector<1x200xi32> to vector<200x200xi32>
    %eq3A_568 = arith.cmpi eq, %add3A_566, %eq3A_567 : vector<200x200xi32>
    %convert_element_type3A_569 = arith.extui %eq3A_568 : vector<200x200xi1> to vector<200x200xi32>
    %convert_element_type3A_570 = arith.sitofp %convert_element_type3A_569 : vector<200x200xi32> to vector<200x200xf32>
    %slice3A_571 = vector.extract_strided_slice %get3A_67 {offsets = [39, 0, 0], sizes = [1, 200, 8], strides = [1, 1, 1]} : vector<80x200x8xf32> to vector<1x200x8xf32>
    %squeeze3A_572 = vector.shape_cast %slice3A_571 : vector<1x200x8xf32> to vector<200x8xf32>
    %dot_general3A_573 = arith.constant dense<0.000000e+00> : vector<8x200xf32>
    %dot_general3A_574 = tpu.matmul %squeeze3A_572, %convert_element_type3A_570, %dot_general3A_573 {dimension_numbers = #tpu.dot_dimension_numbers<[0], [0], [1], [1], [0, 1, 1, 1], [], []>, precision = #tpu.contract_precision<fp32>, transpose_lhs_hint = false} : vector<200x8xf32>, vector<200x200xf32>, vector<8x200xf32> -> vector<8x200xf32>
    %add3A_575 = arith.addf %add3A_563, %dot_general3A_574 : vector<8x200xf32>
    %swap3A_576 = arith.constant 1 : index
    %swap3A_577 = arith.constant 0 : index
    %swap3A_578 = arith.constant 0 : index
    %swap3A_579 = vector.load %arg1[%swap3A_576, %swap3A_577, %swap3A_578] : memref<4x8x200xf32, #tpu.memory_space<vmem>>, vector<1x8x200xf32>
    %swap3A_580 = vector.shape_cast %swap3A_579 : vector<1x8x200xf32> to vector<8x200xf32>
    %swap3A_581 = vector.shape_cast %add3A_575 : vector<8x200xf32> to vector<1x8x200xf32>
    tpu.vector_store %arg1[%swap3A_576, %swap3A_577, %swap3A_578], %swap3A_581 {strides = array<i32>} : memref<4x8x200xf32, #tpu.memory_space<vmem>>, vector<1x8x200xf32>,
    %slice3A_582 = vector.extract_strided_slice %scan3A_81#1 {offsets = [2, 0, 0], sizes = [1, 1, 200], strides = [1, 1, 1]} : vector<4x1x200xi32> to vector<1x1x200xi32>
    %squeeze3A_583 = vector.shape_cast %slice3A_582 : vector<1x1x200xi32> to vector<1x200xi32>
    %broadcast_in_dim3A_584 = arith.constant 0.000000e+00 : f32
    %broadcast_in_dim3A_585 = vector.broadcast %broadcast_in_dim3A_584 : f32 to vector<8x200xf32>
    %add3A_586 = arith.constant 0 : i32
    %add3A_587 = vector.broadcast %add3A_586 : i32 to vector<200x200xi32>
    %add3A_588 = arith.addi %iota3A_83, %add3A_587 : vector<200x200xi32>
    %eq3A_589 = vector.broadcast %squeeze3A_583 : vector<1x200xi32> to vector<200x200xi32>
    %eq3A_590 = arith.cmpi eq, %add3A_588, %eq3A_589 : vector<200x200xi32>
    %convert_element_type3A_591 = arith.extui %eq3A_590 : vector<200x200xi1> to vector<200x200xi32>
    %convert_element_type3A_592 = arith.sitofp %convert_element_type3A_591 : vector<200x200xi32> to vector<200x200xf32>
    %slice3A_593 = vector.extract_strided_slice %get3A_67 {offsets = [40, 0, 0], sizes = [1, 200, 8], strides = [1, 1, 1]} : vector<80x200x8xf32> to vector<1x200x8xf32>
    %squeeze3A_594 = vector.shape_cast %slice3A_593 : vector<1x200x8xf32> to vector<200x8xf32>
    %dot_general3A_595 = arith.constant dense<0.000000e+00> : vector<8x200xf32>
    %dot_general3A_596 = tpu.matmul %squeeze3A_594, %convert_element_type3A_592, %dot_general3A_595 {dimension_numbers = #tpu.dot_dimension_numbers<[0], [0], [1], [1], [0, 1, 1, 1], [], []>, precision = #tpu.contract_precision<fp32>, transpose_lhs_hint = false} : vector<200x8xf32>, vector<200x200xf32>, vector<8x200xf32> -> vector<8x200xf32>
    %add3A_597 = arith.addf %broadcast_in_dim3A_585, %dot_general3A_596 : vector<8x200xf32>
    %add3A_598 = arith.constant 200 : i32
    %add3A_599 = vector.broadcast %add3A_598 : i32 to vector<200x200xi32>
    %add3A_600 = arith.addi %iota3A_83, %add3A_599 : vector<200x200xi32>
    %eq3A_601 = vector.broadcast %squeeze3A_583 : vector<1x200xi32> to vector<200x200xi32>
    %eq3A_602 = arith.cmpi eq, %add3A_600, %eq3A_601 : vector<200x200xi32>
    %convert_element_type3A_603 = arith.extui %eq3A_602 : vector<200x200xi1> to vector<200x200xi32>
    %convert_element_type3A_604 = arith.sitofp %convert_element_type3A_603 : vector<200x200xi32> to vector<200x200xf32>
    %slice3A_605 = vector.extract_strided_slice %get3A_67 {offsets = [41, 0, 0], sizes = [1, 200, 8], strides = [1, 1, 1]} : vector<80x200x8xf32> to vector<1x200x8xf32>
    %squeeze3A_606 = vector.shape_cast %slice3A_605 : vector<1x200x8xf32> to vector<200x8xf32>
    %dot_general3A_607 = arith.constant dense<0.000000e+00> : vector<8x200xf32>
    %dot_general3A_608 = tpu.matmul %squeeze3A_606, %convert_element_type3A_604, %dot_general3A_607 {dimension_numbers = #tpu.dot_dimension_numbers<[0], [0], [1], [1], [0, 1, 1, 1], [], []>, precision = #tpu.contract_precision<fp32>, transpose_lhs_hint = false} : vector<200x8xf32>, vector<200x200xf32>, vector<8x200xf32> -> vector<8x200xf32>
    %add3A_609 = arith.addf %add3A_597, %dot_general3A_608 : vector<8x200xf32>
    %add3A_610 = arith.constant 400 : i32
    %add3A_611 = vector.broadcast %add3A_610 : i32 to vector<200x200xi32>
    %add3A_612 = arith.addi %iota3A_83, %add3A_611 : vector<200x200xi32>
    %eq3A_613 = vector.broadcast %squeeze3A_583 : vector<1x200xi32> to vector<200x200xi32>
    %eq3A_614 = arith.cmpi eq, %add3A_612, %eq3A_613 : vector<200x200xi32>
    %convert_element_type3A_615 = arith.extui %eq3A_614 : vector<200x200xi1> to vector<200x200xi32>
    %convert_element_type3A_616 = arith.sitofp %convert_element_type3A_615 : vector<200x200xi32> to vector<200x200xf32>
    %slice3A_617 = vector.extract_strided_slice %get3A_67 {offsets = [42, 0, 0], sizes = [1, 200, 8], strides = [1, 1, 1]} : vector<80x200x8xf32> to vector<1x200x8xf32>
    %squeeze3A_618 = vector.shape_cast %slice3A_617 : vector<1x200x8xf32> to vector<200x8xf32>
    %dot_general3A_619 = arith.constant dense<0.000000e+00> : vector<8x200xf32>
    %dot_general3A_620 = tpu.matmul %squeeze3A_618, %convert_element_type3A_616, %dot_general3A_619 {dimension_numbers = #tpu.dot_dimension_numbers<[0], [0], [1], [1], [0, 1, 1, 1], [], []>, precision = #tpu.contract_precision<fp32>, transpose_lhs_hint = false} : vector<200x8xf32>, vector<200x200xf32>, vector<8x200xf32> -> vector<8x200xf32>
    %add3A_621 = arith.addf %add3A_609, %dot_general3A_620 : vector<8x200xf32>
    %add3A_622 = arith.constant 600 : i32
    %add3A_623 = vector.broadcast %add3A_622 : i32 to vector<200x200xi32>
    %add3A_624 = arith.addi %iota3A_83, %add3A_623 : vector<200x200xi32>
    %eq3A_625 = vector.broadcast %squeeze3A_583 : vector<1x200xi32> to vector<200x200xi32>
    %eq3A_626 = arith.cmpi eq, %add3A_624, %eq3A_625 : vector<200x200xi32>
    %convert_element_type3A_627 = arith.extui %eq3A_626 : vector<200x200xi1> to vector<200x200xi32>
    %convert_element_type3A_628 = arith.sitofp %convert_element_type3A_627 : vector<200x200xi32> to vector<200x200xf32>
    %slice3A_629 = vector.extract_strided_slice %get3A_67 {offsets = [43, 0, 0], sizes = [1, 200, 8], strides = [1, 1, 1]} : vector<80x200x8xf32> to vector<1x200x8xf32>
    %squeeze3A_630 = vector.shape_cast %slice3A_629 : vector<1x200x8xf32> to vector<200x8xf32>
    %dot_general3A_631 = arith.constant dense<0.000000e+00> : vector<8x200xf32>
    %dot_general3A_632 = tpu.matmul %squeeze3A_630, %convert_element_type3A_628, %dot_general3A_631 {dimension_numbers = #tpu.dot_dimension_numbers<[0], [0], [1], [1], [0, 1, 1, 1], [], []>, precision = #tpu.contract_precision<fp32>, transpose_lhs_hint = false} : vector<200x8xf32>, vector<200x200xf32>, vector<8x200xf32> -> vector<8x200xf32>
    %add3A_633 = arith.addf %add3A_621, %dot_general3A_632 : vector<8x200xf32>
    %add3A_634 = arith.constant 800 : i32
    %add3A_635 = vector.broadcast %add3A_634 : i32 to vector<200x200xi32>
    %add3A_636 = arith.addi %iota3A_83, %add3A_635 : vector<200x200xi32>
    %eq3A_637 = vector.broadcast %squeeze3A_583 : vector<1x200xi32> to vector<200x200xi32>
    %eq3A_638 = arith.cmpi eq, %add3A_636, %eq3A_637 : vector<200x200xi32>
    %convert_element_type3A_639 = arith.extui %eq3A_638 : vector<200x200xi1> to vector<200x200xi32>
    %convert_element_type3A_640 = arith.sitofp %convert_element_type3A_639 : vector<200x200xi32> to vector<200x200xf32>
    %slice3A_641 = vector.extract_strided_slice %get3A_67 {offsets = [44, 0, 0], sizes = [1, 200, 8], strides = [1, 1, 1]} : vector<80x200x8xf32> to vector<1x200x8xf32>
    %squeeze3A_642 = vector.shape_cast %slice3A_641 : vector<1x200x8xf32> to vector<200x8xf32>
    %dot_general3A_643 = arith.constant dense<0.000000e+00> : vector<8x200xf32>
    %dot_general3A_644 = tpu.matmul %squeeze3A_642, %convert_element_type3A_640, %dot_general3A_643 {dimension_numbers = #tpu.dot_dimension_numbers<[0], [0], [1], [1], [0, 1, 1, 1], [], []>, precision = #tpu.contract_precision<fp32>, transpose_lhs_hint = false} : vector<200x8xf32>, vector<200x200xf32>, vector<8x200xf32> -> vector<8x200xf32>
    %add3A_645 = arith.addf %add3A_633, %dot_general3A_644 : vector<8x200xf32>
    %add3A_646 = arith.constant 1000 : i32
    %add3A_647 = vector.broadcast %add3A_646 : i32 to vector<200x200xi32>
    %add3A_648 = arith.addi %iota3A_83, %add3A_647 : vector<200x200xi32>
    %eq3A_649 = vector.broadcast %squeeze3A_583 : vector<1x200xi32> to vector<200x200xi32>
    %eq3A_650 = arith.cmpi eq, %add3A_648, %eq3A_649 : vector<200x200xi32>
    %convert_element_type3A_651 = arith.extui %eq3A_650 : vector<200x200xi1> to vector<200x200xi32>
    %convert_element_type3A_652 = arith.sitofp %convert_element_type3A_651 : vector<200x200xi32> to vector<200x200xf32>
    %slice3A_653 = vector.extract_strided_slice %get3A_67 {offsets = [45, 0, 0], sizes = [1, 200, 8], strides = [1, 1, 1]} : vector<80x200x8xf32> to vector<1x200x8xf32>
    %squeeze3A_654 = vector.shape_cast %slice3A_653 : vector<1x200x8xf32> to vector<200x8xf32>
    %dot_general3A_655 = arith.constant dense<0.000000e+00> : vector<8x200xf32>
    %dot_general3A_656 = tpu.matmul %squeeze3A_654, %convert_element_type3A_652, %dot_general3A_655 {dimension_numbers = #tpu.dot_dimension_numbers<[0], [0], [1], [1], [0, 1, 1, 1], [], []>, precision = #tpu.contract_precision<fp32>, transpose_lhs_hint = false} : vector<200x8xf32>, vector<200x200xf32>, vector<8x200xf32> -> vector<8x200xf32>
    %add3A_657 = arith.addf %add3A_645, %dot_general3A_656 : vector<8x200xf32>
    %add3A_658 = arith.constant 1200 : i32
    %add3A_659 = vector.broadcast %add3A_658 : i32 to vector<200x200xi32>
    %add3A_660 = arith.addi %iota3A_83, %add3A_659 : vector<200x200xi32>
    %eq3A_661 = vector.broadcast %squeeze3A_583 : vector<1x200xi32> to vector<200x200xi32>
    %eq3A_662 = arith.cmpi eq, %add3A_660, %eq3A_661 : vector<200x200xi32>
    %convert_element_type3A_663 = arith.extui %eq3A_662 : vector<200x200xi1> to vector<200x200xi32>
    %convert_element_type3A_664 = arith.sitofp %convert_element_type3A_663 : vector<200x200xi32> to vector<200x200xf32>
    %slice3A_665 = vector.extract_strided_slice %get3A_67 {offsets = [46, 0, 0], sizes = [1, 200, 8], strides = [1, 1, 1]} : vector<80x200x8xf32> to vector<1x200x8xf32>
    %squeeze3A_666 = vector.shape_cast %slice3A_665 : vector<1x200x8xf32> to vector<200x8xf32>
    %dot_general3A_667 = arith.constant dense<0.000000e+00> : vector<8x200xf32>
    %dot_general3A_668 = tpu.matmul %squeeze3A_666, %convert_element_type3A_664, %dot_general3A_667 {dimension_numbers = #tpu.dot_dimension_numbers<[0], [0], [1], [1], [0, 1, 1, 1], [], []>, precision = #tpu.contract_precision<fp32>, transpose_lhs_hint = false} : vector<200x8xf32>, vector<200x200xf32>, vector<8x200xf32> -> vector<8x200xf32>
    %add3A_669 = arith.addf %add3A_657, %dot_general3A_668 : vector<8x200xf32>
    %add3A_670 = arith.constant 1400 : i32
    %add3A_671 = vector.broadcast %add3A_670 : i32 to vector<200x200xi32>
    %add3A_672 = arith.addi %iota3A_83, %add3A_671 : vector<200x200xi32>
    %eq3A_673 = vector.broadcast %squeeze3A_583 : vector<1x200xi32> to vector<200x200xi32>
    %eq3A_674 = arith.cmpi eq, %add3A_672, %eq3A_673 : vector<200x200xi32>
    %convert_element_type3A_675 = arith.extui %eq3A_674 : vector<200x200xi1> to vector<200x200xi32>
    %convert_element_type3A_676 = arith.sitofp %convert_element_type3A_675 : vector<200x200xi32> to vector<200x200xf32>
    %slice3A_677 = vector.extract_strided_slice %get3A_67 {offsets = [47, 0, 0], sizes = [1, 200, 8], strides = [1, 1, 1]} : vector<80x200x8xf32> to vector<1x200x8xf32>
    %squeeze3A_678 = vector.shape_cast %slice3A_677 : vector<1x200x8xf32> to vector<200x8xf32>
    %dot_general3A_679 = arith.constant dense<0.000000e+00> : vector<8x200xf32>
    %dot_general3A_680 = tpu.matmul %squeeze3A_678, %convert_element_type3A_676, %dot_general3A_679 {dimension_numbers = #tpu.dot_dimension_numbers<[0], [0], [1], [1], [0, 1, 1, 1], [], []>, precision = #tpu.contract_precision<fp32>, transpose_lhs_hint = false} : vector<200x8xf32>, vector<200x200xf32>, vector<8x200xf32> -> vector<8x200xf32>
    %add3A_681 = arith.addf %add3A_669, %dot_general3A_680 : vector<8x200xf32>
    %add3A_682 = arith.constant 1600 : i32
    %add3A_683 = vector.broadcast %add3A_682 : i32 to vector<200x200xi32>
    %add3A_684 = arith.addi %iota3A_83, %add3A_683 : vector<200x200xi32>
    %eq3A_685 = vector.broadcast %squeeze3A_583 : vector<1x200xi32> to vector<200x200xi32>
    %eq3A_686 = arith.cmpi eq, %add3A_684, %eq3A_685 : vector<200x200xi32>
    %convert_element_type3A_687 = arith.extui %eq3A_686 : vector<200x200xi1> to vector<200x200xi32>
    %convert_element_type3A_688 = arith.sitofp %convert_element_type3A_687 : vector<200x200xi32> to vector<200x200xf32>
    %slice3A_689 = vector.extract_strided_slice %get3A_67 {offsets = [48, 0, 0], sizes = [1, 200, 8], strides = [1, 1, 1]} : vector<80x200x8xf32> to vector<1x200x8xf32>
    %squeeze3A_690 = vector.shape_cast %slice3A_689 : vector<1x200x8xf32> to vector<200x8xf32>
    %dot_general3A_691 = arith.constant dense<0.000000e+00> : vector<8x200xf32>
    %dot_general3A_692 = tpu.matmul %squeeze3A_690, %convert_element_type3A_688, %dot_general3A_691 {dimension_numbers = #tpu.dot_dimension_numbers<[0], [0], [1], [1], [0, 1, 1, 1], [], []>, precision = #tpu.contract_precision<fp32>, transpose_lhs_hint = false} : vector<200x8xf32>, vector<200x200xf32>, vector<8x200xf32> -> vector<8x200xf32>
    %add3A_693 = arith.addf %add3A_681, %dot_general3A_692 : vector<8x200xf32>
    %add3A_694 = arith.constant 1800 : i32
    %add3A_695 = vector.broadcast %add3A_694 : i32 to vector<200x200xi32>
    %add3A_696 = arith.addi %iota3A_83, %add3A_695 : vector<200x200xi32>
    %eq3A_697 = vector.broadcast %squeeze3A_583 : vector<1x200xi32> to vector<200x200xi32>
    %eq3A_698 = arith.cmpi eq, %add3A_696, %eq3A_697 : vector<200x200xi32>
    %convert_element_type3A_699 = arith.extui %eq3A_698 : vector<200x200xi1> to vector<200x200xi32>
    %convert_element_type3A_700 = arith.sitofp %convert_element_type3A_699 : vector<200x200xi32> to vector<200x200xf32>
    %slice3A_701 = vector.extract_strided_slice %get3A_67 {offsets = [49, 0, 0], sizes = [1, 200, 8], strides = [1, 1, 1]} : vector<80x200x8xf32> to vector<1x200x8xf32>
    %squeeze3A_702 = vector.shape_cast %slice3A_701 : vector<1x200x8xf32> to vector<200x8xf32>
    %dot_general3A_703 = arith.constant dense<0.000000e+00> : vector<8x200xf32>
    %dot_general3A_704 = tpu.matmul %squeeze3A_702, %convert_element_type3A_700, %dot_general3A_703 {dimension_numbers = #tpu.dot_dimension_numbers<[0], [0], [1], [1], [0, 1, 1, 1], [], []>, precision = #tpu.contract_precision<fp32>, transpose_lhs_hint = false} : vector<200x8xf32>, vector<200x200xf32>, vector<8x200xf32> -> vector<8x200xf32>
    %add3A_705 = arith.addf %add3A_693, %dot_general3A_704 : vector<8x200xf32>
    %add3A_706 = arith.constant 2000 : i32
    %add3A_707 = vector.broadcast %add3A_706 : i32 to vector<200x200xi32>
    %add3A_708 = arith.addi %iota3A_83, %add3A_707 : vector<200x200xi32>
    %eq3A_709 = vector.broadcast %squeeze3A_583 : vector<1x200xi32> to vector<200x200xi32>
    %eq3A_710 = arith.cmpi eq, %add3A_708, %eq3A_709 : vector<200x200xi32>
    %convert_element_type3A_711 = arith.extui %eq3A_710 : vector<200x200xi1> to vector<200x200xi32>
    %convert_element_type3A_712 = arith.sitofp %convert_element_type3A_711 : vector<200x200xi32> to vector<200x200xf32>
    %slice3A_713 = vector.extract_strided_slice %get3A_67 {offsets = [50, 0, 0], sizes = [1, 200, 8], strides = [1, 1, 1]} : vector<80x200x8xf32> to vector<1x200x8xf32>
    %squeeze3A_714 = vector.shape_cast %slice3A_713 : vector<1x200x8xf32> to vector<200x8xf32>
    %dot_general3A_715 = arith.constant dense<0.000000e+00> : vector<8x200xf32>
    %dot_general3A_716 = tpu.matmul %squeeze3A_714, %convert_element_type3A_712, %dot_general3A_715 {dimension_numbers = #tpu.dot_dimension_numbers<[0], [0], [1], [1], [0, 1, 1, 1], [], []>, precision = #tpu.contract_precision<fp32>, transpose_lhs_hint = false} : vector<200x8xf32>, vector<200x200xf32>, vector<8x200xf32> -> vector<8x200xf32>
    %add3A_717 = arith.addf %add3A_705, %dot_general3A_716 : vector<8x200xf32>
    %add3A_718 = arith.constant 2200 : i32
    %add3A_719 = vector.broadcast %add3A_718 : i32 to vector<200x200xi32>
    %add3A_720 = arith.addi %iota3A_83, %add3A_719 : vector<200x200xi32>
    %eq3A_721 = vector.broadcast %squeeze3A_583 : vector<1x200xi32> to vector<200x200xi32>
    %eq3A_722 = arith.cmpi eq, %add3A_720, %eq3A_721 : vector<200x200xi32>
    %convert_element_type3A_723 = arith.extui %eq3A_722 : vector<200x200xi1> to vector<200x200xi32>
    %convert_element_type3A_724 = arith.sitofp %convert_element_type3A_723 : vector<200x200xi32> to vector<200x200xf32>
    %slice3A_725 = vector.extract_strided_slice %get3A_67 {offsets = [51, 0, 0], sizes = [1, 200, 8], strides = [1, 1, 1]} : vector<80x200x8xf32> to vector<1x200x8xf32>
    %squeeze3A_726 = vector.shape_cast %slice3A_725 : vector<1x200x8xf32> to vector<200x8xf32>
    %dot_general3A_727 = arith.constant dense<0.000000e+00> : vector<8x200xf32>
    %dot_general3A_728 = tpu.matmul %squeeze3A_726, %convert_element_type3A_724, %dot_general3A_727 {dimension_numbers = #tpu.dot_dimension_numbers<[0], [0], [1], [1], [0, 1, 1, 1], [], []>, precision = #tpu.contract_precision<fp32>, transpose_lhs_hint = false} : vector<200x8xf32>, vector<200x200xf32>, vector<8x200xf32> -> vector<8x200xf32>
    %add3A_729 = arith.addf %add3A_717, %dot_general3A_728 : vector<8x200xf32>
    %add3A_730 = arith.constant 2400 : i32
    %add3A_731 = vector.broadcast %add3A_730 : i32 to vector<200x200xi32>
    %add3A_732 = arith.addi %iota3A_83, %add3A_731 : vector<200x200xi32>
    %eq3A_733 = vector.broadcast %squeeze3A_583 : vector<1x200xi32> to vector<200x200xi32>
    %eq3A_734 = arith.cmpi eq, %add3A_732, %eq3A_733 : vector<200x200xi32>
    %convert_element_type3A_735 = arith.extui %eq3A_734 : vector<200x200xi1> to vector<200x200xi32>
    %convert_element_type3A_736 = arith.sitofp %convert_element_type3A_735 : vector<200x200xi32> to vector<200x200xf32>
    %slice3A_737 = vector.extract_strided_slice %get3A_67 {offsets = [52, 0, 0], sizes = [1, 200, 8], strides = [1, 1, 1]} : vector<80x200x8xf32> to vector<1x200x8xf32>
    %squeeze3A_738 = vector.shape_cast %slice3A_737 : vector<1x200x8xf32> to vector<200x8xf32>
    %dot_general3A_739 = arith.constant dense<0.000000e+00> : vector<8x200xf32>
    %dot_general3A_740 = tpu.matmul %squeeze3A_738, %convert_element_type3A_736, %dot_general3A_739 {dimension_numbers = #tpu.dot_dimension_numbers<[0], [0], [1], [1], [0, 1, 1, 1], [], []>, precision = #tpu.contract_precision<fp32>, transpose_lhs_hint = false} : vector<200x8xf32>, vector<200x200xf32>, vector<8x200xf32> -> vector<8x200xf32>
    %add3A_741 = arith.addf %add3A_729, %dot_general3A_740 : vector<8x200xf32>
    %add3A_742 = arith.constant 2600 : i32
    %add3A_743 = vector.broadcast %add3A_742 : i32 to vector<200x200xi32>
    %add3A_744 = arith.addi %iota3A_83, %add3A_743 : vector<200x200xi32>
    %eq3A_745 = vector.broadcast %squeeze3A_583 : vector<1x200xi32> to vector<200x200xi32>
    %eq3A_746 = arith.cmpi eq, %add3A_744, %eq3A_745 : vector<200x200xi32>
    %convert_element_type3A_747 = arith.extui %eq3A_746 : vector<200x200xi1> to vector<200x200xi32>
    %convert_element_type3A_748 = arith.sitofp %convert_element_type3A_747 : vector<200x200xi32> to vector<200x200xf32>
    %slice3A_749 = vector.extract_strided_slice %get3A_67 {offsets = [53, 0, 0], sizes = [1, 200, 8], strides = [1, 1, 1]} : vector<80x200x8xf32> to vector<1x200x8xf32>
    %squeeze3A_750 = vector.shape_cast %slice3A_749 : vector<1x200x8xf32> to vector<200x8xf32>
    %dot_general3A_751 = arith.constant dense<0.000000e+00> : vector<8x200xf32>
    %dot_general3A_752 = tpu.matmul %squeeze3A_750, %convert_element_type3A_748, %dot_general3A_751 {dimension_numbers = #tpu.dot_dimension_numbers<[0], [0], [1], [1], [0, 1, 1, 1], [], []>, precision = #tpu.contract_precision<fp32>, transpose_lhs_hint = false} : vector<200x8xf32>, vector<200x200xf32>, vector<8x200xf32> -> vector<8x200xf32>
    %add3A_753 = arith.addf %add3A_741, %dot_general3A_752 : vector<8x200xf32>
    %add3A_754 = arith.constant 2800 : i32
    %add3A_755 = vector.broadcast %add3A_754 : i32 to vector<200x200xi32>
    %add3A_756 = arith.addi %iota3A_83, %add3A_755 : vector<200x200xi32>
    %eq3A_757 = vector.broadcast %squeeze3A_583 : vector<1x200xi32> to vector<200x200xi32>
    %eq3A_758 = arith.cmpi eq, %add3A_756, %eq3A_757 : vector<200x200xi32>
    %convert_element_type3A_759 = arith.extui %eq3A_758 : vector<200x200xi1> to vector<200x200xi32>
    %convert_element_type3A_760 = arith.sitofp %convert_element_type3A_759 : vector<200x200xi32> to vector<200x200xf32>
    %slice3A_761 = vector.extract_strided_slice %get3A_67 {offsets = [54, 0, 0], sizes = [1, 200, 8], strides = [1, 1, 1]} : vector<80x200x8xf32> to vector<1x200x8xf32>
    %squeeze3A_762 = vector.shape_cast %slice3A_761 : vector<1x200x8xf32> to vector<200x8xf32>
    %dot_general3A_763 = arith.constant dense<0.000000e+00> : vector<8x200xf32>
    %dot_general3A_764 = tpu.matmul %squeeze3A_762, %convert_element_type3A_760, %dot_general3A_763 {dimension_numbers = #tpu.dot_dimension_numbers<[0], [0], [1], [1], [0, 1, 1, 1], [], []>, precision = #tpu.contract_precision<fp32>, transpose_lhs_hint = false} : vector<200x8xf32>, vector<200x200xf32>, vector<8x200xf32> -> vector<8x200xf32>
    %add3A_765 = arith.addf %add3A_753, %dot_general3A_764 : vector<8x200xf32>
    %add3A_766 = arith.constant 3000 : i32
    %add3A_767 = vector.broadcast %add3A_766 : i32 to vector<200x200xi32>
    %add3A_768 = arith.addi %iota3A_83, %add3A_767 : vector<200x200xi32>
    %eq3A_769 = vector.broadcast %squeeze3A_583 : vector<1x200xi32> to vector<200x200xi32>
    %eq3A_770 = arith.cmpi eq, %add3A_768, %eq3A_769 : vector<200x200xi32>
    %convert_element_type3A_771 = arith.extui %eq3A_770 : vector<200x200xi1> to vector<200x200xi32>
    %convert_element_type3A_772 = arith.sitofp %convert_element_type3A_771 : vector<200x200xi32> to vector<200x200xf32>
    %slice3A_773 = vector.extract_strided_slice %get3A_67 {offsets = [55, 0, 0], sizes = [1, 200, 8], strides = [1, 1, 1]} : vector<80x200x8xf32> to vector<1x200x8xf32>
    %squeeze3A_774 = vector.shape_cast %slice3A_773 : vector<1x200x8xf32> to vector<200x8xf32>
    %dot_general3A_775 = arith.constant dense<0.000000e+00> : vector<8x200xf32>
    %dot_general3A_776 = tpu.matmul %squeeze3A_774, %convert_element_type3A_772, %dot_general3A_775 {dimension_numbers = #tpu.dot_dimension_numbers<[0], [0], [1], [1], [0, 1, 1, 1], [], []>, precision = #tpu.contract_precision<fp32>, transpose_lhs_hint = false} : vector<200x8xf32>, vector<200x200xf32>, vector<8x200xf32> -> vector<8x200xf32>
    %add3A_777 = arith.addf %add3A_765, %dot_general3A_776 : vector<8x200xf32>
    %add3A_778 = arith.constant 3200 : i32
    %add3A_779 = vector.broadcast %add3A_778 : i32 to vector<200x200xi32>
    %add3A_780 = arith.addi %iota3A_83, %add3A_779 : vector<200x200xi32>
    %eq3A_781 = vector.broadcast %squeeze3A_583 : vector<1x200xi32> to vector<200x200xi32>
    %eq3A_782 = arith.cmpi eq, %add3A_780, %eq3A_781 : vector<200x200xi32>
    %convert_element_type3A_783 = arith.extui %eq3A_782 : vector<200x200xi1> to vector<200x200xi32>
    %convert_element_type3A_784 = arith.sitofp %convert_element_type3A_783 : vector<200x200xi32> to vector<200x200xf32>
    %slice3A_785 = vector.extract_strided_slice %get3A_67 {offsets = [56, 0, 0], sizes = [1, 200, 8], strides = [1, 1, 1]} : vector<80x200x8xf32> to vector<1x200x8xf32>
    %squeeze3A_786 = vector.shape_cast %slice3A_785 : vector<1x200x8xf32> to vector<200x8xf32>
    %dot_general3A_787 = arith.constant dense<0.000000e+00> : vector<8x200xf32>
    %dot_general3A_788 = tpu.matmul %squeeze3A_786, %convert_element_type3A_784, %dot_general3A_787 {dimension_numbers = #tpu.dot_dimension_numbers<[0], [0], [1], [1], [0, 1, 1, 1], [], []>, precision = #tpu.contract_precision<fp32>, transpose_lhs_hint = false} : vector<200x8xf32>, vector<200x200xf32>, vector<8x200xf32> -> vector<8x200xf32>
    %add3A_789 = arith.addf %add3A_777, %dot_general3A_788 : vector<8x200xf32>
    %add3A_790 = arith.constant 3400 : i32
    %add3A_791 = vector.broadcast %add3A_790 : i32 to vector<200x200xi32>
    %add3A_792 = arith.addi %iota3A_83, %add3A_791 : vector<200x200xi32>
    %eq3A_793 = vector.broadcast %squeeze3A_583 : vector<1x200xi32> to vector<200x200xi32>
    %eq3A_794 = arith.cmpi eq, %add3A_792, %eq3A_793 : vector<200x200xi32>
    %convert_element_type3A_795 = arith.extui %eq3A_794 : vector<200x200xi1> to vector<200x200xi32>
    %convert_element_type3A_796 = arith.sitofp %convert_element_type3A_795 : vector<200x200xi32> to vector<200x200xf32>
    %slice3A_797 = vector.extract_strided_slice %get3A_67 {offsets = [57, 0, 0], sizes = [1, 200, 8], strides = [1, 1, 1]} : vector<80x200x8xf32> to vector<1x200x8xf32>
    %squeeze3A_798 = vector.shape_cast %slice3A_797 : vector<1x200x8xf32> to vector<200x8xf32>
    %dot_general3A_799 = arith.constant dense<0.000000e+00> : vector<8x200xf32>
    %dot_general3A_800 = tpu.matmul %squeeze3A_798, %convert_element_type3A_796, %dot_general3A_799 {dimension_numbers = #tpu.dot_dimension_numbers<[0], [0], [1], [1], [0, 1, 1, 1], [], []>, precision = #tpu.contract_precision<fp32>, transpose_lhs_hint = false} : vector<200x8xf32>, vector<200x200xf32>, vector<8x200xf32> -> vector<8x200xf32>
    %add3A_801 = arith.addf %add3A_789, %dot_general3A_800 : vector<8x200xf32>
    %add3A_802 = arith.constant 3600 : i32
    %add3A_803 = vector.broadcast %add3A_802 : i32 to vector<200x200xi32>
    %add3A_804 = arith.addi %iota3A_83, %add3A_803 : vector<200x200xi32>
    %eq3A_805 = vector.broadcast %squeeze3A_583 : vector<1x200xi32> to vector<200x200xi32>
    %eq3A_806 = arith.cmpi eq, %add3A_804, %eq3A_805 : vector<200x200xi32>
    %convert_element_type3A_807 = arith.extui %eq3A_806 : vector<200x200xi1> to vector<200x200xi32>
    %convert_element_type3A_808 = arith.sitofp %convert_element_type3A_807 : vector<200x200xi32> to vector<200x200xf32>
    %slice3A_809 = vector.extract_strided_slice %get3A_67 {offsets = [58, 0, 0], sizes = [1, 200, 8], strides = [1, 1, 1]} : vector<80x200x8xf32> to vector<1x200x8xf32>
    %squeeze3A_810 = vector.shape_cast %slice3A_809 : vector<1x200x8xf32> to vector<200x8xf32>
    %dot_general3A_811 = arith.constant dense<0.000000e+00> : vector<8x200xf32>
    %dot_general3A_812 = tpu.matmul %squeeze3A_810, %convert_element_type3A_808, %dot_general3A_811 {dimension_numbers = #tpu.dot_dimension_numbers<[0], [0], [1], [1], [0, 1, 1, 1], [], []>, precision = #tpu.contract_precision<fp32>, transpose_lhs_hint = false} : vector<200x8xf32>, vector<200x200xf32>, vector<8x200xf32> -> vector<8x200xf32>
    %add3A_813 = arith.addf %add3A_801, %dot_general3A_812 : vector<8x200xf32>
    %add3A_814 = arith.constant 3800 : i32
    %add3A_815 = vector.broadcast %add3A_814 : i32 to vector<200x200xi32>
    %add3A_816 = arith.addi %iota3A_83, %add3A_815 : vector<200x200xi32>
    %eq3A_817 = vector.broadcast %squeeze3A_583 : vector<1x200xi32> to vector<200x200xi32>
    %eq3A_818 = arith.cmpi eq, %add3A_816, %eq3A_817 : vector<200x200xi32>
    %convert_element_type3A_819 = arith.extui %eq3A_818 : vector<200x200xi1> to vector<200x200xi32>
    %convert_element_type3A_820 = arith.sitofp %convert_element_type3A_819 : vector<200x200xi32> to vector<200x200xf32>
    %slice3A_821 = vector.extract_strided_slice %get3A_67 {offsets = [59, 0, 0], sizes = [1, 200, 8], strides = [1, 1, 1]} : vector<80x200x8xf32> to vector<1x200x8xf32>
    %squeeze3A_822 = vector.shape_cast %slice3A_821 : vector<1x200x8xf32> to vector<200x8xf32>
    %dot_general3A_823 = arith.constant dense<0.000000e+00> : vector<8x200xf32>
    %dot_general3A_824 = tpu.matmul %squeeze3A_822, %convert_element_type3A_820, %dot_general3A_823 {dimension_numbers = #tpu.dot_dimension_numbers<[0], [0], [1], [1], [0, 1, 1, 1], [], []>, precision = #tpu.contract_precision<fp32>, transpose_lhs_hint = false} : vector<200x8xf32>, vector<200x200xf32>, vector<8x200xf32> -> vector<8x200xf32>
    %add3A_825 = arith.addf %add3A_813, %dot_general3A_824 : vector<8x200xf32>
    %swap3A_826 = arith.constant 2 : index
    %swap3A_827 = arith.constant 0 : index
    %swap3A_828 = arith.constant 0 : index
    %swap3A_829 = vector.load %arg1[%swap3A_826, %swap3A_827, %swap3A_828] : memref<4x8x200xf32, #tpu.memory_space<vmem>>, vector<1x8x200xf32>
    %swap3A_830 = vector.shape_cast %swap3A_829 : vector<1x8x200xf32> to vector<8x200xf32>
    %swap3A_831 = vector.shape_cast %add3A_825 : vector<8x200xf32> to vector<1x8x200xf32>
    tpu.vector_store %arg1[%swap3A_826, %swap3A_827, %swap3A_828], %swap3A_831 {strides = array<i32>} : memref<4x8x200xf32, #tpu.memory_space<vmem>>, vector<1x8x200xf32>,
    %slice3A_832 = vector.extract_strided_slice %scan3A_81#1 {offsets = [3, 0, 0], sizes = [1, 1, 200], strides = [1, 1, 1]} : vector<4x1x200xi32> to vector<1x1x200xi32>
    %squeeze3A_833 = vector.shape_cast %slice3A_832 : vector<1x1x200xi32> to vector<1x200xi32>
    %broadcast_in_dim3A_834 = arith.constant 0.000000e+00 : f32
    %broadcast_in_dim3A_835 = vector.broadcast %broadcast_in_dim3A_834 : f32 to vector<8x200xf32>
    %add3A_836 = arith.constant 0 : i32
    %add3A_837 = vector.broadcast %add3A_836 : i32 to vector<200x200xi32>
    %add3A_838 = arith.addi %iota3A_83, %add3A_837 : vector<200x200xi32>
    %eq3A_839 = vector.broadcast %squeeze3A_833 : vector<1x200xi32> to vector<200x200xi32>
    %eq3A_840 = arith.cmpi eq, %add3A_838, %eq3A_839 : vector<200x200xi32>
    %convert_element_type3A_841 = arith.extui %eq3A_840 : vector<200x200xi1> to vector<200x200xi32>
    %convert_element_type3A_842 = arith.sitofp %convert_element_type3A_841 : vector<200x200xi32> to vector<200x200xf32>
    %slice3A_843 = vector.extract_strided_slice %get3A_67 {offsets = [60, 0, 0], sizes = [1, 200, 8], strides = [1, 1, 1]} : vector<80x200x8xf32> to vector<1x200x8xf32>
    %squeeze3A_844 = vector.shape_cast %slice3A_843 : vector<1x200x8xf32> to vector<200x8xf32>
    %dot_general3A_845 = arith.constant dense<0.000000e+00> : vector<8x200xf32>
    %dot_general3A_846 = tpu.matmul %squeeze3A_844, %convert_element_type3A_842, %dot_general3A_845 {dimension_numbers = #tpu.dot_dimension_numbers<[0], [0], [1], [1], [0, 1, 1, 1], [], []>, precision = #tpu.contract_precision<fp32>, transpose_lhs_hint = false} : vector<200x8xf32>, vector<200x200xf32>, vector<8x200xf32> -> vector<8x200xf32>
    %add3A_847 = arith.addf %broadcast_in_dim3A_835, %dot_general3A_846 : vector<8x200xf32>
    %add3A_848 = arith.constant 200 : i32
    %add3A_849 = vector.broadcast %add3A_848 : i32 to vector<200x200xi32>
    %add3A_850 = arith.addi %iota3A_83, %add3A_849 : vector<200x200xi32>
    %eq3A_851 = vector.broadcast %squeeze3A_833 : vector<1x200xi32> to vector<200x200xi32>
    %eq3A_852 = arith.cmpi eq, %add3A_850, %eq3A_851 : vector<200x200xi32>
    %convert_element_type3A_853 = arith.extui %eq3A_852 : vector<200x200xi1> to vector<200x200xi32>
    %convert_element_type3A_854 = arith.sitofp %convert_element_type3A_853 : vector<200x200xi32> to vector<200x200xf32>
    %slice3A_855 = vector.extract_strided_slice %get3A_67 {offsets = [61, 0, 0], sizes = [1, 200, 8], strides = [1, 1, 1]} : vector<80x200x8xf32> to vector<1x200x8xf32>
    %squeeze3A_856 = vector.shape_cast %slice3A_855 : vector<1x200x8xf32> to vector<200x8xf32>
    %dot_general3A_857 = arith.constant dense<0.000000e+00> : vector<8x200xf32>
    %dot_general3A_858 = tpu.matmul %squeeze3A_856, %convert_element_type3A_854, %dot_general3A_857 {dimension_numbers = #tpu.dot_dimension_numbers<[0], [0], [1], [1], [0, 1, 1, 1], [], []>, precision = #tpu.contract_precision<fp32>, transpose_lhs_hint = false} : vector<200x8xf32>, vector<200x200xf32>, vector<8x200xf32> -> vector<8x200xf32>
    %add3A_859 = arith.addf %add3A_847, %dot_general3A_858 : vector<8x200xf32>
    %add3A_860 = arith.constant 400 : i32
    %add3A_861 = vector.broadcast %add3A_860 : i32 to vector<200x200xi32>
    %add3A_862 = arith.addi %iota3A_83, %add3A_861 : vector<200x200xi32>
    %eq3A_863 = vector.broadcast %squeeze3A_833 : vector<1x200xi32> to vector<200x200xi32>
    %eq3A_864 = arith.cmpi eq, %add3A_862, %eq3A_863 : vector<200x200xi32>
    %convert_element_type3A_865 = arith.extui %eq3A_864 : vector<200x200xi1> to vector<200x200xi32>
    %convert_element_type3A_866 = arith.sitofp %convert_element_type3A_865 : vector<200x200xi32> to vector<200x200xf32>
    %slice3A_867 = vector.extract_strided_slice %get3A_67 {offsets = [62, 0, 0], sizes = [1, 200, 8], strides = [1, 1, 1]} : vector<80x200x8xf32> to vector<1x200x8xf32>
    %squeeze3A_868 = vector.shape_cast %slice3A_867 : vector<1x200x8xf32> to vector<200x8xf32>
    %dot_general3A_869 = arith.constant dense<0.000000e+00> : vector<8x200xf32>
    %dot_general3A_870 = tpu.matmul %squeeze3A_868, %convert_element_type3A_866, %dot_general3A_869 {dimension_numbers = #tpu.dot_dimension_numbers<[0], [0], [1], [1], [0, 1, 1, 1], [], []>, precision = #tpu.contract_precision<fp32>, transpose_lhs_hint = false} : vector<200x8xf32>, vector<200x200xf32>, vector<8x200xf32> -> vector<8x200xf32>
    %add3A_871 = arith.addf %add3A_859, %dot_general3A_870 : vector<8x200xf32>
    %add3A_872 = arith.constant 600 : i32
    %add3A_873 = vector.broadcast %add3A_872 : i32 to vector<200x200xi32>
    %add3A_874 = arith.addi %iota3A_83, %add3A_873 : vector<200x200xi32>
    %eq3A_875 = vector.broadcast %squeeze3A_833 : vector<1x200xi32> to vector<200x200xi32>
    %eq3A_876 = arith.cmpi eq, %add3A_874, %eq3A_875 : vector<200x200xi32>
    %convert_element_type3A_877 = arith.extui %eq3A_876 : vector<200x200xi1> to vector<200x200xi32>
    %convert_element_type3A_878 = arith.sitofp %convert_element_type3A_877 : vector<200x200xi32> to vector<200x200xf32>
    %slice3A_879 = vector.extract_strided_slice %get3A_67 {offsets = [63, 0, 0], sizes = [1, 200, 8], strides = [1, 1, 1]} : vector<80x200x8xf32> to vector<1x200x8xf32>
    %squeeze3A_880 = vector.shape_cast %slice3A_879 : vector<1x200x8xf32> to vector<200x8xf32>
    %dot_general3A_881 = arith.constant dense<0.000000e+00> : vector<8x200xf32>
    %dot_general3A_882 = tpu.matmul %squeeze3A_880, %convert_element_type3A_878, %dot_general3A_881 {dimension_numbers = #tpu.dot_dimension_numbers<[0], [0], [1], [1], [0, 1, 1, 1], [], []>, precision = #tpu.contract_precision<fp32>, transpose_lhs_hint = false} : vector<200x8xf32>, vector<200x200xf32>, vector<8x200xf32> -> vector<8x200xf32>
    %add3A_883 = arith.addf %add3A_871, %dot_general3A_882 : vector<8x200xf32>
    %add3A_884 = arith.constant 800 : i32
    %add3A_885 = vector.broadcast %add3A_884 : i32 to vector<200x200xi32>
    %add3A_886 = arith.addi %iota3A_83, %add3A_885 : vector<200x200xi32>
    %eq3A_887 = vector.broadcast %squeeze3A_833 : vector<1x200xi32> to vector<200x200xi32>
    %eq3A_888 = arith.cmpi eq, %add3A_886, %eq3A_887 : vector<200x200xi32>
    %convert_element_type3A_889 = arith.extui %eq3A_888 : vector<200x200xi1> to vector<200x200xi32>
    %convert_element_type3A_890 = arith.sitofp %convert_element_type3A_889 : vector<200x200xi32> to vector<200x200xf32>
    %slice3A_891 = vector.extract_strided_slice %get3A_67 {offsets = [64, 0, 0], sizes = [1, 200, 8], strides = [1, 1, 1]} : vector<80x200x8xf32> to vector<1x200x8xf32>
    %squeeze3A_892 = vector.shape_cast %slice3A_891 : vector<1x200x8xf32> to vector<200x8xf32>
    %dot_general3A_893 = arith.constant dense<0.000000e+00> : vector<8x200xf32>
    %dot_general3A_894 = tpu.matmul %squeeze3A_892, %convert_element_type3A_890, %dot_general3A_893 {dimension_numbers = #tpu.dot_dimension_numbers<[0], [0], [1], [1], [0, 1, 1, 1], [], []>, precision = #tpu.contract_precision<fp32>, transpose_lhs_hint = false} : vector<200x8xf32>, vector<200x200xf32>, vector<8x200xf32> -> vector<8x200xf32>
    %add3A_895 = arith.addf %add3A_883, %dot_general3A_894 : vector<8x200xf32>
    %add3A_896 = arith.constant 1000 : i32
    %add3A_897 = vector.broadcast %add3A_896 : i32 to vector<200x200xi32>
    %add3A_898 = arith.addi %iota3A_83, %add3A_897 : vector<200x200xi32>
    %eq3A_899 = vector.broadcast %squeeze3A_833 : vector<1x200xi32> to vector<200x200xi32>
    %eq3A_900 = arith.cmpi eq, %add3A_898, %eq3A_899 : vector<200x200xi32>
    %convert_element_type3A_901 = arith.extui %eq3A_900 : vector<200x200xi1> to vector<200x200xi32>
    %convert_element_type3A_902 = arith.sitofp %convert_element_type3A_901 : vector<200x200xi32> to vector<200x200xf32>
    %slice3A_903 = vector.extract_strided_slice %get3A_67 {offsets = [65, 0, 0], sizes = [1, 200, 8], strides = [1, 1, 1]} : vector<80x200x8xf32> to vector<1x200x8xf32>
    %squeeze3A_904 = vector.shape_cast %slice3A_903 : vector<1x200x8xf32> to vector<200x8xf32>
    %dot_general3A_905 = arith.constant dense<0.000000e+00> : vector<8x200xf32>
    %dot_general3A_906 = tpu.matmul %squeeze3A_904, %convert_element_type3A_902, %dot_general3A_905 {dimension_numbers = #tpu.dot_dimension_numbers<[0], [0], [1], [1], [0, 1, 1, 1], [], []>, precision = #tpu.contract_precision<fp32>, transpose_lhs_hint = false} : vector<200x8xf32>, vector<200x200xf32>, vector<8x200xf32> -> vector<8x200xf32>
    %add3A_907 = arith.addf %add3A_895, %dot_general3A_906 : vector<8x200xf32>
    %add3A_908 = arith.constant 1200 : i32
    %add3A_909 = vector.broadcast %add3A_908 : i32 to vector<200x200xi32>
    %add3A_910 = arith.addi %iota3A_83, %add3A_909 : vector<200x200xi32>
    %eq3A_911 = vector.broadcast %squeeze3A_833 : vector<1x200xi32> to vector<200x200xi32>
    %eq3A_912 = arith.cmpi eq, %add3A_910, %eq3A_911 : vector<200x200xi32>
    %convert_element_type3A_913 = arith.extui %eq3A_912 : vector<200x200xi1> to vector<200x200xi32>
    %convert_element_type3A_914 = arith.sitofp %convert_element_type3A_913 : vector<200x200xi32> to vector<200x200xf32>
    %slice3A_915 = vector.extract_strided_slice %get3A_67 {offsets = [66, 0, 0], sizes = [1, 200, 8], strides = [1, 1, 1]} : vector<80x200x8xf32> to vector<1x200x8xf32>
    %squeeze3A_916 = vector.shape_cast %slice3A_915 : vector<1x200x8xf32> to vector<200x8xf32>
    %dot_general3A_917 = arith.constant dense<0.000000e+00> : vector<8x200xf32>
    %dot_general3A_918 = tpu.matmul %squeeze3A_916, %convert_element_type3A_914, %dot_general3A_917 {dimension_numbers = #tpu.dot_dimension_numbers<[0], [0], [1], [1], [0, 1, 1, 1], [], []>, precision = #tpu.contract_precision<fp32>, transpose_lhs_hint = false} : vector<200x8xf32>, vector<200x200xf32>, vector<8x200xf32> -> vector<8x200xf32>
    %add3A_919 = arith.addf %add3A_907, %dot_general3A_918 : vector<8x200xf32>
    %add3A_920 = arith.constant 1400 : i32
    %add3A_921 = vector.broadcast %add3A_920 : i32 to vector<200x200xi32>
    %add3A_922 = arith.addi %iota3A_83, %add3A_921 : vector<200x200xi32>
    %eq3A_923 = vector.broadcast %squeeze3A_833 : vector<1x200xi32> to vector<200x200xi32>
    %eq3A_924 = arith.cmpi eq, %add3A_922, %eq3A_923 : vector<200x200xi32>
    %convert_element_type3A_925 = arith.extui %eq3A_924 : vector<200x200xi1> to vector<200x200xi32>
    %convert_element_type3A_926 = arith.sitofp %convert_element_type3A_925 : vector<200x200xi32> to vector<200x200xf32>
    %slice3A_927 = vector.extract_strided_slice %get3A_67 {offsets = [67, 0, 0], sizes = [1, 200, 8], strides = [1, 1, 1]} : vector<80x200x8xf32> to vector<1x200x8xf32>
    %squeeze3A_928 = vector.shape_cast %slice3A_927 : vector<1x200x8xf32> to vector<200x8xf32>
    %dot_general3A_929 = arith.constant dense<0.000000e+00> : vector<8x200xf32>
    %dot_general3A_930 = tpu.matmul %squeeze3A_928, %convert_element_type3A_926, %dot_general3A_929 {dimension_numbers = #tpu.dot_dimension_numbers<[0], [0], [1], [1], [0, 1, 1, 1], [], []>, precision = #tpu.contract_precision<fp32>, transpose_lhs_hint = false} : vector<200x8xf32>, vector<200x200xf32>, vector<8x200xf32> -> vector<8x200xf32>
    %add3A_931 = arith.addf %add3A_919, %dot_general3A_930 : vector<8x200xf32>
    %add3A_932 = arith.constant 1600 : i32
    %add3A_933 = vector.broadcast %add3A_932 : i32 to vector<200x200xi32>
    %add3A_934 = arith.addi %iota3A_83, %add3A_933 : vector<200x200xi32>
    %eq3A_935 = vector.broadcast %squeeze3A_833 : vector<1x200xi32> to vector<200x200xi32>
    %eq3A_936 = arith.cmpi eq, %add3A_934, %eq3A_935 : vector<200x200xi32>
    %convert_element_type3A_937 = arith.extui %eq3A_936 : vector<200x200xi1> to vector<200x200xi32>
    %convert_element_type3A_938 = arith.sitofp %convert_element_type3A_937 : vector<200x200xi32> to vector<200x200xf32>
    %slice3A_939 = vector.extract_strided_slice %get3A_67 {offsets = [68, 0, 0], sizes = [1, 200, 8], strides = [1, 1, 1]} : vector<80x200x8xf32> to vector<1x200x8xf32>
    %squeeze3A_940 = vector.shape_cast %slice3A_939 : vector<1x200x8xf32> to vector<200x8xf32>
    %dot_general3A_941 = arith.constant dense<0.000000e+00> : vector<8x200xf32>
    %dot_general3A_942 = tpu.matmul %squeeze3A_940, %convert_element_type3A_938, %dot_general3A_941 {dimension_numbers = #tpu.dot_dimension_numbers<[0], [0], [1], [1], [0, 1, 1, 1], [], []>, precision = #tpu.contract_precision<fp32>, transpose_lhs_hint = false} : vector<200x8xf32>, vector<200x200xf32>, vector<8x200xf32> -> vector<8x200xf32>
    %add3A_943 = arith.addf %add3A_931, %dot_general3A_942 : vector<8x200xf32>
    %add3A_944 = arith.constant 1800 : i32
    %add3A_945 = vector.broadcast %add3A_944 : i32 to vector<200x200xi32>
    %add3A_946 = arith.addi %iota3A_83, %add3A_945 : vector<200x200xi32>
    %eq3A_947 = vector.broadcast %squeeze3A_833 : vector<1x200xi32> to vector<200x200xi32>
    %eq3A_948 = arith.cmpi eq, %add3A_946, %eq3A_947 : vector<200x200xi32>
    %convert_element_type3A_949 = arith.extui %eq3A_948 : vector<200x200xi1> to vector<200x200xi32>
    %convert_element_type3A_950 = arith.sitofp %convert_element_type3A_949 : vector<200x200xi32> to vector<200x200xf32>
    %slice3A_951 = vector.extract_strided_slice %get3A_67 {offsets = [69, 0, 0], sizes = [1, 200, 8], strides = [1, 1, 1]} : vector<80x200x8xf32> to vector<1x200x8xf32>
    %squeeze3A_952 = vector.shape_cast %slice3A_951 : vector<1x200x8xf32> to vector<200x8xf32>
    %dot_general3A_953 = arith.constant dense<0.000000e+00> : vector<8x200xf32>
    %dot_general3A_954 = tpu.matmul %squeeze3A_952, %convert_element_type3A_950, %dot_general3A_953 {dimension_numbers = #tpu.dot_dimension_numbers<[0], [0], [1], [1], [0, 1, 1, 1], [], []>, precision = #tpu.contract_precision<fp32>, transpose_lhs_hint = false} : vector<200x8xf32>, vector<200x200xf32>, vector<8x200xf32> -> vector<8x200xf32>
    %add3A_955 = arith.addf %add3A_943, %dot_general3A_954 : vector<8x200xf32>
    %add3A_956 = arith.constant 2000 : i32
    %add3A_957 = vector.broadcast %add3A_956 : i32 to vector<200x200xi32>
    %add3A_958 = arith.addi %iota3A_83, %add3A_957 : vector<200x200xi32>
    %eq3A_959 = vector.broadcast %squeeze3A_833 : vector<1x200xi32> to vector<200x200xi32>
    %eq3A_960 = arith.cmpi eq, %add3A_958, %eq3A_959 : vector<200x200xi32>
    %convert_element_type3A_961 = arith.extui %eq3A_960 : vector<200x200xi1> to vector<200x200xi32>
    %convert_element_type3A_962 = arith.sitofp %convert_element_type3A_961 : vector<200x200xi32> to vector<200x200xf32>
    %slice3A_963 = vector.extract_strided_slice %get3A_67 {offsets = [70, 0, 0], sizes = [1, 200, 8], strides = [1, 1, 1]} : vector<80x200x8xf32> to vector<1x200x8xf32>
    %squeeze3A_964 = vector.shape_cast %slice3A_963 : vector<1x200x8xf32> to vector<200x8xf32>
    %dot_general3A_965 = arith.constant dense<0.000000e+00> : vector<8x200xf32>
    %dot_general3A_966 = tpu.matmul %squeeze3A_964, %convert_element_type3A_962, %dot_general3A_965 {dimension_numbers = #tpu.dot_dimension_numbers<[0], [0], [1], [1], [0, 1, 1, 1], [], []>, precision = #tpu.contract_precision<fp32>, transpose_lhs_hint = false} : vector<200x8xf32>, vector<200x200xf32>, vector<8x200xf32> -> vector<8x200xf32>
    %add3A_967 = arith.addf %add3A_955, %dot_general3A_966 : vector<8x200xf32>
    %add3A_968 = arith.constant 2200 : i32
    %add3A_969 = vector.broadcast %add3A_968 : i32 to vector<200x200xi32>
    %add3A_970 = arith.addi %iota3A_83, %add3A_969 : vector<200x200xi32>
    %eq3A_971 = vector.broadcast %squeeze3A_833 : vector<1x200xi32> to vector<200x200xi32>
    %eq3A_972 = arith.cmpi eq, %add3A_970, %eq3A_971 : vector<200x200xi32>
    %convert_element_type3A_973 = arith.extui %eq3A_972 : vector<200x200xi1> to vector<200x200xi32>
    %convert_element_type3A_974 = arith.sitofp %convert_element_type3A_973 : vector<200x200xi32> to vector<200x200xf32>
    %slice3A_975 = vector.extract_strided_slice %get3A_67 {offsets = [71, 0, 0], sizes = [1, 200, 8], strides = [1, 1, 1]} : vector<80x200x8xf32> to vector<1x200x8xf32>
    %squeeze3A_976 = vector.shape_cast %slice3A_975 : vector<1x200x8xf32> to vector<200x8xf32>
    %dot_general3A_977 = arith.constant dense<0.000000e+00> : vector<8x200xf32>
    %dot_general3A_978 = tpu.matmul %squeeze3A_976, %convert_element_type3A_974, %dot_general3A_977 {dimension_numbers = #tpu.dot_dimension_numbers<[0], [0], [1], [1], [0, 1, 1, 1], [], []>, precision = #tpu.contract_precision<fp32>, transpose_lhs_hint = false} : vector<200x8xf32>, vector<200x200xf32>, vector<8x200xf32> -> vector<8x200xf32>
    %add3A_979 = arith.addf %add3A_967, %dot_general3A_978 : vector<8x200xf32>
    %add3A_980 = arith.constant 2400 : i32
    %add3A_981 = vector.broadcast %add3A_980 : i32 to vector<200x200xi32>
    %add3A_982 = arith.addi %iota3A_83, %add3A_981 : vector<200x200xi32>
    %eq3A_983 = vector.broadcast %squeeze3A_833 : vector<1x200xi32> to vector<200x200xi32>
    %eq3A_984 = arith.cmpi eq, %add3A_982, %eq3A_983 : vector<200x200xi32>
    %convert_element_type3A_985 = arith.extui %eq3A_984 : vector<200x200xi1> to vector<200x200xi32>
    %convert_element_type3A_986 = arith.sitofp %convert_element_type3A_985 : vector<200x200xi32> to vector<200x200xf32>
    %slice3A_987 = vector.extract_strided_slice %get3A_67 {offsets = [72, 0, 0], sizes = [1, 200, 8], strides = [1, 1, 1]} : vector<80x200x8xf32> to vector<1x200x8xf32>
    %squeeze3A_988 = vector.shape_cast %slice3A_987 : vector<1x200x8xf32> to vector<200x8xf32>
    %dot_general3A_989 = arith.constant dense<0.000000e+00> : vector<8x200xf32>
    %dot_general3A_990 = tpu.matmul %squeeze3A_988, %convert_element_type3A_986, %dot_general3A_989 {dimension_numbers = #tpu.dot_dimension_numbers<[0], [0], [1], [1], [0, 1, 1, 1], [], []>, precision = #tpu.contract_precision<fp32>, transpose_lhs_hint = false} : vector<200x8xf32>, vector<200x200xf32>, vector<8x200xf32> -> vector<8x200xf32>
    %add3A_991 = arith.addf %add3A_979, %dot_general3A_990 : vector<8x200xf32>
    %add3A_992 = arith.constant 2600 : i32
    %add3A_993 = vector.broadcast %add3A_992 : i32 to vector<200x200xi32>
    %add3A_994 = arith.addi %iota3A_83, %add3A_993 : vector<200x200xi32>
    %eq3A_995 = vector.broadcast %squeeze3A_833 : vector<1x200xi32> to vector<200x200xi32>
    %eq3A_996 = arith.cmpi eq, %add3A_994, %eq3A_995 : vector<200x200xi32>
    %convert_element_type3A_997 = arith.extui %eq3A_996 : vector<200x200xi1> to vector<200x200xi32>
    %convert_element_type3A_998 = arith.sitofp %convert_element_type3A_997 : vector<200x200xi32> to vector<200x200xf32>
    %slice3A_999 = vector.extract_strided_slice %get3A_67 {offsets = [73, 0, 0], sizes = [1, 200, 8], strides = [1, 1, 1]} : vector<80x200x8xf32> to vector<1x200x8xf32>
    %squeeze3A_1000 = vector.shape_cast %slice3A_999 : vector<1x200x8xf32> to vector<200x8xf32>
    %dot_general3A_1001 = arith.constant dense<0.000000e+00> : vector<8x200xf32>
    %dot_general3A_1002 = tpu.matmul %squeeze3A_1000, %convert_element_type3A_998, %dot_general3A_1001 {dimension_numbers = #tpu.dot_dimension_numbers<[0], [0], [1], [1], [0, 1, 1, 1], [], []>, precision = #tpu.contract_precision<fp32>, transpose_lhs_hint = false} : vector<200x8xf32>, vector<200x200xf32>, vector<8x200xf32> -> vector<8x200xf32>
    %add3A_1003 = arith.addf %add3A_991, %dot_general3A_1002 : vector<8x200xf32>
    %add3A_1004 = arith.constant 2800 : i32
    %add3A_1005 = vector.broadcast %add3A_1004 : i32 to vector<200x200xi32>
    %add3A_1006 = arith.addi %iota3A_83, %add3A_1005 : vector<200x200xi32>
    %eq3A_1007 = vector.broadcast %squeeze3A_833 : vector<1x200xi32> to vector<200x200xi32>
    %eq3A_1008 = arith.cmpi eq, %add3A_1006, %eq3A_1007 : vector<200x200xi32>
    %convert_element_type3A_1009 = arith.extui %eq3A_1008 : vector<200x200xi1> to vector<200x200xi32>
    %convert_element_type3A_1010 = arith.sitofp %convert_element_type3A_1009 : vector<200x200xi32> to vector<200x200xf32>
    %slice3A_1011 = vector.extract_strided_slice %get3A_67 {offsets = [74, 0, 0], sizes = [1, 200, 8], strides = [1, 1, 1]} : vector<80x200x8xf32> to vector<1x200x8xf32>
    %squeeze3A_1012 = vector.shape_cast %slice3A_1011 : vector<1x200x8xf32> to vector<200x8xf32>
    %dot_general3A_1013 = arith.constant dense<0.000000e+00> : vector<8x200xf32>
    %dot_general3A_1014 = tpu.matmul %squeeze3A_1012, %convert_element_type3A_1010, %dot_general3A_1013 {dimension_numbers = #tpu.dot_dimension_numbers<[0], [0], [1], [1], [0, 1, 1, 1], [], []>, precision = #tpu.contract_precision<fp32>, transpose_lhs_hint = false} : vector<200x8xf32>, vector<200x200xf32>, vector<8x200xf32> -> vector<8x200xf32>
    %add3A_1015 = arith.addf %add3A_1003, %dot_general3A_1014 : vector<8x200xf32>
    %add3A_1016 = arith.constant 3000 : i32
    %add3A_1017 = vector.broadcast %add3A_1016 : i32 to vector<200x200xi32>
    %add3A_1018 = arith.addi %iota3A_83, %add3A_1017 : vector<200x200xi32>
    %eq3A_1019 = vector.broadcast %squeeze3A_833 : vector<1x200xi32> to vector<200x200xi32>
    %eq3A_1020 = arith.cmpi eq, %add3A_1018, %eq3A_1019 : vector<200x200xi32>
    %convert_element_type3A_1021 = arith.extui %eq3A_1020 : vector<200x200xi1> to vector<200x200xi32>
    %convert_element_type3A_1022 = arith.sitofp %convert_element_type3A_1021 : vector<200x200xi32> to vector<200x200xf32>
    %slice3A_1023 = vector.extract_strided_slice %get3A_67 {offsets = [75, 0, 0], sizes = [1, 200, 8], strides = [1, 1, 1]} : vector<80x200x8xf32> to vector<1x200x8xf32>
    %squeeze3A_1024 = vector.shape_cast %slice3A_1023 : vector<1x200x8xf32> to vector<200x8xf32>
    %dot_general3A_1025 = arith.constant dense<0.000000e+00> : vector<8x200xf32>
    %dot_general3A_1026 = tpu.matmul %squeeze3A_1024, %convert_element_type3A_1022, %dot_general3A_1025 {dimension_numbers = #tpu.dot_dimension_numbers<[0], [0], [1], [1], [0, 1, 1, 1], [], []>, precision = #tpu.contract_precision<fp32>, transpose_lhs_hint = false} : vector<200x8xf32>, vector<200x200xf32>, vector<8x200xf32> -> vector<8x200xf32>
    %add3A_1027 = arith.addf %add3A_1015, %dot_general3A_1026 : vector<8x200xf32>
    %add3A_1028 = arith.constant 3200 : i32
    %add3A_1029 = vector.broadcast %add3A_1028 : i32 to vector<200x200xi32>
    %add3A_1030 = arith.addi %iota3A_83, %add3A_1029 : vector<200x200xi32>
    %eq3A_1031 = vector.broadcast %squeeze3A_833 : vector<1x200xi32> to vector<200x200xi32>
    %eq3A_1032 = arith.cmpi eq, %add3A_1030, %eq3A_1031 : vector<200x200xi32>
    %convert_element_type3A_1033 = arith.extui %eq3A_1032 : vector<200x200xi1> to vector<200x200xi32>
    %convert_element_type3A_1034 = arith.sitofp %convert_element_type3A_1033 : vector<200x200xi32> to vector<200x200xf32>
    %slice3A_1035 = vector.extract_strided_slice %get3A_67 {offsets = [76, 0, 0], sizes = [1, 200, 8], strides = [1, 1, 1]} : vector<80x200x8xf32> to vector<1x200x8xf32>
    %squeeze3A_1036 = vector.shape_cast %slice3A_1035 : vector<1x200x8xf32> to vector<200x8xf32>
    %dot_general3A_1037 = arith.constant dense<0.000000e+00> : vector<8x200xf32>
    %dot_general3A_1038 = tpu.matmul %squeeze3A_1036, %convert_element_type3A_1034, %dot_general3A_1037 {dimension_numbers = #tpu.dot_dimension_numbers<[0], [0], [1], [1], [0, 1, 1, 1], [], []>, precision = #tpu.contract_precision<fp32>, transpose_lhs_hint = false} : vector<200x8xf32>, vector<200x200xf32>, vector<8x200xf32> -> vector<8x200xf32>
    %add3A_1039 = arith.addf %add3A_1027, %dot_general3A_1038 : vector<8x200xf32>
    %add3A_1040 = arith.constant 3400 : i32
    %add3A_1041 = vector.broadcast %add3A_1040 : i32 to vector<200x200xi32>
    %add3A_1042 = arith.addi %iota3A_83, %add3A_1041 : vector<200x200xi32>
    %eq3A_1043 = vector.broadcast %squeeze3A_833 : vector<1x200xi32> to vector<200x200xi32>
    %eq3A_1044 = arith.cmpi eq, %add3A_1042, %eq3A_1043 : vector<200x200xi32>
    %convert_element_type3A_1045 = arith.extui %eq3A_1044 : vector<200x200xi1> to vector<200x200xi32>
    %convert_element_type3A_1046 = arith.sitofp %convert_element_type3A_1045 : vector<200x200xi32> to vector<200x200xf32>
    %slice3A_1047 = vector.extract_strided_slice %get3A_67 {offsets = [77, 0, 0], sizes = [1, 200, 8], strides = [1, 1, 1]} : vector<80x200x8xf32> to vector<1x200x8xf32>
    %squeeze3A_1048 = vector.shape_cast %slice3A_1047 : vector<1x200x8xf32> to vector<200x8xf32>
    %dot_general3A_1049 = arith.constant dense<0.000000e+00> : vector<8x200xf32>
    %dot_general3A_1050 = tpu.matmul %squeeze3A_1048, %convert_element_type3A_1046, %dot_general3A_1049 {dimension_numbers = #tpu.dot_dimension_numbers<[0], [0], [1], [1], [0, 1, 1, 1], [], []>, precision = #tpu.contract_precision<fp32>, transpose_lhs_hint = false} : vector<200x8xf32>, vector<200x200xf32>, vector<8x200xf32> -> vector<8x200xf32>
    %add3A_1051 = arith.addf %add3A_1039, %dot_general3A_1050 : vector<8x200xf32>
    %add3A_1052 = arith.constant 3600 : i32
    %add3A_1053 = vector.broadcast %add3A_1052 : i32 to vector<200x200xi32>
    %add3A_1054 = arith.addi %iota3A_83, %add3A_1053 : vector<200x200xi32>
    %eq3A_1055 = vector.broadcast %squeeze3A_833 : vector<1x200xi32> to vector<200x200xi32>
    %eq3A_1056 = arith.cmpi eq, %add3A_1054, %eq3A_1055 : vector<200x200xi32>
    %convert_element_type3A_1057 = arith.extui %eq3A_1056 : vector<200x200xi1> to vector<200x200xi32>
    %convert_element_type3A_1058 = arith.sitofp %convert_element_type3A_1057 : vector<200x200xi32> to vector<200x200xf32>
    %slice3A_1059 = vector.extract_strided_slice %get3A_67 {offsets = [78, 0, 0], sizes = [1, 200, 8], strides = [1, 1, 1]} : vector<80x200x8xf32> to vector<1x200x8xf32>
    %squeeze3A_1060 = vector.shape_cast %slice3A_1059 : vector<1x200x8xf32> to vector<200x8xf32>
    %dot_general3A_1061 = arith.constant dense<0.000000e+00> : vector<8x200xf32>
    %dot_general3A_1062 = tpu.matmul %squeeze3A_1060, %convert_element_type3A_1058, %dot_general3A_1061 {dimension_numbers = #tpu.dot_dimension_numbers<[0], [0], [1], [1], [0, 1, 1, 1], [], []>, precision = #tpu.contract_precision<fp32>, transpose_lhs_hint = false} : vector<200x8xf32>, vector<200x200xf32>, vector<8x200xf32> -> vector<8x200xf32>
    %add3A_1063 = arith.addf %add3A_1051, %dot_general3A_1062 : vector<8x200xf32>
    %add3A_1064 = arith.constant 3800 : i32
    %add3A_1065 = vector.broadcast %add3A_1064 : i32 to vector<200x200xi32>
    %add3A_1066 = arith.addi %iota3A_83, %add3A_1065 : vector<200x200xi32>
    %eq3A_1067 = vector.broadcast %squeeze3A_833 : vector<1x200xi32> to vector<200x200xi32>
    %eq3A_1068 = arith.cmpi eq, %add3A_1066, %eq3A_1067 : vector<200x200xi32>
    %convert_element_type3A_1069 = arith.extui %eq3A_1068 : vector<200x200xi1> to vector<200x200xi32>
    %convert_element_type3A_1070 = arith.sitofp %convert_element_type3A_1069 : vector<200x200xi32> to vector<200x200xf32>
    %slice3A_1071 = vector.extract_strided_slice %get3A_67 {offsets = [79, 0, 0], sizes = [1, 200, 8], strides = [1, 1, 1]} : vector<80x200x8xf32> to vector<1x200x8xf32>
    %squeeze3A_1072 = vector.shape_cast %slice3A_1071 : vector<1x200x8xf32> to vector<200x8xf32>
    %dot_general3A_1073 = arith.constant dense<0.000000e+00> : vector<8x200xf32>
    %dot_general3A_1074 = tpu.matmul %squeeze3A_1072, %convert_element_type3A_1070, %dot_general3A_1073 {dimension_numbers = #tpu.dot_dimension_numbers<[0], [0], [1], [1], [0, 1, 1, 1], [], []>, precision = #tpu.contract_precision<fp32>, transpose_lhs_hint = false} : vector<200x8xf32>, vector<200x200xf32>, vector<8x200xf32> -> vector<8x200xf32>
    %add3A_1075 = arith.addf %add3A_1063, %dot_general3A_1074 : vector<8x200xf32>
    %swap3A_1076 = arith.constant 3 : index
    %swap3A_1077 = arith.constant 0 : index
    %swap3A_1078 = arith.constant 0 : index
    %swap3A_1079 = vector.load %arg1[%swap3A_1076, %swap3A_1077, %swap3A_1078] : memref<4x8x200xf32, #tpu.memory_space<vmem>>, vector<1x8x200xf32>
    %swap3A_1080 = vector.shape_cast %swap3A_1079 : vector<1x8x200xf32> to vector<8x200xf32>
    %swap3A_1081 = vector.shape_cast %add3A_1075 : vector<8x200xf32> to vector<1x8x200xf32>
    tpu.vector_store %arg1[%swap3A_1076, %swap3A_1077, %swap3A_1078], %swap3A_1081 {strides = array<i32>} : memref<4x8x200xf32, #tpu.memory_space<vmem>>, vector<1x8x200xf32>,
    return
  }
}

</mosaic_0001>

<sc_bundles>
// kernel: kernel.4.cloned.1.call-start
scs
__scs_entry_jumppad:
0x0: {  	(pc) =	sbr.rel $0x88, $3  }
0x1: {  	(tag) =	ssettag $0x0;
	lr =	simm.s32 $0x1  }
0x2: {  	[smem:$0x3FA0] =	sst lr;
	_ =	strace $0xD0000000  }
0x3: {  	_ = 	snop  }
0x4: {  	_ = 	snop  }
0x5: {  	_ = 	snop  }
0x6: {  	_ = 	snop  }
0x7: {  	_ = 	snop  }
__scs_overlays_trampoline_lowered:
0x8: {  	[smem:$0x3FAF] =	sst s0  }
0x9: {  	[smem:$0x3FB0] =	sst s1  }
0xa: {  	[smem:$0x3FB1] =	sst s2  }
0xb: {  	[smem:$0x3FB2] =	sst s3  }
0xc: {  	[smem:$0x3FB3] =	sst s4  }
0xd: {  	[smem:$0x3FB4] =	sst s5  }
0xe: {  	[smem:$0x3FB5] =	sst s6  }
0xf: {  	[smem:$0x3FB6] =	sst s7  }
0x10: {  	[smem:$0x3FB7] =	sst s8  }
0x11: {  	[smem:$0x3FB8] =	sst s9;
	s0 =	simm.s32 @!p0 $0x0  }
0x12: {  	s1 =	sld [smem:$0x3F9E];
	s0 =	simm.s32 @p0 $0x1  }
0x13: {  	[smem:$0x3FB9] =	sst s0;
	s0 =	simm.s32 @!p1 $0x0  }
0x14: {  	s2 =	sld [smem:$0x3F9D];
	s0 =	simm.s32 @p1 $0x1  }
0x15: {  	[smem:$0x3FBA] =	sst s0;
	s0 =	simm.s32 @!p2 $0x0  }
0x16: {  	s3 =	sld [smem:$0x3FDB];
	s0 =	simm.s32 @p2 $0x1  }
0x17: {  	s4 =	simm.s32 $0x1BF5;
	[smem:$0x3FBC] =	sst s0  }
0x18: {  	s0 =	sld [smem:$0x3F9F];
	_ =	swait.ge [sflag:s4], $0x0  }
0x19: {  	s7 =	sld [smem:$0x3FA0]  }
0x1a: {  	s8 =	sadd.s32 $0xFFFFE003, lr  }
0x1b: {  	s9 =	sadd.s32 $0xFFFFFEF7, lr;
	s5 =	simm.s32 $0xFFFFFFFF;
	p2 =	slt.u32 s8, $0xFFFFF086  }
0x1c: {  	p1 =	slt.u32 s9, $0xF7A;
	s5 =	simm.s32 @!p2 $0x0  }
0x1d: {  	s5 =	simm.s32 @p1 $0x1;
	p0 =	seq.s32 s7, s2  }
0x1e: {  	s7 =	smul.u32 @!p0 $0xF7A, s2;
	p2 =	seq.s32 @!p0 s5, $0x0  }
0x1f: {  	s9 =	smul.u32 $0xF7A, s1;
	s8 =	simm.s32 @!p0 $0x1BF5;
	p2 =	por !p2, p0  }
0x20: {  	[sflag:s8] =	ssyncset.s32 @!p0 $0xFFFFF086;
	s6 =	sadd.s32 @!p0 s3, s7;
	s7 =	simm.s32 @!p0 $0x108  }
0x21: {  	s3 =	sadd.s32 s3, s9;
	s6 =	sadd.s32 @!p0 $0x88, s6;
	s7 =	simm.s32 @p2 $0x1082  }
0x22: {  	[simem:s7], [sflag:s8] =	dma.local @!p0 [hbm:s6], $0xF7A  }
0x23: {  	s9 =	sor.u32 $0xD0000000, s2;
	s6 =	simm.s32 $0x108;
	_ =	swait.ge @!p0 [sflag:s8], $0x0  }
0x24: {  	s3 =	sadd.s32 $0x88, s3;
	s6 =	simm.s32 @!p1 $0x1082;
	[sflag:s4] =	ssyncset.s32 $0xFFFFF086  }
0x25: {  	[simem:s6], [sflag:s4] =	dma.local [hbm:s3], $0xF7A  }
0x26: {  	[smem:$0x3FA0] =	sst s1;
	(tag) =	ssettag s2;
	_ =	strace s9  }
0x27: {  	s1 =	sld [smem:$0x3FB0]  }
0x28: {  	s2 =	sld [smem:$0x3FB1]  }
0x29: {  	s4 =	sld [smem:$0x3FB3]  }
0x2a: {  	p0 =	seq.s32 s5, $0x0;
	s5 =	sld [smem:$0x3FB4]  }
0x2b: {  	s6 =	sld [smem:$0x3FB5]  }
0x2c: {  	s7 =	sld [smem:$0x3FB6]  }
0x2d: {  	s3 =	simm.s32 $0x108;
	s8 =	sld [smem:$0x3FB7]  }
0x2e: {  	s3 =	simm.s32 @!p0 $0x1082;
	s9 =	sld [smem:$0x3FB8]  }
0x2f: {  	lr =	sadd.s32 s0, s3;
	s0 =	sld [smem:$0x3FAF]  }
0x30: {  	s3 =	sld [smem:$0x3FB2]  }
0x31: {  	[smem:$0x3FBB] =	sst s10  }
0x32: {  	s10 =	sld [smem:$0x3FB9];
	_ =	sdelay $0x3  }
0x33: {  	p0 =	seq.s32 s10, $0x1;
	s10 =	sld [smem:$0x3FBB];
	_ =	sdelay $0x3  }
0x34: {  	[smem:$0x3FBB] =	sst s10  }
0x35: {  	s10 =	sld [smem:$0x3FBA];
	_ =	sdelay $0x3  }
0x36: {  	p1 =	seq.s32 s10, $0x1;
	s10 =	sld [smem:$0x3FBB];
	_ =	sdelay $0x3  }
0x37: {  	[smem:$0x3FBB] =	sst s10  }
0x38: {  	s10 =	sld [smem:$0x3FBC]  }
0x39: {  	_ = 	snop;
	(pc) =	sbr.ind lr, $3  }
0x3a: {  	_ = 	snop  }
0x3b: {  	_ = 	snop  }
0x3c: {  	p2 =	seq.s32 s10, $0x1;
	s10 =	sld [smem:$0x3FBB]  }
0x3d: {  	_ =	shalt  }
0x3e: {  	_ =	shalt  }
0x3f: {  	_ =	shalt  }
0x40: {  	_ =	shalt  }
0x41: {  	_ =	shalt  }
0x42: {  	_ =	shalt  }
0x43: {  	_ =	shalt  }
0x44: {  	_ =	shalt  }
0x45: {  	_ =	shalt  }
0x46: {  	_ =	shalt  }
0x47: {  	_ =	shalt  }
0x48: {  	_ =	shalt  }
0x49: {  	_ =	shalt  }
0x4a: {  	_ =	shalt  }
0x4b: {  	_ =	shalt  }
0x4c: {  	_ =	shalt  }
0x4d: {  	_ =	shalt  }
0x4e: {  	_ =	shalt  }
0x4f: {  	_ =	shalt  }
0x50: {  	_ =	shalt  }
0x51: {  	_ =	shalt  }
0x52: {  	_ =	shalt  }
0x53: {  	_ =	shalt  }
0x54: {  	_ =	shalt  }
0x55: {  	_ =	shalt  }
0x56: {  	_ =	shalt  }
0x57: {  	_ =	shalt  }
0x58: {  	_ =	shalt  }
0x59: {  	_ =	shalt  }
0x5a: {  	_ =	shalt  }
0x5b: {  	_ =	shalt  }
0x5c: {  	_ =	shalt  }
0x5d: {  	_ =	shalt  }
0x5e: {  	_ =	shalt  }
0x5f: {  	_ =	shalt  }
0x60: {  	_ =	shalt  }
0x61: {  	_ =	shalt  }
0x62: {  	_ =	shalt  }
0x63: {  	_ =	shalt  }
0x64: {  	_ =	shalt  }
0x65: {  	_ =	shalt  }
0x66: {  	_ =	shalt  }
0x67: {  	_ =	shalt  }
0x68: {  	_ =	shalt  }
0x69: {  	_ =	shalt  }
0x6a: {  	_ =	shalt  }
0x6b: {  	_ =	shalt  }
0x6c: {  	_ =	shalt  }
0x6d: {  	_ =	shalt  }
0x6e: {  	_ =	shalt  }
0x6f: {  	_ =	shalt  }
0x70: {  	_ =	shalt  }
0x71: {  	_ =	shalt  }
0x72: {  	_ =	shalt  }
0x73: {  	_ =	shalt  }
0x74: {  	_ =	shalt  }
0x75: {  	_ =	shalt  }
0x76: {  	_ =	shalt  }
0x77: {  	_ =	shalt  }
0x78: {  	_ =	shalt  }
0x79: {  	_ =	shalt  }
0x7a: {  	_ =	shalt  }
0x7b: {  	_ =	shalt  }
0x7c: {  	_ =	shalt  }
0x7d: {  	_ =	shalt  }
0x7e: {  	_ =	shalt  }
0x7f: {  	_ =	shalt  }
0x80: {  	_ =	shalt  }
0x81: {  	_ =	shalt  }
0x82: {  	_ =	shalt  }
0x83: {  	_ =	shalt  }
0x84: {  	_ =	shalt  }
0x85: {  	_ =	shalt  }
0x86: {  	_ =	shalt  }
0x87: {  	_ =	shalt  }
.Lfunc_end0:
.L_simem_size_0:
called_computation_lowered:
.L_overlay_start_0:
0x88: {  	s2 =	sld [smem:$0x3FD9]  }
0x89: {  	s3 =	sld [smem:$0x3FFE];
	_ =	sdelay $0x1  }
0x8a: {  	s1 =	srdreg.scid  }
0x8b: {  	s0 =	sand.u32 $0x1, s1  }
0x8c: {  	s16 =	sshll.u32 s0, $0xA;
	s2 =	sadd.s32 s3, s2  }
0x8d: {  	s2 =	sadd.s32 s2, s16  }
0x8e: {  	[smem:$0x3FC7] =	sst s2  }
0x8f: {  	_ = 	snop  }
0x90: {  	(tm) =	ssettm $0x1  }
0x91: {  	s17 =	sld [smem:$0x3FFB];
	_ =	sdelay $0x3  }
0x92: {  	_ =	strace s17  }
0x93: {  	s2 =	sld [smem:$0x3FFC];
	_ =	sdelay $0x3  }
0x94: {  	_ =	strace s2  }
0x95: {  	s2 =	sld [smem:$0x3FFD];
	_ =	sdelay $0x3  }
0x96: {  	_ =	strace s2  }
0x97: {  	_ =	strace $0x8FFFFFFF  }
0x98: {  	s18 =	sld [smem:$0x3FDB];
	_ =	sdelay $0x1  }
0x99: {  	s19 =	simm.s32 $_scs_section_size  }
0x9a: {  	s4 =	simm.s32 $_size__tile_overlayer_lowered;
	s5 =	simm.s32 $_tile_overlayer_lowered  }
0x9b: {  	s22 =	simm.s32 $0x1BFF;
	s21 =	sshll.u32 s5, $0x1;
	s2 =	sadd.s32 s19, s18  }
0x9c: {  	s6 =	simm.s32 $0x0;
	s20 =	sshll.u32 s4, $0x1;
	s4 =	sadd.s32 s21, s2  }
0x9d: {  	[timem:s6], [sflag:s22] =	dma.local [hbm:s4], s20  }
0x9e: {  	_ =	swait.ge [sflag:s22], s20  }
0x9f: {  	s3 =	ssub.s32 $0x0, s20;
	[sflag:s22] =	ssyncset.done $0x0  }
0xa0: {  	[sflag:s22] =	ssyncadd.s32 s3;
	_ =	sdelay $0x1  }
0xa1: {  	s23 =	simm.s32 $0x1B8B  }
0xa2: {  	_ =	swait.ge [sflag:s23], $0x1  }
0xa3: {  	[sflag:s23] =	ssyncset.done $0x0  }
0xa4: {  	s25 =	simm.s32 $0x1B8E;
	s24 =	sld [smem:$0x3FFE];
	[sflag:s23] =	ssyncadd.s32 $0xFFFFFFFF  }
0xa5: {  	s26 =	simm.s32 $execute0_lowered;
	[smem:$0x3FD2] =	sst s25  }
0xa6: {  	s4 =	sshll.u32 s26, $0x1;
	_ =	strace $0x80000046;
	[dreg:$0x1] =	wrdreg $0xFFFFFFFF  }
0xa7: {  	s28 =	simm.s32 $_size_execute0_lowered;
	s2 =	sadd.s32 s2, s4;
	[dreg:$0x0] =	wrdreg $0x0  }
0xa8: {  	s4 =	sshll.u32 s28, $0x1;
	[dreg:$0x2] =	wrdreg s2  }
0xa9: {  	[dreg:$0x3] =	wrdreg s4  }
0xaa: {  	[dreg:$0x4] =	wrdreg $0xC0  }
0xab: {  	_ =	task [dreg:s6], $0x5FFFF  }
0xac: {  	[dreg:$0x1] =	wrdreg $0xFFFFFFFF  }
0xad: {  	[dreg:$0x0] =	wrdreg $0x60  }
0xae: {  	[dreg:$0x2] =	wrdreg s24  }
0xaf: {  	[dreg:$0x3] =	wrdreg $0x9  }
0xb0: {  	_ =	task.clear_ibuf [dreg:s6], $0x4FFFF;
	_ =	strace $0x90000046  }
0xb1: {  	s29 =	simm.s32 $0x9;
	_ =	strace $0x80000048  }
0xb2: {  	_ =	swait.ge [sflag:s29], $0x1  }
0xb3: {  	[sflag:s29] =	ssyncadd.s32 $0xFFFFFFFF  }
0xb4: {  	_ =	strace $0x90000048  }
0xb5: {  	_ =	sfence  }
0xb6: {  	s30 =	sld [smem:$0x0];
	_ =	sdelay $0x2  }
0xb7: {  	s31 =	sshll.u32 s1, $0xD;
	s1 =	sshrl.u32 s1, $0x2  }
0xb8: {  	s3 =	sand.u32 $0x4000, s31;
	s1 =	sadd.s32 s1, s30  }
0xb9: {  	s0 =	sor.u32 s3, s0;
	s1 =	sshll.u32 s1, $0x11  }
0xba: {  	s0 =	sor.u32 s1, s0  }
0xbb: {  	s0 =	sadd.s32 $0x8F2B, s0  }
0xbc: {  	[sflag:s0] =	ssyncadd.remote.s32 $0x1  }
0xbd: {  	_ =	sfence.sel $0xFFFF  }
0xbe: {  	[dreg:$0x0] =	wrdreg $0xFFFFFFFF;
	(pc) =	sbr.abs _section_cstart, $3  }
0xbf: {  	[dreg:$0x1] =	wrdreg $0xFFFFFFFF  }
0xc0: {  	_ =	task.clear_ibuf [dreg:s6], $0x2FFFF;
	_ =	strace $0x9FFFFFFF  }
0xc1: {  	(tm) =	ssettm $0x7FFFFFFF  }
tec
execute0_lowered:
.L_overlay_start_1:
0x0: {  	(tag) =	ssettag $0x1  }
0x1: {  	s0 =	srdreg.scid  }
0x2: {  	s15 =	stileid.u32;
	s3 =	simm.s32 $0x0;
	s6 =	simm.s32 $0x80  }
0x3: {  	s30 =	simm.s32 $0x200;
	s31 =	simm.s32 $0x1;
	s29 =	simm.s32 $0x1400  }
0x4: {  	s2 =	sand.u32 $0x1, s0;
	s11 =	sshll.u32 s15, $0x1;
	s0 =	rddreg [dreg:$0x0]  }
0x5: {  	s28 =	simm.s32 $0x3C00;
	[smem:$0x7FF] =	sst s3;
	s4 =	sor.u32 s2, s11  }
0x6: {  	s10 =	sshll.u32 s15, $0xA;
	p0 =	slt.u32 s11, $0x14;
	s1 =	sadd.s32 $0xFFFFFFEC, s4  }
0x7: {  	s3 =	sadd.s32 $0x600, s0;
	s2 =	ssub.s32 $0x2, s2;
	s1 =	smov.u32 @p0 s4  }
0x8: {  	s21 =	sadd.s32 $0x3F800, s0;
	s10 =	sand.u32 $0x3000, s10;
	s5 =	smul.u32 $0x5000, s1  }
0x9: {  	s12 =	sshrl.u32 s2, $0x1;
	p0 =	sgt.u32 s15, $0x9;
	s7 =	smul.u32 $0x14000, s1  }
0xa: {  	s11 =	sshll.u32 s4, $0x7;
	s2 =	ssub.s32 s2, s12;
	s6 =	simm.s32 @!p0 $0x0  }
0xb: {  	s11 =	sand.u32 $0x380, s11;
	s5 =	sor.u32 s6, s5;
	s6 =	sor.u32 s6, s7  }
0xc: {  	s1 =	sadd.s32 $0x40200, s0;
	s5 =	sadd.s32 $0x5000, s5;
	s8 =	sadd.s32 $0x6E000, s6  }
0xd: {  	s16 =	sadd.s32 $0x69000, s6;
	s17 =	sadd.s32 $0x78000, s6;
	s6 =	sadd.s32 $0x73000, s6  }
0xe: {  	s5 =	sshrl.u32 s5, $0x3;
	s13 =	sshrl.u32 s8, $0x3;
	s7 =	sshrl.u32 s16, $0x3  }
0xf: {  	s8 =	sshrl.u32 s17, $0x3;
	s6 =	sshrl.u32 s6, $0x3;
	s5 =	sadd.s32 s3, s5  }
0x10: {  	s14 =	sadd.s32 s3, s13;
	s7 =	sadd.s32 s3, s7;
	[dreg:$0x2] =	wrdreg s5  }
0x11: {  	s18 =	sadd.s32 s3, s8;
	[dreg:$0x3] =	wrdreg s14;
	s5 =	sor.u32 $0x20, s4  }
0x12: {  	s6 =	sadd.s32 s3, s6;
	[dreg:$0x4] =	wrdreg s7;
	s9 =	sand.u32 $0xFF, s5  }
0x13: {  	[dreg:$0x5] =	wrdreg s18;
	s7 =	simm.s32 $0x10;
	s9 =	smul.u32 $0xCD, s9  }
0x14: {  	[dreg:$0x6] =	wrdreg s6;
	s4 =	sor.u32 $0x40, s4;
	s7 =	simm.s32 @!p0 $0x0  }
0x15: {  	s13 =	sand.u32 $0xFF, s4;
	s7 =	sadd.s32 s7, s21;
	s19 =	sshrl.u32 s9, $0xC  }
0x16: {  	[dreg:$0x7] =	wrdreg s7;
	s7 =	sor.u32 s10, s11;
	s20 =	smul.u32 $0x14, s19  }
0x17: {  	p0 =	sgt.u32 s15, $0x7;
	s13 =	smul.u32 $0xCD, s13;
	s10 =	sadd.s32 $0xA000, s7  }
0x18: {  	s9 =	sshrl.u32 s9, $0x5;
	s14 =	sshrl.u32 s7, $0x3;
	s6 =	ssub.s32 s5, s20  }
0x19: {  	s23 =	sshrl.u32 s13, $0xC;
	s10 =	sshrl.u32 s10, $0x3;
	s6 =	sand.u32 $0xFF, s6  }
0x1a: {  	s9 =	sand.u32 $0x180, s9;
	s5 =	sshll.u32 s5, $0x9;
	s12 =	smul.u32 $0x5000, s6  }
0x1b: {  	s10 =	sadd.s32 s1, s10;
	s5 =	sand.u32 $0x7000, s5;
	s6 =	smul.u32 $0x14000, s6  }
0x1c: {  	[dreg:$0x8] =	wrdreg s10;
	s5 =	sor.u32 s11, s5;
	s22 =	sor.u32 s9, s12  }
0x1d: {  	s6 =	sor.u32 s9, s6;
	s12 =	smul.u32 $0x14, s23;
	s9 =	sshrl.u32 s9, $0x3  }
0x1e: {  	s23 =	sadd.s32 s1, s14;
	s10 =	sadd.s32 $0x5000, s22;
	s24 =	sadd.s32 $0x6E000, s6  }
0x1f: {  	s26 =	sadd.s32 $0x69000, s6;
	s17 =	sadd.s32 $0x78000, s6;
	s6 =	sadd.s32 $0x73000, s6  }
0x20: {  	s8 =	sadd.s32 s9, s21;
	s22 =	sadd.s32 $0x1E000, s7;
	s7 =	sadd.s32 $0x32000, s7  }
0x21: {  	[dreg:$0x10] =	wrdreg s23;
	s10 =	sshrl.u32 s10, $0x3;
	s25 =	sshrl.u32 s24, $0x3  }
0x22: {  	s16 =	sshrl.u32 s26, $0x3;
	s12 =	ssub.s32 s4, s12;
	[dreg:$0xb] =	wrdreg s8  }
0x23: {  	s19 =	sshrl.u32 s17, $0x3;
	s6 =	sshrl.u32 s6, $0x3;
	s4 =	sshll.u32 s4, $0x9  }
0x24: {  	s8 =	sshrl.u32 s22, $0x3;
	s7 =	sshrl.u32 s7, $0x3;
	s26 =	sshrl.u32 s5, $0x3  }
0x25: {  	s10 =	sadd.s32 s3, s10;
	s12 =	sand.u32 $0xFF, s12;
	s9 =	sadd.s32 s3, s19  }
0x26: {  	s6 =	sadd.s32 s3, s6;
	s4 =	sand.u32 $0x9000, s4;
	s8 =	sadd.s32 s1, s8  }
0x27: {  	s19 =	sadd.s32 s1, s7;
	[dreg:$0x9] =	wrdreg s10;
	s18 =	smul.u32 $0x5000, s12  }
0x28: {  	s10 =	sadd.s32 s3, s25;
	s12 =	smul.u32 $0x14000, s12;
	[dreg:$0xd] =	wrdreg s9  }
0x29: {  	[dreg:$0xe] =	wrdreg s6;
	s4 =	sor.u32 s11, s4;
	s9 =	sadd.s32 $0x42A00, s0  }
0x2a: {  	[dreg:$0xf] =	wrdreg s8;
	s25 =	sadd.s32 $0x45200, s0;
	s11 =	sadd.s32 $0xA000, s5  }
0x2b: {  	s0 =	sadd.s32 $0x3F830, s0;
	[dreg:$0xa] =	wrdreg s10;
	s10 =	sadd.s32 s3, s16  }
0x2c: {  	s24 =	sadd.s32 s14, s9;
	s7 =	sshrl.u32 s11, $0x3;
	s17 =	sshrl.u32 s4, $0x3  }
0x2d: {  	s8 =	sadd.s32 $0xA000, s4;
	[dreg:$0xc] =	wrdreg s10;
	s20 =	sshrl.u32 s18, $0x3  }
0x2e: {  	s21 =	sshrl.u32 s12, $0x3;
	[dreg:$0x11] =	wrdreg s24;
	s18 =	sadd.s32 s14, s25  }
0x2f: {  	s12 =	sadd.s32 $0x14000, s5;
	s22 =	sadd.s32 s1, s7;
	s14 =	sadd.s32 $0x1E000, s5  }
0x30: {  	s5 =	sadd.s32 $0x32000, s5;
	s10 =	sadd.s32 $0x1E000, s4;
	s4 =	sadd.s32 $0x28000, s4  }
0x31: {  	s6 =	sadd.s32 s3, s20;
	s3 =	sadd.s32 s3, s21;
	s20 =	sadd.s32 s26, s25  }
0x32: {  	s21 =	sadd.s32 s1, s26;
	s13 =	sshrl.u32 s12, $0x3;
	s16 =	sshrl.u32 s14, $0x3  }
0x33: {  	s5 =	sshrl.u32 s5, $0x3;
	s26 =	sadd.s32 s17, s9;
	s9 =	sadd.s32 s1, s17  }
0x34: {  	s11 =	sshrl.u32 s10, $0x3;
	s25 =	sadd.s32 s1, s5;
	s5 =	sshrl.u32 s8, $0x3  }
0x35: {  	s4 =	sshrl.u32 s4, $0x3;
	[dreg:$0x12] =	wrdreg s26;
	s5 =	sadd.s32 s1, s5  }
0x36: {  	s23 =	sadd.s32 s1, s13;
	[dreg:$0x14] =	wrdreg s5;
	s5 =	sadd.s32 s1, s11  }
0x37: {  	s24 =	sadd.s32 s1, s16;
	s1 =	sadd.s32 s1, s4;
	[dreg:$0x15] =	wrdreg s5  }
0x38: {  	s7 =	simm.s32 $0x7C00;
	s12 =	sadd.s32 $0xA30, s6;
	[dreg:$0x16] =	wrdreg s1  }
0x39: {  	s13 =	sadd.s32 $0xDC30, s3;
	_ =	strace $0x80000047;
	[dreg:$0x17] =	wrdreg s12  }
0x3a: {  	s10 =	simm.s32 $0x8200;
	s14 =	sadd.s32 $0xD230, s3;
	[dreg:$0x18] =	wrdreg s13  }
0x3b: {  	s16 =	sadd.s32 $0xF030, s3;
	s17 =	sadd.s32 $0xE630, s3;
	[dreg:$0x19] =	wrdreg s14  }
0x3c: {  	s26 =	sadd.s32 $0x6400, s9;
	s3 =	simm.s32 $0x6400;
	[dreg:$0x1a] =	wrdreg s16  }
.Ltmp0:
0x3d: {  	s6 =	simm.s32 $0x7A00;
	[dreg:$0x1b] =	wrdreg s17;
	(pc) =	sbr.rel .LBB2_1-.Ltmp0, $4  }
0x3e: {  	s8 =	simm.s32 $0x7E00;
	s4 =	simm.s32 $0x400;
	[dreg:$0x1c] =	wrdreg s0  }
0x3f: {  	s11 =	simm.s32 $0x0;
	s1 =	simm.s32 $0x80;
	[dreg:$0x13] =	wrdreg s9  }
0x40: {  	s5 =	simm.s32 $0x7800;
	s0 =	smax.u32 s2, $0x1;
	[dreg:$0x1d] =	wrdreg s26  }
0x41: {  	v0 =	vimm.f32 $0.0e+00;
	s26 =	simm.s32 $0x2800;
	s2 =	simm.s32 $0x5000;
	s9 =	simm.s32 $0x8000  }
.LBB2_27:
0x42: {  	s11 =	sadd.s32 $0x1, s11  }
0x43: {  	p1 =	sne.s32 s11, s0  }
.Ltmp1:
0x44: {  	_ = 	snop;
	(pc) =	sbr.rel @!p1 .LBB2_28-.Ltmp1, $1  }
0x45: {  	_ =	sdelay $0x3  }
.LBB2_1:
0x46: {  	s12 =	simm.s32 $0x0;
	s13 =	rddreg [dreg:$0x2]  }
0x47: {  	[tilespmem:s12], [sflag:$0x1] =	stream.strided.gather [hbm4b:s13+s1], $0x1400, s30, s1, $0x38;
	[tilespmem:$0x8400] =	vst v63  }
0x48: {  	_ =	swait.ge [sflag:s31], $0x1400  }
0x49: {  	[sflag:s31] =	ssyncset.done $0x0  }
0x4a: {  	s17 =	rddreg [dreg:$0x3];
	[sflag:s31] =	ssyncadd.s32 $0xFFFFEC00  }
0x4b: {  	[tilespmem:s29], [sflag:$0x1] =	stream.strided.gather [hbm4b:s17+s1], $0x1400, s30, s1, $0x38;
	[tilespmem:$0x8400] =	vst v63  }
0x4c: {  	_ =	swait.ge [sflag:s31], $0x1400  }
0x4d: {  	[sflag:s31] =	ssyncset.done $0x0  }
0x4e: {  	s13 =	rddreg [dreg:$0x4];
	[sflag:s31] =	ssyncadd.s32 $0xFFFFEC00  }
0x4f: {  	[tilespmem:s26], [sflag:$0x1] =	stream.strided.gather [hbm4b:s13+s1], $0x1400, s30, s1, $0x38;
	[tilespmem:$0x8400] =	vst v63  }
0x50: {  	_ =	swait.ge [sflag:s31], $0x1400  }
0x51: {  	[sflag:s31] =	ssyncset.done $0x0  }
0x52: {  	s14 =	rddreg [dreg:$0x5];
	[sflag:s31] =	ssyncadd.s32 $0xFFFFEC00  }
0x53: {  	[tilespmem:s28], [sflag:$0x1] =	stream.strided.gather [hbm4b:s14+s1], $0x1400, s30, s1, $0x38;
	[tilespmem:$0x8400] =	vst v63  }
0x54: {  	_ =	swait.ge [sflag:s31], $0x1400  }
0x55: {  	[sflag:s31] =	ssyncset.done $0x0  }
0x56: {  	s15 =	rddreg [dreg:$0x6];
	[sflag:s31] =	ssyncadd.s32 $0xFFFFEC00  }
0x57: {  	[tilespmem:s2], [sflag:$0x1] =	stream.strided.gather [hbm4b:s15+s1], $0x1400, s30, s1, $0x38;
	[tilespmem:$0x8400] =	vst v63  }
0x58: {  	_ =	swait.ge [sflag:s31], $0x1400  }
0x59: {  	[sflag:s31] =	ssyncset.done $0x0  }
0x5a: {  	s16 =	rddreg [dreg:$0x7];
	[sflag:s31] =	ssyncadd.s32 $0xFFFFEC00  }
0x5b: {  	[tilespmem:s3], [sflag:$0x1] =	stream.strided.gather [hbm4b:s16+s1], $0x1400, s30, s1, $0x38;
	[tilespmem:$0x8400] =	vst v63  }
0x5c: {  	_ =	swait.ge [sflag:s31], $0x1400  }
0x5d: {  	[sflag:s31] =	ssyncset.done $0x0  }
0x5e: {  	s17 =	simm.s32 $0x0;
	[sflag:s31] =	ssyncadd.s32 $0xFFFFEC00  }
0x5f: {  	v1 =	vimm.s32 $0x0;
	s12 =	simm.s32 $0x80;
	v2 =	vld [tilespmem:s17+$0x0]  }
.LBB2_2:
0x60: {  	_ =	sdelay $0x1  }
0x61: {  	p1 =	sne.s32 s12, $0x4F80  }
.Ltmp2:
0x62: {  	_ = 	snop;
	(pc) =	sbr.rel @p1 .LBB2_2-.Ltmp2, $4  }
0x63: {  	vm0 =	vge.f32 v2, $5.000000000e-01  }
0x64: {  	v3 =	vmpcnt.ones.xlane vm0  }
0x65: {  	s13 =	sshra.s32 s12, $0x2  }
0x66: {  	s12 =	sadd.s32 $0x80, s12;
	v2 =	vld [tilespmem:s13+$0x0];
	v1 =	vadd.s32 v1, v3  }
0x67: {  	_ =	sdelay $0x3  }
0x68: {  	vm0 =	vge.f32 v2, $5.000000000e-01  }
0x69: {  	v2 =	vmpcnt.ones.xlane vm0;
	_ =	sdelay $0x1  }
0x6a: {  	s13 =	simm.s32 $0x0;
	s14 =	simm.f32 $5.000000000e-01;
	s15 =	simm.f32 $1.000000000e+00;
	v1 =	vadd.s32 v1, v2  }
.LBB2_4:
0x6b: {  	s12 =	sadd.f32 s15, s14;
	_ =	sdelay $0x1  }
0x6c: {  	s12 =	smul.f32 $5.000000000e-01, s12  }
0x6d: {  	s17 =	simm.s32 $0x0  }
0x6e: {  	v2 =	vimm.s32 $0x0;
	s16 =	simm.s32 $0x80;
	v4 =	vld [tilespmem:s17+$0x0];
	v3 =	vmov s12  }
.LBB2_5:
0x6f: {  	_ =	sdelay $0x1  }
0x70: {  	p1 =	sne.s32 s16, $0x4F80  }
.Ltmp3:
0x71: {  	_ = 	snop;
	(pc) =	sbr.rel @p1 .LBB2_5-.Ltmp3, $4  }
0x72: {  	vm0 =	vge.f32 v4, v3  }
0x73: {  	v5 =	vmpcnt.ones.xlane vm0  }
0x74: {  	s17 =	sshra.s32 s16, $0x2  }
0x75: {  	s16 =	sadd.s32 $0x80, s16;
	v4 =	vld [tilespmem:s17+$0x0];
	v2 =	vadd.s32 v2, v5  }
0x76: {  	_ =	sdelay $0x3  }
0x77: {  	vm0 =	vge.f32 v4, v3  }
0x78: {  	v3 =	vmpcnt.ones.xlane vm0;
	_ =	sdelay $0x1  }
0x79: {  	v2 =	vadd.s32 v2, v3  }
0x7a: {  	v2 =	vxor.u32 $0x80000000, v2  }
0x7b: {  	(xrf0) =	vmax.scan.msk.u32 $0xffff, v2;
	_ =	sdelay $0x5  }
0x7c: {  	v2, _, _ =	vpop (xrf0)  }
0x7d: {  	(v2sf) =	vpush v2, $0xF;
	_ =	sdelay $0xe  }
0x7e: {  	s16 =	spop (v2sf)  }
0x7f: {  	s13 =	sadd.s32 $0x1, s13;
	p1 =	sgt.u32 s16, $0x800000E0  }
0x80: {  	s14 =	smov.u32 @p1 s12;
	s12 =	smov.u32 @p1 s15;
	p1 =	sne.s32 s13, $0x14  }
.Ltmp4:
0x81: {  	_ = 	snop;
	(pc) =	sbr.rel @p1 .LBB2_4-.Ltmp4, $2  }
0x82: {  	_ =	sdelay $0x2  }
0x83: {  	s15 =	smov.u32 s12  }
0x84: {  	[tilespmem:$0x7800] =	vst v0  }
0x85: {  	[tilespmem:$0x7810] =	vst v0  }
0x86: {  	[tilespmem:$0x7820] =	vst v0  }
0x87: {  	[tilespmem:$0x7830] =	vst v0  }
0x88: {  	[tilespmem:$0x7840] =	vst v0  }
0x89: {  	[tilespmem:$0x7850] =	vst v0  }
0x8a: {  	[tilespmem:$0x7860] =	vst v0  }
0x8b: {  	[tilespmem:$0x7870] =	vst v0  }
0x8c: {  	[tilespmem:$0x7880] =	vst v0  }
0x8d: {  	[tilespmem:$0x7890] =	vst v0  }
0x8e: {  	[tilespmem:$0x78A0] =	vst v0;
	v1 =	vxor.u32 $0x80000000, v1  }
0x8f: {  	[tilespmem:$0x78B0] =	vst v0;
	(xrf0) =	vmax.scan.msk.u32 $0xffff, v1  }
0x90: {  	[tilespmem:$0x78C0] =	vst v0  }
0x91: {  	[tilespmem:$0x78D0] =	vst v0  }
0x92: {  	[tilespmem:$0x78E0] =	vst v0  }
0x93: {  	[tilespmem:$0x78F0] =	vst v0  }
0x94: {  	[tilespmem:$0x7900] =	vst v0  }
0x95: {  	[tilespmem:$0x7910] =	vst v0;
	v1, _, _ =	vpop (xrf0)  }
0x96: {  	[tilespmem:$0x7920] =	vst v0;
	(v2sf) =	vpush v1, $0xF  }
0x97: {  	[tilespmem:$0x7930] =	vst v0  }
0x98: {  	[tilespmem:$0x7940] =	vst v0  }
0x99: {  	[tilespmem:$0x7950] =	vst v0  }
0x9a: {  	[tilespmem:$0x7960] =	vst v0  }
0x9b: {  	[tilespmem:$0x7970] =	vst v0  }
0x9c: {  	[tilespmem:$0x7980] =	vst v0  }
0x9d: {  	[tilespmem:$0x7990] =	vst v0  }
0x9e: {  	[tilespmem:$0x79A0] =	vst v0  }
0x9f: {  	[tilespmem:$0x79B0] =	vst v0  }
0xa0: {  	[tilespmem:$0x79C0] =	vst v0  }
0xa1: {  	[tilespmem:$0x79D0] =	vst v0  }
0xa2: {  	[tilespmem:$0x79E0] =	vst v0  }
0xa3: {  	[tilespmem:$0x79F0] =	vst v0;
	s13 =	simm.s32 $0x0  }
0xa4: {  	v2 =	vld [tilespmem:s13+$0x0]  }
0xa5: {  	s17 =	spop (v2sf)  }
0xa6: {  	p1 =	sgt.u32 s17, $0x800000E0  }
0xa7: {  	s12 =	simm.s32 @!p1 $0xBF800000  }
0xa8: {  	v1 =	vmov s12  }
0xa9: {  	vm0 =	vgt.f32 v2, $5.000000000e-01;
	vm1 =	vge.f32 v2, v1  }
0xaa: {  	vm0 =	vmand vm0, vm1  }
0xab: {  	s13 =	simm.s32 $0x0;
	p1 =	por $0x0, $0x0;
	v3 =	vmpcnt.ones.xlane vm0  }
0xac: {  	s12 =	simm.s32 @!p1 $0x0;
	[tilespmem:s13+$0x7800] =	vst.msk @!p1 vm0, v2  }
0xad: {  	v2 =	vxor.u32 $0x80000000, v3;
	v3 =	vld @!p1 [tilespmem:s12+$0x1400];
	_ =	sdelay $0x1  }
0xae: {  	(xrf0) =	vmax.scan.msk.u32 $0xffff, v2;
	_ =	sdelay $0x2  }
0xaf: {  	[tilespmem:s13+$0x7A00] =	vst.msk @!p1 vm0, v3  }
0xb0: {  	v2 =	vld @!p1 [tilespmem:s12+$0x2800];
	_ =	sdelay $0x1  }
0xb1: {  	v3, _, _ =	vpop (xrf0)  }
0xb2: {  	(v2sf) =	vpush v3, $0xF;
	_ =	sdelay $0x1  }
0xb3: {  	[tilespmem:s13+$0x7C00] =	vst.msk @!p1 vm0, v2  }
0xb4: {  	v2 =	vld @!p1 [tilespmem:s12+$0x3C00];
	_ =	sdelay $0x4  }
0xb5: {  	[tilespmem:s13+$0x7E00] =	vst.msk @!p1 vm0, v2  }
0xb6: {  	v2 =	vld @!p1 [tilespmem:s12+$0x5000];
	_ =	sdelay $0x4  }
0xb7: {  	[tilespmem:s13+$0x8000] =	vst.msk @!p1 vm0, v2  }
0xb8: {  	s14 =	spop (v2sf);
	v2 =	vld @!p1 [tilespmem:s12+$0x6400]  }
0xb9: {  	s16 =	sadd.s32 $0x0, s14  }
0xba: {  	s15 =	simm.s32 $0x80;
	s14 =	simm.s32 $0x40;
	s12 =	sadd.s32 $0x80000000, s16  }
.LBB2_8:
0xbb: {  	_ =	sdelay $0x1  }
0xbc: {  	s16 =	sshra.s32 s14, $0x2;
	s17 =	smov.u32 s15;
	s15 =	sadd.s32 $0x40, s15;
	[tilespmem:s13+$0x8200] =	vst.msk @!p1 vm0, v2  }
0xbd: {  	p2 =	sne.s32 s15, $0x5000;
	s13 =	smov.u32 s12;
	v2 =	vld [tilespmem:s16+$0x0];
	_ =	sdelay $0x4  }
0xbe: {  	vm0 =	vgt.f32 v2, $5.000000000e-01;
	vm1 =	vge.f32 v2, v1  }
0xbf: {  	p1 =	sgt.s32 s12, $0x1F0;
	vm0 =	vmand vm0, vm1  }
0xc0: {  	s16 =	sshra.s32 @!p1 s14, $0x2;
	s14 =	smov.u32 s17;
	[tilespmem:s12+$0x7800] =	vst.msk @!p1 vm0, v2;
	v2 =	vmpcnt.ones.xlane vm0  }
0xc1: {  	v3 =	vld @!p1 [tilespmem:s16+$0x1400]  }
0xc2: {  	v2 =	vxor.u32 $0x80000000, v2  }
0xc3: {  	(xrf0) =	vmax.scan.msk.u32 $0xffff, v2;
	_ =	sdelay $0x2  }
0xc4: {  	[tilespmem:s12+$0x7A00] =	vst.msk @!p1 vm0, v3  }
0xc5: {  	v2 =	vld @!p1 [tilespmem:s16+$0x2800];
	_ =	sdelay $0x1  }
0xc6: {  	v3, _, _ =	vpop (xrf0)  }
0xc7: {  	(v2sf) =	vpush v3, $0xF;
	_ =	sdelay $0x1  }
0xc8: {  	[tilespmem:s12+$0x7C00] =	vst.msk @!p1 vm0, v2  }
0xc9: {  	v2 =	vld @!p1 [tilespmem:s16+$0x3C00];
	_ =	sdelay $0x4  }
0xca: {  	[tilespmem:s12+$0x7E00] =	vst.msk @!p1 vm0, v2  }
0xcb: {  	v2 =	vld @!p1 [tilespmem:s16+$0x5000];
	_ =	sdelay $0x3  }
.Ltmp5:
0xcc: {  	(pc) =	sbr.rel @p2 .LBB2_8-.Ltmp5, $4  }
0xcd: {  	[tilespmem:s12+$0x8000] =	vst.msk @!p1 vm0, v2  }
0xce: {  	v2 =	vld @!p1 [tilespmem:s16+$0x6400];
	s16 =	spop (v2sf)  }
0xcf: {  	s12 =	sadd.s32 s16, s12  }
0xd0: {  	s12 =	sadd.s32 $0x80000000, s12  }
0xd1: {  	_ =	sdelay $0x1  }
0xd2: {  	s15 =	sshra.s32 s14, $0x2;
	[tilespmem:s13+$0x8200] =	vst.msk @!p1 vm0, v2  }
0xd3: {  	v2 =	vld [tilespmem:s15+$0x0];
	_ =	sdelay $0x4  }
0xd4: {  	vm15 =	vgt.f32 v2, $5.000000000e-01;
	vm1 =	vge.f32 v2, v1  }
0xd5: {  	p1 =	sgt.s32 s12, $0x1F0;
	vm0 =	vmand vm15, vm1  }
0xd6: {  	s13 =	sshra.s32 @!p1 s14, $0x2;
	[tilespmem:s12+$0x7800] =	vst.msk @!p1 vm0, v2  }
0xd7: {  	v1 =	vld @!p1 [tilespmem:s13+$0x1400];
	_ =	sdelay $0x3  }
0xd8: {  	v2 =	vmpcnt.ones.xlane vm0  }
0xd9: {  	[tilespmem:s12+$0x7A00] =	vst.msk @!p1 vm0, v1  }
0xda: {  	v1 =	vxor.u32 $0x80000000, v2;
	v2 =	vld @!p1 [tilespmem:s13+$0x2800]  }
0xdb: {  	(xrf0) =	vmax.scan.msk.u32 $0xffff, v1;
	_ =	sdelay $0x3  }
0xdc: {  	[tilespmem:s12+$0x7C00] =	vst.msk @!p1 vm0, v2  }
0xdd: {  	v1 =	vld @!p1 [tilespmem:s13+$0x3C00]  }
0xde: {  	v2, _, _ =	vpop (xrf0)  }
0xdf: {  	(v2sf) =	vpush v2, $0xF;
	_ =	sdelay $0x2  }
0xe0: {  	[tilespmem:s12+$0x7E00] =	vst.msk @!p1 vm0, v1  }
0xe1: {  	v1 =	vld @!p1 [tilespmem:s13+$0x5000];
	_ =	sdelay $0x4  }
0xe2: {  	[tilespmem:s12+$0x8000] =	vst.msk @!p1 vm0, v1  }
0xe3: {  	v1 =	vld @!p1 [tilespmem:s13+$0x6400];
	_ =	sdelay $0x4  }
0xe4: {  	s17 =	rddreg [dreg:$0x10];
	s16 =	spop (v2sf);
	[tilespmem:s12+$0x8200] =	vst.msk @!p1 vm0, v1  }
0xe5: {  	[hbm4b:s17+s1] =	stream.strided.scatter [tilespmem:s5], [sflag:$0x1], $0x200, s4, s1, $0x38;
	[tilespmem:$0x8400] =	vst v63  }
0xe6: {  	_ =	swait.ge [sflag:s31], $0x200  }
0xe7: {  	[sflag:s31] =	ssyncset.done $0x0  }
0xe8: {  	s13 =	rddreg [dreg:$0x8];
	[sflag:s31] =	ssyncadd.s32 $0xFFFFFE00  }
0xe9: {  	[hbm4b:s13+s1] =	stream.strided.scatter [tilespmem:s6], [sflag:$0x1], $0x200, s4, s1, $0x38;
	[tilespmem:$0x8400] =	vst v63  }
0xea: {  	_ =	swait.ge [sflag:s31], $0x200  }
0xeb: {  	[sflag:s31] =	ssyncset.done $0x0  }
0xec: {  	s14 =	rddreg [dreg:$0x11];
	[sflag:s31] =	ssyncadd.s32 $0xFFFFFE00  }
0xed: {  	[hbm4b:s14+s1] =	stream.strided.scatter [tilespmem:s7], [sflag:$0x1], $0x200, s4, s1, $0x38;
	[tilespmem:$0x8400] =	vst v63  }
0xee: {  	_ =	swait.ge [sflag:s31], $0x200  }
0xef: {  	[sflag:s31] =	ssyncset.done $0x0  }
0xf0: {  	s15 =	rddreg [dreg:$0xf];
	[sflag:s31] =	ssyncadd.s32 $0xFFFFFE00  }
0xf1: {  	[hbm4b:s15+s1] =	stream.strided.scatter [tilespmem:s8], [sflag:$0x1], $0x200, s4, s1, $0x38;
	[tilespmem:$0x8400] =	vst v63  }
0xf2: {  	_ =	swait.ge [sflag:s31], $0x200  }
0xf3: {  	[sflag:s31] =	ssyncset.done $0x0  }
0xf4: {  	[sflag:s31] =	ssyncadd.s32 $0xFFFFFE00  }
0xf5: {  	[hbm4b:s18+s1] =	stream.strided.scatter [tilespmem:s9], [sflag:$0x1], $0x200, s4, s1, $0x38;
	[tilespmem:$0x8400] =	vst v63  }
0xf6: {  	_ =	swait.ge [sflag:s31], $0x200  }
0xf7: {  	[sflag:s31] =	ssyncset.done $0x0  }
0xf8: {  	[sflag:s31] =	ssyncadd.s32 $0xFFFFFE00  }
0xf9: {  	[hbm4b:s19+s1] =	stream.strided.scatter [tilespmem:s10], [sflag:$0x1], $0x200, s4, s1, $0x38;
	[tilespmem:$0x8400] =	vst v63  }
0xfa: {  	_ =	swait.ge [sflag:s31], $0x200  }
0xfb: {  	[sflag:s31] =	ssyncset.done $0x0  }
0xfc: {  	s12 =	simm.s32 $0x0;
	s13 =	rddreg [dreg:$0x9];
	[sflag:s31] =	ssyncadd.s32 $0xFFFFFE00  }
0xfd: {  	[tilespmem:s12], [sflag:$0x1] =	stream.strided.gather [hbm4b:s13+s1], $0x1400, s30, s1, $0x38;
	[tilespmem:$0x8400] =	vst v63  }
0xfe: {  	_ =	swait.ge [sflag:s31], $0x1400  }
0xff: {  	[sflag:s31] =	ssyncset.done $0x0  }
0x100: {  	s16 =	rddreg [dreg:$0xa];
	[sflag:s31] =	ssyncadd.s32 $0xFFFFEC00  }
0x101: {  	[tilespmem:s29], [sflag:$0x1] =	stream.strided.gather [hbm4b:s16+s1], $0x1400, s30, s1, $0x38;
	[tilespmem:$0x8400] =	vst v63  }
0x102: {  	_ =	swait.ge [sflag:s31], $0x1400  }
0x103: {  	[sflag:s31] =	ssyncset.done $0x0  }
0x104: {  	s17 =	rddreg [dreg:$0xc];
	[sflag:s31] =	ssyncadd.s32 $0xFFFFEC00  }
0x105: {  	[tilespmem:s26], [sflag:$0x1] =	stream.strided.gather [hbm4b:s17+s1], $0x1400, s30, s1, $0x38;
	[tilespmem:$0x8400] =	vst v63  }
0x106: {  	_ =	swait.ge [sflag:s31], $0x1400  }
0x107: {  	[sflag:s31] =	ssyncset.done $0x0  }
0x108: {  	s14 =	rddreg [dreg:$0xd];
	[sflag:s31] =	ssyncadd.s32 $0xFFFFEC00  }
0x109: {  	[tilespmem:s28], [sflag:$0x1] =	stream.strided.gather [hbm4b:s14+s1], $0x1400, s30, s1, $0x38;
	[tilespmem:$0x8400] =	vst v63  }
0x10a: {  	_ =	swait.ge [sflag:s31], $0x1400  }
0x10b: {  	[sflag:s31] =	ssyncset.done $0x0  }
0x10c: {  	s15 =	rddreg [dreg:$0xe];
	[sflag:s31] =	ssyncadd.s32 $0xFFFFEC00  }
0x10d: {  	[tilespmem:s2], [sflag:$0x1] =	stream.strided.gather [hbm4b:s15+s1], $0x1400, s30, s1, $0x38;
	[tilespmem:$0x8400] =	vst v63  }
0x10e: {  	_ =	swait.ge [sflag:s31], $0x1400  }
0x10f: {  	[sflag:s31] =	ssyncset.done $0x0  }
0x110: {  	s16 =	rddreg [dreg:$0xb];
	[sflag:s31] =	ssyncadd.s32 $0xFFFFEC00  }
0x111: {  	[tilespmem:s3], [sflag:$0x1] =	stream.strided.gather [hbm4b:s16+s1], $0x1400, s30, s1, $0x38;
	[tilespmem:$0x8400] =	vst v63  }
0x112: {  	_ =	swait.ge [sflag:s31], $0x1400  }
0x113: {  	[sflag:s31] =	ssyncset.done $0x0  }
0x114: {  	s17 =	simm.s32 $0x0;
	[sflag:s31] =	ssyncadd.s32 $0xFFFFEC00  }
0x115: {  	v1 =	vimm.s32 $0x0;
	s13 =	simm.s32 $0x80;
	v2 =	vld [tilespmem:s17+$0x0]  }
.LBB2_10:
0x116: {  	_ =	sdelay $0x1  }
0x117: {  	p1 =	sne.s32 s13, $0x4F80  }
.Ltmp6:
0x118: {  	_ = 	snop;
	(pc) =	sbr.rel @p1 .LBB2_10-.Ltmp6, $4  }
0x119: {  	vm0 =	vge.f32 v2, $5.000000000e-01  }
0x11a: {  	v3 =	vmpcnt.ones.xlane vm0  }
0x11b: {  	s14 =	sshra.s32 s13, $0x2  }
0x11c: {  	s13 =	sadd.s32 $0x80, s13;
	v2 =	vld [tilespmem:s14+$0x0];
	v1 =	vadd.s32 v1, v3  }
0x11d: {  	_ =	sdelay $0x3  }
0x11e: {  	vm0 =	vge.f32 v2, $5.000000000e-01  }
0x11f: {  	v2 =	vmpcnt.ones.xlane vm0;
	_ =	sdelay $0x1  }
0x120: {  	s14 =	simm.f32 $5.000000000e-01;
	s15 =	simm.f32 $1.000000000e+00;
	v1 =	vadd.s32 v1, v2  }
.LBB2_12:
0x121: {  	s13 =	sadd.f32 s15, s14;
	_ =	sdelay $0x1  }
0x122: {  	s13 =	smul.f32 $5.000000000e-01, s13  }
0x123: {  	s17 =	simm.s32 $0x0  }
0x124: {  	v2 =	vimm.s32 $0x0;
	s16 =	simm.s32 $0x80;
	v4 =	vld [tilespmem:s17+$0x0];
	v3 =	vmov s13  }
.LBB2_13:
0x125: {  	_ =	sdelay $0x1  }
0x126: {  	p1 =	sne.s32 s16, $0x4F80  }
.Ltmp7:
0x127: {  	_ = 	snop;
	(pc) =	sbr.rel @p1 .LBB2_13-.Ltmp7, $4  }
0x128: {  	vm0 =	vge.f32 v4, v3  }
0x129: {  	v5 =	vmpcnt.ones.xlane vm0  }
0x12a: {  	s17 =	sshra.s32 s16, $0x2  }
0x12b: {  	s16 =	sadd.s32 $0x80, s16;
	v4 =	vld [tilespmem:s17+$0x0];
	v2 =	vadd.s32 v2, v5  }
0x12c: {  	_ =	sdelay $0x3  }
0x12d: {  	vm0 =	vge.f32 v4, v3  }
0x12e: {  	v3 =	vmpcnt.ones.xlane vm0;
	_ =	sdelay $0x1  }
0x12f: {  	v2 =	vadd.s32 v2, v3  }
0x130: {  	v2 =	vxor.u32 $0x80000000, v2  }
0x131: {  	(xrf0) =	vmax.scan.msk.u32 $0xffff, v2;
	_ =	sdelay $0x5  }
0x132: {  	v2, _, _ =	vpop (xrf0)  }
0x133: {  	(v2sf) =	vpush v2, $0xF;
	_ =	sdelay $0xe  }
0x134: {  	s16 =	spop (v2sf)  }
0x135: {  	s12 =	sadd.s32 $0x1, s12;
	p1 =	sgt.u32 s16, $0x800000E0  }
0x136: {  	s14 =	smov.u32 @p1 s13;
	s13 =	smov.u32 @p1 s15;
	p1 =	sne.s32 s12, $0x14  }
.Ltmp8:
0x137: {  	_ = 	snop;
	(pc) =	sbr.rel @p1 .LBB2_12-.Ltmp8, $2  }
0x138: {  	_ =	sdelay $0x2  }
0x139: {  	s15 =	smov.u32 s13  }
0x13a: {  	[tilespmem:$0x7800] =	vst v0  }
0x13b: {  	[tilespmem:$0x7810] =	vst v0  }
0x13c: {  	[tilespmem:$0x7820] =	vst v0  }
0x13d: {  	[tilespmem:$0x7830] =	vst v0  }
0x13e: {  	[tilespmem:$0x7840] =	vst v0  }
0x13f: {  	[tilespmem:$0x7850] =	vst v0  }
0x140: {  	[tilespmem:$0x7860] =	vst v0  }
0x141: {  	[tilespmem:$0x7870] =	vst v0  }
0x142: {  	[tilespmem:$0x7880] =	vst v0  }
0x143: {  	[tilespmem:$0x7890] =	vst v0  }
0x144: {  	[tilespmem:$0x78A0] =	vst v0;
	v1 =	vxor.u32 $0x80000000, v1  }
0x145: {  	[tilespmem:$0x78B0] =	vst v0;
	(xrf0) =	vmax.scan.msk.u32 $0xffff, v1  }
0x146: {  	[tilespmem:$0x78C0] =	vst v0  }
0x147: {  	[tilespmem:$0x78D0] =	vst v0  }
0x148: {  	[tilespmem:$0x78E0] =	vst v0  }
0x149: {  	[tilespmem:$0x78F0] =	vst v0  }
0x14a: {  	[tilespmem:$0x7900] =	vst v0  }
0x14b: {  	[tilespmem:$0x7910] =	vst v0;
	v1, _, _ =	vpop (xrf0)  }
0x14c: {  	[tilespmem:$0x7920] =	vst v0;
	(v2sf) =	vpush v1, $0xF  }
0x14d: {  	[tilespmem:$0x7930] =	vst v0  }
0x14e: {  	[tilespmem:$0x7940] =	vst v0  }
0x14f: {  	[tilespmem:$0x7950] =	vst v0  }
0x150: {  	[tilespmem:$0x7960] =	vst v0  }
0x151: {  	[tilespmem:$0x7970] =	vst v0  }
0x152: {  	[tilespmem:$0x7980] =	vst v0  }
0x153: {  	[tilespmem:$0x7990] =	vst v0  }
0x154: {  	[tilespmem:$0x79A0] =	vst v0  }
0x155: {  	[tilespmem:$0x79B0] =	vst v0  }
0x156: {  	[tilespmem:$0x79C0] =	vst v0  }
0x157: {  	[tilespmem:$0x79D0] =	vst v0  }
0x158: {  	[tilespmem:$0x79E0] =	vst v0  }
0x159: {  	[tilespmem:$0x79F0] =	vst v0;
	s12 =	simm.s32 $0x0  }
0x15a: {  	v2 =	vld [tilespmem:s12+$0x0]  }
0x15b: {  	s17 =	spop (v2sf)  }
0x15c: {  	p1 =	sgt.u32 s17, $0x800000E0  }
0x15d: {  	s13 =	simm.s32 @!p1 $0xBF800000  }
0x15e: {  	v1 =	vmov s13  }
0x15f: {  	vm0 =	vgt.f32 v2, $5.000000000e-01;
	vm1 =	vge.f32 v2, v1  }
0x160: {  	vm0 =	vmand vm0, vm1  }
0x161: {  	p1 =	por $0x0, $0x0;
	s13 =	simm.s32 $0x0;
	v3 =	vmpcnt.ones.xlane vm0  }
0x162: {  	s12 =	simm.s32 @!p1 $0x0;
	[tilespmem:s13+$0x7800] =	vst.msk @!p1 vm0, v2  }
0x163: {  	v2 =	vxor.u32 $0x80000000, v3;
	v3 =	vld @!p1 [tilespmem:s12+$0x1400];
	_ =	sdelay $0x1  }
0x164: {  	(xrf0) =	vmax.scan.msk.u32 $0xffff, v2;
	_ =	sdelay $0x2  }
0x165: {  	[tilespmem:s13+$0x7A00] =	vst.msk @!p1 vm0, v3  }
0x166: {  	v2 =	vld @!p1 [tilespmem:s12+$0x2800];
	_ =	sdelay $0x1  }
0x167: {  	v3, _, _ =	vpop (xrf0)  }
0x168: {  	(v2sf) =	vpush v3, $0xF;
	_ =	sdelay $0x1  }
0x169: {  	[tilespmem:s13+$0x7C00] =	vst.msk @!p1 vm0, v2  }
0x16a: {  	v2 =	vld @!p1 [tilespmem:s12+$0x3C00];
	_ =	sdelay $0x4  }
0x16b: {  	[tilespmem:s13+$0x7E00] =	vst.msk @!p1 vm0, v2  }
0x16c: {  	v2 =	vld @!p1 [tilespmem:s12+$0x5000];
	_ =	sdelay $0x4  }
0x16d: {  	[tilespmem:s13+$0x8000] =	vst.msk @!p1 vm0, v2  }
0x16e: {  	s14 =	spop (v2sf);
	v2 =	vld @!p1 [tilespmem:s12+$0x6400]  }
0x16f: {  	s16 =	sadd.s32 $0x0, s14  }
0x170: {  	s15 =	simm.s32 $0x80;
	s14 =	simm.s32 $0x40;
	s12 =	sadd.s32 $0x80000000, s16  }
.LBB2_16:
0x171: {  	_ =	sdelay $0x1  }
0x172: {  	s16 =	sshra.s32 s14, $0x2;
	s17 =	smov.u32 s15;
	s15 =	sadd.s32 $0x40, s15;
	[tilespmem:s13+$0x8200] =	vst.msk @!p1 vm0, v2  }
0x173: {  	p2 =	sne.s32 s15, $0x5000;
	s13 =	smov.u32 s12;
	v2 =	vld [tilespmem:s16+$0x0];
	_ =	sdelay $0x4  }
0x174: {  	vm0 =	vgt.f32 v2, $5.000000000e-01;
	vm1 =	vge.f32 v2, v1  }
0x175: {  	p1 =	sgt.s32 s12, $0x1F0;
	vm0 =	vmand vm0, vm1  }
0x176: {  	s16 =	sshra.s32 @!p1 s14, $0x2;
	s14 =	smov.u32 s17;
	[tilespmem:s12+$0x7800] =	vst.msk @!p1 vm0, v2;
	v2 =	vmpcnt.ones.xlane vm0  }
0x177: {  	v3 =	vld @!p1 [tilespmem:s16+$0x1400]  }
0x178: {  	v2 =	vxor.u32 $0x80000000, v2  }
0x179: {  	(xrf0) =	vmax.scan.msk.u32 $0xffff, v2;
	_ =	sdelay $0x2  }
0x17a: {  	[tilespmem:s12+$0x7A00] =	vst.msk @!p1 vm0, v3  }
0x17b: {  	v2 =	vld @!p1 [tilespmem:s16+$0x2800];
	_ =	sdelay $0x1  }
0x17c: {  	v3, _, _ =	vpop (xrf0)  }
0x17d: {  	(v2sf) =	vpush v3, $0xF;
	_ =	sdelay $0x1  }
0x17e: {  	[tilespmem:s12+$0x7C00] =	vst.msk @!p1 vm0, v2  }
0x17f: {  	v2 =	vld @!p1 [tilespmem:s16+$0x3C00];
	_ =	sdelay $0x4  }
0x180: {  	[tilespmem:s12+$0x7E00] =	vst.msk @!p1 vm0, v2  }
0x181: {  	v2 =	vld @!p1 [tilespmem:s16+$0x5000];
	_ =	sdelay $0x3  }
.Ltmp9:
0x182: {  	(pc) =	sbr.rel @p2 .LBB2_16-.Ltmp9, $4  }
0x183: {  	[tilespmem:s12+$0x8000] =	vst.msk @!p1 vm0, v2  }
0x184: {  	v2 =	vld @!p1 [tilespmem:s16+$0x6400];
	s16 =	spop (v2sf)  }
0x185: {  	s12 =	sadd.s32 s16, s12  }
0x186: {  	s12 =	sadd.s32 $0x80000000, s12  }
0x187: {  	_ =	sdelay $0x1  }
0x188: {  	s15 =	sshra.s32 s14, $0x2;
	[tilespmem:s13+$0x8200] =	vst.msk @!p1 vm0, v2  }
0x189: {  	v2 =	vld [tilespmem:s15+$0x0];
	_ =	sdelay $0x4  }
0x18a: {  	vm15 =	vgt.f32 v2, $5.000000000e-01;
	vm1 =	vge.f32 v2, v1  }
0x18b: {  	p1 =	sgt.s32 s12, $0x1F0;
	vm0 =	vmand vm15, vm1  }
0x18c: {  	s13 =	sshra.s32 @!p1 s14, $0x2;
	[tilespmem:s12+$0x7800] =	vst.msk @!p1 vm0, v2  }
0x18d: {  	v1 =	vld @!p1 [tilespmem:s13+$0x1400];
	_ =	sdelay $0x3  }
0x18e: {  	v2 =	vmpcnt.ones.xlane vm0  }
0x18f: {  	[tilespmem:s12+$0x7A00] =	vst.msk @!p1 vm0, v1  }
0x190: {  	v1 =	vxor.u32 $0x80000000, v2;
	v2 =	vld @!p1 [tilespmem:s13+$0x2800]  }
0x191: {  	(xrf0) =	vmax.scan.msk.u32 $0xffff, v1;
	_ =	sdelay $0x3  }
0x192: {  	[tilespmem:s12+$0x7C00] =	vst.msk @!p1 vm0, v2  }
0x193: {  	v1 =	vld @!p1 [tilespmem:s13+$0x3C00]  }
0x194: {  	v2, _, _ =	vpop (xrf0)  }
0x195: {  	(v2sf) =	vpush v2, $0xF;
	_ =	sdelay $0x2  }
0x196: {  	[tilespmem:s12+$0x7E00] =	vst.msk @!p1 vm0, v1  }
0x197: {  	v1 =	vld @!p1 [tilespmem:s13+$0x5000];
	_ =	sdelay $0x4  }
0x198: {  	[tilespmem:s12+$0x8000] =	vst.msk @!p1 vm0, v1  }
0x199: {  	v1 =	vld @!p1 [tilespmem:s13+$0x6400];
	_ =	sdelay $0x4  }
0x19a: {  	s17 =	spop (v2sf);
	[tilespmem:s12+$0x8200] =	vst.msk @!p1 vm0, v1  }
0x19b: {  	[hbm4b:s21+s1] =	stream.strided.scatter [tilespmem:s5], [sflag:$0x1], $0x200, s4, s1, $0x38;
	[tilespmem:$0x8400] =	vst v63  }
0x19c: {  	_ =	swait.ge [sflag:s31], $0x200  }
0x19d: {  	[sflag:s31] =	ssyncset.done $0x0  }
0x19e: {  	[sflag:s31] =	ssyncadd.s32 $0xFFFFFE00  }
0x19f: {  	[hbm4b:s22+s1] =	stream.strided.scatter [tilespmem:s6], [sflag:$0x1], $0x200, s4, s1, $0x38;
	[tilespmem:$0x8400] =	vst v63  }
0x1a0: {  	_ =	swait.ge [sflag:s31], $0x200  }
0x1a1: {  	[sflag:s31] =	ssyncset.done $0x0  }
0x1a2: {  	[sflag:s31] =	ssyncadd.s32 $0xFFFFFE00  }
0x1a3: {  	[hbm4b:s23+s1] =	stream.strided.scatter [tilespmem:s7], [sflag:$0x1], $0x200, s4, s1, $0x38;
	[tilespmem:$0x8400] =	vst v63  }
0x1a4: {  	_ =	swait.ge [sflag:s31], $0x200  }
0x1a5: {  	[sflag:s31] =	ssyncset.done $0x0  }
0x1a6: {  	[sflag:s31] =	ssyncadd.s32 $0xFFFFFE00  }
0x1a7: {  	[hbm4b:s24+s1] =	stream.strided.scatter [tilespmem:s8], [sflag:$0x1], $0x200, s4, s1, $0x38;
	[tilespmem:$0x8400] =	vst v63  }
0x1a8: {  	_ =	swait.ge [sflag:s31], $0x200  }
0x1a9: {  	[sflag:s31] =	ssyncset.done $0x0  }
0x1aa: {  	[sflag:s31] =	ssyncadd.s32 $0xFFFFFE00  }
0x1ab: {  	[hbm4b:s20+s1] =	stream.strided.scatter [tilespmem:s9], [sflag:$0x1], $0x200, s4, s1, $0x38;
	[tilespmem:$0x8400] =	vst v63  }
0x1ac: {  	_ =	swait.ge [sflag:s31], $0x200  }
0x1ad: {  	[sflag:s31] =	ssyncset.done $0x0  }
.Ltmp10:
0x1ae: {  	[sflag:s31] =	ssyncadd.s32 $0xFFFFFE00;
	(pc) =	sbr.rel @p0 .LBB2_27-.Ltmp10, $4  }
0x1af: {  	[hbm4b:s25+s1] =	stream.strided.scatter [tilespmem:s10], [sflag:$0x1], $0x200, s4, s1, $0x38;
	[tilespmem:$0x8400] =	vst v63  }
0x1b0: {  	_ =	swait.ge [sflag:s31], $0x200  }
0x1b1: {  	[sflag:s31] =	ssyncset.done $0x0  }
0x1b2: {  	[sflag:s31] =	ssyncadd.s32 $0xFFFFFE00  }
0x1b3: {  	s12 =	simm.s32 $0x0;
	s13 =	rddreg [dreg:$0x17]  }
0x1b4: {  	[tilespmem:s12], [sflag:$0x1] =	stream.strided.gather [hbm4b:s13+s1], $0x1400, s30, s1, $0x38;
	[tilespmem:$0x8400] =	vst v63  }
0x1b5: {  	_ =	swait.ge [sflag:s31], $0x1400  }
0x1b6: {  	[sflag:s31] =	ssyncset.done $0x0  }
0x1b7: {  	s17 =	rddreg [dreg:$0x18];
	[sflag:s31] =	ssyncadd.s32 $0xFFFFEC00  }
0x1b8: {  	[tilespmem:s29], [sflag:$0x1] =	stream.strided.gather [hbm4b:s17+s1], $0x1400, s30, s1, $0x38;
	[tilespmem:$0x8400] =	vst v63  }
0x1b9: {  	_ =	swait.ge [sflag:s31], $0x1400  }
0x1ba: {  	[sflag:s31] =	ssyncset.done $0x0  }
0x1bb: {  	s14 =	rddreg [dreg:$0x19];
	[sflag:s31] =	ssyncadd.s32 $0xFFFFEC00  }
0x1bc: {  	[tilespmem:s26], [sflag:$0x1] =	stream.strided.gather [hbm4b:s14+s1], $0x1400, s30, s1, $0x38;
	[tilespmem:$0x8400] =	vst v63  }
0x1bd: {  	_ =	swait.ge [sflag:s31], $0x1400  }
0x1be: {  	[sflag:s31] =	ssyncset.done $0x0  }
0x1bf: {  	s15 =	rddreg [dreg:$0x1a];
	[sflag:s31] =	ssyncadd.s32 $0xFFFFEC00  }
0x1c0: {  	[tilespmem:s28], [sflag:$0x1] =	stream.strided.gather [hbm4b:s15+s1], $0x1400, s30, s1, $0x38;
	[tilespmem:$0x8400] =	vst v63  }
0x1c1: {  	_ =	swait.ge [sflag:s31], $0x1400  }
0x1c2: {  	[sflag:s31] =	ssyncset.done $0x0  }
0x1c3: {  	s16 =	rddreg [dreg:$0x1b];
	[sflag:s31] =	ssyncadd.s32 $0xFFFFEC00  }
0x1c4: {  	[tilespmem:s2], [sflag:$0x1] =	stream.strided.gather [hbm4b:s16+s1], $0x1400, s30, s1, $0x38;
	[tilespmem:$0x8400] =	vst v63  }
0x1c5: {  	_ =	swait.ge [sflag:s31], $0x1400  }
0x1c6: {  	[sflag:s31] =	ssyncset.done $0x0  }
0x1c7: {  	s17 =	rddreg [dreg:$0x1c];
	[sflag:s31] =	ssyncadd.s32 $0xFFFFEC00  }
0x1c8: {  	[tilespmem:s3], [sflag:$0x1] =	stream.strided.gather [hbm4b:s17+s1], $0x1400, s30, s1, $0x38;
	[tilespmem:$0x8400] =	vst v63  }
0x1c9: {  	_ =	swait.ge [sflag:s31], $0x1400  }
0x1ca: {  	[sflag:s31] =	ssyncset.done $0x0  }
0x1cb: {  	s14 =	simm.s32 $0x0;
	[sflag:s31] =	ssyncadd.s32 $0xFFFFEC00  }
0x1cc: {  	v1 =	vimm.s32 $0x0;
	s13 =	simm.s32 $0x80;
	v2 =	vld [tilespmem:s14+$0x0]  }
.LBB2_19:
0x1cd: {  	_ =	sdelay $0x1  }
0x1ce: {  	p1 =	sne.s32 s13, $0x4F80  }
.Ltmp11:
0x1cf: {  	_ = 	snop;
	(pc) =	sbr.rel @p1 .LBB2_19-.Ltmp11, $4  }
0x1d0: {  	vm0 =	vge.f32 v2, $5.000000000e-01  }
0x1d1: {  	v3 =	vmpcnt.ones.xlane vm0  }
0x1d2: {  	s14 =	sshra.s32 s13, $0x2  }
0x1d3: {  	s13 =	sadd.s32 $0x80, s13;
	v2 =	vld [tilespmem:s14+$0x0];
	v1 =	vadd.s32 v1, v3  }
0x1d4: {  	_ =	sdelay $0x3  }
0x1d5: {  	vm0 =	vge.f32 v2, $5.000000000e-01  }
0x1d6: {  	v2 =	vmpcnt.ones.xlane vm0;
	_ =	sdelay $0x1  }
0x1d7: {  	s14 =	simm.f32 $5.000000000e-01;
	s15 =	simm.f32 $1.000000000e+00;
	v1 =	vadd.s32 v1, v2  }
.LBB2_21:
0x1d8: {  	s13 =	sadd.f32 s15, s14;
	_ =	sdelay $0x1  }
0x1d9: {  	s13 =	smul.f32 $5.000000000e-01, s13  }
0x1da: {  	s17 =	simm.s32 $0x0  }
0x1db: {  	v2 =	vimm.s32 $0x0;
	s16 =	simm.s32 $0x80;
	v4 =	vld [tilespmem:s17+$0x0];
	v3 =	vmov s13  }
.LBB2_22:
0x1dc: {  	_ =	sdelay $0x1  }
0x1dd: {  	p1 =	sne.s32 s16, $0x4F80  }
.Ltmp12:
0x1de: {  	_ = 	snop;
	(pc) =	sbr.rel @p1 .LBB2_22-.Ltmp12, $4  }
0x1df: {  	vm0 =	vge.f32 v4, v3  }
0x1e0: {  	v5 =	vmpcnt.ones.xlane vm0  }
0x1e1: {  	s17 =	sshra.s32 s16, $0x2  }
0x1e2: {  	s16 =	sadd.s32 $0x80, s16;
	v4 =	vld [tilespmem:s17+$0x0];
	v2 =	vadd.s32 v2, v5  }
0x1e3: {  	_ =	sdelay $0x3  }
0x1e4: {  	vm0 =	vge.f32 v4, v3  }
0x1e5: {  	v3 =	vmpcnt.ones.xlane vm0;
	_ =	sdelay $0x1  }
0x1e6: {  	v2 =	vadd.s32 v2, v3  }
0x1e7: {  	v2 =	vxor.u32 $0x80000000, v2  }
0x1e8: {  	(xrf0) =	vmax.scan.msk.u32 $0xffff, v2;
	_ =	sdelay $0x5  }
0x1e9: {  	v2, _, _ =	vpop (xrf0)  }
0x1ea: {  	(v2sf) =	vpush v2, $0xF;
	_ =	sdelay $0xe  }
0x1eb: {  	s16 =	spop (v2sf)  }
0x1ec: {  	s12 =	sadd.s32 $0x1, s12;
	p1 =	sgt.u32 s16, $0x800000E0  }
0x1ed: {  	s14 =	smov.u32 @p1 s13;
	s13 =	smov.u32 @p1 s15;
	p1 =	sne.s32 s12, $0x14  }
.Ltmp13:
0x1ee: {  	_ = 	snop;
	(pc) =	sbr.rel @p1 .LBB2_21-.Ltmp13, $2  }
0x1ef: {  	_ =	sdelay $0x2  }
0x1f0: {  	s15 =	smov.u32 s13  }
0x1f1: {  	[tilespmem:$0x7800] =	vst v0  }
0x1f2: {  	[tilespmem:$0x7810] =	vst v0  }
0x1f3: {  	[tilespmem:$0x7820] =	vst v0  }
0x1f4: {  	[tilespmem:$0x7830] =	vst v0  }
0x1f5: {  	[tilespmem:$0x7840] =	vst v0  }
0x1f6: {  	[tilespmem:$0x7850] =	vst v0  }
0x1f7: {  	[tilespmem:$0x7860] =	vst v0  }
0x1f8: {  	[tilespmem:$0x7870] =	vst v0  }
0x1f9: {  	[tilespmem:$0x7880] =	vst v0  }
0x1fa: {  	[tilespmem:$0x7890] =	vst v0  }
0x1fb: {  	[tilespmem:$0x78A0] =	vst v0;
	v1 =	vxor.u32 $0x80000000, v1  }
0x1fc: {  	[tilespmem:$0x78B0] =	vst v0;
	(xrf0) =	vmax.scan.msk.u32 $0xffff, v1  }
0x1fd: {  	[tilespmem:$0x78C0] =	vst v0  }
0x1fe: {  	[tilespmem:$0x78D0] =	vst v0  }
0x1ff: {  	[tilespmem:$0x78E0] =	vst v0  }
0x200: {  	[tilespmem:$0x78F0] =	vst v0  }
0x201: {  	[tilespmem:$0x7900] =	vst v0  }
0x202: {  	[tilespmem:$0x7910] =	vst v0;
	v1, _, _ =	vpop (xrf0)  }
0x203: {  	[tilespmem:$0x7920] =	vst v0;
	(v2sf) =	vpush v1, $0xF  }
0x204: {  	[tilespmem:$0x7930] =	vst v0  }
0x205: {  	[tilespmem:$0x7940] =	vst v0  }
0x206: {  	[tilespmem:$0x7950] =	vst v0  }
0x207: {  	[tilespmem:$0x7960] =	vst v0  }
0x208: {  	[tilespmem:$0x7970] =	vst v0  }
0x209: {  	[tilespmem:$0x7980] =	vst v0  }
0x20a: {  	[tilespmem:$0x7990] =	vst v0  }
0x20b: {  	[tilespmem:$0x79A0] =	vst v0  }
0x20c: {  	[tilespmem:$0x79B0] =	vst v0  }
0x20d: {  	[tilespmem:$0x79C0] =	vst v0  }
0x20e: {  	[tilespmem:$0x79D0] =	vst v0  }
0x20f: {  	[tilespmem:$0x79E0] =	vst v0  }
0x210: {  	[tilespmem:$0x79F0] =	vst v0;
	s12 =	simm.s32 $0x0  }
0x211: {  	v2 =	vld [tilespmem:s12+$0x0]  }
0x212: {  	s17 =	spop (v2sf)  }
0x213: {  	p1 =	sgt.u32 s17, $0x800000E0  }
0x214: {  	s13 =	simm.s32 @!p1 $0xBF800000  }
0x215: {  	v1 =	vmov s13  }
0x216: {  	vm0 =	vgt.f32 v2, $5.000000000e-01;
	vm1 =	vge.f32 v2, v1  }
0x217: {  	vm0 =	vmand vm0, vm1  }
0x218: {  	p1 =	por $0x0, $0x0;
	s13 =	simm.s32 $0x0;
	v3 =	vmpcnt.ones.xlane vm0  }
0x219: {  	s12 =	simm.s32 @!p1 $0x0;
	[tilespmem:s13+$0x7800] =	vst.msk @!p1 vm0, v2  }
0x21a: {  	v2 =	vxor.u32 $0x80000000, v3;
	v3 =	vld @!p1 [tilespmem:s12+$0x1400];
	_ =	sdelay $0x1  }
0x21b: {  	(xrf0) =	vmax.scan.msk.u32 $0xffff, v2;
	_ =	sdelay $0x2  }
0x21c: {  	[tilespmem:s13+$0x7A00] =	vst.msk @!p1 vm0, v3  }
0x21d: {  	v2 =	vld @!p1 [tilespmem:s12+$0x2800];
	_ =	sdelay $0x1  }
0x21e: {  	v3, _, _ =	vpop (xrf0)  }
0x21f: {  	(v2sf) =	vpush v3, $0xF;
	_ =	sdelay $0x1  }
0x220: {  	[tilespmem:s13+$0x7C00] =	vst.msk @!p1 vm0, v2  }
0x221: {  	v2 =	vld @!p1 [tilespmem:s12+$0x3C00];
	_ =	sdelay $0x4  }
0x222: {  	[tilespmem:s13+$0x7E00] =	vst.msk @!p1 vm0, v2  }
0x223: {  	v2 =	vld @!p1 [tilespmem:s12+$0x5000];
	_ =	sdelay $0x4  }
0x224: {  	[tilespmem:s13+$0x8000] =	vst.msk @!p1 vm0, v2  }
0x225: {  	s14 =	spop (v2sf);
	v2 =	vld @!p1 [tilespmem:s12+$0x6400]  }
0x226: {  	s16 =	sadd.s32 $0x0, s14  }
0x227: {  	s15 =	simm.s32 $0x80;
	s14 =	simm.s32 $0x40;
	s12 =	sadd.s32 $0x80000000, s16  }
.LBB2_25:
0x228: {  	_ =	sdelay $0x1  }
0x229: {  	s16 =	sshra.s32 s14, $0x2;
	s17 =	smov.u32 s15;
	s15 =	sadd.s32 $0x40, s15;
	[tilespmem:s13+$0x8200] =	vst.msk @!p1 vm0, v2  }
0x22a: {  	p2 =	sne.s32 s15, $0x5000;
	s13 =	smov.u32 s12;
	v2 =	vld [tilespmem:s16+$0x0];
	_ =	sdelay $0x4  }
0x22b: {  	vm0 =	vgt.f32 v2, $5.000000000e-01;
	vm1 =	vge.f32 v2, v1  }
0x22c: {  	p1 =	sgt.s32 s12, $0x1F0;
	vm0 =	vmand vm0, vm1  }
0x22d: {  	s16 =	sshra.s32 @!p1 s14, $0x2;
	s14 =	smov.u32 s17;
	[tilespmem:s12+$0x7800] =	vst.msk @!p1 vm0, v2;
	v2 =	vmpcnt.ones.xlane vm0  }
0x22e: {  	v3 =	vld @!p1 [tilespmem:s16+$0x1400]  }
0x22f: {  	v2 =	vxor.u32 $0x80000000, v2  }
0x230: {  	(xrf0) =	vmax.scan.msk.u32 $0xffff, v2;
	_ =	sdelay $0x2  }
0x231: {  	[tilespmem:s12+$0x7A00] =	vst.msk @!p1 vm0, v3  }
0x232: {  	v2 =	vld @!p1 [tilespmem:s16+$0x2800];
	_ =	sdelay $0x1  }
0x233: {  	v3, _, _ =	vpop (xrf0)  }
0x234: {  	(v2sf) =	vpush v3, $0xF;
	_ =	sdelay $0x1  }
0x235: {  	[tilespmem:s12+$0x7C00] =	vst.msk @!p1 vm0, v2  }
0x236: {  	v2 =	vld @!p1 [tilespmem:s16+$0x3C00];
	_ =	sdelay $0x4  }
0x237: {  	[tilespmem:s12+$0x7E00] =	vst.msk @!p1 vm0, v2  }
0x238: {  	v2 =	vld @!p1 [tilespmem:s16+$0x5000];
	_ =	sdelay $0x3  }
.Ltmp14:
0x239: {  	(pc) =	sbr.rel @p2 .LBB2_25-.Ltmp14, $4  }
0x23a: {  	[tilespmem:s12+$0x8000] =	vst.msk @!p1 vm0, v2  }
0x23b: {  	v2 =	vld @!p1 [tilespmem:s16+$0x6400];
	s16 =	spop (v2sf)  }
0x23c: {  	s12 =	sadd.s32 s16, s12  }
0x23d: {  	s12 =	sadd.s32 $0x80000000, s12  }
0x23e: {  	_ =	sdelay $0x1  }
0x23f: {  	s15 =	sshra.s32 s14, $0x2;
	[tilespmem:s13+$0x8200] =	vst.msk @!p1 vm0, v2  }
0x240: {  	v2 =	vld [tilespmem:s15+$0x0];
	_ =	sdelay $0x4  }
0x241: {  	vm15 =	vgt.f32 v2, $5.000000000e-01;
	vm1 =	vge.f32 v2, v1  }
0x242: {  	p1 =	sgt.s32 s12, $0x1F0;
	vm0 =	vmand vm15, vm1  }
0x243: {  	s13 =	sshra.s32 @!p1 s14, $0x2;
	[tilespmem:s12+$0x7800] =	vst.msk @!p1 vm0, v2  }
0x244: {  	v1 =	vld @!p1 [tilespmem:s13+$0x1400];
	_ =	sdelay $0x3  }
0x245: {  	v2 =	vmpcnt.ones.xlane vm0  }
0x246: {  	[tilespmem:s12+$0x7A00] =	vst.msk @!p1 vm0, v1  }
0x247: {  	v1 =	vxor.u32 $0x80000000, v2;
	v2 =	vld @!p1 [tilespmem:s13+$0x2800]  }
0x248: {  	(xrf0) =	vmax.scan.msk.u32 $0xffff, v1;
	_ =	sdelay $0x3  }
0x249: {  	[tilespmem:s12+$0x7C00] =	vst.msk @!p1 vm0, v2  }
0x24a: {  	v1 =	vld @!p1 [tilespmem:s13+$0x3C00]  }
0x24b: {  	v2, _, _ =	vpop (xrf0)  }
0x24c: {  	(v2sf) =	vpush v2, $0xF;
	_ =	sdelay $0x2  }
0x24d: {  	[tilespmem:s12+$0x7E00] =	vst.msk @!p1 vm0, v1  }
0x24e: {  	v1 =	vld @!p1 [tilespmem:s13+$0x5000];
	_ =	sdelay $0x4  }
0x24f: {  	[tilespmem:s12+$0x8000] =	vst.msk @!p1 vm0, v1  }
0x250: {  	v1 =	vld @!p1 [tilespmem:s13+$0x6400];
	_ =	sdelay $0x4  }
0x251: {  	s17 =	rddreg [dreg:$0x13];
	s16 =	spop (v2sf);
	[tilespmem:s12+$0x8200] =	vst.msk @!p1 vm0, v1  }
0x252: {  	[hbm4b:s17+s1] =	stream.strided.scatter [tilespmem:s5], [sflag:$0x1], $0x200, s4, s1, $0x38;
	[tilespmem:$0x8400] =	vst v63  }
0x253: {  	_ =	swait.ge [sflag:s31], $0x200  }
0x254: {  	[sflag:s31] =	ssyncset.done $0x0  }
0x255: {  	s13 =	rddreg [dreg:$0x14];
	[sflag:s31] =	ssyncadd.s32 $0xFFFFFE00  }
0x256: {  	[hbm4b:s13+s1] =	stream.strided.scatter [tilespmem:s6], [sflag:$0x1], $0x200, s4, s1, $0x38;
	[tilespmem:$0x8400] =	vst v63  }
0x257: {  	_ =	swait.ge [sflag:s31], $0x200  }
0x258: {  	[sflag:s31] =	ssyncset.done $0x0  }
0x259: {  	s14 =	rddreg [dreg:$0x12];
	[sflag:s31] =	ssyncadd.s32 $0xFFFFFE00  }
0x25a: {  	[hbm4b:s14+s1] =	stream.strided.scatter [tilespmem:s7], [sflag:$0x1], $0x200, s4, s1, $0x38;
	[tilespmem:$0x8400] =	vst v63  }
0x25b: {  	_ =	swait.ge [sflag:s31], $0x200  }
0x25c: {  	[sflag:s31] =	ssyncset.done $0x0  }
0x25d: {  	s15 =	rddreg [dreg:$0x15];
	[sflag:s31] =	ssyncadd.s32 $0xFFFFFE00  }
0x25e: {  	[hbm4b:s15+s1] =	stream.strided.scatter [tilespmem:s8], [sflag:$0x1], $0x200, s4, s1, $0x38;
	[tilespmem:$0x8400] =	vst v63  }
0x25f: {  	_ =	swait.ge [sflag:s31], $0x200  }
0x260: {  	[sflag:s31] =	ssyncset.done $0x0  }
0x261: {  	s16 =	rddreg [dreg:$0x16];
	[sflag:s31] =	ssyncadd.s32 $0xFFFFFE00  }
0x262: {  	[hbm4b:s16+s1] =	stream.strided.scatter [tilespmem:s9], [sflag:$0x1], $0x200, s4, s1, $0x38;
	[tilespmem:$0x8400] =	vst v63  }
0x263: {  	_ =	swait.ge [sflag:s31], $0x200  }
0x264: {  	[sflag:s31] =	ssyncset.done $0x0  }
.Ltmp15:
0x265: {  	s17 =	rddreg [dreg:$0x1d];
	[sflag:s31] =	ssyncadd.s32 $0xFFFFFE00;
	(pc) =	sbr.rel .LBB2_27-.Ltmp15, $4  }
0x266: {  	[hbm4b:s17+s1] =	stream.strided.scatter [tilespmem:s10], [sflag:$0x1], $0x200, s4, s1, $0x38;
	[tilespmem:$0x8400] =	vst v63  }
0x267: {  	_ =	swait.ge [sflag:s31], $0x200  }
0x268: {  	[sflag:s31] =	ssyncset.done $0x0  }
0x269: {  	[sflag:s31] =	ssyncadd.s32 $0xFFFFFE00  }
.LBB2_28:
0x26a: {  	_ =	sfence.sel $0x180000  }
0x26b: {  	[bflag:$0x0] =	sbarrier.arrive $0xFFFF  }
0x26c: {  	_ =	strace $0x90000047  }
0x26d: {  	s0 =	stileid.u32;
	[bflag:$0x2] =	sbarrier.arrive $0xFFFF  }
0x26e: {  	p0 =	sne.s32 s0, $0x0;
	s0 =	rddreg [dreg:$0x1]  }
0x26f: {  	s0 =	sadd.s32 @!p0 $0x100000, s0  }
0x270: {  	[sflag:s0] =	ssyncadd.tile.s32 @!p0 $0x1;
	_ =	shalt  }
.Lfunc_end2:
_tile_overlayer_lowered:
.L_overlay_start_2:
0x271: {  	(tag) =	ssettag $0x2  }
0x272: {  	s0 =	rddreg [dreg:$0x0];
	s2 =	stileid.u32  }
0x273: {  	s1 =	rddreg [dreg:$0x1];
	p0 =	sne.s32 s2, $0x0  }
0x274: {  	s3 =	rddreg [dreg:$0x2];
	[bflag:$0x3] =	sbarrier.arrive $0xFFFF;
	s2 =	simm.s32 @!p0 $0x1C01  }
0x275: {  	[timem:s3], [sflag:s2] =	dma.local @!p0 [hbm:s0], s1  }
0x276: {  	s0 =	simm.s32 @!p0 $0x1  }
0x277: {  	_ =	swait.ge @!p0 [sflag:s0], s1  }
0x278: {  	s1 =	ssub.s32 @!p0 $0x0, s1;
	[sflag:s0] =	ssyncset.done @!p0 $0x0  }
0x279: {  	[sflag:s0] =	ssyncadd.s32 @!p0 s1  }
0x27a: {  	[bflag:$0x3] =	sbarrier.arrive $0xFFFF  }
0x27b: {  	_ =	shalt  }

</sc_bundles>
